<compile_context>
chip_gen: v7x
topology: tpu7x:2x2x1
jax: 0.10.2.dev20260603
libtpu: 0.0.44.dev20260713+nightly
codegen_flags: <defaults>
</compile_context>

<pallas_src>
import functools

import jax
import jax.numpy as jnp
from jax import lax
from jax.experimental import pallas as pl
from jax.experimental.pallas import tpu as pltpu
from jax.experimental.pallas import tpu_sc as plsc

K = 8
V = 2048
D = 128
B = 16
T = 2048
NW = 32
P = B * T
PPW = P // NW
C = 128
NCH = PPW // C
WPB = T // PPW
NB = 6
PF = 4


def _make_kernel():
  mesh = plsc.VectorSubcoreMesh(core_axis_name="c", subcore_axis_name="s")

  @functools.partial(
      pl.kernel,
      mesh=mesh,
      out_type=jax.ShapeDtypeStruct((P, D), jnp.float32),
      scratch_types=[pltpu.VMEM((K, PPW), jnp.int32)]
      + [pltpu.VMEM((C, D), jnp.float32)] * NB
      + [pltpu.SemaphoreType.DMA] * (3 * NCH + 2),
  )
  def k(codes_hbm, tab_hbm, out_hbm, idx_v, *bufs):
    acc = bufs[:NB]
    sg = bufs[NB:NB + NCH]
    sa = bufs[NB + NCH:NB + 2 * NCH]
    so = bufs[NB + 2 * NCH:NB + 3 * NCH]
    si0, sir = bufs[NB + 3 * NCH:]
    wid = lax.axis_index("s") * 2 + lax.axis_index("c")
    b = wid // WPB
    half = wid % WPB
    src = codes_hbm.at[b, :, pl.ds(half * PPW, PPW)]
    c0 = pltpu.async_copy(src.at[0], idx_v.at[0], si0)
    cr = pltpu.async_copy(src.at[pl.ds(1, K - 1)],
                          idx_v.at[pl.ds(1, K - 1)], sir)
    c0.wait()

    def islice(kk, ci):
      return idx_v.at[kk, pl.ds(ci * C, C)]

    def plain(ci):
      pltpu.async_copy(tab_hbm.at[0].at[islice(0, ci)], acc[ci % NB], sg[ci])

    def fire_out(ci):
      pltpu.async_copy(acc[ci % NB],
                       out_hbm.at[pl.ds(wid * PPW + ci * C, C)], so[ci])

    def drain_out(ci):
      pltpu.make_async_copy(acc[ci % NB], out_hbm.at[pl.ds(0, C)],
                            so[ci]).wait()

    for ci in range(PF):
      plain(ci)
    cr.wait()
    prev_adds = None
    drained = 0
    for ci in range(NCH):
      pltpu.make_async_copy(
          tab_hbm.at[0].at[islice(0, ci)], acc[ci % NB], sg[ci]).wait()
      adds = [
          pltpu.async_copy(tab_hbm.at[kk].at[islice(kk, ci)], acc[ci % NB],
                           sa[ci], add=True)
          for kk in range(1, K)
      ]
      if prev_adds is not None:
        for cp in prev_adds:
          cp.wait()
        fire_out(ci - 1)
      prev_adds = adds
      if ci + PF < NCH:
        if ci >= 2:
          drain_out(ci - 2)
          drained = ci - 1
        plain(ci + PF)
    for cp in prev_adds:
      cp.wait()
    fire_out(NCH - 1)
    for ci in range(drained, NCH):
      drain_out(ci)

  return k


_sc_kernel = _make_kernel()


def kernel(codes, tables):
  out = _sc_kernel(codes.astype(jnp.int32), tables)
  return out.reshape(B, T, D)

# --- scband reference (transcript-rebuilt; emitter-appended) ---
"""Pipeline reference for scband-delayed-codebook-embedding-10780367913007 (READ-ONLY COPY).

The authoritative reference and input builder live on the scoring server;
editing this copy changes nothing except your own understanding.
"""

import jax, jax.numpy as jnp
import numpy as np

NUM_CODEBOOKS = 8
CODEBOOK_SIZE = 2048
EMBED_DIM = 128
B, T = 16, 2048


def setup_inputs(seed: int = 0) -> dict:
    key = jax.random.key(seed)
    k1, k2 = jax.random.split(key)
    codes = jax.random.randint(k1, (B, NUM_CODEBOOKS, T), 0, CODEBOOK_SIZE, dtype=jnp.int64 if jax.config.jax_enable_x64 else jnp.int32)
    # stacked embedding tables, one per codebook: [K, V, D]
    tables = jax.random.normal(k2, (NUM_CODEBOOKS, CODEBOOK_SIZE, EMBED_DIM), dtype=jnp.float32)
    return {"codes": codes, "tables": tables}


def reference(codes, tables):
    # codes: [B, K, T], tables: [K, V, D]
    # Per-codebook embedding lookup, then combine by summation ('sum' mode).
    embeddings = []
    for k in range(NUM_CODEBOOKS):
        emb = jnp.take(tables[k], codes[:, k], axis=0)  # [B, T, D]
        embeddings.append(emb)
    combined = jnp.stack(embeddings, axis=1).sum(axis=1)  # [B, T, D]
    return combined

if __name__ == "__main__":
    import jax
    _d = setup_inputs()
    print(jax.jit(kernel)(*tuple(_d.values())))

</pallas_src>

<mosaic_0001>
#map = affine_map<(d0, d1) -> (0, 0, 0)>
#map1 = affine_map<(d0, d1) -> (0, 0)>
module attributes {stable_mosaic.version = 14 : i64} {
  func.func @k(%arg0: i32, %arg1: i32, %arg2: memref<16x8x2048xi32, #tpu.memory_space<hbm>>, %arg3: memref<8x2048x128xf32, #tpu.memory_space<hbm>>, %arg4: memref<32768x128xf32, #tpu.memory_space<hbm>>, %arg5: memref<8x1024xi32, #tpu.memory_space<vmem>>, %arg6: memref<128x128xf32, #tpu.memory_space<vmem>>, %arg7: memref<128x128xf32, #tpu.memory_space<vmem>>, %arg8: memref<128x128xf32, #tpu.memory_space<vmem>>, %arg9: memref<128x128xf32, #tpu.memory_space<vmem>>, %arg10: memref<128x128xf32, #tpu.memory_space<vmem>>, %arg11: memref<128x128xf32, #tpu.memory_space<vmem>>, %arg12: memref<!tpu.dma_semaphore, #tpu.memory_space<semaphore_mem>>, %arg13: memref<!tpu.dma_semaphore, #tpu.memory_space<semaphore_mem>>, %arg14: memref<!tpu.dma_semaphore, #tpu.memory_space<semaphore_mem>>, %arg15: memref<!tpu.dma_semaphore, #tpu.memory_space<semaphore_mem>>, %arg16: memref<!tpu.dma_semaphore, #tpu.memory_space<semaphore_mem>>, %arg17: memref<!tpu.dma_semaphore, #tpu.memory_space<semaphore_mem>>, %arg18: memref<!tpu.dma_semaphore, #tpu.memory_space<semaphore_mem>>, %arg19: memref<!tpu.dma_semaphore, #tpu.memory_space<semaphore_mem>>, %arg20: memref<!tpu.dma_semaphore, #tpu.memory_space<semaphore_mem>>, %arg21: memref<!tpu.dma_semaphore, #tpu.memory_space<semaphore_mem>>, %arg22: memref<!tpu.dma_semaphore, #tpu.memory_space<semaphore_mem>>, %arg23: memref<!tpu.dma_semaphore, #tpu.memory_space<semaphore_mem>>, %arg24: memref<!tpu.dma_semaphore, #tpu.memory_space<semaphore_mem>>, %arg25: memref<!tpu.dma_semaphore, #tpu.memory_space<semaphore_mem>>, %arg26: memref<!tpu.dma_semaphore, #tpu.memory_space<semaphore_mem>>, %arg27: memref<!tpu.dma_semaphore, #tpu.memory_space<semaphore_mem>>, %arg28: memref<!tpu.dma_semaphore, #tpu.memory_space<semaphore_mem>>, %arg29: memref<!tpu.dma_semaphore, #tpu.memory_space<semaphore_mem>>, %arg30: memref<!tpu.dma_semaphore, #tpu.memory_space<semaphore_mem>>, %arg31: memref<!tpu.dma_semaphore, #tpu.memory_space<semaphore_mem>>, %arg32: memref<!tpu.dma_semaphore, #tpu.memory_space<semaphore_mem>>, %arg33: memref<!tpu.dma_semaphore, #tpu.memory_space<semaphore_mem>>, %arg34: memref<!tpu.dma_semaphore, #tpu.memory_space<semaphore_mem>>, %arg35: memref<!tpu.dma_semaphore, #tpu.memory_space<semaphore_mem>>, %arg36: memref<!tpu.dma_semaphore, #tpu.memory_space<semaphore_mem>>, %arg37: memref<!tpu.dma_semaphore, #tpu.memory_space<semaphore_mem>>) attributes {dimension_semantics = [#tpu.dimension_semantics<core_parallel>, #tpu.dimension_semantics<subcore_parallel>], iteration_bounds = array<i64: 2, 16>, scalar_prefetch = 0 : i64, scratch_operands = 33 : i64, tpu.core_type = #tpu.core_type<sc_vector_subcore>, window_params = [{transform_indices = #map}, {transform_indices = #map}, {transform_indices = #map1}]} {
    %mul3A = arith.constant 2 : i32
    %mul3A_0 = arith.muli %arg1, %mul3A : i32
    %add3A = arith.addi %mul3A_0, %arg0 : i32
    %jit3A = arith.constant 2 : i32
    %div3A = arith.divsi %add3A, %jit3A : i32
    %sign3A = arith.constant 0 : i32
    %sign3A_1 = arith.cmpi sgt, %add3A, %sign3A : i32
    %sign3A_2 = arith.extui %sign3A_1 : i1 to i32
    %sign3A_3 = arith.constant 0 : i32
    %sign3A_4 = arith.cmpi slt, %add3A, %sign3A_3 : i32
    %sign3A_5 = arith.extui %sign3A_4 : i1 to i32
    %sign3A_6 = arith.subi %sign3A_2, %sign3A_5 : i32
    %sign3A_7 = arith.constant 0 : i32
    %sign3A_8 = arith.cmpi sgt, %jit3A, %sign3A_7 : i32
    %sign3A_9 = arith.extui %sign3A_8 : i1 to i32
    %sign3A_10 = arith.constant 0 : i32
    %sign3A_11 = arith.cmpi slt, %jit3A, %sign3A_10 : i32
    %sign3A_12 = arith.extui %sign3A_11 : i1 to i32
    %sign3A_13 = arith.subi %sign3A_9, %sign3A_12 : i32
    %ne3A = arith.cmpi ne, %sign3A_6, %sign3A_13 : i32
    %rem3A = arith.remsi %add3A, %jit3A : i32
    %ne3A_14 = arith.constant 0 : i32
    %ne3A_15 = arith.cmpi ne, %rem3A, %ne3A_14 : i32
    %and3A = arith.andi %ne3A, %ne3A_15 : i1
    %sub3A = arith.constant 1 : i32
    %sub3A_16 = arith.subi %div3A, %sub3A : i32
    %select_n3A = arith.select %and3A, %sub3A_16, %div3A : i32
    %jit3A_17 = arith.constant 2 : i32
    %eq3A = arith.constant 0 : i32
    %eq3A_18 = arith.cmpi eq, %jit3A_17, %eq3A : i32
    %jit3A_19 = arith.constant 1 : i32
    %select_n3A_20 = arith.select %eq3A_18, %jit3A_19, %jit3A_17 : i32
    %rem3A_21 = arith.remsi %add3A, %select_n3A_20 : i32
    %ne3A_22 = arith.constant 0 : i32
    %ne3A_23 = arith.cmpi ne, %rem3A_21, %ne3A_22 : i32
    %lt3A = arith.constant 0 : i32
    %lt3A_24 = arith.cmpi slt, %rem3A_21, %lt3A : i32
    %lt3A_25 = arith.constant 0 : i32
    %lt3A_26 = arith.cmpi slt, %select_n3A_20, %lt3A_25 : i32
    %ne3A_27 = arith.xori %lt3A_24, %lt3A_26 : i1
    %and3A_28 = arith.andi %ne3A_27, %ne3A_23 : i1
    %add3A_29 = arith.addi %rem3A_21, %select_n3A_20 : i32
    %select_n3A_30 = arith.select %and3A_28, %add3A_29, %rem3A_21 : i32
    %mul3A_31 = arith.constant 1024 : i32
    %mul3A_32 = arith.muli %select_n3A_30, %mul3A_31 : i32
    %dma_start3A = arith.constant 0 : i32
    %dma_start3A_33 = arith.constant 0 : i32
    %dma_start3A_34 = arith.constant 0 : i32
    %dma_start3A_35 = tpu.memref_slice %arg5[%dma_start3A_33, %dma_start3A_34] : memref<8x1024xi32, #tpu.memory_space<vmem>> -> memref<1x1024xi32, #tpu.memory_space<vmem>>
    %dma_start3A_36 = tpu.memref_squeeze %dma_start3A_35 : memref<1x1024xi32, #tpu.memory_space<vmem>> -> memref<1024xi32, #tpu.memory_space<vmem>>
    %dma_start3A_37 = arith.constant 0 : i32
    %dma_start3A_38 = tpu.memref_slice %arg2[%select_n3A, %dma_start3A_37, %mul3A_32] : memref<16x8x2048xi32, #tpu.memory_space<hbm>> -> memref<1x8x1024xi32, #tpu.memory_space<hbm>>
    %dma_start3A_39 = tpu.memref_squeeze %dma_start3A_38 : memref<1x8x1024xi32, #tpu.memory_space<hbm>> -> memref<8x1024xi32, #tpu.memory_space<hbm>>
    %dma_start3A_40 = arith.constant 0 : i32
    %dma_start3A_41 = tpu.memref_slice %dma_start3A_39[%dma_start3A, %dma_start3A_40] : memref<8x1024xi32, #tpu.memory_space<hbm>> -> memref<1x1024xi32, #tpu.memory_space<hbm>>
    %dma_start3A_42 = tpu.memref_squeeze %dma_start3A_41 : memref<1x1024xi32, #tpu.memory_space<hbm>> -> memref<1024xi32, #tpu.memory_space<hbm>>
    %dma_start3A_43 = arith.constant 0 : i32
    %dma_start3A_44 = tpu.memref_slice %arg5[%dma_start3A_33, %dma_start3A_43] : memref<8x1024xi32, #tpu.memory_space<vmem>> -> memref<1x1024xi32, #tpu.memory_space<vmem>>
    %dma_start3A_45 = tpu.memref_squeeze %dma_start3A_44 : memref<1x1024xi32, #tpu.memory_space<vmem>> -> memref<1024xi32, #tpu.memory_space<vmem>>
    %dma_start3A_46 = arith.constant 0 : i32
    %dma_start3A_47 = tpu.memref_slice %arg2[%select_n3A, %dma_start3A_46, %mul3A_32] : memref<16x8x2048xi32, #tpu.memory_space<hbm>> -> memref<1x8x1024xi32, #tpu.memory_space<hbm>>
    %dma_start3A_48 = tpu.memref_squeeze %dma_start3A_47 : memref<1x8x1024xi32, #tpu.memory_space<hbm>> -> memref<8x1024xi32, #tpu.memory_space<hbm>>
    %dma_start3A_49 = arith.constant 0 : i32
    %dma_start3A_50 = tpu.memref_slice %dma_start3A_48[%dma_start3A, %dma_start3A_49] : memref<8x1024xi32, #tpu.memory_space<hbm>> -> memref<1x1024xi32, #tpu.memory_space<hbm>>
    %dma_start3A_51 = tpu.memref_squeeze %dma_start3A_50 : memref<1x1024xi32, #tpu.memory_space<hbm>> -> memref<1024xi32, #tpu.memory_space<hbm>>
    tpu.enqueue_dma source(%dma_start3A_51 : memref<1024xi32, #tpu.memory_space<hbm>>) target(%dma_start3A_45 : memref<1024xi32, #tpu.memory_space<vmem>>) target_semaphore(%arg36 : memref<!tpu.dma_semaphore, #tpu.memory_space<semaphore_mem>>)
    %dma_start3A_52 = arith.constant 1 : i32
    %dma_start3A_53 = arith.constant 0 : i32
    %dma_start3A_54 = tpu.memref_slice %arg5[%dma_start3A_52, %dma_start3A_53] : memref<8x1024xi32, #tpu.memory_space<vmem>> -> memref<7x1024xi32, #tpu.memory_space<vmem>>
    %dma_start3A_55 = arith.constant 0 : i32
    %dma_start3A_56 = tpu.memref_slice %arg2[%select_n3A, %dma_start3A_55, %mul3A_32] : memref<16x8x2048xi32, #tpu.memory_space<hbm>> -> memref<1x8x1024xi32, #tpu.memory_space<hbm>>
    %dma_start3A_57 = tpu.memref_squeeze %dma_start3A_56 : memref<1x8x1024xi32, #tpu.memory_space<hbm>> -> memref<8x1024xi32, #tpu.memory_space<hbm>>
    %dma_start3A_58 = arith.constant 1 : i32
    %dma_start3A_59 = arith.constant 0 : i32
    %dma_start3A_60 = tpu.memref_slice %dma_start3A_57[%dma_start3A_58, %dma_start3A_59] : memref<8x1024xi32, #tpu.memory_space<hbm>> -> memref<7x1024xi32, #tpu.memory_space<hbm>>
    %dma_start3A_61 = arith.constant 1 : i32
    %dma_start3A_62 = arith.constant 0 : i32
    %dma_start3A_63 = tpu.memref_slice %arg5[%dma_start3A_61, %dma_start3A_62] : memref<8x1024xi32, #tpu.memory_space<vmem>> -> memref<7x1024xi32, #tpu.memory_space<vmem>>
    %dma_start3A_64 = arith.constant 0 : i32
    %dma_start3A_65 = tpu.memref_slice %arg2[%select_n3A, %dma_start3A_64, %mul3A_32] : memref<16x8x2048xi32, #tpu.memory_space<hbm>> -> memref<1x8x1024xi32, #tpu.memory_space<hbm>>
    %dma_start3A_66 = tpu.memref_squeeze %dma_start3A_65 : memref<1x8x1024xi32, #tpu.memory_space<hbm>> -> memref<8x1024xi32, #tpu.memory_space<hbm>>
    %dma_start3A_67 = arith.constant 1 : i32
    %dma_start3A_68 = arith.constant 0 : i32
    %dma_start3A_69 = tpu.memref_slice %dma_start3A_66[%dma_start3A_67, %dma_start3A_68] : memref<8x1024xi32, #tpu.memory_space<hbm>> -> memref<7x1024xi32, #tpu.memory_space<hbm>>
    tpu.enqueue_dma source(%dma_start3A_69 : memref<7x1024xi32, #tpu.memory_space<hbm>>) target(%dma_start3A_63 : memref<7x1024xi32, #tpu.memory_space<vmem>>) target_semaphore(%arg37 : memref<!tpu.dma_semaphore, #tpu.memory_space<semaphore_mem>>)
    %dma_wait3A = arith.constant 0 : i32
    %dma_wait3A_70 = arith.constant 0 : i32
    %dma_wait3A_71 = arith.constant 0 : i32
    %dma_wait3A_72 = tpu.memref_slice %arg5[%dma_wait3A_70, %dma_wait3A_71] : memref<8x1024xi32, #tpu.memory_space<vmem>> -> memref<1x1024xi32, #tpu.memory_space<vmem>>
    %dma_wait3A_73 = tpu.memref_squeeze %dma_wait3A_72 : memref<1x1024xi32, #tpu.memory_space<vmem>> -> memref<1024xi32, #tpu.memory_space<vmem>>
    %dma_wait3A_74 = arith.constant 0 : i32
    %dma_wait3A_75 = tpu.memref_slice %arg2[%select_n3A, %dma_wait3A_74, %mul3A_32] : memref<16x8x2048xi32, #tpu.memory_space<hbm>> -> memref<1x8x1024xi32, #tpu.memory_space<hbm>>
    %dma_wait3A_76 = tpu.memref_squeeze %dma_wait3A_75 : memref<1x8x1024xi32, #tpu.memory_space<hbm>> -> memref<8x1024xi32, #tpu.memory_space<hbm>>
    %dma_wait3A_77 = arith.constant 0 : i32
    %dma_wait3A_78 = tpu.memref_slice %dma_wait3A_76[%dma_wait3A, %dma_wait3A_77] : memref<8x1024xi32, #tpu.memory_space<hbm>> -> memref<1x1024xi32, #tpu.memory_space<hbm>>
    %dma_wait3A_79 = tpu.memref_squeeze %dma_wait3A_78 : memref<1x1024xi32, #tpu.memory_space<hbm>> -> memref<1024xi32, #tpu.memory_space<hbm>>
    %dma_wait3A_80 = arith.constant 0 : i32
    %dma_wait3A_81 = tpu.memref_slice %arg5[%dma_wait3A_70, %dma_wait3A_80] : memref<8x1024xi32, #tpu.memory_space<vmem>> -> memref<1x1024xi32, #tpu.memory_space<vmem>>
    %dma_wait3A_82 = tpu.memref_squeeze %dma_wait3A_81 : memref<1x1024xi32, #tpu.memory_space<vmem>> -> memref<1024xi32, #tpu.memory_space<vmem>>
    %dma_wait3A_83 = arith.constant 0 : i32
    %dma_wait3A_84 = tpu.memref_slice %arg2[%select_n3A, %dma_wait3A_83, %mul3A_32] : memref<16x8x2048xi32, #tpu.memory_space<hbm>> -> memref<1x8x1024xi32, #tpu.memory_space<hbm>>
    %dma_wait3A_85 = tpu.memref_squeeze %dma_wait3A_84 : memref<1x8x1024xi32, #tpu.memory_space<hbm>> -> memref<8x1024xi32, #tpu.memory_space<hbm>>
    %dma_wait3A_86 = arith.constant 0 : i32
    %dma_wait3A_87 = tpu.memref_slice %dma_wait3A_85[%dma_wait3A, %dma_wait3A_86] : memref<8x1024xi32, #tpu.memory_space<hbm>> -> memref<1x1024xi32, #tpu.memory_space<hbm>>
    %dma_wait3A_88 = tpu.memref_squeeze %dma_wait3A_87 : memref<1x1024xi32, #tpu.memory_space<hbm>> -> memref<1024xi32, #tpu.memory_space<hbm>>
    tpu.wait_dma2 semaphore(%arg36 : memref<!tpu.dma_semaphore, #tpu.memory_space<semaphore_mem>>) src(%dma_wait3A_88 : memref<1024xi32, #tpu.memory_space<hbm>>) dst(%dma_wait3A_82 : memref<1024xi32, #tpu.memory_space<vmem>>)
    %dma_start3A_89 = arith.constant 0 : i32
    %dma_start3A_90 = arith.constant 0 : i32
    %dma_start3A_91 = arith.constant 0 : i32
    %dma_start3A_92 = tpu.memref_slice %arg5[%dma_start3A_90, %dma_start3A_91] : memref<8x1024xi32, #tpu.memory_space<vmem>> -> memref<1x128xi32, #tpu.memory_space<vmem>>
    %dma_start3A_93 = tpu.memref_squeeze %dma_start3A_92 : memref<1x128xi32, #tpu.memory_space<vmem>> -> memref<128xi32, #tpu.memory_space<vmem>>
    %dma_start3A_94 = arith.constant 0 : i32
    %dma_start3A_95 = arith.constant 0 : i32
    %dma_start3A_96 = tpu.memref_slice %arg3[%dma_start3A_89, %dma_start3A_94, %dma_start3A_95] : memref<8x2048x128xf32, #tpu.memory_space<hbm>> -> memref<1x2048x128xf32, #tpu.memory_space<hbm>>
    %dma_start3A_97 = tpu.memref_squeeze %dma_start3A_96 : memref<1x2048x128xf32, #tpu.memory_space<hbm>> -> memref<2048x128xf32, #tpu.memory_space<hbm>>
    %dma_start3A_98 = arith.constant 0 : i32
    %dma_start3A_99 = arith.constant 0 : i32
    %dma_start3A_100 = tpu.memref_slice %dma_start3A_97[%dma_start3A_98, %dma_start3A_99] : memref<2048x128xf32, #tpu.memory_space<hbm>> -> memref<2048x128xf32, #tpu.memory_space<hbm>>
    tpu.enqueue_indirect_dma source(%dma_start3A_100 : memref<2048x128xf32, #tpu.memory_space<hbm>>) target(%arg6 : memref<128x128xf32, #tpu.memory_space<vmem>>) offsets(%dma_start3A_93 : memref<128xi32, #tpu.memory_space<vmem>>) semaphore(%arg12 : memref<!tpu.dma_semaphore, #tpu.memory_space<semaphore_mem>>)
    %dma_start3A_101 = arith.constant 0 : i32
    %dma_start3A_102 = arith.constant 0 : i32
    %dma_start3A_103 = arith.constant 128 : i32
    %dma_start3A_104 = tpu.memref_slice %arg5[%dma_start3A_102, %dma_start3A_103] : memref<8x1024xi32, #tpu.memory_space<vmem>> -> memref<1x128xi32, #tpu.memory_space<vmem>>
    %dma_start3A_105 = tpu.memref_squeeze %dma_start3A_104 : memref<1x128xi32, #tpu.memory_space<vmem>> -> memref<128xi32, #tpu.memory_space<vmem>>
    %dma_start3A_106 = arith.constant 0 : i32
    %dma_start3A_107 = arith.constant 0 : i32
    %dma_start3A_108 = tpu.memref_slice %arg3[%dma_start3A_101, %dma_start3A_106, %dma_start3A_107] : memref<8x2048x128xf32, #tpu.memory_space<hbm>> -> memref<1x2048x128xf32, #tpu.memory_space<hbm>>
    %dma_start3A_109 = tpu.memref_squeeze %dma_start3A_108 : memref<1x2048x128xf32, #tpu.memory_space<hbm>> -> memref<2048x128xf32, #tpu.memory_space<hbm>>
    %dma_start3A_110 = arith.constant 0 : i32
    %dma_start3A_111 = arith.constant 0 : i32
    %dma_start3A_112 = tpu.memref_slice %dma_start3A_109[%dma_start3A_110, %dma_start3A_111] : memref<2048x128xf32, #tpu.memory_space<hbm>> -> memref<2048x128xf32, #tpu.memory_space<hbm>>
    tpu.enqueue_indirect_dma source(%dma_start3A_112 : memref<2048x128xf32, #tpu.memory_space<hbm>>) target(%arg7 : memref<128x128xf32, #tpu.memory_space<vmem>>) offsets(%dma_start3A_105 : memref<128xi32, #tpu.memory_space<vmem>>) semaphore(%arg13 : memref<!tpu.dma_semaphore, #tpu.memory_space<semaphore_mem>>)
    %dma_start3A_113 = arith.constant 0 : i32
    %dma_start3A_114 = arith.constant 0 : i32
    %dma_start3A_115 = arith.constant 256 : i32
    %dma_start3A_116 = tpu.memref_slice %arg5[%dma_start3A_114, %dma_start3A_115] : memref<8x1024xi32, #tpu.memory_space<vmem>> -> memref<1x128xi32, #tpu.memory_space<vmem>>
    %dma_start3A_117 = tpu.memref_squeeze %dma_start3A_116 : memref<1x128xi32, #tpu.memory_space<vmem>> -> memref<128xi32, #tpu.memory_space<vmem>>
    %dma_start3A_118 = arith.constant 0 : i32
    %dma_start3A_119 = arith.constant 0 : i32
    %dma_start3A_120 = tpu.memref_slice %arg3[%dma_start3A_113, %dma_start3A_118, %dma_start3A_119] : memref<8x2048x128xf32, #tpu.memory_space<hbm>> -> memref<1x2048x128xf32, #tpu.memory_space<hbm>>
    %dma_start3A_121 = tpu.memref_squeeze %dma_start3A_120 : memref<1x2048x128xf32, #tpu.memory_space<hbm>> -> memref<2048x128xf32, #tpu.memory_space<hbm>>
    %dma_start3A_122 = arith.constant 0 : i32
    %dma_start3A_123 = arith.constant 0 : i32
    %dma_start3A_124 = tpu.memref_slice %dma_start3A_121[%dma_start3A_122, %dma_start3A_123] : memref<2048x128xf32, #tpu.memory_space<hbm>> -> memref<2048x128xf32, #tpu.memory_space<hbm>>
    tpu.enqueue_indirect_dma source(%dma_start3A_124 : memref<2048x128xf32, #tpu.memory_space<hbm>>) target(%arg8 : memref<128x128xf32, #tpu.memory_space<vmem>>) offsets(%dma_start3A_117 : memref<128xi32, #tpu.memory_space<vmem>>) semaphore(%arg14 : memref<!tpu.dma_semaphore, #tpu.memory_space<semaphore_mem>>)
    %dma_start3A_125 = arith.constant 0 : i32
    %dma_start3A_126 = arith.constant 0 : i32
    %dma_start3A_127 = arith.constant 384 : i32
    %dma_start3A_128 = tpu.memref_slice %arg5[%dma_start3A_126, %dma_start3A_127] : memref<8x1024xi32, #tpu.memory_space<vmem>> -> memref<1x128xi32, #tpu.memory_space<vmem>>
    %dma_start3A_129 = tpu.memref_squeeze %dma_start3A_128 : memref<1x128xi32, #tpu.memory_space<vmem>> -> memref<128xi32, #tpu.memory_space<vmem>>
    %dma_start3A_130 = arith.constant 0 : i32
    %dma_start3A_131 = arith.constant 0 : i32
    %dma_start3A_132 = tpu.memref_slice %arg3[%dma_start3A_125, %dma_start3A_130, %dma_start3A_131] : memref<8x2048x128xf32, #tpu.memory_space<hbm>> -> memref<1x2048x128xf32, #tpu.memory_space<hbm>>
    %dma_start3A_133 = tpu.memref_squeeze %dma_start3A_132 : memref<1x2048x128xf32, #tpu.memory_space<hbm>> -> memref<2048x128xf32, #tpu.memory_space<hbm>>
    %dma_start3A_134 = arith.constant 0 : i32
    %dma_start3A_135 = arith.constant 0 : i32
    %dma_start3A_136 = tpu.memref_slice %dma_start3A_133[%dma_start3A_134, %dma_start3A_135] : memref<2048x128xf32, #tpu.memory_space<hbm>> -> memref<2048x128xf32, #tpu.memory_space<hbm>>
    tpu.enqueue_indirect_dma source(%dma_start3A_136 : memref<2048x128xf32, #tpu.memory_space<hbm>>) target(%arg9 : memref<128x128xf32, #tpu.memory_space<vmem>>) offsets(%dma_start3A_129 : memref<128xi32, #tpu.memory_space<vmem>>) semaphore(%arg15 : memref<!tpu.dma_semaphore, #tpu.memory_space<semaphore_mem>>)
    %dma_wait3A_137 = arith.constant 1 : i32
    %dma_wait3A_138 = arith.constant 0 : i32
    %dma_wait3A_139 = tpu.memref_slice %arg5[%dma_wait3A_137, %dma_wait3A_138] : memref<8x1024xi32, #tpu.memory_space<vmem>> -> memref<7x1024xi32, #tpu.memory_space<vmem>>
    %dma_wait3A_140 = arith.constant 0 : i32
    %dma_wait3A_141 = tpu.memref_slice %arg2[%select_n3A, %dma_wait3A_140, %mul3A_32] : memref<16x8x2048xi32, #tpu.memory_space<hbm>> -> memref<1x8x1024xi32, #tpu.memory_space<hbm>>
    %dma_wait3A_142 = tpu.memref_squeeze %dma_wait3A_141 : memref<1x8x1024xi32, #tpu.memory_space<hbm>> -> memref<8x1024xi32, #tpu.memory_space<hbm>>
    %dma_wait3A_143 = arith.constant 1 : i32
    %dma_wait3A_144 = arith.constant 0 : i32
    %dma_wait3A_145 = tpu.memref_slice %dma_wait3A_142[%dma_wait3A_143, %dma_wait3A_144] : memref<8x1024xi32, #tpu.memory_space<hbm>> -> memref<7x1024xi32, #tpu.memory_space<hbm>>
    %dma_wait3A_146 = arith.constant 1 : i32
    %dma_wait3A_147 = arith.constant 0 : i32
    %dma_wait3A_148 = tpu.memref_slice %arg5[%dma_wait3A_146, %dma_wait3A_147] : memref<8x1024xi32, #tpu.memory_space<vmem>> -> memref<7x1024xi32, #tpu.memory_space<vmem>>
    %dma_wait3A_149 = arith.constant 0 : i32
    %dma_wait3A_150 = tpu.memref_slice %arg2[%select_n3A, %dma_wait3A_149, %mul3A_32] : memref<16x8x2048xi32, #tpu.memory_space<hbm>> -> memref<1x8x1024xi32, #tpu.memory_space<hbm>>
    %dma_wait3A_151 = tpu.memref_squeeze %dma_wait3A_150 : memref<1x8x1024xi32, #tpu.memory_space<hbm>> -> memref<8x1024xi32, #tpu.memory_space<hbm>>
    %dma_wait3A_152 = arith.constant 1 : i32
    %dma_wait3A_153 = arith.constant 0 : i32
    %dma_wait3A_154 = tpu.memref_slice %dma_wait3A_151[%dma_wait3A_152, %dma_wait3A_153] : memref<8x1024xi32, #tpu.memory_space<hbm>> -> memref<7x1024xi32, #tpu.memory_space<hbm>>
    tpu.wait_dma2 semaphore(%arg37 : memref<!tpu.dma_semaphore, #tpu.memory_space<semaphore_mem>>) src(%dma_wait3A_154 : memref<7x1024xi32, #tpu.memory_space<hbm>>) dst(%dma_wait3A_148 : memref<7x1024xi32, #tpu.memory_space<vmem>>)
    %dma_wait3A_155 = arith.constant 0 : i32
    %dma_wait3A_156 = arith.constant 0 : i32
    %dma_wait3A_157 = arith.constant 0 : i32
    %dma_wait3A_158 = tpu.memref_slice %arg5[%dma_wait3A_156, %dma_wait3A_157] : memref<8x1024xi32, #tpu.memory_space<vmem>> -> memref<1x128xi32, #tpu.memory_space<vmem>>
    %dma_wait3A_159 = tpu.memref_squeeze %dma_wait3A_158 : memref<1x128xi32, #tpu.memory_space<vmem>> -> memref<128xi32, #tpu.memory_space<vmem>>
    %dma_wait3A_160 = arith.constant 0 : i32
    %dma_wait3A_161 = arith.constant 0 : i32
    %dma_wait3A_162 = tpu.memref_slice %arg3[%dma_wait3A_155, %dma_wait3A_160, %dma_wait3A_161] : memref<8x2048x128xf32, #tpu.memory_space<hbm>> -> memref<1x2048x128xf32, #tpu.memory_space<hbm>>
    %dma_wait3A_163 = tpu.memref_squeeze %dma_wait3A_162 : memref<1x2048x128xf32, #tpu.memory_space<hbm>> -> memref<2048x128xf32, #tpu.memory_space<hbm>>
    %dma_wait3A_164 = arith.constant 0 : i32
    %dma_wait3A_165 = arith.constant 0 : i32
    %dma_wait3A_166 = tpu.memref_slice %dma_wait3A_163[%dma_wait3A_164, %dma_wait3A_165] : memref<2048x128xf32, #tpu.memory_space<hbm>> -> memref<2048x128xf32, #tpu.memory_space<hbm>>
    tpu.wait_indirect_dma semaphore(%arg12 : memref<!tpu.dma_semaphore, #tpu.memory_space<semaphore_mem>>) src(%dma_wait3A_166 : memref<2048x128xf32, #tpu.memory_space<hbm>>) dst(%arg6 : memref<128x128xf32, #tpu.memory_space<vmem>>)
    %dma_start3A_167 = arith.constant 1 : i32
    %dma_start3A_168 = arith.constant 1 : i32
    %dma_start3A_169 = arith.constant 0 : i32
    %dma_start3A_170 = tpu.memref_slice %arg5[%dma_start3A_168, %dma_start3A_169] : memref<8x1024xi32, #tpu.memory_space<vmem>> -> memref<1x128xi32, #tpu.memory_space<vmem>>
    %dma_start3A_171 = tpu.memref_squeeze %dma_start3A_170 : memref<1x128xi32, #tpu.memory_space<vmem>> -> memref<128xi32, #tpu.memory_space<vmem>>
    %dma_start3A_172 = arith.constant 0 : i32
    %dma_start3A_173 = arith.constant 0 : i32
    %dma_start3A_174 = tpu.memref_slice %arg3[%dma_start3A_167, %dma_start3A_172, %dma_start3A_173] : memref<8x2048x128xf32, #tpu.memory_space<hbm>> -> memref<1x2048x128xf32, #tpu.memory_space<hbm>>
    %dma_start3A_175 = tpu.memref_squeeze %dma_start3A_174 : memref<1x2048x128xf32, #tpu.memory_space<hbm>> -> memref<2048x128xf32, #tpu.memory_space<hbm>>
    %dma_start3A_176 = arith.constant 0 : i32
    %dma_start3A_177 = arith.constant 0 : i32
    %dma_start3A_178 = tpu.memref_slice %dma_start3A_175[%dma_start3A_176, %dma_start3A_177] : memref<2048x128xf32, #tpu.memory_space<hbm>> -> memref<2048x128xf32, #tpu.memory_space<hbm>>
    tpu.enqueue_indirect_dma source(%dma_start3A_178 : memref<2048x128xf32, #tpu.memory_space<hbm>>) target(%arg6 : memref<128x128xf32, #tpu.memory_space<vmem>>) offsets(%dma_start3A_171 : memref<128xi32, #tpu.memory_space<vmem>>) semaphore(%arg20 : memref<!tpu.dma_semaphore, #tpu.memory_space<semaphore_mem>>) {add = true}
    %dma_start3A_179 = arith.constant 2 : i32
    %dma_start3A_180 = arith.constant 2 : i32
    %dma_start3A_181 = arith.constant 0 : i32
    %dma_start3A_182 = tpu.memref_slice %arg5[%dma_start3A_180, %dma_start3A_181] : memref<8x1024xi32, #tpu.memory_space<vmem>> -> memref<1x128xi32, #tpu.memory_space<vmem>>
    %dma_start3A_183 = tpu.memref_squeeze %dma_start3A_182 : memref<1x128xi32, #tpu.memory_space<vmem>> -> memref<128xi32, #tpu.memory_space<vmem>>
    %dma_start3A_184 = arith.constant 0 : i32
    %dma_start3A_185 = arith.constant 0 : i32
    %dma_start3A_186 = tpu.memref_slice %arg3[%dma_start3A_179, %dma_start3A_184, %dma_start3A_185] : memref<8x2048x128xf32, #tpu.memory_space<hbm>> -> memref<1x2048x128xf32, #tpu.memory_space<hbm>>
    %dma_start3A_187 = tpu.memref_squeeze %dma_start3A_186 : memref<1x2048x128xf32, #tpu.memory_space<hbm>> -> memref<2048x128xf32, #tpu.memory_space<hbm>>
    %dma_start3A_188 = arith.constant 0 : i32
    %dma_start3A_189 = arith.constant 0 : i32
    %dma_start3A_190 = tpu.memref_slice %dma_start3A_187[%dma_start3A_188, %dma_start3A_189] : memref<2048x128xf32, #tpu.memory_space<hbm>> -> memref<2048x128xf32, #tpu.memory_space<hbm>>
    tpu.enqueue_indirect_dma source(%dma_start3A_190 : memref<2048x128xf32, #tpu.memory_space<hbm>>) target(%arg6 : memref<128x128xf32, #tpu.memory_space<vmem>>) offsets(%dma_start3A_183 : memref<128xi32, #tpu.memory_space<vmem>>) semaphore(%arg20 : memref<!tpu.dma_semaphore, #tpu.memory_space<semaphore_mem>>) {add = true}
    %dma_start3A_191 = arith.constant 3 : i32
    %dma_start3A_192 = arith.constant 3 : i32
    %dma_start3A_193 = arith.constant 0 : i32
    %dma_start3A_194 = tpu.memref_slice %arg5[%dma_start3A_192, %dma_start3A_193] : memref<8x1024xi32, #tpu.memory_space<vmem>> -> memref<1x128xi32, #tpu.memory_space<vmem>>
    %dma_start3A_195 = tpu.memref_squeeze %dma_start3A_194 : memref<1x128xi32, #tpu.memory_space<vmem>> -> memref<128xi32, #tpu.memory_space<vmem>>
    %dma_start3A_196 = arith.constant 0 : i32
    %dma_start3A_197 = arith.constant 0 : i32
    %dma_start3A_198 = tpu.memref_slice %arg3[%dma_start3A_191, %dma_start3A_196, %dma_start3A_197] : memref<8x2048x128xf32, #tpu.memory_space<hbm>> -> memref<1x2048x128xf32, #tpu.memory_space<hbm>>
    %dma_start3A_199 = tpu.memref_squeeze %dma_start3A_198 : memref<1x2048x128xf32, #tpu.memory_space<hbm>> -> memref<2048x128xf32, #tpu.memory_space<hbm>>
    %dma_start3A_200 = arith.constant 0 : i32
    %dma_start3A_201 = arith.constant 0 : i32
    %dma_start3A_202 = tpu.memref_slice %dma_start3A_199[%dma_start3A_200, %dma_start3A_201] : memref<2048x128xf32, #tpu.memory_space<hbm>> -> memref<2048x128xf32, #tpu.memory_space<hbm>>
    tpu.enqueue_indirect_dma source(%dma_start3A_202 : memref<2048x128xf32, #tpu.memory_space<hbm>>) target(%arg6 : memref<128x128xf32, #tpu.memory_space<vmem>>) offsets(%dma_start3A_195 : memref<128xi32, #tpu.memory_space<vmem>>) semaphore(%arg20 : memref<!tpu.dma_semaphore, #tpu.memory_space<semaphore_mem>>) {add = true}
    %dma_start3A_203 = arith.constant 4 : i32
    %dma_start3A_204 = arith.constant 4 : i32
    %dma_start3A_205 = arith.constant 0 : i32
    %dma_start3A_206 = tpu.memref_slice %arg5[%dma_start3A_204, %dma_start3A_205] : memref<8x1024xi32, #tpu.memory_space<vmem>> -> memref<1x128xi32, #tpu.memory_space<vmem>>
    %dma_start3A_207 = tpu.memref_squeeze %dma_start3A_206 : memref<1x128xi32, #tpu.memory_space<vmem>> -> memref<128xi32, #tpu.memory_space<vmem>>
    %dma_start3A_208 = arith.constant 0 : i32
    %dma_start3A_209 = arith.constant 0 : i32
    %dma_start3A_210 = tpu.memref_slice %arg3[%dma_start3A_203, %dma_start3A_208, %dma_start3A_209] : memref<8x2048x128xf32, #tpu.memory_space<hbm>> -> memref<1x2048x128xf32, #tpu.memory_space<hbm>>
    %dma_start3A_211 = tpu.memref_squeeze %dma_start3A_210 : memref<1x2048x128xf32, #tpu.memory_space<hbm>> -> memref<2048x128xf32, #tpu.memory_space<hbm>>
    %dma_start3A_212 = arith.constant 0 : i32
    %dma_start3A_213 = arith.constant 0 : i32
    %dma_start3A_214 = tpu.memref_slice %dma_start3A_211[%dma_start3A_212, %dma_start3A_213] : memref<2048x128xf32, #tpu.memory_space<hbm>> -> memref<2048x128xf32, #tpu.memory_space<hbm>>
    tpu.enqueue_indirect_dma source(%dma_start3A_214 : memref<2048x128xf32, #tpu.memory_space<hbm>>) target(%arg6 : memref<128x128xf32, #tpu.memory_space<vmem>>) offsets(%dma_start3A_207 : memref<128xi32, #tpu.memory_space<vmem>>) semaphore(%arg20 : memref<!tpu.dma_semaphore, #tpu.memory_space<semaphore_mem>>) {add = true}
    %dma_start3A_215 = arith.constant 5 : i32
    %dma_start3A_216 = arith.constant 5 : i32
    %dma_start3A_217 = arith.constant 0 : i32
    %dma_start3A_218 = tpu.memref_slice %arg5[%dma_start3A_216, %dma_start3A_217] : memref<8x1024xi32, #tpu.memory_space<vmem>> -> memref<1x128xi32, #tpu.memory_space<vmem>>
    %dma_start3A_219 = tpu.memref_squeeze %dma_start3A_218 : memref<1x128xi32, #tpu.memory_space<vmem>> -> memref<128xi32, #tpu.memory_space<vmem>>
    %dma_start3A_220 = arith.constant 0 : i32
    %dma_start3A_221 = arith.constant 0 : i32
    %dma_start3A_222 = tpu.memref_slice %arg3[%dma_start3A_215, %dma_start3A_220, %dma_start3A_221] : memref<8x2048x128xf32, #tpu.memory_space<hbm>> -> memref<1x2048x128xf32, #tpu.memory_space<hbm>>
    %dma_start3A_223 = tpu.memref_squeeze %dma_start3A_222 : memref<1x2048x128xf32, #tpu.memory_space<hbm>> -> memref<2048x128xf32, #tpu.memory_space<hbm>>
    %dma_start3A_224 = arith.constant 0 : i32
    %dma_start3A_225 = arith.constant 0 : i32
    %dma_start3A_226 = tpu.memref_slice %dma_start3A_223[%dma_start3A_224, %dma_start3A_225] : memref<2048x128xf32, #tpu.memory_space<hbm>> -> memref<2048x128xf32, #tpu.memory_space<hbm>>
    tpu.enqueue_indirect_dma source(%dma_start3A_226 : memref<2048x128xf32, #tpu.memory_space<hbm>>) target(%arg6 : memref<128x128xf32, #tpu.memory_space<vmem>>) offsets(%dma_start3A_219 : memref<128xi32, #tpu.memory_space<vmem>>) semaphore(%arg20 : memref<!tpu.dma_semaphore, #tpu.memory_space<semaphore_mem>>) {add = true}
    %dma_start3A_227 = arith.constant 6 : i32
    %dma_start3A_228 = arith.constant 6 : i32
    %dma_start3A_229 = arith.constant 0 : i32
    %dma_start3A_230 = tpu.memref_slice %arg5[%dma_start3A_228, %dma_start3A_229] : memref<8x1024xi32, #tpu.memory_space<vmem>> -> memref<1x128xi32, #tpu.memory_space<vmem>>
    %dma_start3A_231 = tpu.memref_squeeze %dma_start3A_230 : memref<1x128xi32, #tpu.memory_space<vmem>> -> memref<128xi32, #tpu.memory_space<vmem>>
    %dma_start3A_232 = arith.constant 0 : i32
    %dma_start3A_233 = arith.constant 0 : i32
    %dma_start3A_234 = tpu.memref_slice %arg3[%dma_start3A_227, %dma_start3A_232, %dma_start3A_233] : memref<8x2048x128xf32, #tpu.memory_space<hbm>> -> memref<1x2048x128xf32, #tpu.memory_space<hbm>>
    %dma_start3A_235 = tpu.memref_squeeze %dma_start3A_234 : memref<1x2048x128xf32, #tpu.memory_space<hbm>> -> memref<2048x128xf32, #tpu.memory_space<hbm>>
    %dma_start3A_236 = arith.constant 0 : i32
    %dma_start3A_237 = arith.constant 0 : i32
    %dma_start3A_238 = tpu.memref_slice %dma_start3A_235[%dma_start3A_236, %dma_start3A_237] : memref<2048x128xf32, #tpu.memory_space<hbm>> -> memref<2048x128xf32, #tpu.memory_space<hbm>>
    tpu.enqueue_indirect_dma source(%dma_start3A_238 : memref<2048x128xf32, #tpu.memory_space<hbm>>) target(%arg6 : memref<128x128xf32, #tpu.memory_space<vmem>>) offsets(%dma_start3A_231 : memref<128xi32, #tpu.memory_space<vmem>>) semaphore(%arg20 : memref<!tpu.dma_semaphore, #tpu.memory_space<semaphore_mem>>) {add = true}
    %dma_start3A_239 = arith.constant 7 : i32
    %dma_start3A_240 = arith.constant 7 : i32
    %dma_start3A_241 = arith.constant 0 : i32
    %dma_start3A_242 = tpu.memref_slice %arg5[%dma_start3A_240, %dma_start3A_241] : memref<8x1024xi32, #tpu.memory_space<vmem>> -> memref<1x128xi32, #tpu.memory_space<vmem>>
    %dma_start3A_243 = tpu.memref_squeeze %dma_start3A_242 : memref<1x128xi32, #tpu.memory_space<vmem>> -> memref<128xi32, #tpu.memory_space<vmem>>
    %dma_start3A_244 = arith.constant 0 : i32
    %dma_start3A_245 = arith.constant 0 : i32
    %dma_start3A_246 = tpu.memref_slice %arg3[%dma_start3A_239, %dma_start3A_244, %dma_start3A_245] : memref<8x2048x128xf32, #tpu.memory_space<hbm>> -> memref<1x2048x128xf32, #tpu.memory_space<hbm>>
    %dma_start3A_247 = tpu.memref_squeeze %dma_start3A_246 : memref<1x2048x128xf32, #tpu.memory_space<hbm>> -> memref<2048x128xf32, #tpu.memory_space<hbm>>
    %dma_start3A_248 = arith.constant 0 : i32
    %dma_start3A_249 = arith.constant 0 : i32
    %dma_start3A_250 = tpu.memref_slice %dma_start3A_247[%dma_start3A_248, %dma_start3A_249] : memref<2048x128xf32, #tpu.memory_space<hbm>> -> memref<2048x128xf32, #tpu.memory_space<hbm>>
    tpu.enqueue_indirect_dma source(%dma_start3A_250 : memref<2048x128xf32, #tpu.memory_space<hbm>>) target(%arg6 : memref<128x128xf32, #tpu.memory_space<vmem>>) offsets(%dma_start3A_243 : memref<128xi32, #tpu.memory_space<vmem>>) semaphore(%arg20 : memref<!tpu.dma_semaphore, #tpu.memory_space<semaphore_mem>>) {add = true}
    %dma_start3A_251 = arith.constant 0 : i32
    %dma_start3A_252 = arith.constant 0 : i32
    %dma_start3A_253 = arith.constant 512 : i32
    %dma_start3A_254 = tpu.memref_slice %arg5[%dma_start3A_252, %dma_start3A_253] : memref<8x1024xi32, #tpu.memory_space<vmem>> -> memref<1x128xi32, #tpu.memory_space<vmem>>
    %dma_start3A_255 = tpu.memref_squeeze %dma_start3A_254 : memref<1x128xi32, #tpu.memory_space<vmem>> -> memref<128xi32, #tpu.memory_space<vmem>>
    %dma_start3A_256 = arith.constant 0 : i32
    %dma_start3A_257 = arith.constant 0 : i32
    %dma_start3A_258 = tpu.memref_slice %arg3[%dma_start3A_251, %dma_start3A_256, %dma_start3A_257] : memref<8x2048x128xf32, #tpu.memory_space<hbm>> -> memref<1x2048x128xf32, #tpu.memory_space<hbm>>
    %dma_start3A_259 = tpu.memref_squeeze %dma_start3A_258 : memref<1x2048x128xf32, #tpu.memory_space<hbm>> -> memref<2048x128xf32, #tpu.memory_space<hbm>>
    %dma_start3A_260 = arith.constant 0 : i32
    %dma_start3A_261 = arith.constant 0 : i32
    %dma_start3A_262 = tpu.memref_slice %dma_start3A_259[%dma_start3A_260, %dma_start3A_261] : memref<2048x128xf32, #tpu.memory_space<hbm>> -> memref<2048x128xf32, #tpu.memory_space<hbm>>
    tpu.enqueue_indirect_dma source(%dma_start3A_262 : memref<2048x128xf32, #tpu.memory_space<hbm>>) target(%arg10 : memref<128x128xf32, #tpu.memory_space<vmem>>) offsets(%dma_start3A_255 : memref<128xi32, #tpu.memory_space<vmem>>) semaphore(%arg16 : memref<!tpu.dma_semaphore, #tpu.memory_space<semaphore_mem>>)
    %dma_wait3A_263 = arith.constant 0 : i32
    %dma_wait3A_264 = arith.constant 0 : i32
    %dma_wait3A_265 = arith.constant 128 : i32
    %dma_wait3A_266 = tpu.memref_slice %arg5[%dma_wait3A_264, %dma_wait3A_265] : memref<8x1024xi32, #tpu.memory_space<vmem>> -> memref<1x128xi32, #tpu.memory_space<vmem>>
    %dma_wait3A_267 = tpu.memref_squeeze %dma_wait3A_266 : memref<1x128xi32, #tpu.memory_space<vmem>> -> memref<128xi32, #tpu.memory_space<vmem>>
    %dma_wait3A_268 = arith.constant 0 : i32
    %dma_wait3A_269 = arith.constant 0 : i32
    %dma_wait3A_270 = tpu.memref_slice %arg3[%dma_wait3A_263, %dma_wait3A_268, %dma_wait3A_269] : memref<8x2048x128xf32, #tpu.memory_space<hbm>> -> memref<1x2048x128xf32, #tpu.memory_space<hbm>>
    %dma_wait3A_271 = tpu.memref_squeeze %dma_wait3A_270 : memref<1x2048x128xf32, #tpu.memory_space<hbm>> -> memref<2048x128xf32, #tpu.memory_space<hbm>>
    %dma_wait3A_272 = arith.constant 0 : i32
    %dma_wait3A_273 = arith.constant 0 : i32
    %dma_wait3A_274 = tpu.memref_slice %dma_wait3A_271[%dma_wait3A_272, %dma_wait3A_273] : memref<2048x128xf32, #tpu.memory_space<hbm>> -> memref<2048x128xf32, #tpu.memory_space<hbm>>
    tpu.wait_indirect_dma semaphore(%arg13 : memref<!tpu.dma_semaphore, #tpu.memory_space<semaphore_mem>>) src(%dma_wait3A_274 : memref<2048x128xf32, #tpu.memory_space<hbm>>) dst(%arg7 : memref<128x128xf32, #tpu.memory_space<vmem>>)
    %dma_start3A_275 = arith.constant 1 : i32
    %dma_start3A_276 = arith.constant 1 : i32
    %dma_start3A_277 = arith.constant 128 : i32
    %dma_start3A_278 = tpu.memref_slice %arg5[%dma_start3A_276, %dma_start3A_277] : memref<8x1024xi32, #tpu.memory_space<vmem>> -> memref<1x128xi32, #tpu.memory_space<vmem>>
    %dma_start3A_279 = tpu.memref_squeeze %dma_start3A_278 : memref<1x128xi32, #tpu.memory_space<vmem>> -> memref<128xi32, #tpu.memory_space<vmem>>
    %dma_start3A_280 = arith.constant 0 : i32
    %dma_start3A_281 = arith.constant 0 : i32
    %dma_start3A_282 = tpu.memref_slice %arg3[%dma_start3A_275, %dma_start3A_280, %dma_start3A_281] : memref<8x2048x128xf32, #tpu.memory_space<hbm>> -> memref<1x2048x128xf32, #tpu.memory_space<hbm>>
    %dma_start3A_283 = tpu.memref_squeeze %dma_start3A_282 : memref<1x2048x128xf32, #tpu.memory_space<hbm>> -> memref<2048x128xf32, #tpu.memory_space<hbm>>
    %dma_start3A_284 = arith.constant 0 : i32
    %dma_start3A_285 = arith.constant 0 : i32
    %dma_start3A_286 = tpu.memref_slice %dma_start3A_283[%dma_start3A_284, %dma_start3A_285] : memref<2048x128xf32, #tpu.memory_space<hbm>> -> memref<2048x128xf32, #tpu.memory_space<hbm>>
    tpu.enqueue_indirect_dma source(%dma_start3A_286 : memref<2048x128xf32, #tpu.memory_space<hbm>>) target(%arg7 : memref<128x128xf32, #tpu.memory_space<vmem>>) offsets(%dma_start3A_279 : memref<128xi32, #tpu.memory_space<vmem>>) semaphore(%arg21 : memref<!tpu.dma_semaphore, #tpu.memory_space<semaphore_mem>>) {add = true}
    %dma_start3A_287 = arith.constant 2 : i32
    %dma_start3A_288 = arith.constant 2 : i32
    %dma_start3A_289 = arith.constant 128 : i32
    %dma_start3A_290 = tpu.memref_slice %arg5[%dma_start3A_288, %dma_start3A_289] : memref<8x1024xi32, #tpu.memory_space<vmem>> -> memref<1x128xi32, #tpu.memory_space<vmem>>
    %dma_start3A_291 = tpu.memref_squeeze %dma_start3A_290 : memref<1x128xi32, #tpu.memory_space<vmem>> -> memref<128xi32, #tpu.memory_space<vmem>>
    %dma_start3A_292 = arith.constant 0 : i32
    %dma_start3A_293 = arith.constant 0 : i32
    %dma_start3A_294 = tpu.memref_slice %arg3[%dma_start3A_287, %dma_start3A_292, %dma_start3A_293] : memref<8x2048x128xf32, #tpu.memory_space<hbm>> -> memref<1x2048x128xf32, #tpu.memory_space<hbm>>
    %dma_start3A_295 = tpu.memref_squeeze %dma_start3A_294 : memref<1x2048x128xf32, #tpu.memory_space<hbm>> -> memref<2048x128xf32, #tpu.memory_space<hbm>>
    %dma_start3A_296 = arith.constant 0 : i32
    %dma_start3A_297 = arith.constant 0 : i32
    %dma_start3A_298 = tpu.memref_slice %dma_start3A_295[%dma_start3A_296, %dma_start3A_297] : memref<2048x128xf32, #tpu.memory_space<hbm>> -> memref<2048x128xf32, #tpu.memory_space<hbm>>
    tpu.enqueue_indirect_dma source(%dma_start3A_298 : memref<2048x128xf32, #tpu.memory_space<hbm>>) target(%arg7 : memref<128x128xf32, #tpu.memory_space<vmem>>) offsets(%dma_start3A_291 : memref<128xi32, #tpu.memory_space<vmem>>) semaphore(%arg21 : memref<!tpu.dma_semaphore, #tpu.memory_space<semaphore_mem>>) {add = true}
    %dma_start3A_299 = arith.constant 3 : i32
    %dma_start3A_300 = arith.constant 3 : i32
    %dma_start3A_301 = arith.constant 128 : i32
    %dma_start3A_302 = tpu.memref_slice %arg5[%dma_start3A_300, %dma_start3A_301] : memref<8x1024xi32, #tpu.memory_space<vmem>> -> memref<1x128xi32, #tpu.memory_space<vmem>>
    %dma_start3A_303 = tpu.memref_squeeze %dma_start3A_302 : memref<1x128xi32, #tpu.memory_space<vmem>> -> memref<128xi32, #tpu.memory_space<vmem>>
    %dma_start3A_304 = arith.constant 0 : i32
    %dma_start3A_305 = arith.constant 0 : i32
    %dma_start3A_306 = tpu.memref_slice %arg3[%dma_start3A_299, %dma_start3A_304, %dma_start3A_305] : memref<8x2048x128xf32, #tpu.memory_space<hbm>> -> memref<1x2048x128xf32, #tpu.memory_space<hbm>>
    %dma_start3A_307 = tpu.memref_squeeze %dma_start3A_306 : memref<1x2048x128xf32, #tpu.memory_space<hbm>> -> memref<2048x128xf32, #tpu.memory_space<hbm>>
    %dma_start3A_308 = arith.constant 0 : i32
    %dma_start3A_309 = arith.constant 0 : i32
    %dma_start3A_310 = tpu.memref_slice %dma_start3A_307[%dma_start3A_308, %dma_start3A_309] : memref<2048x128xf32, #tpu.memory_space<hbm>> -> memref<2048x128xf32, #tpu.memory_space<hbm>>
    tpu.enqueue_indirect_dma source(%dma_start3A_310 : memref<2048x128xf32, #tpu.memory_space<hbm>>) target(%arg7 : memref<128x128xf32, #tpu.memory_space<vmem>>) offsets(%dma_start3A_303 : memref<128xi32, #tpu.memory_space<vmem>>) semaphore(%arg21 : memref<!tpu.dma_semaphore, #tpu.memory_space<semaphore_mem>>) {add = true}
    %dma_start3A_311 = arith.constant 4 : i32
    %dma_start3A_312 = arith.constant 4 : i32
    %dma_start3A_313 = arith.constant 128 : i32
    %dma_start3A_314 = tpu.memref_slice %arg5[%dma_start3A_312, %dma_start3A_313] : memref<8x1024xi32, #tpu.memory_space<vmem>> -> memref<1x128xi32, #tpu.memory_space<vmem>>
    %dma_start3A_315 = tpu.memref_squeeze %dma_start3A_314 : memref<1x128xi32, #tpu.memory_space<vmem>> -> memref<128xi32, #tpu.memory_space<vmem>>
    %dma_start3A_316 = arith.constant 0 : i32
    %dma_start3A_317 = arith.constant 0 : i32
    %dma_start3A_318 = tpu.memref_slice %arg3[%dma_start3A_311, %dma_start3A_316, %dma_start3A_317] : memref<8x2048x128xf32, #tpu.memory_space<hbm>> -> memref<1x2048x128xf32, #tpu.memory_space<hbm>>
    %dma_start3A_319 = tpu.memref_squeeze %dma_start3A_318 : memref<1x2048x128xf32, #tpu.memory_space<hbm>> -> memref<2048x128xf32, #tpu.memory_space<hbm>>
    %dma_start3A_320 = arith.constant 0 : i32
    %dma_start3A_321 = arith.constant 0 : i32
    %dma_start3A_322 = tpu.memref_slice %dma_start3A_319[%dma_start3A_320, %dma_start3A_321] : memref<2048x128xf32, #tpu.memory_space<hbm>> -> memref<2048x128xf32, #tpu.memory_space<hbm>>
    tpu.enqueue_indirect_dma source(%dma_start3A_322 : memref<2048x128xf32, #tpu.memory_space<hbm>>) target(%arg7 : memref<128x128xf32, #tpu.memory_space<vmem>>) offsets(%dma_start3A_315 : memref<128xi32, #tpu.memory_space<vmem>>) semaphore(%arg21 : memref<!tpu.dma_semaphore, #tpu.memory_space<semaphore_mem>>) {add = true}
    %dma_start3A_323 = arith.constant 5 : i32
    %dma_start3A_324 = arith.constant 5 : i32
    %dma_start3A_325 = arith.constant 128 : i32
    %dma_start3A_326 = tpu.memref_slice %arg5[%dma_start3A_324, %dma_start3A_325] : memref<8x1024xi32, #tpu.memory_space<vmem>> -> memref<1x128xi32, #tpu.memory_space<vmem>>
    %dma_start3A_327 = tpu.memref_squeeze %dma_start3A_326 : memref<1x128xi32, #tpu.memory_space<vmem>> -> memref<128xi32, #tpu.memory_space<vmem>>
    %dma_start3A_328 = arith.constant 0 : i32
    %dma_start3A_329 = arith.constant 0 : i32
    %dma_start3A_330 = tpu.memref_slice %arg3[%dma_start3A_323, %dma_start3A_328, %dma_start3A_329] : memref<8x2048x128xf32, #tpu.memory_space<hbm>> -> memref<1x2048x128xf32, #tpu.memory_space<hbm>>
    %dma_start3A_331 = tpu.memref_squeeze %dma_start3A_330 : memref<1x2048x128xf32, #tpu.memory_space<hbm>> -> memref<2048x128xf32, #tpu.memory_space<hbm>>
    %dma_start3A_332 = arith.constant 0 : i32
    %dma_start3A_333 = arith.constant 0 : i32
    %dma_start3A_334 = tpu.memref_slice %dma_start3A_331[%dma_start3A_332, %dma_start3A_333] : memref<2048x128xf32, #tpu.memory_space<hbm>> -> memref<2048x128xf32, #tpu.memory_space<hbm>>
    tpu.enqueue_indirect_dma source(%dma_start3A_334 : memref<2048x128xf32, #tpu.memory_space<hbm>>) target(%arg7 : memref<128x128xf32, #tpu.memory_space<vmem>>) offsets(%dma_start3A_327 : memref<128xi32, #tpu.memory_space<vmem>>) semaphore(%arg21 : memref<!tpu.dma_semaphore, #tpu.memory_space<semaphore_mem>>) {add = true}
    %dma_start3A_335 = arith.constant 6 : i32
    %dma_start3A_336 = arith.constant 6 : i32
    %dma_start3A_337 = arith.constant 128 : i32
    %dma_start3A_338 = tpu.memref_slice %arg5[%dma_start3A_336, %dma_start3A_337] : memref<8x1024xi32, #tpu.memory_space<vmem>> -> memref<1x128xi32, #tpu.memory_space<vmem>>
    %dma_start3A_339 = tpu.memref_squeeze %dma_start3A_338 : memref<1x128xi32, #tpu.memory_space<vmem>> -> memref<128xi32, #tpu.memory_space<vmem>>
    %dma_start3A_340 = arith.constant 0 : i32
    %dma_start3A_341 = arith.constant 0 : i32
    %dma_start3A_342 = tpu.memref_slice %arg3[%dma_start3A_335, %dma_start3A_340, %dma_start3A_341] : memref<8x2048x128xf32, #tpu.memory_space<hbm>> -> memref<1x2048x128xf32, #tpu.memory_space<hbm>>
    %dma_start3A_343 = tpu.memref_squeeze %dma_start3A_342 : memref<1x2048x128xf32, #tpu.memory_space<hbm>> -> memref<2048x128xf32, #tpu.memory_space<hbm>>
    %dma_start3A_344 = arith.constant 0 : i32
    %dma_start3A_345 = arith.constant 0 : i32
    %dma_start3A_346 = tpu.memref_slice %dma_start3A_343[%dma_start3A_344, %dma_start3A_345] : memref<2048x128xf32, #tpu.memory_space<hbm>> -> memref<2048x128xf32, #tpu.memory_space<hbm>>
    tpu.enqueue_indirect_dma source(%dma_start3A_346 : memref<2048x128xf32, #tpu.memory_space<hbm>>) target(%arg7 : memref<128x128xf32, #tpu.memory_space<vmem>>) offsets(%dma_start3A_339 : memref<128xi32, #tpu.memory_space<vmem>>) semaphore(%arg21 : memref<!tpu.dma_semaphore, #tpu.memory_space<semaphore_mem>>) {add = true}
    %dma_start3A_347 = arith.constant 7 : i32
    %dma_start3A_348 = arith.constant 7 : i32
    %dma_start3A_349 = arith.constant 128 : i32
    %dma_start3A_350 = tpu.memref_slice %arg5[%dma_start3A_348, %dma_start3A_349] : memref<8x1024xi32, #tpu.memory_space<vmem>> -> memref<1x128xi32, #tpu.memory_space<vmem>>
    %dma_start3A_351 = tpu.memref_squeeze %dma_start3A_350 : memref<1x128xi32, #tpu.memory_space<vmem>> -> memref<128xi32, #tpu.memory_space<vmem>>
    %dma_start3A_352 = arith.constant 0 : i32
    %dma_start3A_353 = arith.constant 0 : i32
    %dma_start3A_354 = tpu.memref_slice %arg3[%dma_start3A_347, %dma_start3A_352, %dma_start3A_353] : memref<8x2048x128xf32, #tpu.memory_space<hbm>> -> memref<1x2048x128xf32, #tpu.memory_space<hbm>>
    %dma_start3A_355 = tpu.memref_squeeze %dma_start3A_354 : memref<1x2048x128xf32, #tpu.memory_space<hbm>> -> memref<2048x128xf32, #tpu.memory_space<hbm>>
    %dma_start3A_356 = arith.constant 0 : i32
    %dma_start3A_357 = arith.constant 0 : i32
    %dma_start3A_358 = tpu.memref_slice %dma_start3A_355[%dma_start3A_356, %dma_start3A_357] : memref<2048x128xf32, #tpu.memory_space<hbm>> -> memref<2048x128xf32, #tpu.memory_space<hbm>>
    tpu.enqueue_indirect_dma source(%dma_start3A_358 : memref<2048x128xf32, #tpu.memory_space<hbm>>) target(%arg7 : memref<128x128xf32, #tpu.memory_space<vmem>>) offsets(%dma_start3A_351 : memref<128xi32, #tpu.memory_space<vmem>>) semaphore(%arg21 : memref<!tpu.dma_semaphore, #tpu.memory_space<semaphore_mem>>) {add = true}
    %dma_wait3A_359 = arith.constant 1 : i32
    %dma_wait3A_360 = arith.constant 1 : i32
    %dma_wait3A_361 = arith.constant 0 : i32
    %dma_wait3A_362 = tpu.memref_slice %arg5[%dma_wait3A_360, %dma_wait3A_361] : memref<8x1024xi32, #tpu.memory_space<vmem>> -> memref<1x128xi32, #tpu.memory_space<vmem>>
    %dma_wait3A_363 = tpu.memref_squeeze %dma_wait3A_362 : memref<1x128xi32, #tpu.memory_space<vmem>> -> memref<128xi32, #tpu.memory_space<vmem>>
    %dma_wait3A_364 = arith.constant 0 : i32
    %dma_wait3A_365 = arith.constant 0 : i32
    %dma_wait3A_366 = tpu.memref_slice %arg3[%dma_wait3A_359, %dma_wait3A_364, %dma_wait3A_365] : memref<8x2048x128xf32, #tpu.memory_space<hbm>> -> memref<1x2048x128xf32, #tpu.memory_space<hbm>>
    %dma_wait3A_367 = tpu.memref_squeeze %dma_wait3A_366 : memref<1x2048x128xf32, #tpu.memory_space<hbm>> -> memref<2048x128xf32, #tpu.memory_space<hbm>>
    %dma_wait3A_368 = arith.constant 0 : i32
    %dma_wait3A_369 = arith.constant 0 : i32
    %dma_wait3A_370 = tpu.memref_slice %dma_wait3A_367[%dma_wait3A_368, %dma_wait3A_369] : memref<2048x128xf32, #tpu.memory_space<hbm>> -> memref<2048x128xf32, #tpu.memory_space<hbm>>
    tpu.wait_indirect_dma semaphore(%arg20 : memref<!tpu.dma_semaphore, #tpu.memory_space<semaphore_mem>>) src(%dma_wait3A_370 : memref<2048x128xf32, #tpu.memory_space<hbm>>) dst(%arg6 : memref<128x128xf32, #tpu.memory_space<vmem>>)
    %dma_wait3A_371 = arith.constant 2 : i32
    %dma_wait3A_372 = arith.constant 2 : i32
    %dma_wait3A_373 = arith.constant 0 : i32
    %dma_wait3A_374 = tpu.memref_slice %arg5[%dma_wait3A_372, %dma_wait3A_373] : memref<8x1024xi32, #tpu.memory_space<vmem>> -> memref<1x128xi32, #tpu.memory_space<vmem>>
    %dma_wait3A_375 = tpu.memref_squeeze %dma_wait3A_374 : memref<1x128xi32, #tpu.memory_space<vmem>> -> memref<128xi32, #tpu.memory_space<vmem>>
    %dma_wait3A_376 = arith.constant 0 : i32
    %dma_wait3A_377 = arith.constant 0 : i32
    %dma_wait3A_378 = tpu.memref_slice %arg3[%dma_wait3A_371, %dma_wait3A_376, %dma_wait3A_377] : memref<8x2048x128xf32, #tpu.memory_space<hbm>> -> memref<1x2048x128xf32, #tpu.memory_space<hbm>>
    %dma_wait3A_379 = tpu.memref_squeeze %dma_wait3A_378 : memref<1x2048x128xf32, #tpu.memory_space<hbm>> -> memref<2048x128xf32, #tpu.memory_space<hbm>>
    %dma_wait3A_380 = arith.constant 0 : i32
    %dma_wait3A_381 = arith.constant 0 : i32
    %dma_wait3A_382 = tpu.memref_slice %dma_wait3A_379[%dma_wait3A_380, %dma_wait3A_381] : memref<2048x128xf32, #tpu.memory_space<hbm>> -> memref<2048x128xf32, #tpu.memory_space<hbm>>
    tpu.wait_indirect_dma semaphore(%arg20 : memref<!tpu.dma_semaphore, #tpu.memory_space<semaphore_mem>>) src(%dma_wait3A_382 : memref<2048x128xf32, #tpu.memory_space<hbm>>) dst(%arg6 : memref<128x128xf32, #tpu.memory_space<vmem>>)
    %dma_wait3A_383 = arith.constant 3 : i32
    %dma_wait3A_384 = arith.constant 3 : i32
    %dma_wait3A_385 = arith.constant 0 : i32
    %dma_wait3A_386 = tpu.memref_slice %arg5[%dma_wait3A_384, %dma_wait3A_385] : memref<8x1024xi32, #tpu.memory_space<vmem>> -> memref<1x128xi32, #tpu.memory_space<vmem>>
    %dma_wait3A_387 = tpu.memref_squeeze %dma_wait3A_386 : memref<1x128xi32, #tpu.memory_space<vmem>> -> memref<128xi32, #tpu.memory_space<vmem>>
    %dma_wait3A_388 = arith.constant 0 : i32
    %dma_wait3A_389 = arith.constant 0 : i32
    %dma_wait3A_390 = tpu.memref_slice %arg3[%dma_wait3A_383, %dma_wait3A_388, %dma_wait3A_389] : memref<8x2048x128xf32, #tpu.memory_space<hbm>> -> memref<1x2048x128xf32, #tpu.memory_space<hbm>>
    %dma_wait3A_391 = tpu.memref_squeeze %dma_wait3A_390 : memref<1x2048x128xf32, #tpu.memory_space<hbm>> -> memref<2048x128xf32, #tpu.memory_space<hbm>>
    %dma_wait3A_392 = arith.constant 0 : i32
    %dma_wait3A_393 = arith.constant 0 : i32
    %dma_wait3A_394 = tpu.memref_slice %dma_wait3A_391[%dma_wait3A_392, %dma_wait3A_393] : memref<2048x128xf32, #tpu.memory_space<hbm>> -> memref<2048x128xf32, #tpu.memory_space<hbm>>
    tpu.wait_indirect_dma semaphore(%arg20 : memref<!tpu.dma_semaphore, #tpu.memory_space<semaphore_mem>>) src(%dma_wait3A_394 : memref<2048x128xf32, #tpu.memory_space<hbm>>) dst(%arg6 : memref<128x128xf32, #tpu.memory_space<vmem>>)
    %dma_wait3A_395 = arith.constant 4 : i32
    %dma_wait3A_396 = arith.constant 4 : i32
    %dma_wait3A_397 = arith.constant 0 : i32
    %dma_wait3A_398 = tpu.memref_slice %arg5[%dma_wait3A_396, %dma_wait3A_397] : memref<8x1024xi32, #tpu.memory_space<vmem>> -> memref<1x128xi32, #tpu.memory_space<vmem>>
    %dma_wait3A_399 = tpu.memref_squeeze %dma_wait3A_398 : memref<1x128xi32, #tpu.memory_space<vmem>> -> memref<128xi32, #tpu.memory_space<vmem>>
    %dma_wait3A_400 = arith.constant 0 : i32
    %dma_wait3A_401 = arith.constant 0 : i32
    %dma_wait3A_402 = tpu.memref_slice %arg3[%dma_wait3A_395, %dma_wait3A_400, %dma_wait3A_401] : memref<8x2048x128xf32, #tpu.memory_space<hbm>> -> memref<1x2048x128xf32, #tpu.memory_space<hbm>>
    %dma_wait3A_403 = tpu.memref_squeeze %dma_wait3A_402 : memref<1x2048x128xf32, #tpu.memory_space<hbm>> -> memref<2048x128xf32, #tpu.memory_space<hbm>>
    %dma_wait3A_404 = arith.constant 0 : i32
    %dma_wait3A_405 = arith.constant 0 : i32
    %dma_wait3A_406 = tpu.memref_slice %dma_wait3A_403[%dma_wait3A_404, %dma_wait3A_405] : memref<2048x128xf32, #tpu.memory_space<hbm>> -> memref<2048x128xf32, #tpu.memory_space<hbm>>
    tpu.wait_indirect_dma semaphore(%arg20 : memref<!tpu.dma_semaphore, #tpu.memory_space<semaphore_mem>>) src(%dma_wait3A_406 : memref<2048x128xf32, #tpu.memory_space<hbm>>) dst(%arg6 : memref<128x128xf32, #tpu.memory_space<vmem>>)
    %dma_wait3A_407 = arith.constant 5 : i32
    %dma_wait3A_408 = arith.constant 5 : i32
    %dma_wait3A_409 = arith.constant 0 : i32
    %dma_wait3A_410 = tpu.memref_slice %arg5[%dma_wait3A_408, %dma_wait3A_409] : memref<8x1024xi32, #tpu.memory_space<vmem>> -> memref<1x128xi32, #tpu.memory_space<vmem>>
    %dma_wait3A_411 = tpu.memref_squeeze %dma_wait3A_410 : memref<1x128xi32, #tpu.memory_space<vmem>> -> memref<128xi32, #tpu.memory_space<vmem>>
    %dma_wait3A_412 = arith.constant 0 : i32
    %dma_wait3A_413 = arith.constant 0 : i32
    %dma_wait3A_414 = tpu.memref_slice %arg3[%dma_wait3A_407, %dma_wait3A_412, %dma_wait3A_413] : memref<8x2048x128xf32, #tpu.memory_space<hbm>> -> memref<1x2048x128xf32, #tpu.memory_space<hbm>>
    %dma_wait3A_415 = tpu.memref_squeeze %dma_wait3A_414 : memref<1x2048x128xf32, #tpu.memory_space<hbm>> -> memref<2048x128xf32, #tpu.memory_space<hbm>>
    %dma_wait3A_416 = arith.constant 0 : i32
    %dma_wait3A_417 = arith.constant 0 : i32
    %dma_wait3A_418 = tpu.memref_slice %dma_wait3A_415[%dma_wait3A_416, %dma_wait3A_417] : memref<2048x128xf32, #tpu.memory_space<hbm>> -> memref<2048x128xf32, #tpu.memory_space<hbm>>
    tpu.wait_indirect_dma semaphore(%arg20 : memref<!tpu.dma_semaphore, #tpu.memory_space<semaphore_mem>>) src(%dma_wait3A_418 : memref<2048x128xf32, #tpu.memory_space<hbm>>) dst(%arg6 : memref<128x128xf32, #tpu.memory_space<vmem>>)
    %dma_wait3A_419 = arith.constant 6 : i32
    %dma_wait3A_420 = arith.constant 6 : i32
    %dma_wait3A_421 = arith.constant 0 : i32
    %dma_wait3A_422 = tpu.memref_slice %arg5[%dma_wait3A_420, %dma_wait3A_421] : memref<8x1024xi32, #tpu.memory_space<vmem>> -> memref<1x128xi32, #tpu.memory_space<vmem>>
    %dma_wait3A_423 = tpu.memref_squeeze %dma_wait3A_422 : memref<1x128xi32, #tpu.memory_space<vmem>> -> memref<128xi32, #tpu.memory_space<vmem>>
    %dma_wait3A_424 = arith.constant 0 : i32
    %dma_wait3A_425 = arith.constant 0 : i32
    %dma_wait3A_426 = tpu.memref_slice %arg3[%dma_wait3A_419, %dma_wait3A_424, %dma_wait3A_425] : memref<8x2048x128xf32, #tpu.memory_space<hbm>> -> memref<1x2048x128xf32, #tpu.memory_space<hbm>>
    %dma_wait3A_427 = tpu.memref_squeeze %dma_wait3A_426 : memref<1x2048x128xf32, #tpu.memory_space<hbm>> -> memref<2048x128xf32, #tpu.memory_space<hbm>>
    %dma_wait3A_428 = arith.constant 0 : i32
    %dma_wait3A_429 = arith.constant 0 : i32
    %dma_wait3A_430 = tpu.memref_slice %dma_wait3A_427[%dma_wait3A_428, %dma_wait3A_429] : memref<2048x128xf32, #tpu.memory_space<hbm>> -> memref<2048x128xf32, #tpu.memory_space<hbm>>
    tpu.wait_indirect_dma semaphore(%arg20 : memref<!tpu.dma_semaphore, #tpu.memory_space<semaphore_mem>>) src(%dma_wait3A_430 : memref<2048x128xf32, #tpu.memory_space<hbm>>) dst(%arg6 : memref<128x128xf32, #tpu.memory_space<vmem>>)
    %dma_wait3A_431 = arith.constant 7 : i32
    %dma_wait3A_432 = arith.constant 7 : i32
    %dma_wait3A_433 = arith.constant 0 : i32
    %dma_wait3A_434 = tpu.memref_slice %arg5[%dma_wait3A_432, %dma_wait3A_433] : memref<8x1024xi32, #tpu.memory_space<vmem>> -> memref<1x128xi32, #tpu.memory_space<vmem>>
    %dma_wait3A_435 = tpu.memref_squeeze %dma_wait3A_434 : memref<1x128xi32, #tpu.memory_space<vmem>> -> memref<128xi32, #tpu.memory_space<vmem>>
    %dma_wait3A_436 = arith.constant 0 : i32
    %dma_wait3A_437 = arith.constant 0 : i32
    %dma_wait3A_438 = tpu.memref_slice %arg3[%dma_wait3A_431, %dma_wait3A_436, %dma_wait3A_437] : memref<8x2048x128xf32, #tpu.memory_space<hbm>> -> memref<1x2048x128xf32, #tpu.memory_space<hbm>>
    %dma_wait3A_439 = tpu.memref_squeeze %dma_wait3A_438 : memref<1x2048x128xf32, #tpu.memory_space<hbm>> -> memref<2048x128xf32, #tpu.memory_space<hbm>>
    %dma_wait3A_440 = arith.constant 0 : i32
    %dma_wait3A_441 = arith.constant 0 : i32
    %dma_wait3A_442 = tpu.memref_slice %dma_wait3A_439[%dma_wait3A_440, %dma_wait3A_441] : memref<2048x128xf32, #tpu.memory_space<hbm>> -> memref<2048x128xf32, #tpu.memory_space<hbm>>
    tpu.wait_indirect_dma semaphore(%arg20 : memref<!tpu.dma_semaphore, #tpu.memory_space<semaphore_mem>>) src(%dma_wait3A_442 : memref<2048x128xf32, #tpu.memory_space<hbm>>) dst(%arg6 : memref<128x128xf32, #tpu.memory_space<vmem>>)
    %mul3A_443 = arith.constant 1024 : i32
    %mul3A_444 = arith.muli %add3A, %mul3A_443 : i32
    %add3A_445 = arith.constant 0 : i32
    %add3A_446 = arith.addi %mul3A_444, %add3A_445 : i32
    %dma_start3A_447 = arith.constant 0 : i32
    %dma_start3A_448 = tpu.memref_slice %arg4[%add3A_446, %dma_start3A_447] : memref<32768x128xf32, #tpu.memory_space<hbm>> -> memref<128x128xf32, #tpu.memory_space<hbm>>
    %dma_start3A_449 = arith.constant 0 : i32
    %dma_start3A_450 = tpu.memref_slice %arg4[%add3A_446, %dma_start3A_449] : memref<32768x128xf32, #tpu.memory_space<hbm>> -> memref<128x128xf32, #tpu.memory_space<hbm>>
    tpu.enqueue_dma source(%arg6 : memref<128x128xf32, #tpu.memory_space<vmem>>) target(%dma_start3A_450 : memref<128x128xf32, #tpu.memory_space<hbm>>) target_semaphore(%arg28 : memref<!tpu.dma_semaphore, #tpu.memory_space<semaphore_mem>>)
    %dma_start3A_451 = arith.constant 0 : i32
    %dma_start3A_452 = arith.constant 0 : i32
    %dma_start3A_453 = arith.constant 640 : i32
    %dma_start3A_454 = tpu.memref_slice %arg5[%dma_start3A_452, %dma_start3A_453] : memref<8x1024xi32, #tpu.memory_space<vmem>> -> memref<1x128xi32, #tpu.memory_space<vmem>>
    %dma_start3A_455 = tpu.memref_squeeze %dma_start3A_454 : memref<1x128xi32, #tpu.memory_space<vmem>> -> memref<128xi32, #tpu.memory_space<vmem>>
    %dma_start3A_456 = arith.constant 0 : i32
    %dma_start3A_457 = arith.constant 0 : i32
    %dma_start3A_458 = tpu.memref_slice %arg3[%dma_start3A_451, %dma_start3A_456, %dma_start3A_457] : memref<8x2048x128xf32, #tpu.memory_space<hbm>> -> memref<1x2048x128xf32, #tpu.memory_space<hbm>>
    %dma_start3A_459 = tpu.memref_squeeze %dma_start3A_458 : memref<1x2048x128xf32, #tpu.memory_space<hbm>> -> memref<2048x128xf32, #tpu.memory_space<hbm>>
    %dma_start3A_460 = arith.constant 0 : i32
    %dma_start3A_461 = arith.constant 0 : i32
    %dma_start3A_462 = tpu.memref_slice %dma_start3A_459[%dma_start3A_460, %dma_start3A_461] : memref<2048x128xf32, #tpu.memory_space<hbm>> -> memref<2048x128xf32, #tpu.memory_space<hbm>>
    tpu.enqueue_indirect_dma source(%dma_start3A_462 : memref<2048x128xf32, #tpu.memory_space<hbm>>) target(%arg11 : memref<128x128xf32, #tpu.memory_space<vmem>>) offsets(%dma_start3A_455 : memref<128xi32, #tpu.memory_space<vmem>>) semaphore(%arg17 : memref<!tpu.dma_semaphore, #tpu.memory_space<semaphore_mem>>)
    %dma_wait3A_463 = arith.constant 0 : i32
    %dma_wait3A_464 = arith.constant 0 : i32
    %dma_wait3A_465 = arith.constant 256 : i32
    %dma_wait3A_466 = tpu.memref_slice %arg5[%dma_wait3A_464, %dma_wait3A_465] : memref<8x1024xi32, #tpu.memory_space<vmem>> -> memref<1x128xi32, #tpu.memory_space<vmem>>
    %dma_wait3A_467 = tpu.memref_squeeze %dma_wait3A_466 : memref<1x128xi32, #tpu.memory_space<vmem>> -> memref<128xi32, #tpu.memory_space<vmem>>
    %dma_wait3A_468 = arith.constant 0 : i32
    %dma_wait3A_469 = arith.constant 0 : i32
    %dma_wait3A_470 = tpu.memref_slice %arg3[%dma_wait3A_463, %dma_wait3A_468, %dma_wait3A_469] : memref<8x2048x128xf32, #tpu.memory_space<hbm>> -> memref<1x2048x128xf32, #tpu.memory_space<hbm>>
    %dma_wait3A_471 = tpu.memref_squeeze %dma_wait3A_470 : memref<1x2048x128xf32, #tpu.memory_space<hbm>> -> memref<2048x128xf32, #tpu.memory_space<hbm>>
    %dma_wait3A_472 = arith.constant 0 : i32
    %dma_wait3A_473 = arith.constant 0 : i32
    %dma_wait3A_474 = tpu.memref_slice %dma_wait3A_471[%dma_wait3A_472, %dma_wait3A_473] : memref<2048x128xf32, #tpu.memory_space<hbm>> -> memref<2048x128xf32, #tpu.memory_space<hbm>>
    tpu.wait_indirect_dma semaphore(%arg14 : memref<!tpu.dma_semaphore, #tpu.memory_space<semaphore_mem>>) src(%dma_wait3A_474 : memref<2048x128xf32, #tpu.memory_space<hbm>>) dst(%arg8 : memref<128x128xf32, #tpu.memory_space<vmem>>)
    %dma_start3A_475 = arith.constant 1 : i32
    %dma_start3A_476 = arith.constant 1 : i32
    %dma_start3A_477 = arith.constant 256 : i32
    %dma_start3A_478 = tpu.memref_slice %arg5[%dma_start3A_476, %dma_start3A_477] : memref<8x1024xi32, #tpu.memory_space<vmem>> -> memref<1x128xi32, #tpu.memory_space<vmem>>
    %dma_start3A_479 = tpu.memref_squeeze %dma_start3A_478 : memref<1x128xi32, #tpu.memory_space<vmem>> -> memref<128xi32, #tpu.memory_space<vmem>>
    %dma_start3A_480 = arith.constant 0 : i32
    %dma_start3A_481 = arith.constant 0 : i32
    %dma_start3A_482 = tpu.memref_slice %arg3[%dma_start3A_475, %dma_start3A_480, %dma_start3A_481] : memref<8x2048x128xf32, #tpu.memory_space<hbm>> -> memref<1x2048x128xf32, #tpu.memory_space<hbm>>
    %dma_start3A_483 = tpu.memref_squeeze %dma_start3A_482 : memref<1x2048x128xf32, #tpu.memory_space<hbm>> -> memref<2048x128xf32, #tpu.memory_space<hbm>>
    %dma_start3A_484 = arith.constant 0 : i32
    %dma_start3A_485 = arith.constant 0 : i32
    %dma_start3A_486 = tpu.memref_slice %dma_start3A_483[%dma_start3A_484, %dma_start3A_485] : memref<2048x128xf32, #tpu.memory_space<hbm>> -> memref<2048x128xf32, #tpu.memory_space<hbm>>
    tpu.enqueue_indirect_dma source(%dma_start3A_486 : memref<2048x128xf32, #tpu.memory_space<hbm>>) target(%arg8 : memref<128x128xf32, #tpu.memory_space<vmem>>) offsets(%dma_start3A_479 : memref<128xi32, #tpu.memory_space<vmem>>) semaphore(%arg22 : memref<!tpu.dma_semaphore, #tpu.memory_space<semaphore_mem>>) {add = true}
    %dma_start3A_487 = arith.constant 2 : i32
    %dma_start3A_488 = arith.constant 2 : i32
    %dma_start3A_489 = arith.constant 256 : i32
    %dma_start3A_490 = tpu.memref_slice %arg5[%dma_start3A_488, %dma_start3A_489] : memref<8x1024xi32, #tpu.memory_space<vmem>> -> memref<1x128xi32, #tpu.memory_space<vmem>>
    %dma_start3A_491 = tpu.memref_squeeze %dma_start3A_490 : memref<1x128xi32, #tpu.memory_space<vmem>> -> memref<128xi32, #tpu.memory_space<vmem>>
    %dma_start3A_492 = arith.constant 0 : i32
    %dma_start3A_493 = arith.constant 0 : i32
    %dma_start3A_494 = tpu.memref_slice %arg3[%dma_start3A_487, %dma_start3A_492, %dma_start3A_493] : memref<8x2048x128xf32, #tpu.memory_space<hbm>> -> memref<1x2048x128xf32, #tpu.memory_space<hbm>>
    %dma_start3A_495 = tpu.memref_squeeze %dma_start3A_494 : memref<1x2048x128xf32, #tpu.memory_space<hbm>> -> memref<2048x128xf32, #tpu.memory_space<hbm>>
    %dma_start3A_496 = arith.constant 0 : i32
    %dma_start3A_497 = arith.constant 0 : i32
    %dma_start3A_498 = tpu.memref_slice %dma_start3A_495[%dma_start3A_496, %dma_start3A_497] : memref<2048x128xf32, #tpu.memory_space<hbm>> -> memref<2048x128xf32, #tpu.memory_space<hbm>>
    tpu.enqueue_indirect_dma source(%dma_start3A_498 : memref<2048x128xf32, #tpu.memory_space<hbm>>) target(%arg8 : memref<128x128xf32, #tpu.memory_space<vmem>>) offsets(%dma_start3A_491 : memref<128xi32, #tpu.memory_space<vmem>>) semaphore(%arg22 : memref<!tpu.dma_semaphore, #tpu.memory_space<semaphore_mem>>) {add = true}
    %dma_start3A_499 = arith.constant 3 : i32
    %dma_start3A_500 = arith.constant 3 : i32
    %dma_start3A_501 = arith.constant 256 : i32
    %dma_start3A_502 = tpu.memref_slice %arg5[%dma_start3A_500, %dma_start3A_501] : memref<8x1024xi32, #tpu.memory_space<vmem>> -> memref<1x128xi32, #tpu.memory_space<vmem>>
    %dma_start3A_503 = tpu.memref_squeeze %dma_start3A_502 : memref<1x128xi32, #tpu.memory_space<vmem>> -> memref<128xi32, #tpu.memory_space<vmem>>
    %dma_start3A_504 = arith.constant 0 : i32
    %dma_start3A_505 = arith.constant 0 : i32
    %dma_start3A_506 = tpu.memref_slice %arg3[%dma_start3A_499, %dma_start3A_504, %dma_start3A_505] : memref<8x2048x128xf32, #tpu.memory_space<hbm>> -> memref<1x2048x128xf32, #tpu.memory_space<hbm>>
    %dma_start3A_507 = tpu.memref_squeeze %dma_start3A_506 : memref<1x2048x128xf32, #tpu.memory_space<hbm>> -> memref<2048x128xf32, #tpu.memory_space<hbm>>
    %dma_start3A_508 = arith.constant 0 : i32
    %dma_start3A_509 = arith.constant 0 : i32
    %dma_start3A_510 = tpu.memref_slice %dma_start3A_507[%dma_start3A_508, %dma_start3A_509] : memref<2048x128xf32, #tpu.memory_space<hbm>> -> memref<2048x128xf32, #tpu.memory_space<hbm>>
    tpu.enqueue_indirect_dma source(%dma_start3A_510 : memref<2048x128xf32, #tpu.memory_space<hbm>>) target(%arg8 : memref<128x128xf32, #tpu.memory_space<vmem>>) offsets(%dma_start3A_503 : memref<128xi32, #tpu.memory_space<vmem>>) semaphore(%arg22 : memref<!tpu.dma_semaphore, #tpu.memory_space<semaphore_mem>>) {add = true}
    %dma_start3A_511 = arith.constant 4 : i32
    %dma_start3A_512 = arith.constant 4 : i32
    %dma_start3A_513 = arith.constant 256 : i32
    %dma_start3A_514 = tpu.memref_slice %arg5[%dma_start3A_512, %dma_start3A_513] : memref<8x1024xi32, #tpu.memory_space<vmem>> -> memref<1x128xi32, #tpu.memory_space<vmem>>
    %dma_start3A_515 = tpu.memref_squeeze %dma_start3A_514 : memref<1x128xi32, #tpu.memory_space<vmem>> -> memref<128xi32, #tpu.memory_space<vmem>>
    %dma_start3A_516 = arith.constant 0 : i32
    %dma_start3A_517 = arith.constant 0 : i32
    %dma_start3A_518 = tpu.memref_slice %arg3[%dma_start3A_511, %dma_start3A_516, %dma_start3A_517] : memref<8x2048x128xf32, #tpu.memory_space<hbm>> -> memref<1x2048x128xf32, #tpu.memory_space<hbm>>
    %dma_start3A_519 = tpu.memref_squeeze %dma_start3A_518 : memref<1x2048x128xf32, #tpu.memory_space<hbm>> -> memref<2048x128xf32, #tpu.memory_space<hbm>>
    %dma_start3A_520 = arith.constant 0 : i32
    %dma_start3A_521 = arith.constant 0 : i32
    %dma_start3A_522 = tpu.memref_slice %dma_start3A_519[%dma_start3A_520, %dma_start3A_521] : memref<2048x128xf32, #tpu.memory_space<hbm>> -> memref<2048x128xf32, #tpu.memory_space<hbm>>
    tpu.enqueue_indirect_dma source(%dma_start3A_522 : memref<2048x128xf32, #tpu.memory_space<hbm>>) target(%arg8 : memref<128x128xf32, #tpu.memory_space<vmem>>) offsets(%dma_start3A_515 : memref<128xi32, #tpu.memory_space<vmem>>) semaphore(%arg22 : memref<!tpu.dma_semaphore, #tpu.memory_space<semaphore_mem>>) {add = true}
    %dma_start3A_523 = arith.constant 5 : i32
    %dma_start3A_524 = arith.constant 5 : i32
    %dma_start3A_525 = arith.constant 256 : i32
    %dma_start3A_526 = tpu.memref_slice %arg5[%dma_start3A_524, %dma_start3A_525] : memref<8x1024xi32, #tpu.memory_space<vmem>> -> memref<1x128xi32, #tpu.memory_space<vmem>>
    %dma_start3A_527 = tpu.memref_squeeze %dma_start3A_526 : memref<1x128xi32, #tpu.memory_space<vmem>> -> memref<128xi32, #tpu.memory_space<vmem>>
    %dma_start3A_528 = arith.constant 0 : i32
    %dma_start3A_529 = arith.constant 0 : i32
    %dma_start3A_530 = tpu.memref_slice %arg3[%dma_start3A_523, %dma_start3A_528, %dma_start3A_529] : memref<8x2048x128xf32, #tpu.memory_space<hbm>> -> memref<1x2048x128xf32, #tpu.memory_space<hbm>>
    %dma_start3A_531 = tpu.memref_squeeze %dma_start3A_530 : memref<1x2048x128xf32, #tpu.memory_space<hbm>> -> memref<2048x128xf32, #tpu.memory_space<hbm>>
    %dma_start3A_532 = arith.constant 0 : i32
    %dma_start3A_533 = arith.constant 0 : i32
    %dma_start3A_534 = tpu.memref_slice %dma_start3A_531[%dma_start3A_532, %dma_start3A_533] : memref<2048x128xf32, #tpu.memory_space<hbm>> -> memref<2048x128xf32, #tpu.memory_space<hbm>>
    tpu.enqueue_indirect_dma source(%dma_start3A_534 : memref<2048x128xf32, #tpu.memory_space<hbm>>) target(%arg8 : memref<128x128xf32, #tpu.memory_space<vmem>>) offsets(%dma_start3A_527 : memref<128xi32, #tpu.memory_space<vmem>>) semaphore(%arg22 : memref<!tpu.dma_semaphore, #tpu.memory_space<semaphore_mem>>) {add = true}
    %dma_start3A_535 = arith.constant 6 : i32
    %dma_start3A_536 = arith.constant 6 : i32
    %dma_start3A_537 = arith.constant 256 : i32
    %dma_start3A_538 = tpu.memref_slice %arg5[%dma_start3A_536, %dma_start3A_537] : memref<8x1024xi32, #tpu.memory_space<vmem>> -> memref<1x128xi32, #tpu.memory_space<vmem>>
    %dma_start3A_539 = tpu.memref_squeeze %dma_start3A_538 : memref<1x128xi32, #tpu.memory_space<vmem>> -> memref<128xi32, #tpu.memory_space<vmem>>
    %dma_start3A_540 = arith.constant 0 : i32
    %dma_start3A_541 = arith.constant 0 : i32
    %dma_start3A_542 = tpu.memref_slice %arg3[%dma_start3A_535, %dma_start3A_540, %dma_start3A_541] : memref<8x2048x128xf32, #tpu.memory_space<hbm>> -> memref<1x2048x128xf32, #tpu.memory_space<hbm>>
    %dma_start3A_543 = tpu.memref_squeeze %dma_start3A_542 : memref<1x2048x128xf32, #tpu.memory_space<hbm>> -> memref<2048x128xf32, #tpu.memory_space<hbm>>
    %dma_start3A_544 = arith.constant 0 : i32
    %dma_start3A_545 = arith.constant 0 : i32
    %dma_start3A_546 = tpu.memref_slice %dma_start3A_543[%dma_start3A_544, %dma_start3A_545] : memref<2048x128xf32, #tpu.memory_space<hbm>> -> memref<2048x128xf32, #tpu.memory_space<hbm>>
    tpu.enqueue_indirect_dma source(%dma_start3A_546 : memref<2048x128xf32, #tpu.memory_space<hbm>>) target(%arg8 : memref<128x128xf32, #tpu.memory_space<vmem>>) offsets(%dma_start3A_539 : memref<128xi32, #tpu.memory_space<vmem>>) semaphore(%arg22 : memref<!tpu.dma_semaphore, #tpu.memory_space<semaphore_mem>>) {add = true}
    %dma_start3A_547 = arith.constant 7 : i32
    %dma_start3A_548 = arith.constant 7 : i32
    %dma_start3A_549 = arith.constant 256 : i32
    %dma_start3A_550 = tpu.memref_slice %arg5[%dma_start3A_548, %dma_start3A_549] : memref<8x1024xi32, #tpu.memory_space<vmem>> -> memref<1x128xi32, #tpu.memory_space<vmem>>
    %dma_start3A_551 = tpu.memref_squeeze %dma_start3A_550 : memref<1x128xi32, #tpu.memory_space<vmem>> -> memref<128xi32, #tpu.memory_space<vmem>>
    %dma_start3A_552 = arith.constant 0 : i32
    %dma_start3A_553 = arith.constant 0 : i32
    %dma_start3A_554 = tpu.memref_slice %arg3[%dma_start3A_547, %dma_start3A_552, %dma_start3A_553] : memref<8x2048x128xf32, #tpu.memory_space<hbm>> -> memref<1x2048x128xf32, #tpu.memory_space<hbm>>
    %dma_start3A_555 = tpu.memref_squeeze %dma_start3A_554 : memref<1x2048x128xf32, #tpu.memory_space<hbm>> -> memref<2048x128xf32, #tpu.memory_space<hbm>>
    %dma_start3A_556 = arith.constant 0 : i32
    %dma_start3A_557 = arith.constant 0 : i32
    %dma_start3A_558 = tpu.memref_slice %dma_start3A_555[%dma_start3A_556, %dma_start3A_557] : memref<2048x128xf32, #tpu.memory_space<hbm>> -> memref<2048x128xf32, #tpu.memory_space<hbm>>
    tpu.enqueue_indirect_dma source(%dma_start3A_558 : memref<2048x128xf32, #tpu.memory_space<hbm>>) target(%arg8 : memref<128x128xf32, #tpu.memory_space<vmem>>) offsets(%dma_start3A_551 : memref<128xi32, #tpu.memory_space<vmem>>) semaphore(%arg22 : memref<!tpu.dma_semaphore, #tpu.memory_space<semaphore_mem>>) {add = true}
    %dma_wait3A_559 = arith.constant 1 : i32
    %dma_wait3A_560 = arith.constant 1 : i32
    %dma_wait3A_561 = arith.constant 128 : i32
    %dma_wait3A_562 = tpu.memref_slice %arg5[%dma_wait3A_560, %dma_wait3A_561] : memref<8x1024xi32, #tpu.memory_space<vmem>> -> memref<1x128xi32, #tpu.memory_space<vmem>>
    %dma_wait3A_563 = tpu.memref_squeeze %dma_wait3A_562 : memref<1x128xi32, #tpu.memory_space<vmem>> -> memref<128xi32, #tpu.memory_space<vmem>>
    %dma_wait3A_564 = arith.constant 0 : i32
    %dma_wait3A_565 = arith.constant 0 : i32
    %dma_wait3A_566 = tpu.memref_slice %arg3[%dma_wait3A_559, %dma_wait3A_564, %dma_wait3A_565] : memref<8x2048x128xf32, #tpu.memory_space<hbm>> -> memref<1x2048x128xf32, #tpu.memory_space<hbm>>
    %dma_wait3A_567 = tpu.memref_squeeze %dma_wait3A_566 : memref<1x2048x128xf32, #tpu.memory_space<hbm>> -> memref<2048x128xf32, #tpu.memory_space<hbm>>
    %dma_wait3A_568 = arith.constant 0 : i32
    %dma_wait3A_569 = arith.constant 0 : i32
    %dma_wait3A_570 = tpu.memref_slice %dma_wait3A_567[%dma_wait3A_568, %dma_wait3A_569] : memref<2048x128xf32, #tpu.memory_space<hbm>> -> memref<2048x128xf32, #tpu.memory_space<hbm>>
    tpu.wait_indirect_dma semaphore(%arg21 : memref<!tpu.dma_semaphore, #tpu.memory_space<semaphore_mem>>) src(%dma_wait3A_570 : memref<2048x128xf32, #tpu.memory_space<hbm>>) dst(%arg7 : memref<128x128xf32, #tpu.memory_space<vmem>>)
    %dma_wait3A_571 = arith.constant 2 : i32
    %dma_wait3A_572 = arith.constant 2 : i32
    %dma_wait3A_573 = arith.constant 128 : i32
    %dma_wait3A_574 = tpu.memref_slice %arg5[%dma_wait3A_572, %dma_wait3A_573] : memref<8x1024xi32, #tpu.memory_space<vmem>> -> memref<1x128xi32, #tpu.memory_space<vmem>>
    %dma_wait3A_575 = tpu.memref_squeeze %dma_wait3A_574 : memref<1x128xi32, #tpu.memory_space<vmem>> -> memref<128xi32, #tpu.memory_space<vmem>>
    %dma_wait3A_576 = arith.constant 0 : i32
    %dma_wait3A_577 = arith.constant 0 : i32
    %dma_wait3A_578 = tpu.memref_slice %arg3[%dma_wait3A_571, %dma_wait3A_576, %dma_wait3A_577] : memref<8x2048x128xf32, #tpu.memory_space<hbm>> -> memref<1x2048x128xf32, #tpu.memory_space<hbm>>
    %dma_wait3A_579 = tpu.memref_squeeze %dma_wait3A_578 : memref<1x2048x128xf32, #tpu.memory_space<hbm>> -> memref<2048x128xf32, #tpu.memory_space<hbm>>
    %dma_wait3A_580 = arith.constant 0 : i32
    %dma_wait3A_581 = arith.constant 0 : i32
    %dma_wait3A_582 = tpu.memref_slice %dma_wait3A_579[%dma_wait3A_580, %dma_wait3A_581] : memref<2048x128xf32, #tpu.memory_space<hbm>> -> memref<2048x128xf32, #tpu.memory_space<hbm>>
    tpu.wait_indirect_dma semaphore(%arg21 : memref<!tpu.dma_semaphore, #tpu.memory_space<semaphore_mem>>) src(%dma_wait3A_582 : memref<2048x128xf32, #tpu.memory_space<hbm>>) dst(%arg7 : memref<128x128xf32, #tpu.memory_space<vmem>>)
    %dma_wait3A_583 = arith.constant 3 : i32
    %dma_wait3A_584 = arith.constant 3 : i32
    %dma_wait3A_585 = arith.constant 128 : i32
    %dma_wait3A_586 = tpu.memref_slice %arg5[%dma_wait3A_584, %dma_wait3A_585] : memref<8x1024xi32, #tpu.memory_space<vmem>> -> memref<1x128xi32, #tpu.memory_space<vmem>>
    %dma_wait3A_587 = tpu.memref_squeeze %dma_wait3A_586 : memref<1x128xi32, #tpu.memory_space<vmem>> -> memref<128xi32, #tpu.memory_space<vmem>>
    %dma_wait3A_588 = arith.constant 0 : i32
    %dma_wait3A_589 = arith.constant 0 : i32
    %dma_wait3A_590 = tpu.memref_slice %arg3[%dma_wait3A_583, %dma_wait3A_588, %dma_wait3A_589] : memref<8x2048x128xf32, #tpu.memory_space<hbm>> -> memref<1x2048x128xf32, #tpu.memory_space<hbm>>
    %dma_wait3A_591 = tpu.memref_squeeze %dma_wait3A_590 : memref<1x2048x128xf32, #tpu.memory_space<hbm>> -> memref<2048x128xf32, #tpu.memory_space<hbm>>
    %dma_wait3A_592 = arith.constant 0 : i32
    %dma_wait3A_593 = arith.constant 0 : i32
    %dma_wait3A_594 = tpu.memref_slice %dma_wait3A_591[%dma_wait3A_592, %dma_wait3A_593] : memref<2048x128xf32, #tpu.memory_space<hbm>> -> memref<2048x128xf32, #tpu.memory_space<hbm>>
    tpu.wait_indirect_dma semaphore(%arg21 : memref<!tpu.dma_semaphore, #tpu.memory_space<semaphore_mem>>) src(%dma_wait3A_594 : memref<2048x128xf32, #tpu.memory_space<hbm>>) dst(%arg7 : memref<128x128xf32, #tpu.memory_space<vmem>>)
    %dma_wait3A_595 = arith.constant 4 : i32
    %dma_wait3A_596 = arith.constant 4 : i32
    %dma_wait3A_597 = arith.constant 128 : i32
    %dma_wait3A_598 = tpu.memref_slice %arg5[%dma_wait3A_596, %dma_wait3A_597] : memref<8x1024xi32, #tpu.memory_space<vmem>> -> memref<1x128xi32, #tpu.memory_space<vmem>>
    %dma_wait3A_599 = tpu.memref_squeeze %dma_wait3A_598 : memref<1x128xi32, #tpu.memory_space<vmem>> -> memref<128xi32, #tpu.memory_space<vmem>>
    %dma_wait3A_600 = arith.constant 0 : i32
    %dma_wait3A_601 = arith.constant 0 : i32
    %dma_wait3A_602 = tpu.memref_slice %arg3[%dma_wait3A_595, %dma_wait3A_600, %dma_wait3A_601] : memref<8x2048x128xf32, #tpu.memory_space<hbm>> -> memref<1x2048x128xf32, #tpu.memory_space<hbm>>
    %dma_wait3A_603 = tpu.memref_squeeze %dma_wait3A_602 : memref<1x2048x128xf32, #tpu.memory_space<hbm>> -> memref<2048x128xf32, #tpu.memory_space<hbm>>
    %dma_wait3A_604 = arith.constant 0 : i32
    %dma_wait3A_605 = arith.constant 0 : i32
    %dma_wait3A_606 = tpu.memref_slice %dma_wait3A_603[%dma_wait3A_604, %dma_wait3A_605] : memref<2048x128xf32, #tpu.memory_space<hbm>> -> memref<2048x128xf32, #tpu.memory_space<hbm>>
    tpu.wait_indirect_dma semaphore(%arg21 : memref<!tpu.dma_semaphore, #tpu.memory_space<semaphore_mem>>) src(%dma_wait3A_606 : memref<2048x128xf32, #tpu.memory_space<hbm>>) dst(%arg7 : memref<128x128xf32, #tpu.memory_space<vmem>>)
    %dma_wait3A_607 = arith.constant 5 : i32
    %dma_wait3A_608 = arith.constant 5 : i32
    %dma_wait3A_609 = arith.constant 128 : i32
    %dma_wait3A_610 = tpu.memref_slice %arg5[%dma_wait3A_608, %dma_wait3A_609] : memref<8x1024xi32, #tpu.memory_space<vmem>> -> memref<1x128xi32, #tpu.memory_space<vmem>>
    %dma_wait3A_611 = tpu.memref_squeeze %dma_wait3A_610 : memref<1x128xi32, #tpu.memory_space<vmem>> -> memref<128xi32, #tpu.memory_space<vmem>>
    %dma_wait3A_612 = arith.constant 0 : i32
    %dma_wait3A_613 = arith.constant 0 : i32
    %dma_wait3A_614 = tpu.memref_slice %arg3[%dma_wait3A_607, %dma_wait3A_612, %dma_wait3A_613] : memref<8x2048x128xf32, #tpu.memory_space<hbm>> -> memref<1x2048x128xf32, #tpu.memory_space<hbm>>
    %dma_wait3A_615 = tpu.memref_squeeze %dma_wait3A_614 : memref<1x2048x128xf32, #tpu.memory_space<hbm>> -> memref<2048x128xf32, #tpu.memory_space<hbm>>
    %dma_wait3A_616 = arith.constant 0 : i32
    %dma_wait3A_617 = arith.constant 0 : i32
    %dma_wait3A_618 = tpu.memref_slice %dma_wait3A_615[%dma_wait3A_616, %dma_wait3A_617] : memref<2048x128xf32, #tpu.memory_space<hbm>> -> memref<2048x128xf32, #tpu.memory_space<hbm>>
    tpu.wait_indirect_dma semaphore(%arg21 : memref<!tpu.dma_semaphore, #tpu.memory_space<semaphore_mem>>) src(%dma_wait3A_618 : memref<2048x128xf32, #tpu.memory_space<hbm>>) dst(%arg7 : memref<128x128xf32, #tpu.memory_space<vmem>>)
    %dma_wait3A_619 = arith.constant 6 : i32
    %dma_wait3A_620 = arith.constant 6 : i32
    %dma_wait3A_621 = arith.constant 128 : i32
    %dma_wait3A_622 = tpu.memref_slice %arg5[%dma_wait3A_620, %dma_wait3A_621] : memref<8x1024xi32, #tpu.memory_space<vmem>> -> memref<1x128xi32, #tpu.memory_space<vmem>>
    %dma_wait3A_623 = tpu.memref_squeeze %dma_wait3A_622 : memref<1x128xi32, #tpu.memory_space<vmem>> -> memref<128xi32, #tpu.memory_space<vmem>>
    %dma_wait3A_624 = arith.constant 0 : i32
    %dma_wait3A_625 = arith.constant 0 : i32
    %dma_wait3A_626 = tpu.memref_slice %arg3[%dma_wait3A_619, %dma_wait3A_624, %dma_wait3A_625] : memref<8x2048x128xf32, #tpu.memory_space<hbm>> -> memref<1x2048x128xf32, #tpu.memory_space<hbm>>
    %dma_wait3A_627 = tpu.memref_squeeze %dma_wait3A_626 : memref<1x2048x128xf32, #tpu.memory_space<hbm>> -> memref<2048x128xf32, #tpu.memory_space<hbm>>
    %dma_wait3A_628 = arith.constant 0 : i32
    %dma_wait3A_629 = arith.constant 0 : i32
    %dma_wait3A_630 = tpu.memref_slice %dma_wait3A_627[%dma_wait3A_628, %dma_wait3A_629] : memref<2048x128xf32, #tpu.memory_space<hbm>> -> memref<2048x128xf32, #tpu.memory_space<hbm>>
    tpu.wait_indirect_dma semaphore(%arg21 : memref<!tpu.dma_semaphore, #tpu.memory_space<semaphore_mem>>) src(%dma_wait3A_630 : memref<2048x128xf32, #tpu.memory_space<hbm>>) dst(%arg7 : memref<128x128xf32, #tpu.memory_space<vmem>>)
    %dma_wait3A_631 = arith.constant 7 : i32
    %dma_wait3A_632 = arith.constant 7 : i32
    %dma_wait3A_633 = arith.constant 128 : i32
    %dma_wait3A_634 = tpu.memref_slice %arg5[%dma_wait3A_632, %dma_wait3A_633] : memref<8x1024xi32, #tpu.memory_space<vmem>> -> memref<1x128xi32, #tpu.memory_space<vmem>>
    %dma_wait3A_635 = tpu.memref_squeeze %dma_wait3A_634 : memref<1x128xi32, #tpu.memory_space<vmem>> -> memref<128xi32, #tpu.memory_space<vmem>>
    %dma_wait3A_636 = arith.constant 0 : i32
    %dma_wait3A_637 = arith.constant 0 : i32
    %dma_wait3A_638 = tpu.memref_slice %arg3[%dma_wait3A_631, %dma_wait3A_636, %dma_wait3A_637] : memref<8x2048x128xf32, #tpu.memory_space<hbm>> -> memref<1x2048x128xf32, #tpu.memory_space<hbm>>
    %dma_wait3A_639 = tpu.memref_squeeze %dma_wait3A_638 : memref<1x2048x128xf32, #tpu.memory_space<hbm>> -> memref<2048x128xf32, #tpu.memory_space<hbm>>
    %dma_wait3A_640 = arith.constant 0 : i32
    %dma_wait3A_641 = arith.constant 0 : i32
    %dma_wait3A_642 = tpu.memref_slice %dma_wait3A_639[%dma_wait3A_640, %dma_wait3A_641] : memref<2048x128xf32, #tpu.memory_space<hbm>> -> memref<2048x128xf32, #tpu.memory_space<hbm>>
    tpu.wait_indirect_dma semaphore(%arg21 : memref<!tpu.dma_semaphore, #tpu.memory_space<semaphore_mem>>) src(%dma_wait3A_642 : memref<2048x128xf32, #tpu.memory_space<hbm>>) dst(%arg7 : memref<128x128xf32, #tpu.memory_space<vmem>>)
    %mul3A_643 = arith.constant 1024 : i32
    %mul3A_644 = arith.muli %add3A, %mul3A_643 : i32
    %add3A_645 = arith.constant 128 : i32
    %add3A_646 = arith.addi %mul3A_644, %add3A_645 : i32
    %dma_start3A_647 = arith.constant 0 : i32
    %dma_start3A_648 = tpu.memref_slice %arg4[%add3A_646, %dma_start3A_647] : memref<32768x128xf32, #tpu.memory_space<hbm>> -> memref<128x128xf32, #tpu.memory_space<hbm>>
    %dma_start3A_649 = arith.constant 0 : i32
    %dma_start3A_650 = tpu.memref_slice %arg4[%add3A_646, %dma_start3A_649] : memref<32768x128xf32, #tpu.memory_space<hbm>> -> memref<128x128xf32, #tpu.memory_space<hbm>>
    tpu.enqueue_dma source(%arg7 : memref<128x128xf32, #tpu.memory_space<vmem>>) target(%dma_start3A_650 : memref<128x128xf32, #tpu.memory_space<hbm>>) target_semaphore(%arg29 : memref<!tpu.dma_semaphore, #tpu.memory_space<semaphore_mem>>)
    %dma_wait3A_651 = arith.constant 0 : i32
    %dma_wait3A_652 = arith.constant 0 : i32
    %dma_wait3A_653 = tpu.memref_slice %arg4[%dma_wait3A_651, %dma_wait3A_652] : memref<32768x128xf32, #tpu.memory_space<hbm>> -> memref<128x128xf32, #tpu.memory_space<hbm>>
    %dma_wait3A_654 = arith.constant 0 : i32
    %dma_wait3A_655 = arith.constant 0 : i32
    %dma_wait3A_656 = tpu.memref_slice %arg4[%dma_wait3A_654, %dma_wait3A_655] : memref<32768x128xf32, #tpu.memory_space<hbm>> -> memref<128x128xf32, #tpu.memory_space<hbm>>
    tpu.wait_dma2 semaphore(%arg28 : memref<!tpu.dma_semaphore, #tpu.memory_space<semaphore_mem>>) src(%arg6 : memref<128x128xf32, #tpu.memory_space<vmem>>) dst(%dma_wait3A_656 : memref<128x128xf32, #tpu.memory_space<hbm>>)
    %dma_start3A_657 = arith.constant 0 : i32
    %dma_start3A_658 = arith.constant 0 : i32
    %dma_start3A_659 = arith.constant 768 : i32
    %dma_start3A_660 = tpu.memref_slice %arg5[%dma_start3A_658, %dma_start3A_659] : memref<8x1024xi32, #tpu.memory_space<vmem>> -> memref<1x128xi32, #tpu.memory_space<vmem>>
    %dma_start3A_661 = tpu.memref_squeeze %dma_start3A_660 : memref<1x128xi32, #tpu.memory_space<vmem>> -> memref<128xi32, #tpu.memory_space<vmem>>
    %dma_start3A_662 = arith.constant 0 : i32
    %dma_start3A_663 = arith.constant 0 : i32
    %dma_start3A_664 = tpu.memref_slice %arg3[%dma_start3A_657, %dma_start3A_662, %dma_start3A_663] : memref<8x2048x128xf32, #tpu.memory_space<hbm>> -> memref<1x2048x128xf32, #tpu.memory_space<hbm>>
    %dma_start3A_665 = tpu.memref_squeeze %dma_start3A_664 : memref<1x2048x128xf32, #tpu.memory_space<hbm>> -> memref<2048x128xf32, #tpu.memory_space<hbm>>
    %dma_start3A_666 = arith.constant 0 : i32
    %dma_start3A_667 = arith.constant 0 : i32
    %dma_start3A_668 = tpu.memref_slice %dma_start3A_665[%dma_start3A_666, %dma_start3A_667] : memref<2048x128xf32, #tpu.memory_space<hbm>> -> memref<2048x128xf32, #tpu.memory_space<hbm>>
    tpu.enqueue_indirect_dma source(%dma_start3A_668 : memref<2048x128xf32, #tpu.memory_space<hbm>>) target(%arg6 : memref<128x128xf32, #tpu.memory_space<vmem>>) offsets(%dma_start3A_661 : memref<128xi32, #tpu.memory_space<vmem>>) semaphore(%arg18 : memref<!tpu.dma_semaphore, #tpu.memory_space<semaphore_mem>>)
    %dma_wait3A_669 = arith.constant 0 : i32
    %dma_wait3A_670 = arith.constant 0 : i32
    %dma_wait3A_671 = arith.constant 384 : i32
    %dma_wait3A_672 = tpu.memref_slice %arg5[%dma_wait3A_670, %dma_wait3A_671] : memref<8x1024xi32, #tpu.memory_space<vmem>> -> memref<1x128xi32, #tpu.memory_space<vmem>>
    %dma_wait3A_673 = tpu.memref_squeeze %dma_wait3A_672 : memref<1x128xi32, #tpu.memory_space<vmem>> -> memref<128xi32, #tpu.memory_space<vmem>>
    %dma_wait3A_674 = arith.constant 0 : i32
    %dma_wait3A_675 = arith.constant 0 : i32
    %dma_wait3A_676 = tpu.memref_slice %arg3[%dma_wait3A_669, %dma_wait3A_674, %dma_wait3A_675] : memref<8x2048x128xf32, #tpu.memory_space<hbm>> -> memref<1x2048x128xf32, #tpu.memory_space<hbm>>
    %dma_wait3A_677 = tpu.memref_squeeze %dma_wait3A_676 : memref<1x2048x128xf32, #tpu.memory_space<hbm>> -> memref<2048x128xf32, #tpu.memory_space<hbm>>
    %dma_wait3A_678 = arith.constant 0 : i32
    %dma_wait3A_679 = arith.constant 0 : i32
    %dma_wait3A_680 = tpu.memref_slice %dma_wait3A_677[%dma_wait3A_678, %dma_wait3A_679] : memref<2048x128xf32, #tpu.memory_space<hbm>> -> memref<2048x128xf32, #tpu.memory_space<hbm>>
    tpu.wait_indirect_dma semaphore(%arg15 : memref<!tpu.dma_semaphore, #tpu.memory_space<semaphore_mem>>) src(%dma_wait3A_680 : memref<2048x128xf32, #tpu.memory_space<hbm>>) dst(%arg9 : memref<128x128xf32, #tpu.memory_space<vmem>>)
    %dma_start3A_681 = arith.constant 1 : i32
    %dma_start3A_682 = arith.constant 1 : i32
    %dma_start3A_683 = arith.constant 384 : i32
    %dma_start3A_684 = tpu.memref_slice %arg5[%dma_start3A_682, %dma_start3A_683] : memref<8x1024xi32, #tpu.memory_space<vmem>> -> memref<1x128xi32, #tpu.memory_space<vmem>>
    %dma_start3A_685 = tpu.memref_squeeze %dma_start3A_684 : memref<1x128xi32, #tpu.memory_space<vmem>> -> memref<128xi32, #tpu.memory_space<vmem>>
    %dma_start3A_686 = arith.constant 0 : i32
    %dma_start3A_687 = arith.constant 0 : i32
    %dma_start3A_688 = tpu.memref_slice %arg3[%dma_start3A_681, %dma_start3A_686, %dma_start3A_687] : memref<8x2048x128xf32, #tpu.memory_space<hbm>> -> memref<1x2048x128xf32, #tpu.memory_space<hbm>>
    %dma_start3A_689 = tpu.memref_squeeze %dma_start3A_688 : memref<1x2048x128xf32, #tpu.memory_space<hbm>> -> memref<2048x128xf32, #tpu.memory_space<hbm>>
    %dma_start3A_690 = arith.constant 0 : i32
    %dma_start3A_691 = arith.constant 0 : i32
    %dma_start3A_692 = tpu.memref_slice %dma_start3A_689[%dma_start3A_690, %dma_start3A_691] : memref<2048x128xf32, #tpu.memory_space<hbm>> -> memref<2048x128xf32, #tpu.memory_space<hbm>>
    tpu.enqueue_indirect_dma source(%dma_start3A_692 : memref<2048x128xf32, #tpu.memory_space<hbm>>) target(%arg9 : memref<128x128xf32, #tpu.memory_space<vmem>>) offsets(%dma_start3A_685 : memref<128xi32, #tpu.memory_space<vmem>>) semaphore(%arg23 : memref<!tpu.dma_semaphore, #tpu.memory_space<semaphore_mem>>) {add = true}
    %dma_start3A_693 = arith.constant 2 : i32
    %dma_start3A_694 = arith.constant 2 : i32
    %dma_start3A_695 = arith.constant 384 : i32
    %dma_start3A_696 = tpu.memref_slice %arg5[%dma_start3A_694, %dma_start3A_695] : memref<8x1024xi32, #tpu.memory_space<vmem>> -> memref<1x128xi32, #tpu.memory_space<vmem>>
    %dma_start3A_697 = tpu.memref_squeeze %dma_start3A_696 : memref<1x128xi32, #tpu.memory_space<vmem>> -> memref<128xi32, #tpu.memory_space<vmem>>
    %dma_start3A_698 = arith.constant 0 : i32
    %dma_start3A_699 = arith.constant 0 : i32
    %dma_start3A_700 = tpu.memref_slice %arg3[%dma_start3A_693, %dma_start3A_698, %dma_start3A_699] : memref<8x2048x128xf32, #tpu.memory_space<hbm>> -> memref<1x2048x128xf32, #tpu.memory_space<hbm>>
    %dma_start3A_701 = tpu.memref_squeeze %dma_start3A_700 : memref<1x2048x128xf32, #tpu.memory_space<hbm>> -> memref<2048x128xf32, #tpu.memory_space<hbm>>
    %dma_start3A_702 = arith.constant 0 : i32
    %dma_start3A_703 = arith.constant 0 : i32
    %dma_start3A_704 = tpu.memref_slice %dma_start3A_701[%dma_start3A_702, %dma_start3A_703] : memref<2048x128xf32, #tpu.memory_space<hbm>> -> memref<2048x128xf32, #tpu.memory_space<hbm>>
    tpu.enqueue_indirect_dma source(%dma_start3A_704 : memref<2048x128xf32, #tpu.memory_space<hbm>>) target(%arg9 : memref<128x128xf32, #tpu.memory_space<vmem>>) offsets(%dma_start3A_697 : memref<128xi32, #tpu.memory_space<vmem>>) semaphore(%arg23 : memref<!tpu.dma_semaphore, #tpu.memory_space<semaphore_mem>>) {add = true}
    %dma_start3A_705 = arith.constant 3 : i32
    %dma_start3A_706 = arith.constant 3 : i32
    %dma_start3A_707 = arith.constant 384 : i32
    %dma_start3A_708 = tpu.memref_slice %arg5[%dma_start3A_706, %dma_start3A_707] : memref<8x1024xi32, #tpu.memory_space<vmem>> -> memref<1x128xi32, #tpu.memory_space<vmem>>
    %dma_start3A_709 = tpu.memref_squeeze %dma_start3A_708 : memref<1x128xi32, #tpu.memory_space<vmem>> -> memref<128xi32, #tpu.memory_space<vmem>>
    %dma_start3A_710 = arith.constant 0 : i32
    %dma_start3A_711 = arith.constant 0 : i32
    %dma_start3A_712 = tpu.memref_slice %arg3[%dma_start3A_705, %dma_start3A_710, %dma_start3A_711] : memref<8x2048x128xf32, #tpu.memory_space<hbm>> -> memref<1x2048x128xf32, #tpu.memory_space<hbm>>
    %dma_start3A_713 = tpu.memref_squeeze %dma_start3A_712 : memref<1x2048x128xf32, #tpu.memory_space<hbm>> -> memref<2048x128xf32, #tpu.memory_space<hbm>>
    %dma_start3A_714 = arith.constant 0 : i32
    %dma_start3A_715 = arith.constant 0 : i32
    %dma_start3A_716 = tpu.memref_slice %dma_start3A_713[%dma_start3A_714, %dma_start3A_715] : memref<2048x128xf32, #tpu.memory_space<hbm>> -> memref<2048x128xf32, #tpu.memory_space<hbm>>
    tpu.enqueue_indirect_dma source(%dma_start3A_716 : memref<2048x128xf32, #tpu.memory_space<hbm>>) target(%arg9 : memref<128x128xf32, #tpu.memory_space<vmem>>) offsets(%dma_start3A_709 : memref<128xi32, #tpu.memory_space<vmem>>) semaphore(%arg23 : memref<!tpu.dma_semaphore, #tpu.memory_space<semaphore_mem>>) {add = true}
    %dma_start3A_717 = arith.constant 4 : i32
    %dma_start3A_718 = arith.constant 4 : i32
    %dma_start3A_719 = arith.constant 384 : i32
    %dma_start3A_720 = tpu.memref_slice %arg5[%dma_start3A_718, %dma_start3A_719] : memref<8x1024xi32, #tpu.memory_space<vmem>> -> memref<1x128xi32, #tpu.memory_space<vmem>>
    %dma_start3A_721 = tpu.memref_squeeze %dma_start3A_720 : memref<1x128xi32, #tpu.memory_space<vmem>> -> memref<128xi32, #tpu.memory_space<vmem>>
    %dma_start3A_722 = arith.constant 0 : i32
    %dma_start3A_723 = arith.constant 0 : i32
    %dma_start3A_724 = tpu.memref_slice %arg3[%dma_start3A_717, %dma_start3A_722, %dma_start3A_723] : memref<8x2048x128xf32, #tpu.memory_space<hbm>> -> memref<1x2048x128xf32, #tpu.memory_space<hbm>>
    %dma_start3A_725 = tpu.memref_squeeze %dma_start3A_724 : memref<1x2048x128xf32, #tpu.memory_space<hbm>> -> memref<2048x128xf32, #tpu.memory_space<hbm>>
    %dma_start3A_726 = arith.constant 0 : i32
    %dma_start3A_727 = arith.constant 0 : i32
    %dma_start3A_728 = tpu.memref_slice %dma_start3A_725[%dma_start3A_726, %dma_start3A_727] : memref<2048x128xf32, #tpu.memory_space<hbm>> -> memref<2048x128xf32, #tpu.memory_space<hbm>>
    tpu.enqueue_indirect_dma source(%dma_start3A_728 : memref<2048x128xf32, #tpu.memory_space<hbm>>) target(%arg9 : memref<128x128xf32, #tpu.memory_space<vmem>>) offsets(%dma_start3A_721 : memref<128xi32, #tpu.memory_space<vmem>>) semaphore(%arg23 : memref<!tpu.dma_semaphore, #tpu.memory_space<semaphore_mem>>) {add = true}
    %dma_start3A_729 = arith.constant 5 : i32
    %dma_start3A_730 = arith.constant 5 : i32
    %dma_start3A_731 = arith.constant 384 : i32
    %dma_start3A_732 = tpu.memref_slice %arg5[%dma_start3A_730, %dma_start3A_731] : memref<8x1024xi32, #tpu.memory_space<vmem>> -> memref<1x128xi32, #tpu.memory_space<vmem>>
    %dma_start3A_733 = tpu.memref_squeeze %dma_start3A_732 : memref<1x128xi32, #tpu.memory_space<vmem>> -> memref<128xi32, #tpu.memory_space<vmem>>
    %dma_start3A_734 = arith.constant 0 : i32
    %dma_start3A_735 = arith.constant 0 : i32
    %dma_start3A_736 = tpu.memref_slice %arg3[%dma_start3A_729, %dma_start3A_734, %dma_start3A_735] : memref<8x2048x128xf32, #tpu.memory_space<hbm>> -> memref<1x2048x128xf32, #tpu.memory_space<hbm>>
    %dma_start3A_737 = tpu.memref_squeeze %dma_start3A_736 : memref<1x2048x128xf32, #tpu.memory_space<hbm>> -> memref<2048x128xf32, #tpu.memory_space<hbm>>
    %dma_start3A_738 = arith.constant 0 : i32
    %dma_start3A_739 = arith.constant 0 : i32
    %dma_start3A_740 = tpu.memref_slice %dma_start3A_737[%dma_start3A_738, %dma_start3A_739] : memref<2048x128xf32, #tpu.memory_space<hbm>> -> memref<2048x128xf32, #tpu.memory_space<hbm>>
    tpu.enqueue_indirect_dma source(%dma_start3A_740 : memref<2048x128xf32, #tpu.memory_space<hbm>>) target(%arg9 : memref<128x128xf32, #tpu.memory_space<vmem>>) offsets(%dma_start3A_733 : memref<128xi32, #tpu.memory_space<vmem>>) semaphore(%arg23 : memref<!tpu.dma_semaphore, #tpu.memory_space<semaphore_mem>>) {add = true}
    %dma_start3A_741 = arith.constant 6 : i32
    %dma_start3A_742 = arith.constant 6 : i32
    %dma_start3A_743 = arith.constant 384 : i32
    %dma_start3A_744 = tpu.memref_slice %arg5[%dma_start3A_742, %dma_start3A_743] : memref<8x1024xi32, #tpu.memory_space<vmem>> -> memref<1x128xi32, #tpu.memory_space<vmem>>
    %dma_start3A_745 = tpu.memref_squeeze %dma_start3A_744 : memref<1x128xi32, #tpu.memory_space<vmem>> -> memref<128xi32, #tpu.memory_space<vmem>>
    %dma_start3A_746 = arith.constant 0 : i32
    %dma_start3A_747 = arith.constant 0 : i32
    %dma_start3A_748 = tpu.memref_slice %arg3[%dma_start3A_741, %dma_start3A_746, %dma_start3A_747] : memref<8x2048x128xf32, #tpu.memory_space<hbm>> -> memref<1x2048x128xf32, #tpu.memory_space<hbm>>
    %dma_start3A_749 = tpu.memref_squeeze %dma_start3A_748 : memref<1x2048x128xf32, #tpu.memory_space<hbm>> -> memref<2048x128xf32, #tpu.memory_space<hbm>>
    %dma_start3A_750 = arith.constant 0 : i32
    %dma_start3A_751 = arith.constant 0 : i32
    %dma_start3A_752 = tpu.memref_slice %dma_start3A_749[%dma_start3A_750, %dma_start3A_751] : memref<2048x128xf32, #tpu.memory_space<hbm>> -> memref<2048x128xf32, #tpu.memory_space<hbm>>
    tpu.enqueue_indirect_dma source(%dma_start3A_752 : memref<2048x128xf32, #tpu.memory_space<hbm>>) target(%arg9 : memref<128x128xf32, #tpu.memory_space<vmem>>) offsets(%dma_start3A_745 : memref<128xi32, #tpu.memory_space<vmem>>) semaphore(%arg23 : memref<!tpu.dma_semaphore, #tpu.memory_space<semaphore_mem>>) {add = true}
    %dma_start3A_753 = arith.constant 7 : i32
    %dma_start3A_754 = arith.constant 7 : i32
    %dma_start3A_755 = arith.constant 384 : i32
    %dma_start3A_756 = tpu.memref_slice %arg5[%dma_start3A_754, %dma_start3A_755] : memref<8x1024xi32, #tpu.memory_space<vmem>> -> memref<1x128xi32, #tpu.memory_space<vmem>>
    %dma_start3A_757 = tpu.memref_squeeze %dma_start3A_756 : memref<1x128xi32, #tpu.memory_space<vmem>> -> memref<128xi32, #tpu.memory_space<vmem>>
    %dma_start3A_758 = arith.constant 0 : i32
    %dma_start3A_759 = arith.constant 0 : i32
    %dma_start3A_760 = tpu.memref_slice %arg3[%dma_start3A_753, %dma_start3A_758, %dma_start3A_759] : memref<8x2048x128xf32, #tpu.memory_space<hbm>> -> memref<1x2048x128xf32, #tpu.memory_space<hbm>>
    %dma_start3A_761 = tpu.memref_squeeze %dma_start3A_760 : memref<1x2048x128xf32, #tpu.memory_space<hbm>> -> memref<2048x128xf32, #tpu.memory_space<hbm>>
    %dma_start3A_762 = arith.constant 0 : i32
    %dma_start3A_763 = arith.constant 0 : i32
    %dma_start3A_764 = tpu.memref_slice %dma_start3A_761[%dma_start3A_762, %dma_start3A_763] : memref<2048x128xf32, #tpu.memory_space<hbm>> -> memref<2048x128xf32, #tpu.memory_space<hbm>>
    tpu.enqueue_indirect_dma source(%dma_start3A_764 : memref<2048x128xf32, #tpu.memory_space<hbm>>) target(%arg9 : memref<128x128xf32, #tpu.memory_space<vmem>>) offsets(%dma_start3A_757 : memref<128xi32, #tpu.memory_space<vmem>>) semaphore(%arg23 : memref<!tpu.dma_semaphore, #tpu.memory_space<semaphore_mem>>) {add = true}
    %dma_wait3A_765 = arith.constant 1 : i32
    %dma_wait3A_766 = arith.constant 1 : i32
    %dma_wait3A_767 = arith.constant 256 : i32
    %dma_wait3A_768 = tpu.memref_slice %arg5[%dma_wait3A_766, %dma_wait3A_767] : memref<8x1024xi32, #tpu.memory_space<vmem>> -> memref<1x128xi32, #tpu.memory_space<vmem>>
    %dma_wait3A_769 = tpu.memref_squeeze %dma_wait3A_768 : memref<1x128xi32, #tpu.memory_space<vmem>> -> memref<128xi32, #tpu.memory_space<vmem>>
    %dma_wait3A_770 = arith.constant 0 : i32
    %dma_wait3A_771 = arith.constant 0 : i32
    %dma_wait3A_772 = tpu.memref_slice %arg3[%dma_wait3A_765, %dma_wait3A_770, %dma_wait3A_771] : memref<8x2048x128xf32, #tpu.memory_space<hbm>> -> memref<1x2048x128xf32, #tpu.memory_space<hbm>>
    %dma_wait3A_773 = tpu.memref_squeeze %dma_wait3A_772 : memref<1x2048x128xf32, #tpu.memory_space<hbm>> -> memref<2048x128xf32, #tpu.memory_space<hbm>>
    %dma_wait3A_774 = arith.constant 0 : i32
    %dma_wait3A_775 = arith.constant 0 : i32
    %dma_wait3A_776 = tpu.memref_slice %dma_wait3A_773[%dma_wait3A_774, %dma_wait3A_775] : memref<2048x128xf32, #tpu.memory_space<hbm>> -> memref<2048x128xf32, #tpu.memory_space<hbm>>
    tpu.wait_indirect_dma semaphore(%arg22 : memref<!tpu.dma_semaphore, #tpu.memory_space<semaphore_mem>>) src(%dma_wait3A_776 : memref<2048x128xf32, #tpu.memory_space<hbm>>) dst(%arg8 : memref<128x128xf32, #tpu.memory_space<vmem>>)
    %dma_wait3A_777 = arith.constant 2 : i32
    %dma_wait3A_778 = arith.constant 2 : i32
    %dma_wait3A_779 = arith.constant 256 : i32
    %dma_wait3A_780 = tpu.memref_slice %arg5[%dma_wait3A_778, %dma_wait3A_779] : memref<8x1024xi32, #tpu.memory_space<vmem>> -> memref<1x128xi32, #tpu.memory_space<vmem>>
    %dma_wait3A_781 = tpu.memref_squeeze %dma_wait3A_780 : memref<1x128xi32, #tpu.memory_space<vmem>> -> memref<128xi32, #tpu.memory_space<vmem>>
    %dma_wait3A_782 = arith.constant 0 : i32
    %dma_wait3A_783 = arith.constant 0 : i32
    %dma_wait3A_784 = tpu.memref_slice %arg3[%dma_wait3A_777, %dma_wait3A_782, %dma_wait3A_783] : memref<8x2048x128xf32, #tpu.memory_space<hbm>> -> memref<1x2048x128xf32, #tpu.memory_space<hbm>>
    %dma_wait3A_785 = tpu.memref_squeeze %dma_wait3A_784 : memref<1x2048x128xf32, #tpu.memory_space<hbm>> -> memref<2048x128xf32, #tpu.memory_space<hbm>>
    %dma_wait3A_786 = arith.constant 0 : i32
    %dma_wait3A_787 = arith.constant 0 : i32
    %dma_wait3A_788 = tpu.memref_slice %dma_wait3A_785[%dma_wait3A_786, %dma_wait3A_787] : memref<2048x128xf32, #tpu.memory_space<hbm>> -> memref<2048x128xf32, #tpu.memory_space<hbm>>
    tpu.wait_indirect_dma semaphore(%arg22 : memref<!tpu.dma_semaphore, #tpu.memory_space<semaphore_mem>>) src(%dma_wait3A_788 : memref<2048x128xf32, #tpu.memory_space<hbm>>) dst(%arg8 : memref<128x128xf32, #tpu.memory_space<vmem>>)
    %dma_wait3A_789 = arith.constant 3 : i32
    %dma_wait3A_790 = arith.constant 3 : i32
    %dma_wait3A_791 = arith.constant 256 : i32
    %dma_wait3A_792 = tpu.memref_slice %arg5[%dma_wait3A_790, %dma_wait3A_791] : memref<8x1024xi32, #tpu.memory_space<vmem>> -> memref<1x128xi32, #tpu.memory_space<vmem>>
    %dma_wait3A_793 = tpu.memref_squeeze %dma_wait3A_792 : memref<1x128xi32, #tpu.memory_space<vmem>> -> memref<128xi32, #tpu.memory_space<vmem>>
    %dma_wait3A_794 = arith.constant 0 : i32
    %dma_wait3A_795 = arith.constant 0 : i32
    %dma_wait3A_796 = tpu.memref_slice %arg3[%dma_wait3A_789, %dma_wait3A_794, %dma_wait3A_795] : memref<8x2048x128xf32, #tpu.memory_space<hbm>> -> memref<1x2048x128xf32, #tpu.memory_space<hbm>>
    %dma_wait3A_797 = tpu.memref_squeeze %dma_wait3A_796 : memref<1x2048x128xf32, #tpu.memory_space<hbm>> -> memref<2048x128xf32, #tpu.memory_space<hbm>>
    %dma_wait3A_798 = arith.constant 0 : i32
    %dma_wait3A_799 = arith.constant 0 : i32
    %dma_wait3A_800 = tpu.memref_slice %dma_wait3A_797[%dma_wait3A_798, %dma_wait3A_799] : memref<2048x128xf32, #tpu.memory_space<hbm>> -> memref<2048x128xf32, #tpu.memory_space<hbm>>
    tpu.wait_indirect_dma semaphore(%arg22 : memref<!tpu.dma_semaphore, #tpu.memory_space<semaphore_mem>>) src(%dma_wait3A_800 : memref<2048x128xf32, #tpu.memory_space<hbm>>) dst(%arg8 : memref<128x128xf32, #tpu.memory_space<vmem>>)
    %dma_wait3A_801 = arith.constant 4 : i32
    %dma_wait3A_802 = arith.constant 4 : i32
    %dma_wait3A_803 = arith.constant 256 : i32
    %dma_wait3A_804 = tpu.memref_slice %arg5[%dma_wait3A_802, %dma_wait3A_803] : memref<8x1024xi32, #tpu.memory_space<vmem>> -> memref<1x128xi32, #tpu.memory_space<vmem>>
    %dma_wait3A_805 = tpu.memref_squeeze %dma_wait3A_804 : memref<1x128xi32, #tpu.memory_space<vmem>> -> memref<128xi32, #tpu.memory_space<vmem>>
    %dma_wait3A_806 = arith.constant 0 : i32
    %dma_wait3A_807 = arith.constant 0 : i32
    %dma_wait3A_808 = tpu.memref_slice %arg3[%dma_wait3A_801, %dma_wait3A_806, %dma_wait3A_807] : memref<8x2048x128xf32, #tpu.memory_space<hbm>> -> memref<1x2048x128xf32, #tpu.memory_space<hbm>>
    %dma_wait3A_809 = tpu.memref_squeeze %dma_wait3A_808 : memref<1x2048x128xf32, #tpu.memory_space<hbm>> -> memref<2048x128xf32, #tpu.memory_space<hbm>>
    %dma_wait3A_810 = arith.constant 0 : i32
    %dma_wait3A_811 = arith.constant 0 : i32
    %dma_wait3A_812 = tpu.memref_slice %dma_wait3A_809[%dma_wait3A_810, %dma_wait3A_811] : memref<2048x128xf32, #tpu.memory_space<hbm>> -> memref<2048x128xf32, #tpu.memory_space<hbm>>
    tpu.wait_indirect_dma semaphore(%arg22 : memref<!tpu.dma_semaphore, #tpu.memory_space<semaphore_mem>>) src(%dma_wait3A_812 : memref<2048x128xf32, #tpu.memory_space<hbm>>) dst(%arg8 : memref<128x128xf32, #tpu.memory_space<vmem>>)
    %dma_wait3A_813 = arith.constant 5 : i32
    %dma_wait3A_814 = arith.constant 5 : i32
    %dma_wait3A_815 = arith.constant 256 : i32
    %dma_wait3A_816 = tpu.memref_slice %arg5[%dma_wait3A_814, %dma_wait3A_815] : memref<8x1024xi32, #tpu.memory_space<vmem>> -> memref<1x128xi32, #tpu.memory_space<vmem>>
    %dma_wait3A_817 = tpu.memref_squeeze %dma_wait3A_816 : memref<1x128xi32, #tpu.memory_space<vmem>> -> memref<128xi32, #tpu.memory_space<vmem>>
    %dma_wait3A_818 = arith.constant 0 : i32
    %dma_wait3A_819 = arith.constant 0 : i32
    %dma_wait3A_820 = tpu.memref_slice %arg3[%dma_wait3A_813, %dma_wait3A_818, %dma_wait3A_819] : memref<8x2048x128xf32, #tpu.memory_space<hbm>> -> memref<1x2048x128xf32, #tpu.memory_space<hbm>>
    %dma_wait3A_821 = tpu.memref_squeeze %dma_wait3A_820 : memref<1x2048x128xf32, #tpu.memory_space<hbm>> -> memref<2048x128xf32, #tpu.memory_space<hbm>>
    %dma_wait3A_822 = arith.constant 0 : i32
    %dma_wait3A_823 = arith.constant 0 : i32
    %dma_wait3A_824 = tpu.memref_slice %dma_wait3A_821[%dma_wait3A_822, %dma_wait3A_823] : memref<2048x128xf32, #tpu.memory_space<hbm>> -> memref<2048x128xf32, #tpu.memory_space<hbm>>
    tpu.wait_indirect_dma semaphore(%arg22 : memref<!tpu.dma_semaphore, #tpu.memory_space<semaphore_mem>>) src(%dma_wait3A_824 : memref<2048x128xf32, #tpu.memory_space<hbm>>) dst(%arg8 : memref<128x128xf32, #tpu.memory_space<vmem>>)
    %dma_wait3A_825 = arith.constant 6 : i32
    %dma_wait3A_826 = arith.constant 6 : i32
    %dma_wait3A_827 = arith.constant 256 : i32
    %dma_wait3A_828 = tpu.memref_slice %arg5[%dma_wait3A_826, %dma_wait3A_827] : memref<8x1024xi32, #tpu.memory_space<vmem>> -> memref<1x128xi32, #tpu.memory_space<vmem>>
    %dma_wait3A_829 = tpu.memref_squeeze %dma_wait3A_828 : memref<1x128xi32, #tpu.memory_space<vmem>> -> memref<128xi32, #tpu.memory_space<vmem>>
    %dma_wait3A_830 = arith.constant 0 : i32
    %dma_wait3A_831 = arith.constant 0 : i32
    %dma_wait3A_832 = tpu.memref_slice %arg3[%dma_wait3A_825, %dma_wait3A_830, %dma_wait3A_831] : memref<8x2048x128xf32, #tpu.memory_space<hbm>> -> memref<1x2048x128xf32, #tpu.memory_space<hbm>>
    %dma_wait3A_833 = tpu.memref_squeeze %dma_wait3A_832 : memref<1x2048x128xf32, #tpu.memory_space<hbm>> -> memref<2048x128xf32, #tpu.memory_space<hbm>>
    %dma_wait3A_834 = arith.constant 0 : i32
    %dma_wait3A_835 = arith.constant 0 : i32
    %dma_wait3A_836 = tpu.memref_slice %dma_wait3A_833[%dma_wait3A_834, %dma_wait3A_835] : memref<2048x128xf32, #tpu.memory_space<hbm>> -> memref<2048x128xf32, #tpu.memory_space<hbm>>
    tpu.wait_indirect_dma semaphore(%arg22 : memref<!tpu.dma_semaphore, #tpu.memory_space<semaphore_mem>>) src(%dma_wait3A_836 : memref<2048x128xf32, #tpu.memory_space<hbm>>) dst(%arg8 : memref<128x128xf32, #tpu.memory_space<vmem>>)
    %dma_wait3A_837 = arith.constant 7 : i32
    %dma_wait3A_838 = arith.constant 7 : i32
    %dma_wait3A_839 = arith.constant 256 : i32
    %dma_wait3A_840 = tpu.memref_slice %arg5[%dma_wait3A_838, %dma_wait3A_839] : memref<8x1024xi32, #tpu.memory_space<vmem>> -> memref<1x128xi32, #tpu.memory_space<vmem>>
    %dma_wait3A_841 = tpu.memref_squeeze %dma_wait3A_840 : memref<1x128xi32, #tpu.memory_space<vmem>> -> memref<128xi32, #tpu.memory_space<vmem>>
    %dma_wait3A_842 = arith.constant 0 : i32
    %dma_wait3A_843 = arith.constant 0 : i32
    %dma_wait3A_844 = tpu.memref_slice %arg3[%dma_wait3A_837, %dma_wait3A_842, %dma_wait3A_843] : memref<8x2048x128xf32, #tpu.memory_space<hbm>> -> memref<1x2048x128xf32, #tpu.memory_space<hbm>>
    %dma_wait3A_845 = tpu.memref_squeeze %dma_wait3A_844 : memref<1x2048x128xf32, #tpu.memory_space<hbm>> -> memref<2048x128xf32, #tpu.memory_space<hbm>>
    %dma_wait3A_846 = arith.constant 0 : i32
    %dma_wait3A_847 = arith.constant 0 : i32
    %dma_wait3A_848 = tpu.memref_slice %dma_wait3A_845[%dma_wait3A_846, %dma_wait3A_847] : memref<2048x128xf32, #tpu.memory_space<hbm>> -> memref<2048x128xf32, #tpu.memory_space<hbm>>
    tpu.wait_indirect_dma semaphore(%arg22 : memref<!tpu.dma_semaphore, #tpu.memory_space<semaphore_mem>>) src(%dma_wait3A_848 : memref<2048x128xf32, #tpu.memory_space<hbm>>) dst(%arg8 : memref<128x128xf32, #tpu.memory_space<vmem>>)
    %mul3A_849 = arith.constant 1024 : i32
    %mul3A_850 = arith.muli %add3A, %mul3A_849 : i32
    %add3A_851 = arith.constant 256 : i32
    %add3A_852 = arith.addi %mul3A_850, %add3A_851 : i32
    %dma_start3A_853 = arith.constant 0 : i32
    %dma_start3A_854 = tpu.memref_slice %arg4[%add3A_852, %dma_start3A_853] : memref<32768x128xf32, #tpu.memory_space<hbm>> -> memref<128x128xf32, #tpu.memory_space<hbm>>
    %dma_start3A_855 = arith.constant 0 : i32
    %dma_start3A_856 = tpu.memref_slice %arg4[%add3A_852, %dma_start3A_855] : memref<32768x128xf32, #tpu.memory_space<hbm>> -> memref<128x128xf32, #tpu.memory_space<hbm>>
    tpu.enqueue_dma source(%arg8 : memref<128x128xf32, #tpu.memory_space<vmem>>) target(%dma_start3A_856 : memref<128x128xf32, #tpu.memory_space<hbm>>) target_semaphore(%arg30 : memref<!tpu.dma_semaphore, #tpu.memory_space<semaphore_mem>>)
    %dma_wait3A_857 = arith.constant 0 : i32
    %dma_wait3A_858 = arith.constant 0 : i32
    %dma_wait3A_859 = tpu.memref_slice %arg4[%dma_wait3A_857, %dma_wait3A_858] : memref<32768x128xf32, #tpu.memory_space<hbm>> -> memref<128x128xf32, #tpu.memory_space<hbm>>
    %dma_wait3A_860 = arith.constant 0 : i32
    %dma_wait3A_861 = arith.constant 0 : i32
    %dma_wait3A_862 = tpu.memref_slice %arg4[%dma_wait3A_860, %dma_wait3A_861] : memref<32768x128xf32, #tpu.memory_space<hbm>> -> memref<128x128xf32, #tpu.memory_space<hbm>>
    tpu.wait_dma2 semaphore(%arg29 : memref<!tpu.dma_semaphore, #tpu.memory_space<semaphore_mem>>) src(%arg7 : memref<128x128xf32, #tpu.memory_space<vmem>>) dst(%dma_wait3A_862 : memref<128x128xf32, #tpu.memory_space<hbm>>)
    %dma_start3A_863 = arith.constant 0 : i32
    %dma_start3A_864 = arith.constant 0 : i32
    %dma_start3A_865 = arith.constant 896 : i32
    %dma_start3A_866 = tpu.memref_slice %arg5[%dma_start3A_864, %dma_start3A_865] : memref<8x1024xi32, #tpu.memory_space<vmem>> -> memref<1x128xi32, #tpu.memory_space<vmem>>
    %dma_start3A_867 = tpu.memref_squeeze %dma_start3A_866 : memref<1x128xi32, #tpu.memory_space<vmem>> -> memref<128xi32, #tpu.memory_space<vmem>>
    %dma_start3A_868 = arith.constant 0 : i32
    %dma_start3A_869 = arith.constant 0 : i32
    %dma_start3A_870 = tpu.memref_slice %arg3[%dma_start3A_863, %dma_start3A_868, %dma_start3A_869] : memref<8x2048x128xf32, #tpu.memory_space<hbm>> -> memref<1x2048x128xf32, #tpu.memory_space<hbm>>
    %dma_start3A_871 = tpu.memref_squeeze %dma_start3A_870 : memref<1x2048x128xf32, #tpu.memory_space<hbm>> -> memref<2048x128xf32, #tpu.memory_space<hbm>>
    %dma_start3A_872 = arith.constant 0 : i32
    %dma_start3A_873 = arith.constant 0 : i32
    %dma_start3A_874 = tpu.memref_slice %dma_start3A_871[%dma_start3A_872, %dma_start3A_873] : memref<2048x128xf32, #tpu.memory_space<hbm>> -> memref<2048x128xf32, #tpu.memory_space<hbm>>
    tpu.enqueue_indirect_dma source(%dma_start3A_874 : memref<2048x128xf32, #tpu.memory_space<hbm>>) target(%arg7 : memref<128x128xf32, #tpu.memory_space<vmem>>) offsets(%dma_start3A_867 : memref<128xi32, #tpu.memory_space<vmem>>) semaphore(%arg19 : memref<!tpu.dma_semaphore, #tpu.memory_space<semaphore_mem>>)
    %dma_wait3A_875 = arith.constant 0 : i32
    %dma_wait3A_876 = arith.constant 0 : i32
    %dma_wait3A_877 = arith.constant 512 : i32
    %dma_wait3A_878 = tpu.memref_slice %arg5[%dma_wait3A_876, %dma_wait3A_877] : memref<8x1024xi32, #tpu.memory_space<vmem>> -> memref<1x128xi32, #tpu.memory_space<vmem>>
    %dma_wait3A_879 = tpu.memref_squeeze %dma_wait3A_878 : memref<1x128xi32, #tpu.memory_space<vmem>> -> memref<128xi32, #tpu.memory_space<vmem>>
    %dma_wait3A_880 = arith.constant 0 : i32
    %dma_wait3A_881 = arith.constant 0 : i32
    %dma_wait3A_882 = tpu.memref_slice %arg3[%dma_wait3A_875, %dma_wait3A_880, %dma_wait3A_881] : memref<8x2048x128xf32, #tpu.memory_space<hbm>> -> memref<1x2048x128xf32, #tpu.memory_space<hbm>>
    %dma_wait3A_883 = tpu.memref_squeeze %dma_wait3A_882 : memref<1x2048x128xf32, #tpu.memory_space<hbm>> -> memref<2048x128xf32, #tpu.memory_space<hbm>>
    %dma_wait3A_884 = arith.constant 0 : i32
    %dma_wait3A_885 = arith.constant 0 : i32
    %dma_wait3A_886 = tpu.memref_slice %dma_wait3A_883[%dma_wait3A_884, %dma_wait3A_885] : memref<2048x128xf32, #tpu.memory_space<hbm>> -> memref<2048x128xf32, #tpu.memory_space<hbm>>
    tpu.wait_indirect_dma semaphore(%arg16 : memref<!tpu.dma_semaphore, #tpu.memory_space<semaphore_mem>>) src(%dma_wait3A_886 : memref<2048x128xf32, #tpu.memory_space<hbm>>) dst(%arg10 : memref<128x128xf32, #tpu.memory_space<vmem>>)
    %dma_start3A_887 = arith.constant 1 : i32
    %dma_start3A_888 = arith.constant 1 : i32
    %dma_start3A_889 = arith.constant 512 : i32
    %dma_start3A_890 = tpu.memref_slice %arg5[%dma_start3A_888, %dma_start3A_889] : memref<8x1024xi32, #tpu.memory_space<vmem>> -> memref<1x128xi32, #tpu.memory_space<vmem>>
    %dma_start3A_891 = tpu.memref_squeeze %dma_start3A_890 : memref<1x128xi32, #tpu.memory_space<vmem>> -> memref<128xi32, #tpu.memory_space<vmem>>
    %dma_start3A_892 = arith.constant 0 : i32
    %dma_start3A_893 = arith.constant 0 : i32
    %dma_start3A_894 = tpu.memref_slice %arg3[%dma_start3A_887, %dma_start3A_892, %dma_start3A_893] : memref<8x2048x128xf32, #tpu.memory_space<hbm>> -> memref<1x2048x128xf32, #tpu.memory_space<hbm>>
    %dma_start3A_895 = tpu.memref_squeeze %dma_start3A_894 : memref<1x2048x128xf32, #tpu.memory_space<hbm>> -> memref<2048x128xf32, #tpu.memory_space<hbm>>
    %dma_start3A_896 = arith.constant 0 : i32
    %dma_start3A_897 = arith.constant 0 : i32
    %dma_start3A_898 = tpu.memref_slice %dma_start3A_895[%dma_start3A_896, %dma_start3A_897] : memref<2048x128xf32, #tpu.memory_space<hbm>> -> memref<2048x128xf32, #tpu.memory_space<hbm>>
    tpu.enqueue_indirect_dma source(%dma_start3A_898 : memref<2048x128xf32, #tpu.memory_space<hbm>>) target(%arg10 : memref<128x128xf32, #tpu.memory_space<vmem>>) offsets(%dma_start3A_891 : memref<128xi32, #tpu.memory_space<vmem>>) semaphore(%arg24 : memref<!tpu.dma_semaphore, #tpu.memory_space<semaphore_mem>>) {add = true}
    %dma_start3A_899 = arith.constant 2 : i32
    %dma_start3A_900 = arith.constant 2 : i32
    %dma_start3A_901 = arith.constant 512 : i32
    %dma_start3A_902 = tpu.memref_slice %arg5[%dma_start3A_900, %dma_start3A_901] : memref<8x1024xi32, #tpu.memory_space<vmem>> -> memref<1x128xi32, #tpu.memory_space<vmem>>
    %dma_start3A_903 = tpu.memref_squeeze %dma_start3A_902 : memref<1x128xi32, #tpu.memory_space<vmem>> -> memref<128xi32, #tpu.memory_space<vmem>>
    %dma_start3A_904 = arith.constant 0 : i32
    %dma_start3A_905 = arith.constant 0 : i32
    %dma_start3A_906 = tpu.memref_slice %arg3[%dma_start3A_899, %dma_start3A_904, %dma_start3A_905] : memref<8x2048x128xf32, #tpu.memory_space<hbm>> -> memref<1x2048x128xf32, #tpu.memory_space<hbm>>
    %dma_start3A_907 = tpu.memref_squeeze %dma_start3A_906 : memref<1x2048x128xf32, #tpu.memory_space<hbm>> -> memref<2048x128xf32, #tpu.memory_space<hbm>>
    %dma_start3A_908 = arith.constant 0 : i32
    %dma_start3A_909 = arith.constant 0 : i32
    %dma_start3A_910 = tpu.memref_slice %dma_start3A_907[%dma_start3A_908, %dma_start3A_909] : memref<2048x128xf32, #tpu.memory_space<hbm>> -> memref<2048x128xf32, #tpu.memory_space<hbm>>
    tpu.enqueue_indirect_dma source(%dma_start3A_910 : memref<2048x128xf32, #tpu.memory_space<hbm>>) target(%arg10 : memref<128x128xf32, #tpu.memory_space<vmem>>) offsets(%dma_start3A_903 : memref<128xi32, #tpu.memory_space<vmem>>) semaphore(%arg24 : memref<!tpu.dma_semaphore, #tpu.memory_space<semaphore_mem>>) {add = true}
    %dma_start3A_911 = arith.constant 3 : i32
    %dma_start3A_912 = arith.constant 3 : i32
    %dma_start3A_913 = arith.constant 512 : i32
    %dma_start3A_914 = tpu.memref_slice %arg5[%dma_start3A_912, %dma_start3A_913] : memref<8x1024xi32, #tpu.memory_space<vmem>> -> memref<1x128xi32, #tpu.memory_space<vmem>>
    %dma_start3A_915 = tpu.memref_squeeze %dma_start3A_914 : memref<1x128xi32, #tpu.memory_space<vmem>> -> memref<128xi32, #tpu.memory_space<vmem>>
    %dma_start3A_916 = arith.constant 0 : i32
    %dma_start3A_917 = arith.constant 0 : i32
    %dma_start3A_918 = tpu.memref_slice %arg3[%dma_start3A_911, %dma_start3A_916, %dma_start3A_917] : memref<8x2048x128xf32, #tpu.memory_space<hbm>> -> memref<1x2048x128xf32, #tpu.memory_space<hbm>>
    %dma_start3A_919 = tpu.memref_squeeze %dma_start3A_918 : memref<1x2048x128xf32, #tpu.memory_space<hbm>> -> memref<2048x128xf32, #tpu.memory_space<hbm>>
    %dma_start3A_920 = arith.constant 0 : i32
    %dma_start3A_921 = arith.constant 0 : i32
    %dma_start3A_922 = tpu.memref_slice %dma_start3A_919[%dma_start3A_920, %dma_start3A_921] : memref<2048x128xf32, #tpu.memory_space<hbm>> -> memref<2048x128xf32, #tpu.memory_space<hbm>>
    tpu.enqueue_indirect_dma source(%dma_start3A_922 : memref<2048x128xf32, #tpu.memory_space<hbm>>) target(%arg10 : memref<128x128xf32, #tpu.memory_space<vmem>>) offsets(%dma_start3A_915 : memref<128xi32, #tpu.memory_space<vmem>>) semaphore(%arg24 : memref<!tpu.dma_semaphore, #tpu.memory_space<semaphore_mem>>) {add = true}
    %dma_start3A_923 = arith.constant 4 : i32
    %dma_start3A_924 = arith.constant 4 : i32
    %dma_start3A_925 = arith.constant 512 : i32
    %dma_start3A_926 = tpu.memref_slice %arg5[%dma_start3A_924, %dma_start3A_925] : memref<8x1024xi32, #tpu.memory_space<vmem>> -> memref<1x128xi32, #tpu.memory_space<vmem>>
    %dma_start3A_927 = tpu.memref_squeeze %dma_start3A_926 : memref<1x128xi32, #tpu.memory_space<vmem>> -> memref<128xi32, #tpu.memory_space<vmem>>
    %dma_start3A_928 = arith.constant 0 : i32
    %dma_start3A_929 = arith.constant 0 : i32
    %dma_start3A_930 = tpu.memref_slice %arg3[%dma_start3A_923, %dma_start3A_928, %dma_start3A_929] : memref<8x2048x128xf32, #tpu.memory_space<hbm>> -> memref<1x2048x128xf32, #tpu.memory_space<hbm>>
    %dma_start3A_931 = tpu.memref_squeeze %dma_start3A_930 : memref<1x2048x128xf32, #tpu.memory_space<hbm>> -> memref<2048x128xf32, #tpu.memory_space<hbm>>
    %dma_start3A_932 = arith.constant 0 : i32
    %dma_start3A_933 = arith.constant 0 : i32
    %dma_start3A_934 = tpu.memref_slice %dma_start3A_931[%dma_start3A_932, %dma_start3A_933] : memref<2048x128xf32, #tpu.memory_space<hbm>> -> memref<2048x128xf32, #tpu.memory_space<hbm>>
    tpu.enqueue_indirect_dma source(%dma_start3A_934 : memref<2048x128xf32, #tpu.memory_space<hbm>>) target(%arg10 : memref<128x128xf32, #tpu.memory_space<vmem>>) offsets(%dma_start3A_927 : memref<128xi32, #tpu.memory_space<vmem>>) semaphore(%arg24 : memref<!tpu.dma_semaphore, #tpu.memory_space<semaphore_mem>>) {add = true}
    %dma_start3A_935 = arith.constant 5 : i32
    %dma_start3A_936 = arith.constant 5 : i32
    %dma_start3A_937 = arith.constant 512 : i32
    %dma_start3A_938 = tpu.memref_slice %arg5[%dma_start3A_936, %dma_start3A_937] : memref<8x1024xi32, #tpu.memory_space<vmem>> -> memref<1x128xi32, #tpu.memory_space<vmem>>
    %dma_start3A_939 = tpu.memref_squeeze %dma_start3A_938 : memref<1x128xi32, #tpu.memory_space<vmem>> -> memref<128xi32, #tpu.memory_space<vmem>>
    %dma_start3A_940 = arith.constant 0 : i32
    %dma_start3A_941 = arith.constant 0 : i32
    %dma_start3A_942 = tpu.memref_slice %arg3[%dma_start3A_935, %dma_start3A_940, %dma_start3A_941] : memref<8x2048x128xf32, #tpu.memory_space<hbm>> -> memref<1x2048x128xf32, #tpu.memory_space<hbm>>
    %dma_start3A_943 = tpu.memref_squeeze %dma_start3A_942 : memref<1x2048x128xf32, #tpu.memory_space<hbm>> -> memref<2048x128xf32, #tpu.memory_space<hbm>>
    %dma_start3A_944 = arith.constant 0 : i32
    %dma_start3A_945 = arith.constant 0 : i32
    %dma_start3A_946 = tpu.memref_slice %dma_start3A_943[%dma_start3A_944, %dma_start3A_945] : memref<2048x128xf32, #tpu.memory_space<hbm>> -> memref<2048x128xf32, #tpu.memory_space<hbm>>
    tpu.enqueue_indirect_dma source(%dma_start3A_946 : memref<2048x128xf32, #tpu.memory_space<hbm>>) target(%arg10 : memref<128x128xf32, #tpu.memory_space<vmem>>) offsets(%dma_start3A_939 : memref<128xi32, #tpu.memory_space<vmem>>) semaphore(%arg24 : memref<!tpu.dma_semaphore, #tpu.memory_space<semaphore_mem>>) {add = true}
    %dma_start3A_947 = arith.constant 6 : i32
    %dma_start3A_948 = arith.constant 6 : i32
    %dma_start3A_949 = arith.constant 512 : i32
    %dma_start3A_950 = tpu.memref_slice %arg5[%dma_start3A_948, %dma_start3A_949] : memref<8x1024xi32, #tpu.memory_space<vmem>> -> memref<1x128xi32, #tpu.memory_space<vmem>>
    %dma_start3A_951 = tpu.memref_squeeze %dma_start3A_950 : memref<1x128xi32, #tpu.memory_space<vmem>> -> memref<128xi32, #tpu.memory_space<vmem>>
    %dma_start3A_952 = arith.constant 0 : i32
    %dma_start3A_953 = arith.constant 0 : i32
    %dma_start3A_954 = tpu.memref_slice %arg3[%dma_start3A_947, %dma_start3A_952, %dma_start3A_953] : memref<8x2048x128xf32, #tpu.memory_space<hbm>> -> memref<1x2048x128xf32, #tpu.memory_space<hbm>>
    %dma_start3A_955 = tpu.memref_squeeze %dma_start3A_954 : memref<1x2048x128xf32, #tpu.memory_space<hbm>> -> memref<2048x128xf32, #tpu.memory_space<hbm>>
    %dma_start3A_956 = arith.constant 0 : i32
    %dma_start3A_957 = arith.constant 0 : i32
    %dma_start3A_958 = tpu.memref_slice %dma_start3A_955[%dma_start3A_956, %dma_start3A_957] : memref<2048x128xf32, #tpu.memory_space<hbm>> -> memref<2048x128xf32, #tpu.memory_space<hbm>>
    tpu.enqueue_indirect_dma source(%dma_start3A_958 : memref<2048x128xf32, #tpu.memory_space<hbm>>) target(%arg10 : memref<128x128xf32, #tpu.memory_space<vmem>>) offsets(%dma_start3A_951 : memref<128xi32, #tpu.memory_space<vmem>>) semaphore(%arg24 : memref<!tpu.dma_semaphore, #tpu.memory_space<semaphore_mem>>) {add = true}
    %dma_start3A_959 = arith.constant 7 : i32
    %dma_start3A_960 = arith.constant 7 : i32
    %dma_start3A_961 = arith.constant 512 : i32
    %dma_start3A_962 = tpu.memref_slice %arg5[%dma_start3A_960, %dma_start3A_961] : memref<8x1024xi32, #tpu.memory_space<vmem>> -> memref<1x128xi32, #tpu.memory_space<vmem>>
    %dma_start3A_963 = tpu.memref_squeeze %dma_start3A_962 : memref<1x128xi32, #tpu.memory_space<vmem>> -> memref<128xi32, #tpu.memory_space<vmem>>
    %dma_start3A_964 = arith.constant 0 : i32
    %dma_start3A_965 = arith.constant 0 : i32
    %dma_start3A_966 = tpu.memref_slice %arg3[%dma_start3A_959, %dma_start3A_964, %dma_start3A_965] : memref<8x2048x128xf32, #tpu.memory_space<hbm>> -> memref<1x2048x128xf32, #tpu.memory_space<hbm>>
    %dma_start3A_967 = tpu.memref_squeeze %dma_start3A_966 : memref<1x2048x128xf32, #tpu.memory_space<hbm>> -> memref<2048x128xf32, #tpu.memory_space<hbm>>
    %dma_start3A_968 = arith.constant 0 : i32
    %dma_start3A_969 = arith.constant 0 : i32
    %dma_start3A_970 = tpu.memref_slice %dma_start3A_967[%dma_start3A_968, %dma_start3A_969] : memref<2048x128xf32, #tpu.memory_space<hbm>> -> memref<2048x128xf32, #tpu.memory_space<hbm>>
    tpu.enqueue_indirect_dma source(%dma_start3A_970 : memref<2048x128xf32, #tpu.memory_space<hbm>>) target(%arg10 : memref<128x128xf32, #tpu.memory_space<vmem>>) offsets(%dma_start3A_963 : memref<128xi32, #tpu.memory_space<vmem>>) semaphore(%arg24 : memref<!tpu.dma_semaphore, #tpu.memory_space<semaphore_mem>>) {add = true}
    %dma_wait3A_971 = arith.constant 1 : i32
    %dma_wait3A_972 = arith.constant 1 : i32
    %dma_wait3A_973 = arith.constant 384 : i32
    %dma_wait3A_974 = tpu.memref_slice %arg5[%dma_wait3A_972, %dma_wait3A_973] : memref<8x1024xi32, #tpu.memory_space<vmem>> -> memref<1x128xi32, #tpu.memory_space<vmem>>
    %dma_wait3A_975 = tpu.memref_squeeze %dma_wait3A_974 : memref<1x128xi32, #tpu.memory_space<vmem>> -> memref<128xi32, #tpu.memory_space<vmem>>
    %dma_wait3A_976 = arith.constant 0 : i32
    %dma_wait3A_977 = arith.constant 0 : i32
    %dma_wait3A_978 = tpu.memref_slice %arg3[%dma_wait3A_971, %dma_wait3A_976, %dma_wait3A_977] : memref<8x2048x128xf32, #tpu.memory_space<hbm>> -> memref<1x2048x128xf32, #tpu.memory_space<hbm>>
    %dma_wait3A_979 = tpu.memref_squeeze %dma_wait3A_978 : memref<1x2048x128xf32, #tpu.memory_space<hbm>> -> memref<2048x128xf32, #tpu.memory_space<hbm>>
    %dma_wait3A_980 = arith.constant 0 : i32
    %dma_wait3A_981 = arith.constant 0 : i32
    %dma_wait3A_982 = tpu.memref_slice %dma_wait3A_979[%dma_wait3A_980, %dma_wait3A_981] : memref<2048x128xf32, #tpu.memory_space<hbm>> -> memref<2048x128xf32, #tpu.memory_space<hbm>>
    tpu.wait_indirect_dma semaphore(%arg23 : memref<!tpu.dma_semaphore, #tpu.memory_space<semaphore_mem>>) src(%dma_wait3A_982 : memref<2048x128xf32, #tpu.memory_space<hbm>>) dst(%arg9 : memref<128x128xf32, #tpu.memory_space<vmem>>)
    %dma_wait3A_983 = arith.constant 2 : i32
    %dma_wait3A_984 = arith.constant 2 : i32
    %dma_wait3A_985 = arith.constant 384 : i32
    %dma_wait3A_986 = tpu.memref_slice %arg5[%dma_wait3A_984, %dma_wait3A_985] : memref<8x1024xi32, #tpu.memory_space<vmem>> -> memref<1x128xi32, #tpu.memory_space<vmem>>
    %dma_wait3A_987 = tpu.memref_squeeze %dma_wait3A_986 : memref<1x128xi32, #tpu.memory_space<vmem>> -> memref<128xi32, #tpu.memory_space<vmem>>
    %dma_wait3A_988 = arith.constant 0 : i32
    %dma_wait3A_989 = arith.constant 0 : i32
    %dma_wait3A_990 = tpu.memref_slice %arg3[%dma_wait3A_983, %dma_wait3A_988, %dma_wait3A_989] : memref<8x2048x128xf32, #tpu.memory_space<hbm>> -> memref<1x2048x128xf32, #tpu.memory_space<hbm>>
    %dma_wait3A_991 = tpu.memref_squeeze %dma_wait3A_990 : memref<1x2048x128xf32, #tpu.memory_space<hbm>> -> memref<2048x128xf32, #tpu.memory_space<hbm>>
    %dma_wait3A_992 = arith.constant 0 : i32
    %dma_wait3A_993 = arith.constant 0 : i32
    %dma_wait3A_994 = tpu.memref_slice %dma_wait3A_991[%dma_wait3A_992, %dma_wait3A_993] : memref<2048x128xf32, #tpu.memory_space<hbm>> -> memref<2048x128xf32, #tpu.memory_space<hbm>>
    tpu.wait_indirect_dma semaphore(%arg23 : memref<!tpu.dma_semaphore, #tpu.memory_space<semaphore_mem>>) src(%dma_wait3A_994 : memref<2048x128xf32, #tpu.memory_space<hbm>>) dst(%arg9 : memref<128x128xf32, #tpu.memory_space<vmem>>)
    %dma_wait3A_995 = arith.constant 3 : i32
    %dma_wait3A_996 = arith.constant 3 : i32
    %dma_wait3A_997 = arith.constant 384 : i32
    %dma_wait3A_998 = tpu.memref_slice %arg5[%dma_wait3A_996, %dma_wait3A_997] : memref<8x1024xi32, #tpu.memory_space<vmem>> -> memref<1x128xi32, #tpu.memory_space<vmem>>
    %dma_wait3A_999 = tpu.memref_squeeze %dma_wait3A_998 : memref<1x128xi32, #tpu.memory_space<vmem>> -> memref<128xi32, #tpu.memory_space<vmem>>
    %dma_wait3A_1000 = arith.constant 0 : i32
    %dma_wait3A_1001 = arith.constant 0 : i32
    %dma_wait3A_1002 = tpu.memref_slice %arg3[%dma_wait3A_995, %dma_wait3A_1000, %dma_wait3A_1001] : memref<8x2048x128xf32, #tpu.memory_space<hbm>> -> memref<1x2048x128xf32, #tpu.memory_space<hbm>>
    %dma_wait3A_1003 = tpu.memref_squeeze %dma_wait3A_1002 : memref<1x2048x128xf32, #tpu.memory_space<hbm>> -> memref<2048x128xf32, #tpu.memory_space<hbm>>
    %dma_wait3A_1004 = arith.constant 0 : i32
    %dma_wait3A_1005 = arith.constant 0 : i32
    %dma_wait3A_1006 = tpu.memref_slice %dma_wait3A_1003[%dma_wait3A_1004, %dma_wait3A_1005] : memref<2048x128xf32, #tpu.memory_space<hbm>> -> memref<2048x128xf32, #tpu.memory_space<hbm>>
    tpu.wait_indirect_dma semaphore(%arg23 : memref<!tpu.dma_semaphore, #tpu.memory_space<semaphore_mem>>) src(%dma_wait3A_1006 : memref<2048x128xf32, #tpu.memory_space<hbm>>) dst(%arg9 : memref<128x128xf32, #tpu.memory_space<vmem>>)
    %dma_wait3A_1007 = arith.constant 4 : i32
    %dma_wait3A_1008 = arith.constant 4 : i32
    %dma_wait3A_1009 = arith.constant 384 : i32
    %dma_wait3A_1010 = tpu.memref_slice %arg5[%dma_wait3A_1008, %dma_wait3A_1009] : memref<8x1024xi32, #tpu.memory_space<vmem>> -> memref<1x128xi32, #tpu.memory_space<vmem>>
    %dma_wait3A_1011 = tpu.memref_squeeze %dma_wait3A_1010 : memref<1x128xi32, #tpu.memory_space<vmem>> -> memref<128xi32, #tpu.memory_space<vmem>>
    %dma_wait3A_1012 = arith.constant 0 : i32
    %dma_wait3A_1013 = arith.constant 0 : i32
    %dma_wait3A_1014 = tpu.memref_slice %arg3[%dma_wait3A_1007, %dma_wait3A_1012, %dma_wait3A_1013] : memref<8x2048x128xf32, #tpu.memory_space<hbm>> -> memref<1x2048x128xf32, #tpu.memory_space<hbm>>
    %dma_wait3A_1015 = tpu.memref_squeeze %dma_wait3A_1014 : memref<1x2048x128xf32, #tpu.memory_space<hbm>> -> memref<2048x128xf32, #tpu.memory_space<hbm>>
    %dma_wait3A_1016 = arith.constant 0 : i32
    %dma_wait3A_1017 = arith.constant 0 : i32
    %dma_wait3A_1018 = tpu.memref_slice %dma_wait3A_1015[%dma_wait3A_1016, %dma_wait3A_1017] : memref<2048x128xf32, #tpu.memory_space<hbm>> -> memref<2048x128xf32, #tpu.memory_space<hbm>>
    tpu.wait_indirect_dma semaphore(%arg23 : memref<!tpu.dma_semaphore, #tpu.memory_space<semaphore_mem>>) src(%dma_wait3A_1018 : memref<2048x128xf32, #tpu.memory_space<hbm>>) dst(%arg9 : memref<128x128xf32, #tpu.memory_space<vmem>>)
    %dma_wait3A_1019 = arith.constant 5 : i32
    %dma_wait3A_1020 = arith.constant 5 : i32
    %dma_wait3A_1021 = arith.constant 384 : i32
    %dma_wait3A_1022 = tpu.memref_slice %arg5[%dma_wait3A_1020, %dma_wait3A_1021] : memref<8x1024xi32, #tpu.memory_space<vmem>> -> memref<1x128xi32, #tpu.memory_space<vmem>>
    %dma_wait3A_1023 = tpu.memref_squeeze %dma_wait3A_1022 : memref<1x128xi32, #tpu.memory_space<vmem>> -> memref<128xi32, #tpu.memory_space<vmem>>
    %dma_wait3A_1024 = arith.constant 0 : i32
    %dma_wait3A_1025 = arith.constant 0 : i32
    %dma_wait3A_1026 = tpu.memref_slice %arg3[%dma_wait3A_1019, %dma_wait3A_1024, %dma_wait3A_1025] : memref<8x2048x128xf32, #tpu.memory_space<hbm>> -> memref<1x2048x128xf32, #tpu.memory_space<hbm>>
    %dma_wait3A_1027 = tpu.memref_squeeze %dma_wait3A_1026 : memref<1x2048x128xf32, #tpu.memory_space<hbm>> -> memref<2048x128xf32, #tpu.memory_space<hbm>>
    %dma_wait3A_1028 = arith.constant 0 : i32
    %dma_wait3A_1029 = arith.constant 0 : i32
    %dma_wait3A_1030 = tpu.memref_slice %dma_wait3A_1027[%dma_wait3A_1028, %dma_wait3A_1029] : memref<2048x128xf32, #tpu.memory_space<hbm>> -> memref<2048x128xf32, #tpu.memory_space<hbm>>
    tpu.wait_indirect_dma semaphore(%arg23 : memref<!tpu.dma_semaphore, #tpu.memory_space<semaphore_mem>>) src(%dma_wait3A_1030 : memref<2048x128xf32, #tpu.memory_space<hbm>>) dst(%arg9 : memref<128x128xf32, #tpu.memory_space<vmem>>)
    %dma_wait3A_1031 = arith.constant 6 : i32
    %dma_wait3A_1032 = arith.constant 6 : i32
    %dma_wait3A_1033 = arith.constant 384 : i32
    %dma_wait3A_1034 = tpu.memref_slice %arg5[%dma_wait3A_1032, %dma_wait3A_1033] : memref<8x1024xi32, #tpu.memory_space<vmem>> -> memref<1x128xi32, #tpu.memory_space<vmem>>
    %dma_wait3A_1035 = tpu.memref_squeeze %dma_wait3A_1034 : memref<1x128xi32, #tpu.memory_space<vmem>> -> memref<128xi32, #tpu.memory_space<vmem>>
    %dma_wait3A_1036 = arith.constant 0 : i32
    %dma_wait3A_1037 = arith.constant 0 : i32
    %dma_wait3A_1038 = tpu.memref_slice %arg3[%dma_wait3A_1031, %dma_wait3A_1036, %dma_wait3A_1037] : memref<8x2048x128xf32, #tpu.memory_space<hbm>> -> memref<1x2048x128xf32, #tpu.memory_space<hbm>>
    %dma_wait3A_1039 = tpu.memref_squeeze %dma_wait3A_1038 : memref<1x2048x128xf32, #tpu.memory_space<hbm>> -> memref<2048x128xf32, #tpu.memory_space<hbm>>
    %dma_wait3A_1040 = arith.constant 0 : i32
    %dma_wait3A_1041 = arith.constant 0 : i32
    %dma_wait3A_1042 = tpu.memref_slice %dma_wait3A_1039[%dma_wait3A_1040, %dma_wait3A_1041] : memref<2048x128xf32, #tpu.memory_space<hbm>> -> memref<2048x128xf32, #tpu.memory_space<hbm>>
    tpu.wait_indirect_dma semaphore(%arg23 : memref<!tpu.dma_semaphore, #tpu.memory_space<semaphore_mem>>) src(%dma_wait3A_1042 : memref<2048x128xf32, #tpu.memory_space<hbm>>) dst(%arg9 : memref<128x128xf32, #tpu.memory_space<vmem>>)
    %dma_wait3A_1043 = arith.constant 7 : i32
    %dma_wait3A_1044 = arith.constant 7 : i32
    %dma_wait3A_1045 = arith.constant 384 : i32
    %dma_wait3A_1046 = tpu.memref_slice %arg5[%dma_wait3A_1044, %dma_wait3A_1045] : memref<8x1024xi32, #tpu.memory_space<vmem>> -> memref<1x128xi32, #tpu.memory_space<vmem>>
    %dma_wait3A_1047 = tpu.memref_squeeze %dma_wait3A_1046 : memref<1x128xi32, #tpu.memory_space<vmem>> -> memref<128xi32, #tpu.memory_space<vmem>>
    %dma_wait3A_1048 = arith.constant 0 : i32
    %dma_wait3A_1049 = arith.constant 0 : i32
    %dma_wait3A_1050 = tpu.memref_slice %arg3[%dma_wait3A_1043, %dma_wait3A_1048, %dma_wait3A_1049] : memref<8x2048x128xf32, #tpu.memory_space<hbm>> -> memref<1x2048x128xf32, #tpu.memory_space<hbm>>
    %dma_wait3A_1051 = tpu.memref_squeeze %dma_wait3A_1050 : memref<1x2048x128xf32, #tpu.memory_space<hbm>> -> memref<2048x128xf32, #tpu.memory_space<hbm>>
    %dma_wait3A_1052 = arith.constant 0 : i32
    %dma_wait3A_1053 = arith.constant 0 : i32
    %dma_wait3A_1054 = tpu.memref_slice %dma_wait3A_1051[%dma_wait3A_1052, %dma_wait3A_1053] : memref<2048x128xf32, #tpu.memory_space<hbm>> -> memref<2048x128xf32, #tpu.memory_space<hbm>>
    tpu.wait_indirect_dma semaphore(%arg23 : memref<!tpu.dma_semaphore, #tpu.memory_space<semaphore_mem>>) src(%dma_wait3A_1054 : memref<2048x128xf32, #tpu.memory_space<hbm>>) dst(%arg9 : memref<128x128xf32, #tpu.memory_space<vmem>>)
    %mul3A_1055 = arith.constant 1024 : i32
    %mul3A_1056 = arith.muli %add3A, %mul3A_1055 : i32
    %add3A_1057 = arith.constant 384 : i32
    %add3A_1058 = arith.addi %mul3A_1056, %add3A_1057 : i32
    %dma_start3A_1059 = arith.constant 0 : i32
    %dma_start3A_1060 = tpu.memref_slice %arg4[%add3A_1058, %dma_start3A_1059] : memref<32768x128xf32, #tpu.memory_space<hbm>> -> memref<128x128xf32, #tpu.memory_space<hbm>>
    %dma_start3A_1061 = arith.constant 0 : i32
    %dma_start3A_1062 = tpu.memref_slice %arg4[%add3A_1058, %dma_start3A_1061] : memref<32768x128xf32, #tpu.memory_space<hbm>> -> memref<128x128xf32, #tpu.memory_space<hbm>>
    tpu.enqueue_dma source(%arg9 : memref<128x128xf32, #tpu.memory_space<vmem>>) target(%dma_start3A_1062 : memref<128x128xf32, #tpu.memory_space<hbm>>) target_semaphore(%arg31 : memref<!tpu.dma_semaphore, #tpu.memory_space<semaphore_mem>>)
    %dma_wait3A_1063 = arith.constant 0 : i32
    %dma_wait3A_1064 = arith.constant 0 : i32
    %dma_wait3A_1065 = arith.constant 640 : i32
    %dma_wait3A_1066 = tpu.memref_slice %arg5[%dma_wait3A_1064, %dma_wait3A_1065] : memref<8x1024xi32, #tpu.memory_space<vmem>> -> memref<1x128xi32, #tpu.memory_space<vmem>>
    %dma_wait3A_1067 = tpu.memref_squeeze %dma_wait3A_1066 : memref<1x128xi32, #tpu.memory_space<vmem>> -> memref<128xi32, #tpu.memory_space<vmem>>
    %dma_wait3A_1068 = arith.constant 0 : i32
    %dma_wait3A_1069 = arith.constant 0 : i32
    %dma_wait3A_1070 = tpu.memref_slice %arg3[%dma_wait3A_1063, %dma_wait3A_1068, %dma_wait3A_1069] : memref<8x2048x128xf32, #tpu.memory_space<hbm>> -> memref<1x2048x128xf32, #tpu.memory_space<hbm>>
    %dma_wait3A_1071 = tpu.memref_squeeze %dma_wait3A_1070 : memref<1x2048x128xf32, #tpu.memory_space<hbm>> -> memref<2048x128xf32, #tpu.memory_space<hbm>>
    %dma_wait3A_1072 = arith.constant 0 : i32
    %dma_wait3A_1073 = arith.constant 0 : i32
    %dma_wait3A_1074 = tpu.memref_slice %dma_wait3A_1071[%dma_wait3A_1072, %dma_wait3A_1073] : memref<2048x128xf32, #tpu.memory_space<hbm>> -> memref<2048x128xf32, #tpu.memory_space<hbm>>
    tpu.wait_indirect_dma semaphore(%arg17 : memref<!tpu.dma_semaphore, #tpu.memory_space<semaphore_mem>>) src(%dma_wait3A_1074 : memref<2048x128xf32, #tpu.memory_space<hbm>>) dst(%arg11 : memref<128x128xf32, #tpu.memory_space<vmem>>)
    %dma_start3A_1075 = arith.constant 1 : i32
    %dma_start3A_1076 = arith.constant 1 : i32
    %dma_start3A_1077 = arith.constant 640 : i32
    %dma_start3A_1078 = tpu.memref_slice %arg5[%dma_start3A_1076, %dma_start3A_1077] : memref<8x1024xi32, #tpu.memory_space<vmem>> -> memref<1x128xi32, #tpu.memory_space<vmem>>
    %dma_start3A_1079 = tpu.memref_squeeze %dma_start3A_1078 : memref<1x128xi32, #tpu.memory_space<vmem>> -> memref<128xi32, #tpu.memory_space<vmem>>
    %dma_start3A_1080 = arith.constant 0 : i32
    %dma_start3A_1081 = arith.constant 0 : i32
    %dma_start3A_1082 = tpu.memref_slice %arg3[%dma_start3A_1075, %dma_start3A_1080, %dma_start3A_1081] : memref<8x2048x128xf32, #tpu.memory_space<hbm>> -> memref<1x2048x128xf32, #tpu.memory_space<hbm>>
    %dma_start3A_1083 = tpu.memref_squeeze %dma_start3A_1082 : memref<1x2048x128xf32, #tpu.memory_space<hbm>> -> memref<2048x128xf32, #tpu.memory_space<hbm>>
    %dma_start3A_1084 = arith.constant 0 : i32
    %dma_start3A_1085 = arith.constant 0 : i32
    %dma_start3A_1086 = tpu.memref_slice %dma_start3A_1083[%dma_start3A_1084, %dma_start3A_1085] : memref<2048x128xf32, #tpu.memory_space<hbm>> -> memref<2048x128xf32, #tpu.memory_space<hbm>>
    tpu.enqueue_indirect_dma source(%dma_start3A_1086 : memref<2048x128xf32, #tpu.memory_space<hbm>>) target(%arg11 : memref<128x128xf32, #tpu.memory_space<vmem>>) offsets(%dma_start3A_1079 : memref<128xi32, #tpu.memory_space<vmem>>) semaphore(%arg25 : memref<!tpu.dma_semaphore, #tpu.memory_space<semaphore_mem>>) {add = true}
    %dma_start3A_1087 = arith.constant 2 : i32
    %dma_start3A_1088 = arith.constant 2 : i32
    %dma_start3A_1089 = arith.constant 640 : i32
    %dma_start3A_1090 = tpu.memref_slice %arg5[%dma_start3A_1088, %dma_start3A_1089] : memref<8x1024xi32, #tpu.memory_space<vmem>> -> memref<1x128xi32, #tpu.memory_space<vmem>>
    %dma_start3A_1091 = tpu.memref_squeeze %dma_start3A_1090 : memref<1x128xi32, #tpu.memory_space<vmem>> -> memref<128xi32, #tpu.memory_space<vmem>>
    %dma_start3A_1092 = arith.constant 0 : i32
    %dma_start3A_1093 = arith.constant 0 : i32
    %dma_start3A_1094 = tpu.memref_slice %arg3[%dma_start3A_1087, %dma_start3A_1092, %dma_start3A_1093] : memref<8x2048x128xf32, #tpu.memory_space<hbm>> -> memref<1x2048x128xf32, #tpu.memory_space<hbm>>
    %dma_start3A_1095 = tpu.memref_squeeze %dma_start3A_1094 : memref<1x2048x128xf32, #tpu.memory_space<hbm>> -> memref<2048x128xf32, #tpu.memory_space<hbm>>
    %dma_start3A_1096 = arith.constant 0 : i32
    %dma_start3A_1097 = arith.constant 0 : i32
    %dma_start3A_1098 = tpu.memref_slice %dma_start3A_1095[%dma_start3A_1096, %dma_start3A_1097] : memref<2048x128xf32, #tpu.memory_space<hbm>> -> memref<2048x128xf32, #tpu.memory_space<hbm>>
    tpu.enqueue_indirect_dma source(%dma_start3A_1098 : memref<2048x128xf32, #tpu.memory_space<hbm>>) target(%arg11 : memref<128x128xf32, #tpu.memory_space<vmem>>) offsets(%dma_start3A_1091 : memref<128xi32, #tpu.memory_space<vmem>>) semaphore(%arg25 : memref<!tpu.dma_semaphore, #tpu.memory_space<semaphore_mem>>) {add = true}
    %dma_start3A_1099 = arith.constant 3 : i32
    %dma_start3A_1100 = arith.constant 3 : i32
    %dma_start3A_1101 = arith.constant 640 : i32
    %dma_start3A_1102 = tpu.memref_slice %arg5[%dma_start3A_1100, %dma_start3A_1101] : memref<8x1024xi32, #tpu.memory_space<vmem>> -> memref<1x128xi32, #tpu.memory_space<vmem>>
    %dma_start3A_1103 = tpu.memref_squeeze %dma_start3A_1102 : memref<1x128xi32, #tpu.memory_space<vmem>> -> memref<128xi32, #tpu.memory_space<vmem>>
    %dma_start3A_1104 = arith.constant 0 : i32
    %dma_start3A_1105 = arith.constant 0 : i32
    %dma_start3A_1106 = tpu.memref_slice %arg3[%dma_start3A_1099, %dma_start3A_1104, %dma_start3A_1105] : memref<8x2048x128xf32, #tpu.memory_space<hbm>> -> memref<1x2048x128xf32, #tpu.memory_space<hbm>>
    %dma_start3A_1107 = tpu.memref_squeeze %dma_start3A_1106 : memref<1x2048x128xf32, #tpu.memory_space<hbm>> -> memref<2048x128xf32, #tpu.memory_space<hbm>>
    %dma_start3A_1108 = arith.constant 0 : i32
    %dma_start3A_1109 = arith.constant 0 : i32
    %dma_start3A_1110 = tpu.memref_slice %dma_start3A_1107[%dma_start3A_1108, %dma_start3A_1109] : memref<2048x128xf32, #tpu.memory_space<hbm>> -> memref<2048x128xf32, #tpu.memory_space<hbm>>
    tpu.enqueue_indirect_dma source(%dma_start3A_1110 : memref<2048x128xf32, #tpu.memory_space<hbm>>) target(%arg11 : memref<128x128xf32, #tpu.memory_space<vmem>>) offsets(%dma_start3A_1103 : memref<128xi32, #tpu.memory_space<vmem>>) semaphore(%arg25 : memref<!tpu.dma_semaphore, #tpu.memory_space<semaphore_mem>>) {add = true}
    %dma_start3A_1111 = arith.constant 4 : i32
    %dma_start3A_1112 = arith.constant 4 : i32
    %dma_start3A_1113 = arith.constant 640 : i32
    %dma_start3A_1114 = tpu.memref_slice %arg5[%dma_start3A_1112, %dma_start3A_1113] : memref<8x1024xi32, #tpu.memory_space<vmem>> -> memref<1x128xi32, #tpu.memory_space<vmem>>
    %dma_start3A_1115 = tpu.memref_squeeze %dma_start3A_1114 : memref<1x128xi32, #tpu.memory_space<vmem>> -> memref<128xi32, #tpu.memory_space<vmem>>
    %dma_start3A_1116 = arith.constant 0 : i32
    %dma_start3A_1117 = arith.constant 0 : i32
    %dma_start3A_1118 = tpu.memref_slice %arg3[%dma_start3A_1111, %dma_start3A_1116, %dma_start3A_1117] : memref<8x2048x128xf32, #tpu.memory_space<hbm>> -> memref<1x2048x128xf32, #tpu.memory_space<hbm>>
    %dma_start3A_1119 = tpu.memref_squeeze %dma_start3A_1118 : memref<1x2048x128xf32, #tpu.memory_space<hbm>> -> memref<2048x128xf32, #tpu.memory_space<hbm>>
    %dma_start3A_1120 = arith.constant 0 : i32
    %dma_start3A_1121 = arith.constant 0 : i32
    %dma_start3A_1122 = tpu.memref_slice %dma_start3A_1119[%dma_start3A_1120, %dma_start3A_1121] : memref<2048x128xf32, #tpu.memory_space<hbm>> -> memref<2048x128xf32, #tpu.memory_space<hbm>>
    tpu.enqueue_indirect_dma source(%dma_start3A_1122 : memref<2048x128xf32, #tpu.memory_space<hbm>>) target(%arg11 : memref<128x128xf32, #tpu.memory_space<vmem>>) offsets(%dma_start3A_1115 : memref<128xi32, #tpu.memory_space<vmem>>) semaphore(%arg25 : memref<!tpu.dma_semaphore, #tpu.memory_space<semaphore_mem>>) {add = true}
    %dma_start3A_1123 = arith.constant 5 : i32
    %dma_start3A_1124 = arith.constant 5 : i32
    %dma_start3A_1125 = arith.constant 640 : i32
    %dma_start3A_1126 = tpu.memref_slice %arg5[%dma_start3A_1124, %dma_start3A_1125] : memref<8x1024xi32, #tpu.memory_space<vmem>> -> memref<1x128xi32, #tpu.memory_space<vmem>>
    %dma_start3A_1127 = tpu.memref_squeeze %dma_start3A_1126 : memref<1x128xi32, #tpu.memory_space<vmem>> -> memref<128xi32, #tpu.memory_space<vmem>>
    %dma_start3A_1128 = arith.constant 0 : i32
    %dma_start3A_1129 = arith.constant 0 : i32
    %dma_start3A_1130 = tpu.memref_slice %arg3[%dma_start3A_1123, %dma_start3A_1128, %dma_start3A_1129] : memref<8x2048x128xf32, #tpu.memory_space<hbm>> -> memref<1x2048x128xf32, #tpu.memory_space<hbm>>
    %dma_start3A_1131 = tpu.memref_squeeze %dma_start3A_1130 : memref<1x2048x128xf32, #tpu.memory_space<hbm>> -> memref<2048x128xf32, #tpu.memory_space<hbm>>
    %dma_start3A_1132 = arith.constant 0 : i32
    %dma_start3A_1133 = arith.constant 0 : i32
    %dma_start3A_1134 = tpu.memref_slice %dma_start3A_1131[%dma_start3A_1132, %dma_start3A_1133] : memref<2048x128xf32, #tpu.memory_space<hbm>> -> memref<2048x128xf32, #tpu.memory_space<hbm>>
    tpu.enqueue_indirect_dma source(%dma_start3A_1134 : memref<2048x128xf32, #tpu.memory_space<hbm>>) target(%arg11 : memref<128x128xf32, #tpu.memory_space<vmem>>) offsets(%dma_start3A_1127 : memref<128xi32, #tpu.memory_space<vmem>>) semaphore(%arg25 : memref<!tpu.dma_semaphore, #tpu.memory_space<semaphore_mem>>) {add = true}
    %dma_start3A_1135 = arith.constant 6 : i32
    %dma_start3A_1136 = arith.constant 6 : i32
    %dma_start3A_1137 = arith.constant 640 : i32
    %dma_start3A_1138 = tpu.memref_slice %arg5[%dma_start3A_1136, %dma_start3A_1137] : memref<8x1024xi32, #tpu.memory_space<vmem>> -> memref<1x128xi32, #tpu.memory_space<vmem>>
    %dma_start3A_1139 = tpu.memref_squeeze %dma_start3A_1138 : memref<1x128xi32, #tpu.memory_space<vmem>> -> memref<128xi32, #tpu.memory_space<vmem>>
    %dma_start3A_1140 = arith.constant 0 : i32
    %dma_start3A_1141 = arith.constant 0 : i32
    %dma_start3A_1142 = tpu.memref_slice %arg3[%dma_start3A_1135, %dma_start3A_1140, %dma_start3A_1141] : memref<8x2048x128xf32, #tpu.memory_space<hbm>> -> memref<1x2048x128xf32, #tpu.memory_space<hbm>>
    %dma_start3A_1143 = tpu.memref_squeeze %dma_start3A_1142 : memref<1x2048x128xf32, #tpu.memory_space<hbm>> -> memref<2048x128xf32, #tpu.memory_space<hbm>>
    %dma_start3A_1144 = arith.constant 0 : i32
    %dma_start3A_1145 = arith.constant 0 : i32
    %dma_start3A_1146 = tpu.memref_slice %dma_start3A_1143[%dma_start3A_1144, %dma_start3A_1145] : memref<2048x128xf32, #tpu.memory_space<hbm>> -> memref<2048x128xf32, #tpu.memory_space<hbm>>
    tpu.enqueue_indirect_dma source(%dma_start3A_1146 : memref<2048x128xf32, #tpu.memory_space<hbm>>) target(%arg11 : memref<128x128xf32, #tpu.memory_space<vmem>>) offsets(%dma_start3A_1139 : memref<128xi32, #tpu.memory_space<vmem>>) semaphore(%arg25 : memref<!tpu.dma_semaphore, #tpu.memory_space<semaphore_mem>>) {add = true}
    %dma_start3A_1147 = arith.constant 7 : i32
    %dma_start3A_1148 = arith.constant 7 : i32
    %dma_start3A_1149 = arith.constant 640 : i32
    %dma_start3A_1150 = tpu.memref_slice %arg5[%dma_start3A_1148, %dma_start3A_1149] : memref<8x1024xi32, #tpu.memory_space<vmem>> -> memref<1x128xi32, #tpu.memory_space<vmem>>
    %dma_start3A_1151 = tpu.memref_squeeze %dma_start3A_1150 : memref<1x128xi32, #tpu.memory_space<vmem>> -> memref<128xi32, #tpu.memory_space<vmem>>
    %dma_start3A_1152 = arith.constant 0 : i32
    %dma_start3A_1153 = arith.constant 0 : i32
    %dma_start3A_1154 = tpu.memref_slice %arg3[%dma_start3A_1147, %dma_start3A_1152, %dma_start3A_1153] : memref<8x2048x128xf32, #tpu.memory_space<hbm>> -> memref<1x2048x128xf32, #tpu.memory_space<hbm>>
    %dma_start3A_1155 = tpu.memref_squeeze %dma_start3A_1154 : memref<1x2048x128xf32, #tpu.memory_space<hbm>> -> memref<2048x128xf32, #tpu.memory_space<hbm>>
    %dma_start3A_1156 = arith.constant 0 : i32
    %dma_start3A_1157 = arith.constant 0 : i32
    %dma_start3A_1158 = tpu.memref_slice %dma_start3A_1155[%dma_start3A_1156, %dma_start3A_1157] : memref<2048x128xf32, #tpu.memory_space<hbm>> -> memref<2048x128xf32, #tpu.memory_space<hbm>>
    tpu.enqueue_indirect_dma source(%dma_start3A_1158 : memref<2048x128xf32, #tpu.memory_space<hbm>>) target(%arg11 : memref<128x128xf32, #tpu.memory_space<vmem>>) offsets(%dma_start3A_1151 : memref<128xi32, #tpu.memory_space<vmem>>) semaphore(%arg25 : memref<!tpu.dma_semaphore, #tpu.memory_space<semaphore_mem>>) {add = true}
    %dma_wait3A_1159 = arith.constant 1 : i32
    %dma_wait3A_1160 = arith.constant 1 : i32
    %dma_wait3A_1161 = arith.constant 512 : i32
    %dma_wait3A_1162 = tpu.memref_slice %arg5[%dma_wait3A_1160, %dma_wait3A_1161] : memref<8x1024xi32, #tpu.memory_space<vmem>> -> memref<1x128xi32, #tpu.memory_space<vmem>>
    %dma_wait3A_1163 = tpu.memref_squeeze %dma_wait3A_1162 : memref<1x128xi32, #tpu.memory_space<vmem>> -> memref<128xi32, #tpu.memory_space<vmem>>
    %dma_wait3A_1164 = arith.constant 0 : i32
    %dma_wait3A_1165 = arith.constant 0 : i32
    %dma_wait3A_1166 = tpu.memref_slice %arg3[%dma_wait3A_1159, %dma_wait3A_1164, %dma_wait3A_1165] : memref<8x2048x128xf32, #tpu.memory_space<hbm>> -> memref<1x2048x128xf32, #tpu.memory_space<hbm>>
    %dma_wait3A_1167 = tpu.memref_squeeze %dma_wait3A_1166 : memref<1x2048x128xf32, #tpu.memory_space<hbm>> -> memref<2048x128xf32, #tpu.memory_space<hbm>>
    %dma_wait3A_1168 = arith.constant 0 : i32
    %dma_wait3A_1169 = arith.constant 0 : i32
    %dma_wait3A_1170 = tpu.memref_slice %dma_wait3A_1167[%dma_wait3A_1168, %dma_wait3A_1169] : memref<2048x128xf32, #tpu.memory_space<hbm>> -> memref<2048x128xf32, #tpu.memory_space<hbm>>
    tpu.wait_indirect_dma semaphore(%arg24 : memref<!tpu.dma_semaphore, #tpu.memory_space<semaphore_mem>>) src(%dma_wait3A_1170 : memref<2048x128xf32, #tpu.memory_space<hbm>>) dst(%arg10 : memref<128x128xf32, #tpu.memory_space<vmem>>)
    %dma_wait3A_1171 = arith.constant 2 : i32
    %dma_wait3A_1172 = arith.constant 2 : i32
    %dma_wait3A_1173 = arith.constant 512 : i32
    %dma_wait3A_1174 = tpu.memref_slice %arg5[%dma_wait3A_1172, %dma_wait3A_1173] : memref<8x1024xi32, #tpu.memory_space<vmem>> -> memref<1x128xi32, #tpu.memory_space<vmem>>
    %dma_wait3A_1175 = tpu.memref_squeeze %dma_wait3A_1174 : memref<1x128xi32, #tpu.memory_space<vmem>> -> memref<128xi32, #tpu.memory_space<vmem>>
    %dma_wait3A_1176 = arith.constant 0 : i32
    %dma_wait3A_1177 = arith.constant 0 : i32
    %dma_wait3A_1178 = tpu.memref_slice %arg3[%dma_wait3A_1171, %dma_wait3A_1176, %dma_wait3A_1177] : memref<8x2048x128xf32, #tpu.memory_space<hbm>> -> memref<1x2048x128xf32, #tpu.memory_space<hbm>>
    %dma_wait3A_1179 = tpu.memref_squeeze %dma_wait3A_1178 : memref<1x2048x128xf32, #tpu.memory_space<hbm>> -> memref<2048x128xf32, #tpu.memory_space<hbm>>
    %dma_wait3A_1180 = arith.constant 0 : i32
    %dma_wait3A_1181 = arith.constant 0 : i32
    %dma_wait3A_1182 = tpu.memref_slice %dma_wait3A_1179[%dma_wait3A_1180, %dma_wait3A_1181] : memref<2048x128xf32, #tpu.memory_space<hbm>> -> memref<2048x128xf32, #tpu.memory_space<hbm>>
    tpu.wait_indirect_dma semaphore(%arg24 : memref<!tpu.dma_semaphore, #tpu.memory_space<semaphore_mem>>) src(%dma_wait3A_1182 : memref<2048x128xf32, #tpu.memory_space<hbm>>) dst(%arg10 : memref<128x128xf32, #tpu.memory_space<vmem>>)
    %dma_wait3A_1183 = arith.constant 3 : i32
    %dma_wait3A_1184 = arith.constant 3 : i32
    %dma_wait3A_1185 = arith.constant 512 : i32
    %dma_wait3A_1186 = tpu.memref_slice %arg5[%dma_wait3A_1184, %dma_wait3A_1185] : memref<8x1024xi32, #tpu.memory_space<vmem>> -> memref<1x128xi32, #tpu.memory_space<vmem>>
    %dma_wait3A_1187 = tpu.memref_squeeze %dma_wait3A_1186 : memref<1x128xi32, #tpu.memory_space<vmem>> -> memref<128xi32, #tpu.memory_space<vmem>>
    %dma_wait3A_1188 = arith.constant 0 : i32
    %dma_wait3A_1189 = arith.constant 0 : i32
    %dma_wait3A_1190 = tpu.memref_slice %arg3[%dma_wait3A_1183, %dma_wait3A_1188, %dma_wait3A_1189] : memref<8x2048x128xf32, #tpu.memory_space<hbm>> -> memref<1x2048x128xf32, #tpu.memory_space<hbm>>
    %dma_wait3A_1191 = tpu.memref_squeeze %dma_wait3A_1190 : memref<1x2048x128xf32, #tpu.memory_space<hbm>> -> memref<2048x128xf32, #tpu.memory_space<hbm>>
    %dma_wait3A_1192 = arith.constant 0 : i32
    %dma_wait3A_1193 = arith.constant 0 : i32
    %dma_wait3A_1194 = tpu.memref_slice %dma_wait3A_1191[%dma_wait3A_1192, %dma_wait3A_1193] : memref<2048x128xf32, #tpu.memory_space<hbm>> -> memref<2048x128xf32, #tpu.memory_space<hbm>>
    tpu.wait_indirect_dma semaphore(%arg24 : memref<!tpu.dma_semaphore, #tpu.memory_space<semaphore_mem>>) src(%dma_wait3A_1194 : memref<2048x128xf32, #tpu.memory_space<hbm>>) dst(%arg10 : memref<128x128xf32, #tpu.memory_space<vmem>>)
    %dma_wait3A_1195 = arith.constant 4 : i32
    %dma_wait3A_1196 = arith.constant 4 : i32
    %dma_wait3A_1197 = arith.constant 512 : i32
    %dma_wait3A_1198 = tpu.memref_slice %arg5[%dma_wait3A_1196, %dma_wait3A_1197] : memref<8x1024xi32, #tpu.memory_space<vmem>> -> memref<1x128xi32, #tpu.memory_space<vmem>>
    %dma_wait3A_1199 = tpu.memref_squeeze %dma_wait3A_1198 : memref<1x128xi32, #tpu.memory_space<vmem>> -> memref<128xi32, #tpu.memory_space<vmem>>
    %dma_wait3A_1200 = arith.constant 0 : i32
    %dma_wait3A_1201 = arith.constant 0 : i32
    %dma_wait3A_1202 = tpu.memref_slice %arg3[%dma_wait3A_1195, %dma_wait3A_1200, %dma_wait3A_1201] : memref<8x2048x128xf32, #tpu.memory_space<hbm>> -> memref<1x2048x128xf32, #tpu.memory_space<hbm>>
    %dma_wait3A_1203 = tpu.memref_squeeze %dma_wait3A_1202 : memref<1x2048x128xf32, #tpu.memory_space<hbm>> -> memref<2048x128xf32, #tpu.memory_space<hbm>>
    %dma_wait3A_1204 = arith.constant 0 : i32
    %dma_wait3A_1205 = arith.constant 0 : i32
    %dma_wait3A_1206 = tpu.memref_slice %dma_wait3A_1203[%dma_wait3A_1204, %dma_wait3A_1205] : memref<2048x128xf32, #tpu.memory_space<hbm>> -> memref<2048x128xf32, #tpu.memory_space<hbm>>
    tpu.wait_indirect_dma semaphore(%arg24 : memref<!tpu.dma_semaphore, #tpu.memory_space<semaphore_mem>>) src(%dma_wait3A_1206 : memref<2048x128xf32, #tpu.memory_space<hbm>>) dst(%arg10 : memref<128x128xf32, #tpu.memory_space<vmem>>)
    %dma_wait3A_1207 = arith.constant 5 : i32
    %dma_wait3A_1208 = arith.constant 5 : i32
    %dma_wait3A_1209 = arith.constant 512 : i32
    %dma_wait3A_1210 = tpu.memref_slice %arg5[%dma_wait3A_1208, %dma_wait3A_1209] : memref<8x1024xi32, #tpu.memory_space<vmem>> -> memref<1x128xi32, #tpu.memory_space<vmem>>
    %dma_wait3A_1211 = tpu.memref_squeeze %dma_wait3A_1210 : memref<1x128xi32, #tpu.memory_space<vmem>> -> memref<128xi32, #tpu.memory_space<vmem>>
    %dma_wait3A_1212 = arith.constant 0 : i32
    %dma_wait3A_1213 = arith.constant 0 : i32
    %dma_wait3A_1214 = tpu.memref_slice %arg3[%dma_wait3A_1207, %dma_wait3A_1212, %dma_wait3A_1213] : memref<8x2048x128xf32, #tpu.memory_space<hbm>> -> memref<1x2048x128xf32, #tpu.memory_space<hbm>>
    %dma_wait3A_1215 = tpu.memref_squeeze %dma_wait3A_1214 : memref<1x2048x128xf32, #tpu.memory_space<hbm>> -> memref<2048x128xf32, #tpu.memory_space<hbm>>
    %dma_wait3A_1216 = arith.constant 0 : i32
    %dma_wait3A_1217 = arith.constant 0 : i32
    %dma_wait3A_1218 = tpu.memref_slice %dma_wait3A_1215[%dma_wait3A_1216, %dma_wait3A_1217] : memref<2048x128xf32, #tpu.memory_space<hbm>> -> memref<2048x128xf32, #tpu.memory_space<hbm>>
    tpu.wait_indirect_dma semaphore(%arg24 : memref<!tpu.dma_semaphore, #tpu.memory_space<semaphore_mem>>) src(%dma_wait3A_1218 : memref<2048x128xf32, #tpu.memory_space<hbm>>) dst(%arg10 : memref<128x128xf32, #tpu.memory_space<vmem>>)
    %dma_wait3A_1219 = arith.constant 6 : i32
    %dma_wait3A_1220 = arith.constant 6 : i32
    %dma_wait3A_1221 = arith.constant 512 : i32
    %dma_wait3A_1222 = tpu.memref_slice %arg5[%dma_wait3A_1220, %dma_wait3A_1221] : memref<8x1024xi32, #tpu.memory_space<vmem>> -> memref<1x128xi32, #tpu.memory_space<vmem>>
    %dma_wait3A_1223 = tpu.memref_squeeze %dma_wait3A_1222 : memref<1x128xi32, #tpu.memory_space<vmem>> -> memref<128xi32, #tpu.memory_space<vmem>>
    %dma_wait3A_1224 = arith.constant 0 : i32
    %dma_wait3A_1225 = arith.constant 0 : i32
    %dma_wait3A_1226 = tpu.memref_slice %arg3[%dma_wait3A_1219, %dma_wait3A_1224, %dma_wait3A_1225] : memref<8x2048x128xf32, #tpu.memory_space<hbm>> -> memref<1x2048x128xf32, #tpu.memory_space<hbm>>
    %dma_wait3A_1227 = tpu.memref_squeeze %dma_wait3A_1226 : memref<1x2048x128xf32, #tpu.memory_space<hbm>> -> memref<2048x128xf32, #tpu.memory_space<hbm>>
    %dma_wait3A_1228 = arith.constant 0 : i32
    %dma_wait3A_1229 = arith.constant 0 : i32
    %dma_wait3A_1230 = tpu.memref_slice %dma_wait3A_1227[%dma_wait3A_1228, %dma_wait3A_1229] : memref<2048x128xf32, #tpu.memory_space<hbm>> -> memref<2048x128xf32, #tpu.memory_space<hbm>>
    tpu.wait_indirect_dma semaphore(%arg24 : memref<!tpu.dma_semaphore, #tpu.memory_space<semaphore_mem>>) src(%dma_wait3A_1230 : memref<2048x128xf32, #tpu.memory_space<hbm>>) dst(%arg10 : memref<128x128xf32, #tpu.memory_space<vmem>>)
    %dma_wait3A_1231 = arith.constant 7 : i32
    %dma_wait3A_1232 = arith.constant 7 : i32
    %dma_wait3A_1233 = arith.constant 512 : i32
    %dma_wait3A_1234 = tpu.memref_slice %arg5[%dma_wait3A_1232, %dma_wait3A_1233] : memref<8x1024xi32, #tpu.memory_space<vmem>> -> memref<1x128xi32, #tpu.memory_space<vmem>>
    %dma_wait3A_1235 = tpu.memref_squeeze %dma_wait3A_1234 : memref<1x128xi32, #tpu.memory_space<vmem>> -> memref<128xi32, #tpu.memory_space<vmem>>
    %dma_wait3A_1236 = arith.constant 0 : i32
    %dma_wait3A_1237 = arith.constant 0 : i32
    %dma_wait3A_1238 = tpu.memref_slice %arg3[%dma_wait3A_1231, %dma_wait3A_1236, %dma_wait3A_1237] : memref<8x2048x128xf32, #tpu.memory_space<hbm>> -> memref<1x2048x128xf32, #tpu.memory_space<hbm>>
    %dma_wait3A_1239 = tpu.memref_squeeze %dma_wait3A_1238 : memref<1x2048x128xf32, #tpu.memory_space<hbm>> -> memref<2048x128xf32, #tpu.memory_space<hbm>>
    %dma_wait3A_1240 = arith.constant 0 : i32
    %dma_wait3A_1241 = arith.constant 0 : i32
    %dma_wait3A_1242 = tpu.memref_slice %dma_wait3A_1239[%dma_wait3A_1240, %dma_wait3A_1241] : memref<2048x128xf32, #tpu.memory_space<hbm>> -> memref<2048x128xf32, #tpu.memory_space<hbm>>
    tpu.wait_indirect_dma semaphore(%arg24 : memref<!tpu.dma_semaphore, #tpu.memory_space<semaphore_mem>>) src(%dma_wait3A_1242 : memref<2048x128xf32, #tpu.memory_space<hbm>>) dst(%arg10 : memref<128x128xf32, #tpu.memory_space<vmem>>)
    %mul3A_1243 = arith.constant 1024 : i32
    %mul3A_1244 = arith.muli %add3A, %mul3A_1243 : i32
    %add3A_1245 = arith.constant 512 : i32
    %add3A_1246 = arith.addi %mul3A_1244, %add3A_1245 : i32
    %dma_start3A_1247 = arith.constant 0 : i32
    %dma_start3A_1248 = tpu.memref_slice %arg4[%add3A_1246, %dma_start3A_1247] : memref<32768x128xf32, #tpu.memory_space<hbm>> -> memref<128x128xf32, #tpu.memory_space<hbm>>
    %dma_start3A_1249 = arith.constant 0 : i32
    %dma_start3A_1250 = tpu.memref_slice %arg4[%add3A_1246, %dma_start3A_1249] : memref<32768x128xf32, #tpu.memory_space<hbm>> -> memref<128x128xf32, #tpu.memory_space<hbm>>
    tpu.enqueue_dma source(%arg10 : memref<128x128xf32, #tpu.memory_space<vmem>>) target(%dma_start3A_1250 : memref<128x128xf32, #tpu.memory_space<hbm>>) target_semaphore(%arg32 : memref<!tpu.dma_semaphore, #tpu.memory_space<semaphore_mem>>)
    %dma_wait3A_1251 = arith.constant 0 : i32
    %dma_wait3A_1252 = arith.constant 0 : i32
    %dma_wait3A_1253 = arith.constant 768 : i32
    %dma_wait3A_1254 = tpu.memref_slice %arg5[%dma_wait3A_1252, %dma_wait3A_1253] : memref<8x1024xi32, #tpu.memory_space<vmem>> -> memref<1x128xi32, #tpu.memory_space<vmem>>
    %dma_wait3A_1255 = tpu.memref_squeeze %dma_wait3A_1254 : memref<1x128xi32, #tpu.memory_space<vmem>> -> memref<128xi32, #tpu.memory_space<vmem>>
    %dma_wait3A_1256 = arith.constant 0 : i32
    %dma_wait3A_1257 = arith.constant 0 : i32
    %dma_wait3A_1258 = tpu.memref_slice %arg3[%dma_wait3A_1251, %dma_wait3A_1256, %dma_wait3A_1257] : memref<8x2048x128xf32, #tpu.memory_space<hbm>> -> memref<1x2048x128xf32, #tpu.memory_space<hbm>>
    %dma_wait3A_1259 = tpu.memref_squeeze %dma_wait3A_1258 : memref<1x2048x128xf32, #tpu.memory_space<hbm>> -> memref<2048x128xf32, #tpu.memory_space<hbm>>
    %dma_wait3A_1260 = arith.constant 0 : i32
    %dma_wait3A_1261 = arith.constant 0 : i32
    %dma_wait3A_1262 = tpu.memref_slice %dma_wait3A_1259[%dma_wait3A_1260, %dma_wait3A_1261] : memref<2048x128xf32, #tpu.memory_space<hbm>> -> memref<2048x128xf32, #tpu.memory_space<hbm>>
    tpu.wait_indirect_dma semaphore(%arg18 : memref<!tpu.dma_semaphore, #tpu.memory_space<semaphore_mem>>) src(%dma_wait3A_1262 : memref<2048x128xf32, #tpu.memory_space<hbm>>) dst(%arg6 : memref<128x128xf32, #tpu.memory_space<vmem>>)
    %dma_start3A_1263 = arith.constant 1 : i32
    %dma_start3A_1264 = arith.constant 1 : i32
    %dma_start3A_1265 = arith.constant 768 : i32
    %dma_start3A_1266 = tpu.memref_slice %arg5[%dma_start3A_1264, %dma_start3A_1265] : memref<8x1024xi32, #tpu.memory_space<vmem>> -> memref<1x128xi32, #tpu.memory_space<vmem>>
    %dma_start3A_1267 = tpu.memref_squeeze %dma_start3A_1266 : memref<1x128xi32, #tpu.memory_space<vmem>> -> memref<128xi32, #tpu.memory_space<vmem>>
    %dma_start3A_1268 = arith.constant 0 : i32
    %dma_start3A_1269 = arith.constant 0 : i32
    %dma_start3A_1270 = tpu.memref_slice %arg3[%dma_start3A_1263, %dma_start3A_1268, %dma_start3A_1269] : memref<8x2048x128xf32, #tpu.memory_space<hbm>> -> memref<1x2048x128xf32, #tpu.memory_space<hbm>>
    %dma_start3A_1271 = tpu.memref_squeeze %dma_start3A_1270 : memref<1x2048x128xf32, #tpu.memory_space<hbm>> -> memref<2048x128xf32, #tpu.memory_space<hbm>>
    %dma_start3A_1272 = arith.constant 0 : i32
    %dma_start3A_1273 = arith.constant 0 : i32
    %dma_start3A_1274 = tpu.memref_slice %dma_start3A_1271[%dma_start3A_1272, %dma_start3A_1273] : memref<2048x128xf32, #tpu.memory_space<hbm>> -> memref<2048x128xf32, #tpu.memory_space<hbm>>
    tpu.enqueue_indirect_dma source(%dma_start3A_1274 : memref<2048x128xf32, #tpu.memory_space<hbm>>) target(%arg6 : memref<128x128xf32, #tpu.memory_space<vmem>>) offsets(%dma_start3A_1267 : memref<128xi32, #tpu.memory_space<vmem>>) semaphore(%arg26 : memref<!tpu.dma_semaphore, #tpu.memory_space<semaphore_mem>>) {add = true}
    %dma_start3A_1275 = arith.constant 2 : i32
    %dma_start3A_1276 = arith.constant 2 : i32
    %dma_start3A_1277 = arith.constant 768 : i32
    %dma_start3A_1278 = tpu.memref_slice %arg5[%dma_start3A_1276, %dma_start3A_1277] : memref<8x1024xi32, #tpu.memory_space<vmem>> -> memref<1x128xi32, #tpu.memory_space<vmem>>
    %dma_start3A_1279 = tpu.memref_squeeze %dma_start3A_1278 : memref<1x128xi32, #tpu.memory_space<vmem>> -> memref<128xi32, #tpu.memory_space<vmem>>
    %dma_start3A_1280 = arith.constant 0 : i32
    %dma_start3A_1281 = arith.constant 0 : i32
    %dma_start3A_1282 = tpu.memref_slice %arg3[%dma_start3A_1275, %dma_start3A_1280, %dma_start3A_1281] : memref<8x2048x128xf32, #tpu.memory_space<hbm>> -> memref<1x2048x128xf32, #tpu.memory_space<hbm>>
    %dma_start3A_1283 = tpu.memref_squeeze %dma_start3A_1282 : memref<1x2048x128xf32, #tpu.memory_space<hbm>> -> memref<2048x128xf32, #tpu.memory_space<hbm>>
    %dma_start3A_1284 = arith.constant 0 : i32
    %dma_start3A_1285 = arith.constant 0 : i32
    %dma_start3A_1286 = tpu.memref_slice %dma_start3A_1283[%dma_start3A_1284, %dma_start3A_1285] : memref<2048x128xf32, #tpu.memory_space<hbm>> -> memref<2048x128xf32, #tpu.memory_space<hbm>>
    tpu.enqueue_indirect_dma source(%dma_start3A_1286 : memref<2048x128xf32, #tpu.memory_space<hbm>>) target(%arg6 : memref<128x128xf32, #tpu.memory_space<vmem>>) offsets(%dma_start3A_1279 : memref<128xi32, #tpu.memory_space<vmem>>) semaphore(%arg26 : memref<!tpu.dma_semaphore, #tpu.memory_space<semaphore_mem>>) {add = true}
    %dma_start3A_1287 = arith.constant 3 : i32
    %dma_start3A_1288 = arith.constant 3 : i32
    %dma_start3A_1289 = arith.constant 768 : i32
    %dma_start3A_1290 = tpu.memref_slice %arg5[%dma_start3A_1288, %dma_start3A_1289] : memref<8x1024xi32, #tpu.memory_space<vmem>> -> memref<1x128xi32, #tpu.memory_space<vmem>>
    %dma_start3A_1291 = tpu.memref_squeeze %dma_start3A_1290 : memref<1x128xi32, #tpu.memory_space<vmem>> -> memref<128xi32, #tpu.memory_space<vmem>>
    %dma_start3A_1292 = arith.constant 0 : i32
    %dma_start3A_1293 = arith.constant 0 : i32
    %dma_start3A_1294 = tpu.memref_slice %arg3[%dma_start3A_1287, %dma_start3A_1292, %dma_start3A_1293] : memref<8x2048x128xf32, #tpu.memory_space<hbm>> -> memref<1x2048x128xf32, #tpu.memory_space<hbm>>
    %dma_start3A_1295 = tpu.memref_squeeze %dma_start3A_1294 : memref<1x2048x128xf32, #tpu.memory_space<hbm>> -> memref<2048x128xf32, #tpu.memory_space<hbm>>
    %dma_start3A_1296 = arith.constant 0 : i32
    %dma_start3A_1297 = arith.constant 0 : i32
    %dma_start3A_1298 = tpu.memref_slice %dma_start3A_1295[%dma_start3A_1296, %dma_start3A_1297] : memref<2048x128xf32, #tpu.memory_space<hbm>> -> memref<2048x128xf32, #tpu.memory_space<hbm>>
    tpu.enqueue_indirect_dma source(%dma_start3A_1298 : memref<2048x128xf32, #tpu.memory_space<hbm>>) target(%arg6 : memref<128x128xf32, #tpu.memory_space<vmem>>) offsets(%dma_start3A_1291 : memref<128xi32, #tpu.memory_space<vmem>>) semaphore(%arg26 : memref<!tpu.dma_semaphore, #tpu.memory_space<semaphore_mem>>) {add = true}
    %dma_start3A_1299 = arith.constant 4 : i32
    %dma_start3A_1300 = arith.constant 4 : i32
    %dma_start3A_1301 = arith.constant 768 : i32
    %dma_start3A_1302 = tpu.memref_slice %arg5[%dma_start3A_1300, %dma_start3A_1301] : memref<8x1024xi32, #tpu.memory_space<vmem>> -> memref<1x128xi32, #tpu.memory_space<vmem>>
    %dma_start3A_1303 = tpu.memref_squeeze %dma_start3A_1302 : memref<1x128xi32, #tpu.memory_space<vmem>> -> memref<128xi32, #tpu.memory_space<vmem>>
    %dma_start3A_1304 = arith.constant 0 : i32
    %dma_start3A_1305 = arith.constant 0 : i32
    %dma_start3A_1306 = tpu.memref_slice %arg3[%dma_start3A_1299, %dma_start3A_1304, %dma_start3A_1305] : memref<8x2048x128xf32, #tpu.memory_space<hbm>> -> memref<1x2048x128xf32, #tpu.memory_space<hbm>>
    %dma_start3A_1307 = tpu.memref_squeeze %dma_start3A_1306 : memref<1x2048x128xf32, #tpu.memory_space<hbm>> -> memref<2048x128xf32, #tpu.memory_space<hbm>>
    %dma_start3A_1308 = arith.constant 0 : i32
    %dma_start3A_1309 = arith.constant 0 : i32
    %dma_start3A_1310 = tpu.memref_slice %dma_start3A_1307[%dma_start3A_1308, %dma_start3A_1309] : memref<2048x128xf32, #tpu.memory_space<hbm>> -> memref<2048x128xf32, #tpu.memory_space<hbm>>
    tpu.enqueue_indirect_dma source(%dma_start3A_1310 : memref<2048x128xf32, #tpu.memory_space<hbm>>) target(%arg6 : memref<128x128xf32, #tpu.memory_space<vmem>>) offsets(%dma_start3A_1303 : memref<128xi32, #tpu.memory_space<vmem>>) semaphore(%arg26 : memref<!tpu.dma_semaphore, #tpu.memory_space<semaphore_mem>>) {add = true}
    %dma_start3A_1311 = arith.constant 5 : i32
    %dma_start3A_1312 = arith.constant 5 : i32
    %dma_start3A_1313 = arith.constant 768 : i32
    %dma_start3A_1314 = tpu.memref_slice %arg5[%dma_start3A_1312, %dma_start3A_1313] : memref<8x1024xi32, #tpu.memory_space<vmem>> -> memref<1x128xi32, #tpu.memory_space<vmem>>
    %dma_start3A_1315 = tpu.memref_squeeze %dma_start3A_1314 : memref<1x128xi32, #tpu.memory_space<vmem>> -> memref<128xi32, #tpu.memory_space<vmem>>
    %dma_start3A_1316 = arith.constant 0 : i32
    %dma_start3A_1317 = arith.constant 0 : i32
    %dma_start3A_1318 = tpu.memref_slice %arg3[%dma_start3A_1311, %dma_start3A_1316, %dma_start3A_1317] : memref<8x2048x128xf32, #tpu.memory_space<hbm>> -> memref<1x2048x128xf32, #tpu.memory_space<hbm>>
    %dma_start3A_1319 = tpu.memref_squeeze %dma_start3A_1318 : memref<1x2048x128xf32, #tpu.memory_space<hbm>> -> memref<2048x128xf32, #tpu.memory_space<hbm>>
    %dma_start3A_1320 = arith.constant 0 : i32
    %dma_start3A_1321 = arith.constant 0 : i32
    %dma_start3A_1322 = tpu.memref_slice %dma_start3A_1319[%dma_start3A_1320, %dma_start3A_1321] : memref<2048x128xf32, #tpu.memory_space<hbm>> -> memref<2048x128xf32, #tpu.memory_space<hbm>>
    tpu.enqueue_indirect_dma source(%dma_start3A_1322 : memref<2048x128xf32, #tpu.memory_space<hbm>>) target(%arg6 : memref<128x128xf32, #tpu.memory_space<vmem>>) offsets(%dma_start3A_1315 : memref<128xi32, #tpu.memory_space<vmem>>) semaphore(%arg26 : memref<!tpu.dma_semaphore, #tpu.memory_space<semaphore_mem>>) {add = true}
    %dma_start3A_1323 = arith.constant 6 : i32
    %dma_start3A_1324 = arith.constant 6 : i32
    %dma_start3A_1325 = arith.constant 768 : i32
    %dma_start3A_1326 = tpu.memref_slice %arg5[%dma_start3A_1324, %dma_start3A_1325] : memref<8x1024xi32, #tpu.memory_space<vmem>> -> memref<1x128xi32, #tpu.memory_space<vmem>>
    %dma_start3A_1327 = tpu.memref_squeeze %dma_start3A_1326 : memref<1x128xi32, #tpu.memory_space<vmem>> -> memref<128xi32, #tpu.memory_space<vmem>>
    %dma_start3A_1328 = arith.constant 0 : i32
    %dma_start3A_1329 = arith.constant 0 : i32
    %dma_start3A_1330 = tpu.memref_slice %arg3[%dma_start3A_1323, %dma_start3A_1328, %dma_start3A_1329] : memref<8x2048x128xf32, #tpu.memory_space<hbm>> -> memref<1x2048x128xf32, #tpu.memory_space<hbm>>
    %dma_start3A_1331 = tpu.memref_squeeze %dma_start3A_1330 : memref<1x2048x128xf32, #tpu.memory_space<hbm>> -> memref<2048x128xf32, #tpu.memory_space<hbm>>
    %dma_start3A_1332 = arith.constant 0 : i32
    %dma_start3A_1333 = arith.constant 0 : i32
    %dma_start3A_1334 = tpu.memref_slice %dma_start3A_1331[%dma_start3A_1332, %dma_start3A_1333] : memref<2048x128xf32, #tpu.memory_space<hbm>> -> memref<2048x128xf32, #tpu.memory_space<hbm>>
    tpu.enqueue_indirect_dma source(%dma_start3A_1334 : memref<2048x128xf32, #tpu.memory_space<hbm>>) target(%arg6 : memref<128x128xf32, #tpu.memory_space<vmem>>) offsets(%dma_start3A_1327 : memref<128xi32, #tpu.memory_space<vmem>>) semaphore(%arg26 : memref<!tpu.dma_semaphore, #tpu.memory_space<semaphore_mem>>) {add = true}
    %dma_start3A_1335 = arith.constant 7 : i32
    %dma_start3A_1336 = arith.constant 7 : i32
    %dma_start3A_1337 = arith.constant 768 : i32
    %dma_start3A_1338 = tpu.memref_slice %arg5[%dma_start3A_1336, %dma_start3A_1337] : memref<8x1024xi32, #tpu.memory_space<vmem>> -> memref<1x128xi32, #tpu.memory_space<vmem>>
    %dma_start3A_1339 = tpu.memref_squeeze %dma_start3A_1338 : memref<1x128xi32, #tpu.memory_space<vmem>> -> memref<128xi32, #tpu.memory_space<vmem>>
    %dma_start3A_1340 = arith.constant 0 : i32
    %dma_start3A_1341 = arith.constant 0 : i32
    %dma_start3A_1342 = tpu.memref_slice %arg3[%dma_start3A_1335, %dma_start3A_1340, %dma_start3A_1341] : memref<8x2048x128xf32, #tpu.memory_space<hbm>> -> memref<1x2048x128xf32, #tpu.memory_space<hbm>>
    %dma_start3A_1343 = tpu.memref_squeeze %dma_start3A_1342 : memref<1x2048x128xf32, #tpu.memory_space<hbm>> -> memref<2048x128xf32, #tpu.memory_space<hbm>>
    %dma_start3A_1344 = arith.constant 0 : i32
    %dma_start3A_1345 = arith.constant 0 : i32
    %dma_start3A_1346 = tpu.memref_slice %dma_start3A_1343[%dma_start3A_1344, %dma_start3A_1345] : memref<2048x128xf32, #tpu.memory_space<hbm>> -> memref<2048x128xf32, #tpu.memory_space<hbm>>
    tpu.enqueue_indirect_dma source(%dma_start3A_1346 : memref<2048x128xf32, #tpu.memory_space<hbm>>) target(%arg6 : memref<128x128xf32, #tpu.memory_space<vmem>>) offsets(%dma_start3A_1339 : memref<128xi32, #tpu.memory_space<vmem>>) semaphore(%arg26 : memref<!tpu.dma_semaphore, #tpu.memory_space<semaphore_mem>>) {add = true}
    %dma_wait3A_1347 = arith.constant 1 : i32
    %dma_wait3A_1348 = arith.constant 1 : i32
    %dma_wait3A_1349 = arith.constant 640 : i32
    %dma_wait3A_1350 = tpu.memref_slice %arg5[%dma_wait3A_1348, %dma_wait3A_1349] : memref<8x1024xi32, #tpu.memory_space<vmem>> -> memref<1x128xi32, #tpu.memory_space<vmem>>
    %dma_wait3A_1351 = tpu.memref_squeeze %dma_wait3A_1350 : memref<1x128xi32, #tpu.memory_space<vmem>> -> memref<128xi32, #tpu.memory_space<vmem>>
    %dma_wait3A_1352 = arith.constant 0 : i32
    %dma_wait3A_1353 = arith.constant 0 : i32
    %dma_wait3A_1354 = tpu.memref_slice %arg3[%dma_wait3A_1347, %dma_wait3A_1352, %dma_wait3A_1353] : memref<8x2048x128xf32, #tpu.memory_space<hbm>> -> memref<1x2048x128xf32, #tpu.memory_space<hbm>>
    %dma_wait3A_1355 = tpu.memref_squeeze %dma_wait3A_1354 : memref<1x2048x128xf32, #tpu.memory_space<hbm>> -> memref<2048x128xf32, #tpu.memory_space<hbm>>
    %dma_wait3A_1356 = arith.constant 0 : i32
    %dma_wait3A_1357 = arith.constant 0 : i32
    %dma_wait3A_1358 = tpu.memref_slice %dma_wait3A_1355[%dma_wait3A_1356, %dma_wait3A_1357] : memref<2048x128xf32, #tpu.memory_space<hbm>> -> memref<2048x128xf32, #tpu.memory_space<hbm>>
    tpu.wait_indirect_dma semaphore(%arg25 : memref<!tpu.dma_semaphore, #tpu.memory_space<semaphore_mem>>) src(%dma_wait3A_1358 : memref<2048x128xf32, #tpu.memory_space<hbm>>) dst(%arg11 : memref<128x128xf32, #tpu.memory_space<vmem>>)
    %dma_wait3A_1359 = arith.constant 2 : i32
    %dma_wait3A_1360 = arith.constant 2 : i32
    %dma_wait3A_1361 = arith.constant 640 : i32
    %dma_wait3A_1362 = tpu.memref_slice %arg5[%dma_wait3A_1360, %dma_wait3A_1361] : memref<8x1024xi32, #tpu.memory_space<vmem>> -> memref<1x128xi32, #tpu.memory_space<vmem>>
    %dma_wait3A_1363 = tpu.memref_squeeze %dma_wait3A_1362 : memref<1x128xi32, #tpu.memory_space<vmem>> -> memref<128xi32, #tpu.memory_space<vmem>>
    %dma_wait3A_1364 = arith.constant 0 : i32
    %dma_wait3A_1365 = arith.constant 0 : i32
    %dma_wait3A_1366 = tpu.memref_slice %arg3[%dma_wait3A_1359, %dma_wait3A_1364, %dma_wait3A_1365] : memref<8x2048x128xf32, #tpu.memory_space<hbm>> -> memref<1x2048x128xf32, #tpu.memory_space<hbm>>
    %dma_wait3A_1367 = tpu.memref_squeeze %dma_wait3A_1366 : memref<1x2048x128xf32, #tpu.memory_space<hbm>> -> memref<2048x128xf32, #tpu.memory_space<hbm>>
    %dma_wait3A_1368 = arith.constant 0 : i32
    %dma_wait3A_1369 = arith.constant 0 : i32
    %dma_wait3A_1370 = tpu.memref_slice %dma_wait3A_1367[%dma_wait3A_1368, %dma_wait3A_1369] : memref<2048x128xf32, #tpu.memory_space<hbm>> -> memref<2048x128xf32, #tpu.memory_space<hbm>>
    tpu.wait_indirect_dma semaphore(%arg25 : memref<!tpu.dma_semaphore, #tpu.memory_space<semaphore_mem>>) src(%dma_wait3A_1370 : memref<2048x128xf32, #tpu.memory_space<hbm>>) dst(%arg11 : memref<128x128xf32, #tpu.memory_space<vmem>>)
    %dma_wait3A_1371 = arith.constant 3 : i32
    %dma_wait3A_1372 = arith.constant 3 : i32
    %dma_wait3A_1373 = arith.constant 640 : i32
    %dma_wait3A_1374 = tpu.memref_slice %arg5[%dma_wait3A_1372, %dma_wait3A_1373] : memref<8x1024xi32, #tpu.memory_space<vmem>> -> memref<1x128xi32, #tpu.memory_space<vmem>>
    %dma_wait3A_1375 = tpu.memref_squeeze %dma_wait3A_1374 : memref<1x128xi32, #tpu.memory_space<vmem>> -> memref<128xi32, #tpu.memory_space<vmem>>
    %dma_wait3A_1376 = arith.constant 0 : i32
    %dma_wait3A_1377 = arith.constant 0 : i32
    %dma_wait3A_1378 = tpu.memref_slice %arg3[%dma_wait3A_1371, %dma_wait3A_1376, %dma_wait3A_1377] : memref<8x2048x128xf32, #tpu.memory_space<hbm>> -> memref<1x2048x128xf32, #tpu.memory_space<hbm>>
    %dma_wait3A_1379 = tpu.memref_squeeze %dma_wait3A_1378 : memref<1x2048x128xf32, #tpu.memory_space<hbm>> -> memref<2048x128xf32, #tpu.memory_space<hbm>>
    %dma_wait3A_1380 = arith.constant 0 : i32
    %dma_wait3A_1381 = arith.constant 0 : i32
    %dma_wait3A_1382 = tpu.memref_slice %dma_wait3A_1379[%dma_wait3A_1380, %dma_wait3A_1381] : memref<2048x128xf32, #tpu.memory_space<hbm>> -> memref<2048x128xf32, #tpu.memory_space<hbm>>
    tpu.wait_indirect_dma semaphore(%arg25 : memref<!tpu.dma_semaphore, #tpu.memory_space<semaphore_mem>>) src(%dma_wait3A_1382 : memref<2048x128xf32, #tpu.memory_space<hbm>>) dst(%arg11 : memref<128x128xf32, #tpu.memory_space<vmem>>)
    %dma_wait3A_1383 = arith.constant 4 : i32
    %dma_wait3A_1384 = arith.constant 4 : i32
    %dma_wait3A_1385 = arith.constant 640 : i32
    %dma_wait3A_1386 = tpu.memref_slice %arg5[%dma_wait3A_1384, %dma_wait3A_1385] : memref<8x1024xi32, #tpu.memory_space<vmem>> -> memref<1x128xi32, #tpu.memory_space<vmem>>
    %dma_wait3A_1387 = tpu.memref_squeeze %dma_wait3A_1386 : memref<1x128xi32, #tpu.memory_space<vmem>> -> memref<128xi32, #tpu.memory_space<vmem>>
    %dma_wait3A_1388 = arith.constant 0 : i32
    %dma_wait3A_1389 = arith.constant 0 : i32
    %dma_wait3A_1390 = tpu.memref_slice %arg3[%dma_wait3A_1383, %dma_wait3A_1388, %dma_wait3A_1389] : memref<8x2048x128xf32, #tpu.memory_space<hbm>> -> memref<1x2048x128xf32, #tpu.memory_space<hbm>>
    %dma_wait3A_1391 = tpu.memref_squeeze %dma_wait3A_1390 : memref<1x2048x128xf32, #tpu.memory_space<hbm>> -> memref<2048x128xf32, #tpu.memory_space<hbm>>
    %dma_wait3A_1392 = arith.constant 0 : i32
    %dma_wait3A_1393 = arith.constant 0 : i32
    %dma_wait3A_1394 = tpu.memref_slice %dma_wait3A_1391[%dma_wait3A_1392, %dma_wait3A_1393] : memref<2048x128xf32, #tpu.memory_space<hbm>> -> memref<2048x128xf32, #tpu.memory_space<hbm>>
    tpu.wait_indirect_dma semaphore(%arg25 : memref<!tpu.dma_semaphore, #tpu.memory_space<semaphore_mem>>) src(%dma_wait3A_1394 : memref<2048x128xf32, #tpu.memory_space<hbm>>) dst(%arg11 : memref<128x128xf32, #tpu.memory_space<vmem>>)
    %dma_wait3A_1395 = arith.constant 5 : i32
    %dma_wait3A_1396 = arith.constant 5 : i32
    %dma_wait3A_1397 = arith.constant 640 : i32
    %dma_wait3A_1398 = tpu.memref_slice %arg5[%dma_wait3A_1396, %dma_wait3A_1397] : memref<8x1024xi32, #tpu.memory_space<vmem>> -> memref<1x128xi32, #tpu.memory_space<vmem>>
    %dma_wait3A_1399 = tpu.memref_squeeze %dma_wait3A_1398 : memref<1x128xi32, #tpu.memory_space<vmem>> -> memref<128xi32, #tpu.memory_space<vmem>>
    %dma_wait3A_1400 = arith.constant 0 : i32
    %dma_wait3A_1401 = arith.constant 0 : i32
    %dma_wait3A_1402 = tpu.memref_slice %arg3[%dma_wait3A_1395, %dma_wait3A_1400, %dma_wait3A_1401] : memref<8x2048x128xf32, #tpu.memory_space<hbm>> -> memref<1x2048x128xf32, #tpu.memory_space<hbm>>
    %dma_wait3A_1403 = tpu.memref_squeeze %dma_wait3A_1402 : memref<1x2048x128xf32, #tpu.memory_space<hbm>> -> memref<2048x128xf32, #tpu.memory_space<hbm>>
    %dma_wait3A_1404 = arith.constant 0 : i32
    %dma_wait3A_1405 = arith.constant 0 : i32
    %dma_wait3A_1406 = tpu.memref_slice %dma_wait3A_1403[%dma_wait3A_1404, %dma_wait3A_1405] : memref<2048x128xf32, #tpu.memory_space<hbm>> -> memref<2048x128xf32, #tpu.memory_space<hbm>>
    tpu.wait_indirect_dma semaphore(%arg25 : memref<!tpu.dma_semaphore, #tpu.memory_space<semaphore_mem>>) src(%dma_wait3A_1406 : memref<2048x128xf32, #tpu.memory_space<hbm>>) dst(%arg11 : memref<128x128xf32, #tpu.memory_space<vmem>>)
    %dma_wait3A_1407 = arith.constant 6 : i32
    %dma_wait3A_1408 = arith.constant 6 : i32
    %dma_wait3A_1409 = arith.constant 640 : i32
    %dma_wait3A_1410 = tpu.memref_slice %arg5[%dma_wait3A_1408, %dma_wait3A_1409] : memref<8x1024xi32, #tpu.memory_space<vmem>> -> memref<1x128xi32, #tpu.memory_space<vmem>>
    %dma_wait3A_1411 = tpu.memref_squeeze %dma_wait3A_1410 : memref<1x128xi32, #tpu.memory_space<vmem>> -> memref<128xi32, #tpu.memory_space<vmem>>
    %dma_wait3A_1412 = arith.constant 0 : i32
    %dma_wait3A_1413 = arith.constant 0 : i32
    %dma_wait3A_1414 = tpu.memref_slice %arg3[%dma_wait3A_1407, %dma_wait3A_1412, %dma_wait3A_1413] : memref<8x2048x128xf32, #tpu.memory_space<hbm>> -> memref<1x2048x128xf32, #tpu.memory_space<hbm>>
    %dma_wait3A_1415 = tpu.memref_squeeze %dma_wait3A_1414 : memref<1x2048x128xf32, #tpu.memory_space<hbm>> -> memref<2048x128xf32, #tpu.memory_space<hbm>>
    %dma_wait3A_1416 = arith.constant 0 : i32
    %dma_wait3A_1417 = arith.constant 0 : i32
    %dma_wait3A_1418 = tpu.memref_slice %dma_wait3A_1415[%dma_wait3A_1416, %dma_wait3A_1417] : memref<2048x128xf32, #tpu.memory_space<hbm>> -> memref<2048x128xf32, #tpu.memory_space<hbm>>
    tpu.wait_indirect_dma semaphore(%arg25 : memref<!tpu.dma_semaphore, #tpu.memory_space<semaphore_mem>>) src(%dma_wait3A_1418 : memref<2048x128xf32, #tpu.memory_space<hbm>>) dst(%arg11 : memref<128x128xf32, #tpu.memory_space<vmem>>)
    %dma_wait3A_1419 = arith.constant 7 : i32
    %dma_wait3A_1420 = arith.constant 7 : i32
    %dma_wait3A_1421 = arith.constant 640 : i32
    %dma_wait3A_1422 = tpu.memref_slice %arg5[%dma_wait3A_1420, %dma_wait3A_1421] : memref<8x1024xi32, #tpu.memory_space<vmem>> -> memref<1x128xi32, #tpu.memory_space<vmem>>
    %dma_wait3A_1423 = tpu.memref_squeeze %dma_wait3A_1422 : memref<1x128xi32, #tpu.memory_space<vmem>> -> memref<128xi32, #tpu.memory_space<vmem>>
    %dma_wait3A_1424 = arith.constant 0 : i32
    %dma_wait3A_1425 = arith.constant 0 : i32
    %dma_wait3A_1426 = tpu.memref_slice %arg3[%dma_wait3A_1419, %dma_wait3A_1424, %dma_wait3A_1425] : memref<8x2048x128xf32, #tpu.memory_space<hbm>> -> memref<1x2048x128xf32, #tpu.memory_space<hbm>>
    %dma_wait3A_1427 = tpu.memref_squeeze %dma_wait3A_1426 : memref<1x2048x128xf32, #tpu.memory_space<hbm>> -> memref<2048x128xf32, #tpu.memory_space<hbm>>
    %dma_wait3A_1428 = arith.constant 0 : i32
    %dma_wait3A_1429 = arith.constant 0 : i32
    %dma_wait3A_1430 = tpu.memref_slice %dma_wait3A_1427[%dma_wait3A_1428, %dma_wait3A_1429] : memref<2048x128xf32, #tpu.memory_space<hbm>> -> memref<2048x128xf32, #tpu.memory_space<hbm>>
    tpu.wait_indirect_dma semaphore(%arg25 : memref<!tpu.dma_semaphore, #tpu.memory_space<semaphore_mem>>) src(%dma_wait3A_1430 : memref<2048x128xf32, #tpu.memory_space<hbm>>) dst(%arg11 : memref<128x128xf32, #tpu.memory_space<vmem>>)
    %mul3A_1431 = arith.constant 1024 : i32
    %mul3A_1432 = arith.muli %add3A, %mul3A_1431 : i32
    %add3A_1433 = arith.constant 640 : i32
    %add3A_1434 = arith.addi %mul3A_1432, %add3A_1433 : i32
    %dma_start3A_1435 = arith.constant 0 : i32
    %dma_start3A_1436 = tpu.memref_slice %arg4[%add3A_1434, %dma_start3A_1435] : memref<32768x128xf32, #tpu.memory_space<hbm>> -> memref<128x128xf32, #tpu.memory_space<hbm>>
    %dma_start3A_1437 = arith.constant 0 : i32
    %dma_start3A_1438 = tpu.memref_slice %arg4[%add3A_1434, %dma_start3A_1437] : memref<32768x128xf32, #tpu.memory_space<hbm>> -> memref<128x128xf32, #tpu.memory_space<hbm>>
    tpu.enqueue_dma source(%arg11 : memref<128x128xf32, #tpu.memory_space<vmem>>) target(%dma_start3A_1438 : memref<128x128xf32, #tpu.memory_space<hbm>>) target_semaphore(%arg33 : memref<!tpu.dma_semaphore, #tpu.memory_space<semaphore_mem>>)
    %dma_wait3A_1439 = arith.constant 0 : i32
    %dma_wait3A_1440 = arith.constant 0 : i32
    %dma_wait3A_1441 = arith.constant 896 : i32
    %dma_wait3A_1442 = tpu.memref_slice %arg5[%dma_wait3A_1440, %dma_wait3A_1441] : memref<8x1024xi32, #tpu.memory_space<vmem>> -> memref<1x128xi32, #tpu.memory_space<vmem>>
    %dma_wait3A_1443 = tpu.memref_squeeze %dma_wait3A_1442 : memref<1x128xi32, #tpu.memory_space<vmem>> -> memref<128xi32, #tpu.memory_space<vmem>>
    %dma_wait3A_1444 = arith.constant 0 : i32
    %dma_wait3A_1445 = arith.constant 0 : i32
    %dma_wait3A_1446 = tpu.memref_slice %arg3[%dma_wait3A_1439, %dma_wait3A_1444, %dma_wait3A_1445] : memref<8x2048x128xf32, #tpu.memory_space<hbm>> -> memref<1x2048x128xf32, #tpu.memory_space<hbm>>
    %dma_wait3A_1447 = tpu.memref_squeeze %dma_wait3A_1446 : memref<1x2048x128xf32, #tpu.memory_space<hbm>> -> memref<2048x128xf32, #tpu.memory_space<hbm>>
    %dma_wait3A_1448 = arith.constant 0 : i32
    %dma_wait3A_1449 = arith.constant 0 : i32
    %dma_wait3A_1450 = tpu.memref_slice %dma_wait3A_1447[%dma_wait3A_1448, %dma_wait3A_1449] : memref<2048x128xf32, #tpu.memory_space<hbm>> -> memref<2048x128xf32, #tpu.memory_space<hbm>>
    tpu.wait_indirect_dma semaphore(%arg19 : memref<!tpu.dma_semaphore, #tpu.memory_space<semaphore_mem>>) src(%dma_wait3A_1450 : memref<2048x128xf32, #tpu.memory_space<hbm>>) dst(%arg7 : memref<128x128xf32, #tpu.memory_space<vmem>>)
    %dma_start3A_1451 = arith.constant 1 : i32
    %dma_start3A_1452 = arith.constant 1 : i32
    %dma_start3A_1453 = arith.constant 896 : i32
    %dma_start3A_1454 = tpu.memref_slice %arg5[%dma_start3A_1452, %dma_start3A_1453] : memref<8x1024xi32, #tpu.memory_space<vmem>> -> memref<1x128xi32, #tpu.memory_space<vmem>>
    %dma_start3A_1455 = tpu.memref_squeeze %dma_start3A_1454 : memref<1x128xi32, #tpu.memory_space<vmem>> -> memref<128xi32, #tpu.memory_space<vmem>>
    %dma_start3A_1456 = arith.constant 0 : i32
    %dma_start3A_1457 = arith.constant 0 : i32
    %dma_start3A_1458 = tpu.memref_slice %arg3[%dma_start3A_1451, %dma_start3A_1456, %dma_start3A_1457] : memref<8x2048x128xf32, #tpu.memory_space<hbm>> -> memref<1x2048x128xf32, #tpu.memory_space<hbm>>
    %dma_start3A_1459 = tpu.memref_squeeze %dma_start3A_1458 : memref<1x2048x128xf32, #tpu.memory_space<hbm>> -> memref<2048x128xf32, #tpu.memory_space<hbm>>
    %dma_start3A_1460 = arith.constant 0 : i32
    %dma_start3A_1461 = arith.constant 0 : i32
    %dma_start3A_1462 = tpu.memref_slice %dma_start3A_1459[%dma_start3A_1460, %dma_start3A_1461] : memref<2048x128xf32, #tpu.memory_space<hbm>> -> memref<2048x128xf32, #tpu.memory_space<hbm>>
    tpu.enqueue_indirect_dma source(%dma_start3A_1462 : memref<2048x128xf32, #tpu.memory_space<hbm>>) target(%arg7 : memref<128x128xf32, #tpu.memory_space<vmem>>) offsets(%dma_start3A_1455 : memref<128xi32, #tpu.memory_space<vmem>>) semaphore(%arg27 : memref<!tpu.dma_semaphore, #tpu.memory_space<semaphore_mem>>) {add = true}
    %dma_start3A_1463 = arith.constant 2 : i32
    %dma_start3A_1464 = arith.constant 2 : i32
    %dma_start3A_1465 = arith.constant 896 : i32
    %dma_start3A_1466 = tpu.memref_slice %arg5[%dma_start3A_1464, %dma_start3A_1465] : memref<8x1024xi32, #tpu.memory_space<vmem>> -> memref<1x128xi32, #tpu.memory_space<vmem>>
    %dma_start3A_1467 = tpu.memref_squeeze %dma_start3A_1466 : memref<1x128xi32, #tpu.memory_space<vmem>> -> memref<128xi32, #tpu.memory_space<vmem>>
    %dma_start3A_1468 = arith.constant 0 : i32
    %dma_start3A_1469 = arith.constant 0 : i32
    %dma_start3A_1470 = tpu.memref_slice %arg3[%dma_start3A_1463, %dma_start3A_1468, %dma_start3A_1469] : memref<8x2048x128xf32, #tpu.memory_space<hbm>> -> memref<1x2048x128xf32, #tpu.memory_space<hbm>>
    %dma_start3A_1471 = tpu.memref_squeeze %dma_start3A_1470 : memref<1x2048x128xf32, #tpu.memory_space<hbm>> -> memref<2048x128xf32, #tpu.memory_space<hbm>>
    %dma_start3A_1472 = arith.constant 0 : i32
    %dma_start3A_1473 = arith.constant 0 : i32
    %dma_start3A_1474 = tpu.memref_slice %dma_start3A_1471[%dma_start3A_1472, %dma_start3A_1473] : memref<2048x128xf32, #tpu.memory_space<hbm>> -> memref<2048x128xf32, #tpu.memory_space<hbm>>
    tpu.enqueue_indirect_dma source(%dma_start3A_1474 : memref<2048x128xf32, #tpu.memory_space<hbm>>) target(%arg7 : memref<128x128xf32, #tpu.memory_space<vmem>>) offsets(%dma_start3A_1467 : memref<128xi32, #tpu.memory_space<vmem>>) semaphore(%arg27 : memref<!tpu.dma_semaphore, #tpu.memory_space<semaphore_mem>>) {add = true}
    %dma_start3A_1475 = arith.constant 3 : i32
    %dma_start3A_1476 = arith.constant 3 : i32
    %dma_start3A_1477 = arith.constant 896 : i32
    %dma_start3A_1478 = tpu.memref_slice %arg5[%dma_start3A_1476, %dma_start3A_1477] : memref<8x1024xi32, #tpu.memory_space<vmem>> -> memref<1x128xi32, #tpu.memory_space<vmem>>
    %dma_start3A_1479 = tpu.memref_squeeze %dma_start3A_1478 : memref<1x128xi32, #tpu.memory_space<vmem>> -> memref<128xi32, #tpu.memory_space<vmem>>
    %dma_start3A_1480 = arith.constant 0 : i32
    %dma_start3A_1481 = arith.constant 0 : i32
    %dma_start3A_1482 = tpu.memref_slice %arg3[%dma_start3A_1475, %dma_start3A_1480, %dma_start3A_1481] : memref<8x2048x128xf32, #tpu.memory_space<hbm>> -> memref<1x2048x128xf32, #tpu.memory_space<hbm>>
    %dma_start3A_1483 = tpu.memref_squeeze %dma_start3A_1482 : memref<1x2048x128xf32, #tpu.memory_space<hbm>> -> memref<2048x128xf32, #tpu.memory_space<hbm>>
    %dma_start3A_1484 = arith.constant 0 : i32
    %dma_start3A_1485 = arith.constant 0 : i32
    %dma_start3A_1486 = tpu.memref_slice %dma_start3A_1483[%dma_start3A_1484, %dma_start3A_1485] : memref<2048x128xf32, #tpu.memory_space<hbm>> -> memref<2048x128xf32, #tpu.memory_space<hbm>>
    tpu.enqueue_indirect_dma source(%dma_start3A_1486 : memref<2048x128xf32, #tpu.memory_space<hbm>>) target(%arg7 : memref<128x128xf32, #tpu.memory_space<vmem>>) offsets(%dma_start3A_1479 : memref<128xi32, #tpu.memory_space<vmem>>) semaphore(%arg27 : memref<!tpu.dma_semaphore, #tpu.memory_space<semaphore_mem>>) {add = true}
    %dma_start3A_1487 = arith.constant 4 : i32
    %dma_start3A_1488 = arith.constant 4 : i32
    %dma_start3A_1489 = arith.constant 896 : i32
    %dma_start3A_1490 = tpu.memref_slice %arg5[%dma_start3A_1488, %dma_start3A_1489] : memref<8x1024xi32, #tpu.memory_space<vmem>> -> memref<1x128xi32, #tpu.memory_space<vmem>>
    %dma_start3A_1491 = tpu.memref_squeeze %dma_start3A_1490 : memref<1x128xi32, #tpu.memory_space<vmem>> -> memref<128xi32, #tpu.memory_space<vmem>>
    %dma_start3A_1492 = arith.constant 0 : i32
    %dma_start3A_1493 = arith.constant 0 : i32
    %dma_start3A_1494 = tpu.memref_slice %arg3[%dma_start3A_1487, %dma_start3A_1492, %dma_start3A_1493] : memref<8x2048x128xf32, #tpu.memory_space<hbm>> -> memref<1x2048x128xf32, #tpu.memory_space<hbm>>
    %dma_start3A_1495 = tpu.memref_squeeze %dma_start3A_1494 : memref<1x2048x128xf32, #tpu.memory_space<hbm>> -> memref<2048x128xf32, #tpu.memory_space<hbm>>
    %dma_start3A_1496 = arith.constant 0 : i32
    %dma_start3A_1497 = arith.constant 0 : i32
    %dma_start3A_1498 = tpu.memref_slice %dma_start3A_1495[%dma_start3A_1496, %dma_start3A_1497] : memref<2048x128xf32, #tpu.memory_space<hbm>> -> memref<2048x128xf32, #tpu.memory_space<hbm>>
    tpu.enqueue_indirect_dma source(%dma_start3A_1498 : memref<2048x128xf32, #tpu.memory_space<hbm>>) target(%arg7 : memref<128x128xf32, #tpu.memory_space<vmem>>) offsets(%dma_start3A_1491 : memref<128xi32, #tpu.memory_space<vmem>>) semaphore(%arg27 : memref<!tpu.dma_semaphore, #tpu.memory_space<semaphore_mem>>) {add = true}
    %dma_start3A_1499 = arith.constant 5 : i32
    %dma_start3A_1500 = arith.constant 5 : i32
    %dma_start3A_1501 = arith.constant 896 : i32
    %dma_start3A_1502 = tpu.memref_slice %arg5[%dma_start3A_1500, %dma_start3A_1501] : memref<8x1024xi32, #tpu.memory_space<vmem>> -> memref<1x128xi32, #tpu.memory_space<vmem>>
    %dma_start3A_1503 = tpu.memref_squeeze %dma_start3A_1502 : memref<1x128xi32, #tpu.memory_space<vmem>> -> memref<128xi32, #tpu.memory_space<vmem>>
    %dma_start3A_1504 = arith.constant 0 : i32
    %dma_start3A_1505 = arith.constant 0 : i32
    %dma_start3A_1506 = tpu.memref_slice %arg3[%dma_start3A_1499, %dma_start3A_1504, %dma_start3A_1505] : memref<8x2048x128xf32, #tpu.memory_space<hbm>> -> memref<1x2048x128xf32, #tpu.memory_space<hbm>>
    %dma_start3A_1507 = tpu.memref_squeeze %dma_start3A_1506 : memref<1x2048x128xf32, #tpu.memory_space<hbm>> -> memref<2048x128xf32, #tpu.memory_space<hbm>>
    %dma_start3A_1508 = arith.constant 0 : i32
    %dma_start3A_1509 = arith.constant 0 : i32
    %dma_start3A_1510 = tpu.memref_slice %dma_start3A_1507[%dma_start3A_1508, %dma_start3A_1509] : memref<2048x128xf32, #tpu.memory_space<hbm>> -> memref<2048x128xf32, #tpu.memory_space<hbm>>
    tpu.enqueue_indirect_dma source(%dma_start3A_1510 : memref<2048x128xf32, #tpu.memory_space<hbm>>) target(%arg7 : memref<128x128xf32, #tpu.memory_space<vmem>>) offsets(%dma_start3A_1503 : memref<128xi32, #tpu.memory_space<vmem>>) semaphore(%arg27 : memref<!tpu.dma_semaphore, #tpu.memory_space<semaphore_mem>>) {add = true}
    %dma_start3A_1511 = arith.constant 6 : i32
    %dma_start3A_1512 = arith.constant 6 : i32
    %dma_start3A_1513 = arith.constant 896 : i32
    %dma_start3A_1514 = tpu.memref_slice %arg5[%dma_start3A_1512, %dma_start3A_1513] : memref<8x1024xi32, #tpu.memory_space<vmem>> -> memref<1x128xi32, #tpu.memory_space<vmem>>
    %dma_start3A_1515 = tpu.memref_squeeze %dma_start3A_1514 : memref<1x128xi32, #tpu.memory_space<vmem>> -> memref<128xi32, #tpu.memory_space<vmem>>
    %dma_start3A_1516 = arith.constant 0 : i32
    %dma_start3A_1517 = arith.constant 0 : i32
    %dma_start3A_1518 = tpu.memref_slice %arg3[%dma_start3A_1511, %dma_start3A_1516, %dma_start3A_1517] : memref<8x2048x128xf32, #tpu.memory_space<hbm>> -> memref<1x2048x128xf32, #tpu.memory_space<hbm>>
    %dma_start3A_1519 = tpu.memref_squeeze %dma_start3A_1518 : memref<1x2048x128xf32, #tpu.memory_space<hbm>> -> memref<2048x128xf32, #tpu.memory_space<hbm>>
    %dma_start3A_1520 = arith.constant 0 : i32
    %dma_start3A_1521 = arith.constant 0 : i32
    %dma_start3A_1522 = tpu.memref_slice %dma_start3A_1519[%dma_start3A_1520, %dma_start3A_1521] : memref<2048x128xf32, #tpu.memory_space<hbm>> -> memref<2048x128xf32, #tpu.memory_space<hbm>>
    tpu.enqueue_indirect_dma source(%dma_start3A_1522 : memref<2048x128xf32, #tpu.memory_space<hbm>>) target(%arg7 : memref<128x128xf32, #tpu.memory_space<vmem>>) offsets(%dma_start3A_1515 : memref<128xi32, #tpu.memory_space<vmem>>) semaphore(%arg27 : memref<!tpu.dma_semaphore, #tpu.memory_space<semaphore_mem>>) {add = true}
    %dma_start3A_1523 = arith.constant 7 : i32
    %dma_start3A_1524 = arith.constant 7 : i32
    %dma_start3A_1525 = arith.constant 896 : i32
    %dma_start3A_1526 = tpu.memref_slice %arg5[%dma_start3A_1524, %dma_start3A_1525] : memref<8x1024xi32, #tpu.memory_space<vmem>> -> memref<1x128xi32, #tpu.memory_space<vmem>>
    %dma_start3A_1527 = tpu.memref_squeeze %dma_start3A_1526 : memref<1x128xi32, #tpu.memory_space<vmem>> -> memref<128xi32, #tpu.memory_space<vmem>>
    %dma_start3A_1528 = arith.constant 0 : i32
    %dma_start3A_1529 = arith.constant 0 : i32
    %dma_start3A_1530 = tpu.memref_slice %arg3[%dma_start3A_1523, %dma_start3A_1528, %dma_start3A_1529] : memref<8x2048x128xf32, #tpu.memory_space<hbm>> -> memref<1x2048x128xf32, #tpu.memory_space<hbm>>
    %dma_start3A_1531 = tpu.memref_squeeze %dma_start3A_1530 : memref<1x2048x128xf32, #tpu.memory_space<hbm>> -> memref<2048x128xf32, #tpu.memory_space<hbm>>
    %dma_start3A_1532 = arith.constant 0 : i32
    %dma_start3A_1533 = arith.constant 0 : i32
    %dma_start3A_1534 = tpu.memref_slice %dma_start3A_1531[%dma_start3A_1532, %dma_start3A_1533] : memref<2048x128xf32, #tpu.memory_space<hbm>> -> memref<2048x128xf32, #tpu.memory_space<hbm>>
    tpu.enqueue_indirect_dma source(%dma_start3A_1534 : memref<2048x128xf32, #tpu.memory_space<hbm>>) target(%arg7 : memref<128x128xf32, #tpu.memory_space<vmem>>) offsets(%dma_start3A_1527 : memref<128xi32, #tpu.memory_space<vmem>>) semaphore(%arg27 : memref<!tpu.dma_semaphore, #tpu.memory_space<semaphore_mem>>) {add = true}
    %dma_wait3A_1535 = arith.constant 1 : i32
    %dma_wait3A_1536 = arith.constant 1 : i32
    %dma_wait3A_1537 = arith.constant 768 : i32
    %dma_wait3A_1538 = tpu.memref_slice %arg5[%dma_wait3A_1536, %dma_wait3A_1537] : memref<8x1024xi32, #tpu.memory_space<vmem>> -> memref<1x128xi32, #tpu.memory_space<vmem>>
    %dma_wait3A_1539 = tpu.memref_squeeze %dma_wait3A_1538 : memref<1x128xi32, #tpu.memory_space<vmem>> -> memref<128xi32, #tpu.memory_space<vmem>>
    %dma_wait3A_1540 = arith.constant 0 : i32
    %dma_wait3A_1541 = arith.constant 0 : i32
    %dma_wait3A_1542 = tpu.memref_slice %arg3[%dma_wait3A_1535, %dma_wait3A_1540, %dma_wait3A_1541] : memref<8x2048x128xf32, #tpu.memory_space<hbm>> -> memref<1x2048x128xf32, #tpu.memory_space<hbm>>
    %dma_wait3A_1543 = tpu.memref_squeeze %dma_wait3A_1542 : memref<1x2048x128xf32, #tpu.memory_space<hbm>> -> memref<2048x128xf32, #tpu.memory_space<hbm>>
    %dma_wait3A_1544 = arith.constant 0 : i32
    %dma_wait3A_1545 = arith.constant 0 : i32
    %dma_wait3A_1546 = tpu.memref_slice %dma_wait3A_1543[%dma_wait3A_1544, %dma_wait3A_1545] : memref<2048x128xf32, #tpu.memory_space<hbm>> -> memref<2048x128xf32, #tpu.memory_space<hbm>>
    tpu.wait_indirect_dma semaphore(%arg26 : memref<!tpu.dma_semaphore, #tpu.memory_space<semaphore_mem>>) src(%dma_wait3A_1546 : memref<2048x128xf32, #tpu.memory_space<hbm>>) dst(%arg6 : memref<128x128xf32, #tpu.memory_space<vmem>>)
    %dma_wait3A_1547 = arith.constant 2 : i32
    %dma_wait3A_1548 = arith.constant 2 : i32
    %dma_wait3A_1549 = arith.constant 768 : i32
    %dma_wait3A_1550 = tpu.memref_slice %arg5[%dma_wait3A_1548, %dma_wait3A_1549] : memref<8x1024xi32, #tpu.memory_space<vmem>> -> memref<1x128xi32, #tpu.memory_space<vmem>>
    %dma_wait3A_1551 = tpu.memref_squeeze %dma_wait3A_1550 : memref<1x128xi32, #tpu.memory_space<vmem>> -> memref<128xi32, #tpu.memory_space<vmem>>
    %dma_wait3A_1552 = arith.constant 0 : i32
    %dma_wait3A_1553 = arith.constant 0 : i32
    %dma_wait3A_1554 = tpu.memref_slice %arg3[%dma_wait3A_1547, %dma_wait3A_1552, %dma_wait3A_1553] : memref<8x2048x128xf32, #tpu.memory_space<hbm>> -> memref<1x2048x128xf32, #tpu.memory_space<hbm>>
    %dma_wait3A_1555 = tpu.memref_squeeze %dma_wait3A_1554 : memref<1x2048x128xf32, #tpu.memory_space<hbm>> -> memref<2048x128xf32, #tpu.memory_space<hbm>>
    %dma_wait3A_1556 = arith.constant 0 : i32
    %dma_wait3A_1557 = arith.constant 0 : i32
    %dma_wait3A_1558 = tpu.memref_slice %dma_wait3A_1555[%dma_wait3A_1556, %dma_wait3A_1557] : memref<2048x128xf32, #tpu.memory_space<hbm>> -> memref<2048x128xf32, #tpu.memory_space<hbm>>
    tpu.wait_indirect_dma semaphore(%arg26 : memref<!tpu.dma_semaphore, #tpu.memory_space<semaphore_mem>>) src(%dma_wait3A_1558 : memref<2048x128xf32, #tpu.memory_space<hbm>>) dst(%arg6 : memref<128x128xf32, #tpu.memory_space<vmem>>)
    %dma_wait3A_1559 = arith.constant 3 : i32
    %dma_wait3A_1560 = arith.constant 3 : i32
    %dma_wait3A_1561 = arith.constant 768 : i32
    %dma_wait3A_1562 = tpu.memref_slice %arg5[%dma_wait3A_1560, %dma_wait3A_1561] : memref<8x1024xi32, #tpu.memory_space<vmem>> -> memref<1x128xi32, #tpu.memory_space<vmem>>
    %dma_wait3A_1563 = tpu.memref_squeeze %dma_wait3A_1562 : memref<1x128xi32, #tpu.memory_space<vmem>> -> memref<128xi32, #tpu.memory_space<vmem>>
    %dma_wait3A_1564 = arith.constant 0 : i32
    %dma_wait3A_1565 = arith.constant 0 : i32
    %dma_wait3A_1566 = tpu.memref_slice %arg3[%dma_wait3A_1559, %dma_wait3A_1564, %dma_wait3A_1565] : memref<8x2048x128xf32, #tpu.memory_space<hbm>> -> memref<1x2048x128xf32, #tpu.memory_space<hbm>>
    %dma_wait3A_1567 = tpu.memref_squeeze %dma_wait3A_1566 : memref<1x2048x128xf32, #tpu.memory_space<hbm>> -> memref<2048x128xf32, #tpu.memory_space<hbm>>
    %dma_wait3A_1568 = arith.constant 0 : i32
    %dma_wait3A_1569 = arith.constant 0 : i32
    %dma_wait3A_1570 = tpu.memref_slice %dma_wait3A_1567[%dma_wait3A_1568, %dma_wait3A_1569] : memref<2048x128xf32, #tpu.memory_space<hbm>> -> memref<2048x128xf32, #tpu.memory_space<hbm>>
    tpu.wait_indirect_dma semaphore(%arg26 : memref<!tpu.dma_semaphore, #tpu.memory_space<semaphore_mem>>) src(%dma_wait3A_1570 : memref<2048x128xf32, #tpu.memory_space<hbm>>) dst(%arg6 : memref<128x128xf32, #tpu.memory_space<vmem>>)
    %dma_wait3A_1571 = arith.constant 4 : i32
    %dma_wait3A_1572 = arith.constant 4 : i32
    %dma_wait3A_1573 = arith.constant 768 : i32
    %dma_wait3A_1574 = tpu.memref_slice %arg5[%dma_wait3A_1572, %dma_wait3A_1573] : memref<8x1024xi32, #tpu.memory_space<vmem>> -> memref<1x128xi32, #tpu.memory_space<vmem>>
    %dma_wait3A_1575 = tpu.memref_squeeze %dma_wait3A_1574 : memref<1x128xi32, #tpu.memory_space<vmem>> -> memref<128xi32, #tpu.memory_space<vmem>>
    %dma_wait3A_1576 = arith.constant 0 : i32
    %dma_wait3A_1577 = arith.constant 0 : i32
    %dma_wait3A_1578 = tpu.memref_slice %arg3[%dma_wait3A_1571, %dma_wait3A_1576, %dma_wait3A_1577] : memref<8x2048x128xf32, #tpu.memory_space<hbm>> -> memref<1x2048x128xf32, #tpu.memory_space<hbm>>
    %dma_wait3A_1579 = tpu.memref_squeeze %dma_wait3A_1578 : memref<1x2048x128xf32, #tpu.memory_space<hbm>> -> memref<2048x128xf32, #tpu.memory_space<hbm>>
    %dma_wait3A_1580 = arith.constant 0 : i32
    %dma_wait3A_1581 = arith.constant 0 : i32
    %dma_wait3A_1582 = tpu.memref_slice %dma_wait3A_1579[%dma_wait3A_1580, %dma_wait3A_1581] : memref<2048x128xf32, #tpu.memory_space<hbm>> -> memref<2048x128xf32, #tpu.memory_space<hbm>>
    tpu.wait_indirect_dma semaphore(%arg26 : memref<!tpu.dma_semaphore, #tpu.memory_space<semaphore_mem>>) src(%dma_wait3A_1582 : memref<2048x128xf32, #tpu.memory_space<hbm>>) dst(%arg6 : memref<128x128xf32, #tpu.memory_space<vmem>>)
    %dma_wait3A_1583 = arith.constant 5 : i32
    %dma_wait3A_1584 = arith.constant 5 : i32
    %dma_wait3A_1585 = arith.constant 768 : i32
    %dma_wait3A_1586 = tpu.memref_slice %arg5[%dma_wait3A_1584, %dma_wait3A_1585] : memref<8x1024xi32, #tpu.memory_space<vmem>> -> memref<1x128xi32, #tpu.memory_space<vmem>>
    %dma_wait3A_1587 = tpu.memref_squeeze %dma_wait3A_1586 : memref<1x128xi32, #tpu.memory_space<vmem>> -> memref<128xi32, #tpu.memory_space<vmem>>
    %dma_wait3A_1588 = arith.constant 0 : i32
    %dma_wait3A_1589 = arith.constant 0 : i32
    %dma_wait3A_1590 = tpu.memref_slice %arg3[%dma_wait3A_1583, %dma_wait3A_1588, %dma_wait3A_1589] : memref<8x2048x128xf32, #tpu.memory_space<hbm>> -> memref<1x2048x128xf32, #tpu.memory_space<hbm>>
    %dma_wait3A_1591 = tpu.memref_squeeze %dma_wait3A_1590 : memref<1x2048x128xf32, #tpu.memory_space<hbm>> -> memref<2048x128xf32, #tpu.memory_space<hbm>>
    %dma_wait3A_1592 = arith.constant 0 : i32
    %dma_wait3A_1593 = arith.constant 0 : i32
    %dma_wait3A_1594 = tpu.memref_slice %dma_wait3A_1591[%dma_wait3A_1592, %dma_wait3A_1593] : memref<2048x128xf32, #tpu.memory_space<hbm>> -> memref<2048x128xf32, #tpu.memory_space<hbm>>
    tpu.wait_indirect_dma semaphore(%arg26 : memref<!tpu.dma_semaphore, #tpu.memory_space<semaphore_mem>>) src(%dma_wait3A_1594 : memref<2048x128xf32, #tpu.memory_space<hbm>>) dst(%arg6 : memref<128x128xf32, #tpu.memory_space<vmem>>)
    %dma_wait3A_1595 = arith.constant 6 : i32
    %dma_wait3A_1596 = arith.constant 6 : i32
    %dma_wait3A_1597 = arith.constant 768 : i32
    %dma_wait3A_1598 = tpu.memref_slice %arg5[%dma_wait3A_1596, %dma_wait3A_1597] : memref<8x1024xi32, #tpu.memory_space<vmem>> -> memref<1x128xi32, #tpu.memory_space<vmem>>
    %dma_wait3A_1599 = tpu.memref_squeeze %dma_wait3A_1598 : memref<1x128xi32, #tpu.memory_space<vmem>> -> memref<128xi32, #tpu.memory_space<vmem>>
    %dma_wait3A_1600 = arith.constant 0 : i32
    %dma_wait3A_1601 = arith.constant 0 : i32
    %dma_wait3A_1602 = tpu.memref_slice %arg3[%dma_wait3A_1595, %dma_wait3A_1600, %dma_wait3A_1601] : memref<8x2048x128xf32, #tpu.memory_space<hbm>> -> memref<1x2048x128xf32, #tpu.memory_space<hbm>>
    %dma_wait3A_1603 = tpu.memref_squeeze %dma_wait3A_1602 : memref<1x2048x128xf32, #tpu.memory_space<hbm>> -> memref<2048x128xf32, #tpu.memory_space<hbm>>
    %dma_wait3A_1604 = arith.constant 0 : i32
    %dma_wait3A_1605 = arith.constant 0 : i32
    %dma_wait3A_1606 = tpu.memref_slice %dma_wait3A_1603[%dma_wait3A_1604, %dma_wait3A_1605] : memref<2048x128xf32, #tpu.memory_space<hbm>> -> memref<2048x128xf32, #tpu.memory_space<hbm>>
    tpu.wait_indirect_dma semaphore(%arg26 : memref<!tpu.dma_semaphore, #tpu.memory_space<semaphore_mem>>) src(%dma_wait3A_1606 : memref<2048x128xf32, #tpu.memory_space<hbm>>) dst(%arg6 : memref<128x128xf32, #tpu.memory_space<vmem>>)
    %dma_wait3A_1607 = arith.constant 7 : i32
    %dma_wait3A_1608 = arith.constant 7 : i32
    %dma_wait3A_1609 = arith.constant 768 : i32
    %dma_wait3A_1610 = tpu.memref_slice %arg5[%dma_wait3A_1608, %dma_wait3A_1609] : memref<8x1024xi32, #tpu.memory_space<vmem>> -> memref<1x128xi32, #tpu.memory_space<vmem>>
    %dma_wait3A_1611 = tpu.memref_squeeze %dma_wait3A_1610 : memref<1x128xi32, #tpu.memory_space<vmem>> -> memref<128xi32, #tpu.memory_space<vmem>>
    %dma_wait3A_1612 = arith.constant 0 : i32
    %dma_wait3A_1613 = arith.constant 0 : i32
    %dma_wait3A_1614 = tpu.memref_slice %arg3[%dma_wait3A_1607, %dma_wait3A_1612, %dma_wait3A_1613] : memref<8x2048x128xf32, #tpu.memory_space<hbm>> -> memref<1x2048x128xf32, #tpu.memory_space<hbm>>
    %dma_wait3A_1615 = tpu.memref_squeeze %dma_wait3A_1614 : memref<1x2048x128xf32, #tpu.memory_space<hbm>> -> memref<2048x128xf32, #tpu.memory_space<hbm>>
    %dma_wait3A_1616 = arith.constant 0 : i32
    %dma_wait3A_1617 = arith.constant 0 : i32
    %dma_wait3A_1618 = tpu.memref_slice %dma_wait3A_1615[%dma_wait3A_1616, %dma_wait3A_1617] : memref<2048x128xf32, #tpu.memory_space<hbm>> -> memref<2048x128xf32, #tpu.memory_space<hbm>>
    tpu.wait_indirect_dma semaphore(%arg26 : memref<!tpu.dma_semaphore, #tpu.memory_space<semaphore_mem>>) src(%dma_wait3A_1618 : memref<2048x128xf32, #tpu.memory_space<hbm>>) dst(%arg6 : memref<128x128xf32, #tpu.memory_space<vmem>>)
    %mul3A_1619 = arith.constant 1024 : i32
    %mul3A_1620 = arith.muli %add3A, %mul3A_1619 : i32
    %add3A_1621 = arith.constant 768 : i32
    %add3A_1622 = arith.addi %mul3A_1620, %add3A_1621 : i32
    %dma_start3A_1623 = arith.constant 0 : i32
    %dma_start3A_1624 = tpu.memref_slice %arg4[%add3A_1622, %dma_start3A_1623] : memref<32768x128xf32, #tpu.memory_space<hbm>> -> memref<128x128xf32, #tpu.memory_space<hbm>>
    %dma_start3A_1625 = arith.constant 0 : i32
    %dma_start3A_1626 = tpu.memref_slice %arg4[%add3A_1622, %dma_start3A_1625] : memref<32768x128xf32, #tpu.memory_space<hbm>> -> memref<128x128xf32, #tpu.memory_space<hbm>>
    tpu.enqueue_dma source(%arg6 : memref<128x128xf32, #tpu.memory_space<vmem>>) target(%dma_start3A_1626 : memref<128x128xf32, #tpu.memory_space<hbm>>) target_semaphore(%arg34 : memref<!tpu.dma_semaphore, #tpu.memory_space<semaphore_mem>>)
    %dma_wait3A_1627 = arith.constant 1 : i32
    %dma_wait3A_1628 = arith.constant 1 : i32
    %dma_wait3A_1629 = arith.constant 896 : i32
    %dma_wait3A_1630 = tpu.memref_slice %arg5[%dma_wait3A_1628, %dma_wait3A_1629] : memref<8x1024xi32, #tpu.memory_space<vmem>> -> memref<1x128xi32, #tpu.memory_space<vmem>>
    %dma_wait3A_1631 = tpu.memref_squeeze %dma_wait3A_1630 : memref<1x128xi32, #tpu.memory_space<vmem>> -> memref<128xi32, #tpu.memory_space<vmem>>
    %dma_wait3A_1632 = arith.constant 0 : i32
    %dma_wait3A_1633 = arith.constant 0 : i32
    %dma_wait3A_1634 = tpu.memref_slice %arg3[%dma_wait3A_1627, %dma_wait3A_1632, %dma_wait3A_1633] : memref<8x2048x128xf32, #tpu.memory_space<hbm>> -> memref<1x2048x128xf32, #tpu.memory_space<hbm>>
    %dma_wait3A_1635 = tpu.memref_squeeze %dma_wait3A_1634 : memref<1x2048x128xf32, #tpu.memory_space<hbm>> -> memref<2048x128xf32, #tpu.memory_space<hbm>>
    %dma_wait3A_1636 = arith.constant 0 : i32
    %dma_wait3A_1637 = arith.constant 0 : i32
    %dma_wait3A_1638 = tpu.memref_slice %dma_wait3A_1635[%dma_wait3A_1636, %dma_wait3A_1637] : memref<2048x128xf32, #tpu.memory_space<hbm>> -> memref<2048x128xf32, #tpu.memory_space<hbm>>
    tpu.wait_indirect_dma semaphore(%arg27 : memref<!tpu.dma_semaphore, #tpu.memory_space<semaphore_mem>>) src(%dma_wait3A_1638 : memref<2048x128xf32, #tpu.memory_space<hbm>>) dst(%arg7 : memref<128x128xf32, #tpu.memory_space<vmem>>)
    %dma_wait3A_1639 = arith.constant 2 : i32
    %dma_wait3A_1640 = arith.constant 2 : i32
    %dma_wait3A_1641 = arith.constant 896 : i32
    %dma_wait3A_1642 = tpu.memref_slice %arg5[%dma_wait3A_1640, %dma_wait3A_1641] : memref<8x1024xi32, #tpu.memory_space<vmem>> -> memref<1x128xi32, #tpu.memory_space<vmem>>
    %dma_wait3A_1643 = tpu.memref_squeeze %dma_wait3A_1642 : memref<1x128xi32, #tpu.memory_space<vmem>> -> memref<128xi32, #tpu.memory_space<vmem>>
    %dma_wait3A_1644 = arith.constant 0 : i32
    %dma_wait3A_1645 = arith.constant 0 : i32
    %dma_wait3A_1646 = tpu.memref_slice %arg3[%dma_wait3A_1639, %dma_wait3A_1644, %dma_wait3A_1645] : memref<8x2048x128xf32, #tpu.memory_space<hbm>> -> memref<1x2048x128xf32, #tpu.memory_space<hbm>>
    %dma_wait3A_1647 = tpu.memref_squeeze %dma_wait3A_1646 : memref<1x2048x128xf32, #tpu.memory_space<hbm>> -> memref<2048x128xf32, #tpu.memory_space<hbm>>
    %dma_wait3A_1648 = arith.constant 0 : i32
    %dma_wait3A_1649 = arith.constant 0 : i32
    %dma_wait3A_1650 = tpu.memref_slice %dma_wait3A_1647[%dma_wait3A_1648, %dma_wait3A_1649] : memref<2048x128xf32, #tpu.memory_space<hbm>> -> memref<2048x128xf32, #tpu.memory_space<hbm>>
    tpu.wait_indirect_dma semaphore(%arg27 : memref<!tpu.dma_semaphore, #tpu.memory_space<semaphore_mem>>) src(%dma_wait3A_1650 : memref<2048x128xf32, #tpu.memory_space<hbm>>) dst(%arg7 : memref<128x128xf32, #tpu.memory_space<vmem>>)
    %dma_wait3A_1651 = arith.constant 3 : i32
    %dma_wait3A_1652 = arith.constant 3 : i32
    %dma_wait3A_1653 = arith.constant 896 : i32
    %dma_wait3A_1654 = tpu.memref_slice %arg5[%dma_wait3A_1652, %dma_wait3A_1653] : memref<8x1024xi32, #tpu.memory_space<vmem>> -> memref<1x128xi32, #tpu.memory_space<vmem>>
    %dma_wait3A_1655 = tpu.memref_squeeze %dma_wait3A_1654 : memref<1x128xi32, #tpu.memory_space<vmem>> -> memref<128xi32, #tpu.memory_space<vmem>>
    %dma_wait3A_1656 = arith.constant 0 : i32
    %dma_wait3A_1657 = arith.constant 0 : i32
    %dma_wait3A_1658 = tpu.memref_slice %arg3[%dma_wait3A_1651, %dma_wait3A_1656, %dma_wait3A_1657] : memref<8x2048x128xf32, #tpu.memory_space<hbm>> -> memref<1x2048x128xf32, #tpu.memory_space<hbm>>
    %dma_wait3A_1659 = tpu.memref_squeeze %dma_wait3A_1658 : memref<1x2048x128xf32, #tpu.memory_space<hbm>> -> memref<2048x128xf32, #tpu.memory_space<hbm>>
    %dma_wait3A_1660 = arith.constant 0 : i32
    %dma_wait3A_1661 = arith.constant 0 : i32
    %dma_wait3A_1662 = tpu.memref_slice %dma_wait3A_1659[%dma_wait3A_1660, %dma_wait3A_1661] : memref<2048x128xf32, #tpu.memory_space<hbm>> -> memref<2048x128xf32, #tpu.memory_space<hbm>>
    tpu.wait_indirect_dma semaphore(%arg27 : memref<!tpu.dma_semaphore, #tpu.memory_space<semaphore_mem>>) src(%dma_wait3A_1662 : memref<2048x128xf32, #tpu.memory_space<hbm>>) dst(%arg7 : memref<128x128xf32, #tpu.memory_space<vmem>>)
    %dma_wait3A_1663 = arith.constant 4 : i32
    %dma_wait3A_1664 = arith.constant 4 : i32
    %dma_wait3A_1665 = arith.constant 896 : i32
    %dma_wait3A_1666 = tpu.memref_slice %arg5[%dma_wait3A_1664, %dma_wait3A_1665] : memref<8x1024xi32, #tpu.memory_space<vmem>> -> memref<1x128xi32, #tpu.memory_space<vmem>>
    %dma_wait3A_1667 = tpu.memref_squeeze %dma_wait3A_1666 : memref<1x128xi32, #tpu.memory_space<vmem>> -> memref<128xi32, #tpu.memory_space<vmem>>
    %dma_wait3A_1668 = arith.constant 0 : i32
    %dma_wait3A_1669 = arith.constant 0 : i32
    %dma_wait3A_1670 = tpu.memref_slice %arg3[%dma_wait3A_1663, %dma_wait3A_1668, %dma_wait3A_1669] : memref<8x2048x128xf32, #tpu.memory_space<hbm>> -> memref<1x2048x128xf32, #tpu.memory_space<hbm>>
    %dma_wait3A_1671 = tpu.memref_squeeze %dma_wait3A_1670 : memref<1x2048x128xf32, #tpu.memory_space<hbm>> -> memref<2048x128xf32, #tpu.memory_space<hbm>>
    %dma_wait3A_1672 = arith.constant 0 : i32
    %dma_wait3A_1673 = arith.constant 0 : i32
    %dma_wait3A_1674 = tpu.memref_slice %dma_wait3A_1671[%dma_wait3A_1672, %dma_wait3A_1673] : memref<2048x128xf32, #tpu.memory_space<hbm>> -> memref<2048x128xf32, #tpu.memory_space<hbm>>
    tpu.wait_indirect_dma semaphore(%arg27 : memref<!tpu.dma_semaphore, #tpu.memory_space<semaphore_mem>>) src(%dma_wait3A_1674 : memref<2048x128xf32, #tpu.memory_space<hbm>>) dst(%arg7 : memref<128x128xf32, #tpu.memory_space<vmem>>)
    %dma_wait3A_1675 = arith.constant 5 : i32
    %dma_wait3A_1676 = arith.constant 5 : i32
    %dma_wait3A_1677 = arith.constant 896 : i32
    %dma_wait3A_1678 = tpu.memref_slice %arg5[%dma_wait3A_1676, %dma_wait3A_1677] : memref<8x1024xi32, #tpu.memory_space<vmem>> -> memref<1x128xi32, #tpu.memory_space<vmem>>
    %dma_wait3A_1679 = tpu.memref_squeeze %dma_wait3A_1678 : memref<1x128xi32, #tpu.memory_space<vmem>> -> memref<128xi32, #tpu.memory_space<vmem>>
    %dma_wait3A_1680 = arith.constant 0 : i32
    %dma_wait3A_1681 = arith.constant 0 : i32
    %dma_wait3A_1682 = tpu.memref_slice %arg3[%dma_wait3A_1675, %dma_wait3A_1680, %dma_wait3A_1681] : memref<8x2048x128xf32, #tpu.memory_space<hbm>> -> memref<1x2048x128xf32, #tpu.memory_space<hbm>>
    %dma_wait3A_1683 = tpu.memref_squeeze %dma_wait3A_1682 : memref<1x2048x128xf32, #tpu.memory_space<hbm>> -> memref<2048x128xf32, #tpu.memory_space<hbm>>
    %dma_wait3A_1684 = arith.constant 0 : i32
    %dma_wait3A_1685 = arith.constant 0 : i32
    %dma_wait3A_1686 = tpu.memref_slice %dma_wait3A_1683[%dma_wait3A_1684, %dma_wait3A_1685] : memref<2048x128xf32, #tpu.memory_space<hbm>> -> memref<2048x128xf32, #tpu.memory_space<hbm>>
    tpu.wait_indirect_dma semaphore(%arg27 : memref<!tpu.dma_semaphore, #tpu.memory_space<semaphore_mem>>) src(%dma_wait3A_1686 : memref<2048x128xf32, #tpu.memory_space<hbm>>) dst(%arg7 : memref<128x128xf32, #tpu.memory_space<vmem>>)
    %dma_wait3A_1687 = arith.constant 6 : i32
    %dma_wait3A_1688 = arith.constant 6 : i32
    %dma_wait3A_1689 = arith.constant 896 : i32
    %dma_wait3A_1690 = tpu.memref_slice %arg5[%dma_wait3A_1688, %dma_wait3A_1689] : memref<8x1024xi32, #tpu.memory_space<vmem>> -> memref<1x128xi32, #tpu.memory_space<vmem>>
    %dma_wait3A_1691 = tpu.memref_squeeze %dma_wait3A_1690 : memref<1x128xi32, #tpu.memory_space<vmem>> -> memref<128xi32, #tpu.memory_space<vmem>>
    %dma_wait3A_1692 = arith.constant 0 : i32
    %dma_wait3A_1693 = arith.constant 0 : i32
    %dma_wait3A_1694 = tpu.memref_slice %arg3[%dma_wait3A_1687, %dma_wait3A_1692, %dma_wait3A_1693] : memref<8x2048x128xf32, #tpu.memory_space<hbm>> -> memref<1x2048x128xf32, #tpu.memory_space<hbm>>
    %dma_wait3A_1695 = tpu.memref_squeeze %dma_wait3A_1694 : memref<1x2048x128xf32, #tpu.memory_space<hbm>> -> memref<2048x128xf32, #tpu.memory_space<hbm>>
    %dma_wait3A_1696 = arith.constant 0 : i32
    %dma_wait3A_1697 = arith.constant 0 : i32
    %dma_wait3A_1698 = tpu.memref_slice %dma_wait3A_1695[%dma_wait3A_1696, %dma_wait3A_1697] : memref<2048x128xf32, #tpu.memory_space<hbm>> -> memref<2048x128xf32, #tpu.memory_space<hbm>>
    tpu.wait_indirect_dma semaphore(%arg27 : memref<!tpu.dma_semaphore, #tpu.memory_space<semaphore_mem>>) src(%dma_wait3A_1698 : memref<2048x128xf32, #tpu.memory_space<hbm>>) dst(%arg7 : memref<128x128xf32, #tpu.memory_space<vmem>>)
    %dma_wait3A_1699 = arith.constant 7 : i32
    %dma_wait3A_1700 = arith.constant 7 : i32
    %dma_wait3A_1701 = arith.constant 896 : i32
    %dma_wait3A_1702 = tpu.memref_slice %arg5[%dma_wait3A_1700, %dma_wait3A_1701] : memref<8x1024xi32, #tpu.memory_space<vmem>> -> memref<1x128xi32, #tpu.memory_space<vmem>>
    %dma_wait3A_1703 = tpu.memref_squeeze %dma_wait3A_1702 : memref<1x128xi32, #tpu.memory_space<vmem>> -> memref<128xi32, #tpu.memory_space<vmem>>
    %dma_wait3A_1704 = arith.constant 0 : i32
    %dma_wait3A_1705 = arith.constant 0 : i32
    %dma_wait3A_1706 = tpu.memref_slice %arg3[%dma_wait3A_1699, %dma_wait3A_1704, %dma_wait3A_1705] : memref<8x2048x128xf32, #tpu.memory_space<hbm>> -> memref<1x2048x128xf32, #tpu.memory_space<hbm>>
    %dma_wait3A_1707 = tpu.memref_squeeze %dma_wait3A_1706 : memref<1x2048x128xf32, #tpu.memory_space<hbm>> -> memref<2048x128xf32, #tpu.memory_space<hbm>>
    %dma_wait3A_1708 = arith.constant 0 : i32
    %dma_wait3A_1709 = arith.constant 0 : i32
    %dma_wait3A_1710 = tpu.memref_slice %dma_wait3A_1707[%dma_wait3A_1708, %dma_wait3A_1709] : memref<2048x128xf32, #tpu.memory_space<hbm>> -> memref<2048x128xf32, #tpu.memory_space<hbm>>
    tpu.wait_indirect_dma semaphore(%arg27 : memref<!tpu.dma_semaphore, #tpu.memory_space<semaphore_mem>>) src(%dma_wait3A_1710 : memref<2048x128xf32, #tpu.memory_space<hbm>>) dst(%arg7 : memref<128x128xf32, #tpu.memory_space<vmem>>)
    %mul3A_1711 = arith.constant 1024 : i32
    %mul3A_1712 = arith.muli %add3A, %mul3A_1711 : i32
    %add3A_1713 = arith.constant 896 : i32
    %add3A_1714 = arith.addi %mul3A_1712, %add3A_1713 : i32
    %dma_start3A_1715 = arith.constant 0 : i32
    %dma_start3A_1716 = tpu.memref_slice %arg4[%add3A_1714, %dma_start3A_1715] : memref<32768x128xf32, #tpu.memory_space<hbm>> -> memref<128x128xf32, #tpu.memory_space<hbm>>
    %dma_start3A_1717 = arith.constant 0 : i32
    %dma_start3A_1718 = tpu.memref_slice %arg4[%add3A_1714, %dma_start3A_1717] : memref<32768x128xf32, #tpu.memory_space<hbm>> -> memref<128x128xf32, #tpu.memory_space<hbm>>
    tpu.enqueue_dma source(%arg7 : memref<128x128xf32, #tpu.memory_space<vmem>>) target(%dma_start3A_1718 : memref<128x128xf32, #tpu.memory_space<hbm>>) target_semaphore(%arg35 : memref<!tpu.dma_semaphore, #tpu.memory_space<semaphore_mem>>)
    %dma_wait3A_1719 = arith.constant 0 : i32
    %dma_wait3A_1720 = arith.constant 0 : i32
    %dma_wait3A_1721 = tpu.memref_slice %arg4[%dma_wait3A_1719, %dma_wait3A_1720] : memref<32768x128xf32, #tpu.memory_space<hbm>> -> memref<128x128xf32, #tpu.memory_space<hbm>>
    %dma_wait3A_1722 = arith.constant 0 : i32
    %dma_wait3A_1723 = arith.constant 0 : i32
    %dma_wait3A_1724 = tpu.memref_slice %arg4[%dma_wait3A_1722, %dma_wait3A_1723] : memref<32768x128xf32, #tpu.memory_space<hbm>> -> memref<128x128xf32, #tpu.memory_space<hbm>>
    tpu.wait_dma2 semaphore(%arg30 : memref<!tpu.dma_semaphore, #tpu.memory_space<semaphore_mem>>) src(%arg8 : memref<128x128xf32, #tpu.memory_space<vmem>>) dst(%dma_wait3A_1724 : memref<128x128xf32, #tpu.memory_space<hbm>>)
    %dma_wait3A_1725 = arith.constant 0 : i32
    %dma_wait3A_1726 = arith.constant 0 : i32
    %dma_wait3A_1727 = tpu.memref_slice %arg4[%dma_wait3A_1725, %dma_wait3A_1726] : memref<32768x128xf32, #tpu.memory_space<hbm>> -> memref<128x128xf32, #tpu.memory_space<hbm>>
    %dma_wait3A_1728 = arith.constant 0 : i32
    %dma_wait3A_1729 = arith.constant 0 : i32
    %dma_wait3A_1730 = tpu.memref_slice %arg4[%dma_wait3A_1728, %dma_wait3A_1729] : memref<32768x128xf32, #tpu.memory_space<hbm>> -> memref<128x128xf32, #tpu.memory_space<hbm>>
    tpu.wait_dma2 semaphore(%arg31 : memref<!tpu.dma_semaphore, #tpu.memory_space<semaphore_mem>>) src(%arg9 : memref<128x128xf32, #tpu.memory_space<vmem>>) dst(%dma_wait3A_1730 : memref<128x128xf32, #tpu.memory_space<hbm>>)
    %dma_wait3A_1731 = arith.constant 0 : i32
    %dma_wait3A_1732 = arith.constant 0 : i32
    %dma_wait3A_1733 = tpu.memref_slice %arg4[%dma_wait3A_1731, %dma_wait3A_1732] : memref<32768x128xf32, #tpu.memory_space<hbm>> -> memref<128x128xf32, #tpu.memory_space<hbm>>
    %dma_wait3A_1734 = arith.constant 0 : i32
    %dma_wait3A_1735 = arith.constant 0 : i32
    %dma_wait3A_1736 = tpu.memref_slice %arg4[%dma_wait3A_1734, %dma_wait3A_1735] : memref<32768x128xf32, #tpu.memory_space<hbm>> -> memref<128x128xf32, #tpu.memory_space<hbm>>
    tpu.wait_dma2 semaphore(%arg32 : memref<!tpu.dma_semaphore, #tpu.memory_space<semaphore_mem>>) src(%arg10 : memref<128x128xf32, #tpu.memory_space<vmem>>) dst(%dma_wait3A_1736 : memref<128x128xf32, #tpu.memory_space<hbm>>)
    %dma_wait3A_1737 = arith.constant 0 : i32
    %dma_wait3A_1738 = arith.constant 0 : i32
    %dma_wait3A_1739 = tpu.memref_slice %arg4[%dma_wait3A_1737, %dma_wait3A_1738] : memref<32768x128xf32, #tpu.memory_space<hbm>> -> memref<128x128xf32, #tpu.memory_space<hbm>>
    %dma_wait3A_1740 = arith.constant 0 : i32
    %dma_wait3A_1741 = arith.constant 0 : i32
    %dma_wait3A_1742 = tpu.memref_slice %arg4[%dma_wait3A_1740, %dma_wait3A_1741] : memref<32768x128xf32, #tpu.memory_space<hbm>> -> memref<128x128xf32, #tpu.memory_space<hbm>>
    tpu.wait_dma2 semaphore(%arg33 : memref<!tpu.dma_semaphore, #tpu.memory_space<semaphore_mem>>) src(%arg11 : memref<128x128xf32, #tpu.memory_space<vmem>>) dst(%dma_wait3A_1742 : memref<128x128xf32, #tpu.memory_space<hbm>>)
    %dma_wait3A_1743 = arith.constant 0 : i32
    %dma_wait3A_1744 = arith.constant 0 : i32
    %dma_wait3A_1745 = tpu.memref_slice %arg4[%dma_wait3A_1743, %dma_wait3A_1744] : memref<32768x128xf32, #tpu.memory_space<hbm>> -> memref<128x128xf32, #tpu.memory_space<hbm>>
    %dma_wait3A_1746 = arith.constant 0 : i32
    %dma_wait3A_1747 = arith.constant 0 : i32
    %dma_wait3A_1748 = tpu.memref_slice %arg4[%dma_wait3A_1746, %dma_wait3A_1747] : memref<32768x128xf32, #tpu.memory_space<hbm>> -> memref<128x128xf32, #tpu.memory_space<hbm>>
    tpu.wait_dma2 semaphore(%arg34 : memref<!tpu.dma_semaphore, #tpu.memory_space<semaphore_mem>>) src(%arg6 : memref<128x128xf32, #tpu.memory_space<vmem>>) dst(%dma_wait3A_1748 : memref<128x128xf32, #tpu.memory_space<hbm>>)
    %dma_wait3A_1749 = arith.constant 0 : i32
    %dma_wait3A_1750 = arith.constant 0 : i32
    %dma_wait3A_1751 = tpu.memref_slice %arg4[%dma_wait3A_1749, %dma_wait3A_1750] : memref<32768x128xf32, #tpu.memory_space<hbm>> -> memref<128x128xf32, #tpu.memory_space<hbm>>
    %dma_wait3A_1752 = arith.constant 0 : i32
    %dma_wait3A_1753 = arith.constant 0 : i32
    %dma_wait3A_1754 = tpu.memref_slice %arg4[%dma_wait3A_1752, %dma_wait3A_1753] : memref<32768x128xf32, #tpu.memory_space<hbm>> -> memref<128x128xf32, #tpu.memory_space<hbm>>
    tpu.wait_dma2 semaphore(%arg35 : memref<!tpu.dma_semaphore, #tpu.memory_space<semaphore_mem>>) src(%arg7 : memref<128x128xf32, #tpu.memory_space<vmem>>) dst(%dma_wait3A_1754 : memref<128x128xf32, #tpu.memory_space<hbm>>)
    return
  }
}

</mosaic_0001>

<sc_bundles>
// kernel: kernel.3.cloned.1.call-start
scs
__scs_entry_jumppad:
0x0: {  	(pc) =	sbr.rel $0x88, $3  }
0x1: {  	(tag) =	ssettag $0x0;
	lr =	simm.s32 $0x1  }
0x2: {  	[smem:$0x3F9F] =	sst lr;
	_ =	strace $0xD0000000  }
0x3: {  	_ = 	snop  }
0x4: {  	_ = 	snop  }
0x5: {  	_ = 	snop  }
0x6: {  	_ = 	snop  }
0x7: {  	_ = 	snop  }
__scs_overlays_trampoline_lowered:
0x8: {  	[smem:$0x3FAE] =	sst s0  }
0x9: {  	[smem:$0x3FAF] =	sst s1  }
0xa: {  	[smem:$0x3FB0] =	sst s2  }
0xb: {  	[smem:$0x3FB1] =	sst s3  }
0xc: {  	[smem:$0x3FB2] =	sst s4  }
0xd: {  	[smem:$0x3FB3] =	sst s5  }
0xe: {  	[smem:$0x3FB4] =	sst s6  }
0xf: {  	[smem:$0x3FB5] =	sst s7  }
0x10: {  	[smem:$0x3FB6] =	sst s8  }
0x11: {  	[smem:$0x3FB7] =	sst s9;
	s0 =	simm.s32 @!p0 $0x0  }
0x12: {  	s1 =	sld [smem:$0x3F9D];
	s0 =	simm.s32 @p0 $0x1  }
0x13: {  	[smem:$0x3FB8] =	sst s0;
	s0 =	simm.s32 @!p1 $0x0  }
0x14: {  	s2 =	sld [smem:$0x3F9C];
	s0 =	simm.s32 @p1 $0x1  }
0x15: {  	[smem:$0x3FB9] =	sst s0;
	s0 =	simm.s32 @!p2 $0x0  }
0x16: {  	s3 =	sld [smem:$0x3FDB];
	s0 =	simm.s32 @p2 $0x1  }
0x17: {  	s4 =	simm.s32 $0x1BF5;
	[smem:$0x3FBB] =	sst s0  }
0x18: {  	s0 =	sld [smem:$0x3F9E];
	_ =	swait.ge [sflag:s4], $0x0  }
0x19: {  	s7 =	sld [smem:$0x3F9F]  }
0x1a: {  	s8 =	sadd.s32 $0xFFFFE003, lr  }
0x1b: {  	s9 =	sadd.s32 $0xFFFFFEF7, lr;
	s5 =	simm.s32 $0xFFFFFFFF;
	p2 =	slt.u32 s8, $0xFFFFF086  }
0x1c: {  	p1 =	slt.u32 s9, $0xF7A;
	s5 =	simm.s32 @!p2 $0x0  }
0x1d: {  	s5 =	simm.s32 @p1 $0x1;
	p0 =	seq.s32 s7, s2  }
0x1e: {  	s7 =	smul.u32 @!p0 $0xF7A, s2;
	p2 =	seq.s32 @!p0 s5, $0x0  }
0x1f: {  	s9 =	smul.u32 $0xF7A, s1;
	s8 =	simm.s32 @!p0 $0x1BF5;
	p2 =	por !p2, p0  }
0x20: {  	[sflag:s8] =	ssyncset.s32 @!p0 $0xFFFFF086;
	s6 =	sadd.s32 @!p0 s3, s7;
	s7 =	simm.s32 @!p0 $0x108  }
0x21: {  	s3 =	sadd.s32 s3, s9;
	s6 =	sadd.s32 @!p0 $0x88, s6;
	s7 =	simm.s32 @p2 $0x1082  }
0x22: {  	[simem:s7], [sflag:s8] =	dma.local @!p0 [hbm:s6], $0xF7A  }
0x23: {  	s9 =	sor.u32 $0xD0000000, s2;
	s6 =	simm.s32 $0x108;
	_ =	swait.ge @!p0 [sflag:s8], $0x0  }
0x24: {  	s3 =	sadd.s32 $0x88, s3;
	s6 =	simm.s32 @!p1 $0x1082;
	[sflag:s4] =	ssyncset.s32 $0xFFFFF086  }
0x25: {  	[simem:s6], [sflag:s4] =	dma.local [hbm:s3], $0xF7A  }
0x26: {  	[smem:$0x3F9F] =	sst s1;
	(tag) =	ssettag s2;
	_ =	strace s9  }
0x27: {  	s1 =	sld [smem:$0x3FAF]  }
0x28: {  	s2 =	sld [smem:$0x3FB0]  }
0x29: {  	s4 =	sld [smem:$0x3FB2]  }
0x2a: {  	p0 =	seq.s32 s5, $0x0;
	s5 =	sld [smem:$0x3FB3]  }
0x2b: {  	s6 =	sld [smem:$0x3FB4]  }
0x2c: {  	s7 =	sld [smem:$0x3FB5]  }
0x2d: {  	s3 =	simm.s32 $0x108;
	s8 =	sld [smem:$0x3FB6]  }
0x2e: {  	s3 =	simm.s32 @!p0 $0x1082;
	s9 =	sld [smem:$0x3FB7]  }
0x2f: {  	lr =	sadd.s32 s0, s3;
	s0 =	sld [smem:$0x3FAE]  }
0x30: {  	s3 =	sld [smem:$0x3FB1]  }
0x31: {  	[smem:$0x3FBA] =	sst s10  }
0x32: {  	s10 =	sld [smem:$0x3FB8];
	_ =	sdelay $0x3  }
0x33: {  	p0 =	seq.s32 s10, $0x1;
	s10 =	sld [smem:$0x3FBA];
	_ =	sdelay $0x3  }
0x34: {  	[smem:$0x3FBA] =	sst s10  }
0x35: {  	s10 =	sld [smem:$0x3FB9];
	_ =	sdelay $0x3  }
0x36: {  	p1 =	seq.s32 s10, $0x1;
	s10 =	sld [smem:$0x3FBA];
	_ =	sdelay $0x3  }
0x37: {  	[smem:$0x3FBA] =	sst s10  }
0x38: {  	s10 =	sld [smem:$0x3FBB]  }
0x39: {  	_ = 	snop;
	(pc) =	sbr.ind lr, $3  }
0x3a: {  	_ = 	snop  }
0x3b: {  	_ = 	snop  }
0x3c: {  	p2 =	seq.s32 s10, $0x1;
	s10 =	sld [smem:$0x3FBA]  }
0x3d: {  	_ =	shalt  }
0x3e: {  	_ =	shalt  }
0x3f: {  	_ =	shalt  }
0x40: {  	_ =	shalt  }
0x41: {  	_ =	shalt  }
0x42: {  	_ =	shalt  }
0x43: {  	_ =	shalt  }
0x44: {  	_ =	shalt  }
0x45: {  	_ =	shalt  }
0x46: {  	_ =	shalt  }
0x47: {  	_ =	shalt  }
0x48: {  	_ =	shalt  }
0x49: {  	_ =	shalt  }
0x4a: {  	_ =	shalt  }
0x4b: {  	_ =	shalt  }
0x4c: {  	_ =	shalt  }
0x4d: {  	_ =	shalt  }
0x4e: {  	_ =	shalt  }
0x4f: {  	_ =	shalt  }
0x50: {  	_ =	shalt  }
0x51: {  	_ =	shalt  }
0x52: {  	_ =	shalt  }
0x53: {  	_ =	shalt  }
0x54: {  	_ =	shalt  }
0x55: {  	_ =	shalt  }
0x56: {  	_ =	shalt  }
0x57: {  	_ =	shalt  }
0x58: {  	_ =	shalt  }
0x59: {  	_ =	shalt  }
0x5a: {  	_ =	shalt  }
0x5b: {  	_ =	shalt  }
0x5c: {  	_ =	shalt  }
0x5d: {  	_ =	shalt  }
0x5e: {  	_ =	shalt  }
0x5f: {  	_ =	shalt  }
0x60: {  	_ =	shalt  }
0x61: {  	_ =	shalt  }
0x62: {  	_ =	shalt  }
0x63: {  	_ =	shalt  }
0x64: {  	_ =	shalt  }
0x65: {  	_ =	shalt  }
0x66: {  	_ =	shalt  }
0x67: {  	_ =	shalt  }
0x68: {  	_ =	shalt  }
0x69: {  	_ =	shalt  }
0x6a: {  	_ =	shalt  }
0x6b: {  	_ =	shalt  }
0x6c: {  	_ =	shalt  }
0x6d: {  	_ =	shalt  }
0x6e: {  	_ =	shalt  }
0x6f: {  	_ =	shalt  }
0x70: {  	_ =	shalt  }
0x71: {  	_ =	shalt  }
0x72: {  	_ =	shalt  }
0x73: {  	_ =	shalt  }
0x74: {  	_ =	shalt  }
0x75: {  	_ =	shalt  }
0x76: {  	_ =	shalt  }
0x77: {  	_ =	shalt  }
0x78: {  	_ =	shalt  }
0x79: {  	_ =	shalt  }
0x7a: {  	_ =	shalt  }
0x7b: {  	_ =	shalt  }
0x7c: {  	_ =	shalt  }
0x7d: {  	_ =	shalt  }
0x7e: {  	_ =	shalt  }
0x7f: {  	_ =	shalt  }
0x80: {  	_ =	shalt  }
0x81: {  	_ =	shalt  }
0x82: {  	_ =	shalt  }
0x83: {  	_ =	shalt  }
0x84: {  	_ =	shalt  }
0x85: {  	_ =	shalt  }
0x86: {  	_ =	shalt  }
0x87: {  	_ =	shalt  }
.Lfunc_end0:
.L_simem_size_0:
called_computation_lowered:
.L_overlay_start_0:
0x88: {  	s2 =	sld [smem:$0x3FD9]  }
0x89: {  	s3 =	sld [smem:$0x3FFE];
	_ =	sdelay $0x1  }
0x8a: {  	s1 =	srdreg.scid  }
0x8b: {  	s0 =	sand.u32 $0x1, s1  }
0x8c: {  	s18 =	sshll.u32 s0, $0xA;
	s2 =	sadd.s32 s3, s2  }
0x8d: {  	s2 =	sadd.s32 s2, s18  }
0x8e: {  	[smem:$0x3FC6] =	sst s2  }
0x8f: {  	_ = 	snop  }
0x90: {  	s2 =	sld [smem:$0x3FC9]  }
0x91: {  	s19 =	sld [smem:$0x3FC8]  }
0x92: {  	s4 =	sld [smem:$0x3FD0];
	(tm) =	ssettm $0x1  }
0x93: {  	s5 =	sld [smem:$0x3FFB];
	_ =	sdelay $0x3  }
0x94: {  	_ =	strace s5  }
0x95: {  	s5 =	sld [smem:$0x3FFC];
	_ =	sdelay $0x3  }
0x96: {  	_ =	strace s5  }
0x97: {  	s5 =	sld [smem:$0x3FFD];
	_ =	sdelay $0x3  }
0x98: {  	_ =	strace s5  }
0x99: {  	_ =	strace $0x8FFFFFFF  }
0x9a: {  	s20 =	sld [smem:$0x3FDB];
	_ =	sdelay $0x1  }
0x9b: {  	s6 =	simm.s32 $_scs_section_size  }
0x9c: {  	s7 =	simm.s32 $_size__tile_overlayer_lowered;
	s8 =	simm.s32 $_tile_overlayer_lowered  }
0x9d: {  	s23 =	simm.s32 $0x1BFF;
	s22 =	sshll.u32 s8, $0x1;
	s5 =	sadd.s32 s6, s20  }
0x9e: {  	s9 =	simm.s32 $0x0;
	s21 =	sshll.u32 s7, $0x1;
	s7 =	sadd.s32 s22, s5  }
0x9f: {  	[timem:s9], [sflag:s23] =	dma.local [hbm:s7], s21  }
0xa0: {  	_ =	swait.ge [sflag:s23], s21  }
0xa1: {  	s6 =	ssub.s32 $0x0, s21;
	[sflag:s23] =	ssyncset.done $0x0  }
0xa2: {  	[sflag:s23] =	ssyncadd.s32 s6;
	_ =	sdelay $0x1  }
0xa3: {  	s24 =	simm.s32 $0x1B8B  }
0xa4: {  	_ =	swait.ge [sflag:s24], $0x1  }
0xa5: {  	[sflag:s24] =	ssyncset.done $0x0  }
0xa6: {  	s25 =	simm.s32 $0x1B8E;
	[sflag:s24] =	ssyncadd.s32 $0xFFFFFFFF  }
0xa7: {  	s26 =	simm.s32 $execute0_lowered;
	[smem:$0x3FD2] =	sst s25  }
0xa8: {  	s6 =	sshll.u32 s26, $0x1;
	_ =	strace $0x80000046;
	[dreg:$0x1] =	wrdreg $0xFFFFFFFF  }
0xa9: {  	s28 =	simm.s32 $_size_execute0_lowered;
	s5 =	sadd.s32 s5, s6;
	[dreg:$0x0] =	wrdreg $0x0  }
0xaa: {  	s6 =	sshll.u32 s28, $0x1;
	[dreg:$0x2] =	wrdreg s5  }
0xab: {  	[dreg:$0x3] =	wrdreg s6  }
0xac: {  	[dreg:$0x4] =	wrdreg $0xC0  }
0xad: {  	_ =	task [dreg:s9], $0x5FFFF  }
0xae: {  	[dreg:$0x1] =	wrdreg $0xFFFFFFFF  }
0xaf: {  	[dreg:$0x0] =	wrdreg $0x60  }
0xb0: {  	[dreg:$0x2] =	wrdreg s2  }
0xb1: {  	[dreg:$0x3] =	wrdreg s19  }
0xb2: {  	[dreg:$0x4] =	wrdreg s4  }
0xb3: {  	[dreg:$0x5] =	wrdreg $0x9  }
0xb4: {  	_ =	task.clear_ibuf [dreg:s9], $0x6FFFF;
	_ =	strace $0x90000046  }
0xb5: {  	s29 =	simm.s32 $0x9;
	_ =	strace $0x80000048  }
0xb6: {  	_ =	swait.ge [sflag:s29], $0x1  }
0xb7: {  	[sflag:s29] =	ssyncadd.s32 $0xFFFFFFFF  }
0xb8: {  	_ =	strace $0x90000048  }
0xb9: {  	_ =	sfence  }
0xba: {  	s30 =	sld [smem:$0x0];
	_ =	sdelay $0x2  }
0xbb: {  	s31 =	sshll.u32 s1, $0xD;
	s1 =	sshrl.u32 s1, $0x2  }
0xbc: {  	s3 =	sand.u32 $0x4000, s31;
	s1 =	sadd.s32 s1, s30  }
0xbd: {  	s0 =	sor.u32 s3, s0;
	s1 =	sshll.u32 s1, $0x11  }
0xbe: {  	s0 =	sor.u32 s1, s0  }
0xbf: {  	s0 =	sadd.s32 $0x8F2B, s0  }
0xc0: {  	[sflag:s0] =	ssyncadd.remote.s32 $0x1  }
0xc1: {  	_ =	sfence.sel $0xFFFF  }
0xc2: {  	[dreg:$0x0] =	wrdreg $0xFFFFFFFF;
	(pc) =	sbr.abs _section_cstart, $3  }
0xc3: {  	[dreg:$0x1] =	wrdreg $0xFFFFFFFF  }
0xc4: {  	_ =	task.clear_ibuf [dreg:s9], $0x2FFFF;
	_ =	strace $0x9FFFFFFF  }
0xc5: {  	(tm) =	ssettm $0x7FFFFFFF  }
tec
execute0_lowered:
.L_overlay_start_1:
0x0: {  	(tag) =	ssettag $0x1  }
0x1: {  	s0 =	srdreg.scid;
	s3 =	stileid.u32  }
0x2: {  	s0 =	sand.u32 $0x1, s0;
	s1 =	sshll.u32 s3, $0x1  }
0x3: {  	s1 =	sor.u32 s0, s1  }
0x4: {  	p1 =	seq.s32 s0, $0x1;
	p0 =	seq.s32 s1, $0x0  }
0x5: {  	p0 =	por !p0, !p1  }
0x6: {  	s2 =	simm.s32 $0x1;
	p0 =	por !p0, !p0  }
0x7: {  	s4 =	rddreg [dreg:$0x0];
	s2 =	simm.s32 @!p0 $0x0  }
0x8: {  	s6 =	rddreg [dreg:$0x2];
	s1 =	sshll.u32 s1, $0xE;
	s2 =	ssub.s32 s3, s2  }
0x9: {  	s5 =	sshll.u32 s0, $0xD;
	s20 =	sadd.s32 s6, s1;
	s2 =	sshll.u32 s2, $0xE  }
0xa: {  	s3 =	rddreg [dreg:$0x1];
	s5 =	sor.u32 s5, s2;
	s2 =	simm.s32 $0x0  }
0xb: {  	s1 =	sadd.s32 $0x800, s20;
	[smem:$0x7FF] =	sst s2  }
0xc: {  	s21 =	sadd.s32 $0x1000, s20;
	_ =	strace $0x80000047;
	[dreg:$0x4] =	wrdreg s1  }
0xd: {  	s22 =	sadd.s32 $0x1800, s20;
	[dreg:$0x5] =	wrdreg s21  }
0xe: {  	s23 =	sadd.s32 $0x2000, s20;
	[dreg:$0x6] =	wrdreg s22  }
0xf: {  	s24 =	sadd.s32 $0x2800, s20;
	[dreg:$0x7] =	wrdreg s23  }
0x10: {  	s25 =	sadd.s32 $0x3000, s20;
	[dreg:$0x8] =	wrdreg s24  }
0x11: {  	[dreg:$0x9] =	wrdreg s25  }
0x12: {  	s26 =	sadd.s32 $0x3800, s20;
	[smem:$0x7D3] =	sst s20  }
0x13: {  	s19 =	simm.s32 $0x100;
	[dreg:$0xa] =	wrdreg s26  }
0x14: {  	[dreg:$0x1a] =	wrdreg s19;
	s20 =	simm.s32 $0x180  }
0x15: {  	s21 =	simm.s32 $0x200;
	[dreg:$0x1b] =	wrdreg s20  }
0x16: {  	s22 =	simm.s32 $0x280;
	[dreg:$0x1c] =	wrdreg s21  }
0x17: {  	s23 =	simm.s32 $0x300;
	[dreg:$0x1d] =	wrdreg s22  }
0x18: {  	s24 =	simm.s32 $0x380;
	[dreg:$0x1e] =	wrdreg s23  }
0x19: {  	s25 =	simm.s32 $0x500;
	[dreg:$0x1f] =	wrdreg s24  }
0x1a: {  	s5 =	sshrl.u32 s5, $0x3;
	s26 =	simm.s32 $0x580;
	[smem:$0x7D4] =	sst s25  }
0x1b: {  	s15 =	sadd.s32 s4, s5;
	s19 =	simm.s32 $0xF00;
	[smem:$0x7D5] =	sst s26  }
0x1c: {  	s4 =	sadd.s32 $0x10, s15;
	[smem:$0x7E4] =	sst s19  }
0x1d: {  	s5 =	sadd.s32 $0x100, s15;
	[dreg:$0x12] =	wrdreg s4  }
0x1e: {  	s6 =	sadd.s32 $0x180, s15;
	[dreg:$0xc] =	wrdreg s5  }
0x1f: {  	s7 =	sadd.s32 $0x200, s15;
	[dreg:$0xd] =	wrdreg s6  }
0x20: {  	s8 =	sadd.s32 $0x280, s15;
	[dreg:$0xe] =	wrdreg s7  }
0x21: {  	s9 =	sadd.s32 $0x300, s15;
	[dreg:$0xf] =	wrdreg s8  }
0x22: {  	s10 =	sadd.s32 $0x380, s15;
	[dreg:$0x10] =	wrdreg s9  }
0x23: {  	s11 =	sadd.s32 $0x90, s15;
	[dreg:$0x11] =	wrdreg s10  }
0x24: {  	s12 =	sadd.s32 $0x110, s15;
	[dreg:$0x13] =	wrdreg s11  }
0x25: {  	s13 =	sadd.s32 $0x190, s15;
	[dreg:$0x14] =	wrdreg s12  }
0x26: {  	s14 =	sadd.s32 $0x210, s15;
	[dreg:$0x15] =	wrdreg s13  }
0x27: {  	s16 =	sadd.s32 $0x290, s15;
	[dreg:$0x16] =	wrdreg s14  }
0x28: {  	s17 =	sadd.s32 $0x310, s15;
	[dreg:$0x17] =	wrdreg s16  }
0x29: {  	s18 =	sadd.s32 $0x390, s15;
	[dreg:$0x18] =	wrdreg s17  }
0x2a: {  	s20 =	simm.s32 $0xF80;
	[dreg:$0x19] =	wrdreg s18  }
0x2b: {  	s21 =	simm.s32 $0x1100;
	[smem:$0x7E5] =	sst s20  }
0x2c: {  	s22 =	simm.s32 $0x1180;
	[smem:$0x7E6] =	sst s21  }
0x2d: {  	s23 =	simm.s32 $0x1200;
	[smem:$0x7E7] =	sst s22  }
0x2e: {  	s24 =	simm.s32 $0x1280;
	[smem:$0x7E8] =	sst s23  }
0x2f: {  	s25 =	simm.s32 $0x1300;
	[smem:$0x7E9] =	sst s24  }
0x30: {  	s19 =	simm.s32 $0x1D00;
	[smem:$0x7EA] =	sst s25  }
0x31: {  	s4 =	sadd.s32 $0x80, s15;
	[smem:$0x7F8] =	sst s19  }
0x32: {  	s5 =	simm.s32 $0x680;
	[dreg:$0xb] =	wrdreg s4  }
0x33: {  	s6 =	simm.s32 $0x700;
	[smem:$0x7D7] =	sst s5  }
0x34: {  	s7 =	simm.s32 $0x780;
	[smem:$0x7D8] =	sst s6  }
0x35: {  	s8 =	simm.s32 $0x900;
	[smem:$0x7D9] =	sst s7  }
0x36: {  	s9 =	simm.s32 $0x980;
	[smem:$0x7DA] =	sst s8  }
0x37: {  	s10 =	simm.s32 $0xA00;
	[smem:$0x7DB] =	sst s9  }
0x38: {  	s11 =	simm.s32 $0xA80;
	[smem:$0x7DC] =	sst s10  }
0x39: {  	s12 =	simm.s32 $0xB00;
	[smem:$0x7DD] =	sst s11  }
0x3a: {  	s28 =	simm.s32 $0x6000;
	s13 =	simm.s32 $0xB80;
	[smem:$0x7DE] =	sst s12  }
0x3b: {  	s29 =	simm.s32 $0xA000;
	s14 =	simm.s32 $0xD00;
	[smem:$0x7DF] =	sst s13  }
0x3c: {  	s30 =	simm.s32 $0x9;
	s16 =	simm.s32 $0xD80;
	[smem:$0x7E0] =	sst s14  }
0x3d: {  	s31 =	simm.s32 $0xD;
	s17 =	simm.s32 $0xE00;
	[smem:$0x7E1] =	sst s16  }
0x3e: {  	s0 =	ssub.s32 $0x2, s0;
	s18 =	simm.s32 $0xE80;
	[smem:$0x7E2] =	sst s17  }
0x3f: {  	p0 =	por $0x0, $0x0;
	s20 =	simm.s32 $0x1D80;
	[smem:$0x7E3] =	sst s18  }
0x40: {  	s1 =	simm.s32 $0xE000;
	s21 =	simm.s32 $0x1E00;
	[smem:$0x7F9] =	sst s20  }
0x41: {  	s26 =	sshrl.u32 s0, $0x1;
	s22 =	simm.s32 $0x1E80;
	[smem:$0x7FA] =	sst s21  }
0x42: {  	s0 =	ssub.s32 s0, s26;
	s25 =	simm.s32 $0x1F00;
	[smem:$0x7FB] =	sst s22  }
0x43: {  	s23 =	simm.s32 $0x400;
	s26 =	simm.s32 $0x1F80;
	[smem:$0x7FC] =	sst s25  }
0x44: {  	s24 =	simm.s32 $0x1000;
	s4 =	simm.s32 $0x600;
	[smem:$0x7FD] =	sst s26  }
0x45: {  	s19 =	simm.s32 $0x10;
	s5 =	simm.s32 $0x1380;
	[smem:$0x7D6] =	sst s4  }
0x46: {  	s6 =	simm.s32 $0x1500;
	s7 =	simm.s32 $0x1580;
	[smem:$0x7EB] =	sst s5  }
0x47: {  	s8 =	simm.s32 $0x1600;
	s9 =	simm.s32 $0x1680;
	[smem:$0x7EC] =	sst s6  }
0x48: {  	s10 =	simm.s32 $0x1700;
	s11 =	simm.s32 $0x1780;
	[smem:$0x7ED] =	sst s7  }
0x49: {  	s12 =	simm.s32 $0x1900;
	s13 =	simm.s32 $0x1980;
	[smem:$0x7EE] =	sst s8  }
0x4a: {  	s14 =	simm.s32 $0x1A00;
	s0 =	smax.u32 s0, $0x1;
	[smem:$0x7EF] =	sst s9  }
0x4b: {  	s16 =	simm.s32 $0x1A80;
	s17 =	simm.s32 $0x1B00;
	[smem:$0x7F0] =	sst s10  }
0x4c: {  	s18 =	simm.s32 $0x1B80;
	s20 =	simm.s32 $0x80;
	[smem:$0x7F1] =	sst s11  }
0x4d: {  	s26 =	simm.s32 $0xC;
	s25 =	simm.s32 $0xE;
	[smem:$0x7F2] =	sst s12  }
0x4e: {  	s21 =	simm.s32 $0xF;
	s4 =	sadd.s32 $0x8000, s3;
	[smem:$0x7F3] =	sst s13  }
0x4f: {  	s5 =	sadd.s32 $0x10000, s3;
	s6 =	sadd.s32 $0x18000, s3;
	[smem:$0x7F4] =	sst s14  }
0x50: {  	s7 =	sadd.s32 $0x20000, s3;
	[smem:$0x7F5] =	sst s16;
	p1 =	sne.s32 s0, $0x1  }
.Ltmp0:
0x51: {  	s8 =	sadd.s32 $0x28000, s3;
	[smem:$0x7F6] =	sst s17;
	(pc) =	sbr.rel @!p1 .LBB2_5-.Ltmp0, $4  }
0x52: {  	s10 =	sadd.s32 $0x30000, s3;
	s11 =	sadd.s32 $0x38000, s3;
	[smem:$0x7F7] =	sst s18  }
0x53: {  	s9 =	simm.s32 $0x1400;
	s3 =	simm.s32 $0x1800;
	s17 =	simm.s32 $0x480  }
0x54: {  	s14 =	sadd.s32 $0xFFFFFFFF, s0;
	s12 =	simm.s32 $0x1880;
	s18 =	simm.s32 $0x2000  }
0x55: {  	s16 =	simm.s32 $0xA;
	s13 =	simm.s32 $0xB;
	s0 =	simm.s32 $0x18  }
0x56: {  	[smem:$0x7D2] =	sst s14  }
0x57: {  	s0 =	rddreg [dreg:$0xb]  }
0x58: {  	[tilespmem:s2], [sflag:$0x19] =	stream.linear.gather [hbm4b:s15+s2], $0x80, $0x38;
	[tilespmem:$0x1A000] =	vst v63  }
0x59: {  	s22 =	rddreg [dreg:$0xc]  }
0x5a: {  	s14 =	rddreg [dreg:$0xd]  }
0x5b: {  	[tilespmem:s23], [sflag:$0x19] =	stream.linear.gather [hbm4b:s0+s2], $0x80, $0x38;
	[tilespmem:$0x1A000] =	vst v63  }
0x5c: {  	[smem:$0x7D1] =	sst s4;
	s0 =	simm.s32 $0x800  }
0x5d: {  	[tilespmem:s0], [sflag:$0x19] =	stream.linear.gather [hbm4b:s22+s2], $0x80, $0x38;
	[tilespmem:$0x1A000] =	vst v63  }
0x5e: {  	[smem:$0x7D0] =	sst s15;
	s22 =	simm.s32 $0xC00  }
0x5f: {  	[tilespmem:s22], [sflag:$0x19] =	stream.linear.gather [hbm4b:s14+s2], $0x80, $0x38;
	[tilespmem:$0x1A000] =	vst v63  }
0x60: {  	s23 =	rddreg [dreg:$0xe]  }
0x61: {  	[tilespmem:s24], [sflag:$0x19] =	stream.linear.gather [hbm4b:s23+s2], $0x80, $0x38;
	[tilespmem:$0x1A000] =	vst v63  }
0x62: {  	s14 =	rddreg [dreg:$0xf]  }
0x63: {  	[tilespmem:s9], [sflag:$0x19] =	stream.linear.gather [hbm4b:s14+s2], $0x80, $0x38;
	[tilespmem:$0x1A000] =	vst v63  }
0x64: {  	s24 =	rddreg [dreg:$0x10]  }
0x65: {  	[tilespmem:s3], [sflag:$0x19] =	stream.linear.gather [hbm4b:s24+s2], $0x80, $0x38;
	[tilespmem:$0x1A000] =	vst v63  }
0x66: {  	s14 =	rddreg [dreg:$0x11];
	s24 =	simm.s32 $0x1C00  }
0x67: {  	[tilespmem:s24], [sflag:$0x19] =	stream.linear.gather [hbm4b:s14+s2], $0x80, $0x38;
	[tilespmem:$0x1A000] =	vst v63  }
0x68: {  	s9 =	rddreg [dreg:$0x12]  }
0x69: {  	[tilespmem:s20], [sflag:$0x1A] =	stream.linear.gather [hbm4b:s9+s2], $0x380, $0x38;
	[tilespmem:$0x1A000] =	vst v63  }
0x6a: {  	s3 =	rddreg [dreg:$0x13]  }
0x6b: {  	[tilespmem:s17], [sflag:$0x1A] =	stream.linear.gather [hbm4b:s3+s2], $0x380, $0x38;
	[tilespmem:$0x1A000] =	vst v63  }
0x6c: {  	s9 =	rddreg [dreg:$0x14];
	s3 =	simm.s32 $0x880  }
0x6d: {  	[tilespmem:s3], [sflag:$0x1A] =	stream.linear.gather [hbm4b:s9+s2], $0x380, $0x38;
	[tilespmem:$0x1A000] =	vst v63  }
0x6e: {  	s14 =	rddreg [dreg:$0x15];
	s3 =	simm.s32 $0xC80  }
0x6f: {  	[tilespmem:s3], [sflag:$0x1A] =	stream.linear.gather [hbm4b:s14+s2], $0x380, $0x38;
	[tilespmem:$0x1A000] =	vst v63  }
0x70: {  	s9 =	rddreg [dreg:$0x16];
	s3 =	simm.s32 $0x1080  }
0x71: {  	[tilespmem:s3], [sflag:$0x1A] =	stream.linear.gather [hbm4b:s9+s2], $0x380, $0x38;
	[tilespmem:$0x1A000] =	vst v63  }
0x72: {  	s15 =	simm.s32 $0x1480;
	s14 =	rddreg [dreg:$0x17]  }
0x73: {  	[tilespmem:s15], [sflag:$0x1A] =	stream.linear.gather [hbm4b:s14+s2], $0x380, $0x38;
	[tilespmem:$0x1A000] =	vst v63  }
0x74: {  	s9 =	rddreg [dreg:$0x18]  }
0x75: {  	[tilespmem:s12], [sflag:$0x1A] =	stream.linear.gather [hbm4b:s9+s2], $0x380, $0x38;
	[tilespmem:$0x1A000] =	vst v63  }
0x76: {  	s3 =	rddreg [dreg:$0x19];
	s14 =	simm.s32 $0x19;
	s12 =	simm.s32 $0x1C80  }
0x77: {  	[tilespmem:s12], [sflag:$0x1A] =	stream.linear.gather [hbm4b:s3+s2], $0x380, $0x38;
	[tilespmem:$0x1A000] =	vst v63  }
0x78: {  	_ =	swait.ge [sflag:s14], $0x400  }
0x79: {  	[sflag:s14] =	ssyncset.done $0x0  }
0x7a: {  	[sflag:s14] =	ssyncadd.s32 $0xFFFFFC00  }
0x7b: {  	s3 =	rddreg [dreg:$0x1]  }
0x7c: {  	[tilespmem:s18], [sflag:$0x1] =	stream.indirect.gather [hbm4b:s3+s20], $0x80, s2, s20, $0xb8;
	[tilespmem:$0x1A000] =	vst v63  }
0x7d: {  	s23 =	simm.s32 $0x400  }
0x7e: {  	[tilespmem:s28], [sflag:$0x2] =	stream.indirect.gather [hbm4b:s3+s20], $0x80, s23, s20, $0xb8;
	[tilespmem:$0x1A000] =	vst v63  }
0x7f: {  	_ = 	snop  }
0x80: {  	[tilespmem:s29], [sflag:$0x3] =	stream.indirect.gather [hbm4b:s3+s20], $0x80, s0, s20, $0xb8;
	[tilespmem:$0x1A000] =	vst v63  }
0x81: {  	s29 =	simm.s32 $0x1A  }
0x82: {  	[tilespmem:s1], [sflag:$0x4] =	stream.indirect.gather [hbm4b:s3+s20], $0x80, s22, s20, $0xb8;
	[tilespmem:$0x1A000] =	vst v63  }
0x83: {  	_ =	swait.ge [sflag:s29], $0x1C00  }
0x84: {  	[sflag:s29] =	ssyncset.done $0x0  }
0x85: {  	s0 =	simm.s32 $0x1;
	[sflag:s29] =	ssyncadd.s32 $0xFFFFE400  }
0x86: {  	_ =	swait.ge [sflag:s0], $0x4000  }
0x87: {  	s9 =	sld [smem:$0x7D1]  }
0x88: {  	[sflag:s0] =	ssyncset.done $0x0  }
0x89: {  	[sflag:s0] =	ssyncadd.s32 $0xFFFFC000  }
0x8a: {  	[tilespmem:s18], [sflag:$0x9] =	stream.indirect.gather.add.f32 [hbm:s9], $0x80, s20, s20, $0xb8;
	[tilespmem:$0x1A000] =	vst v63  }
0x8b: {  	s1 =	rddreg [dreg:$0x1a]  }
0x8c: {  	[tilespmem:s18], [sflag:$0x9] =	stream.indirect.gather.add.f32 [hbm:s5], $0x80, s1, s20, $0xb8;
	[tilespmem:$0x1A000] =	vst v63  }
0x8d: {  	s12 =	rddreg [dreg:$0x1b]  }
0x8e: {  	[tilespmem:s18], [sflag:$0x9] =	stream.indirect.gather.add.f32 [hbm:s6], $0x80, s12, s20, $0xb8;
	[tilespmem:$0x1A000] =	vst v63  }
0x8f: {  	s22 =	rddreg [dreg:$0x1c]  }
0x90: {  	[tilespmem:s18], [sflag:$0x9] =	stream.indirect.gather.add.f32 [hbm:s7], $0x80, s22, s20, $0xb8;
	[tilespmem:$0x1A000] =	vst v63  }
0x91: {  	s23 =	rddreg [dreg:$0x1d]  }
0x92: {  	[tilespmem:s18], [sflag:$0x9] =	stream.indirect.gather.add.f32 [hbm:s8], $0x80, s23, s20, $0xb8;
	[tilespmem:$0x1A000] =	vst v63  }
0x93: {  	s29 =	rddreg [dreg:$0x1e]  }
0x94: {  	[tilespmem:s18], [sflag:$0x9] =	stream.indirect.gather.add.f32 [hbm:s10], $0x80, s29, s20, $0xb8;
	[tilespmem:$0x1A000] =	vst v63  }
0x95: {  	s9 =	rddreg [dreg:$0x1f]  }
0x96: {  	[tilespmem:s18], [sflag:$0x9] =	stream.indirect.gather.add.f32 [hbm:s11], $0x80, s9, s20, $0xb8;
	[tilespmem:$0x1A000] =	vst v63  }
0x97: {  	s24 =	simm.s32 $0x1000;
	s14 =	simm.s32 $0x2;
	s12 =	simm.s32 $0x12000  }
0x98: {  	[tilespmem:s12], [sflag:$0x5] =	stream.indirect.gather [hbm4b:s3+s20], $0x80, s24, s20, $0xb8;
	[tilespmem:$0x1A000] =	vst v63  }
0x99: {  	_ =	swait.ge [sflag:s14], $0x4000  }
0x9a: {  	s23 =	sld [smem:$0x7D1]  }
0x9b: {  	[sflag:s14] =	ssyncset.done $0x0  }
0x9c: {  	s22 =	sld [smem:$0x7D4];
	[sflag:s14] =	ssyncadd.s32 $0xFFFFC000  }
0x9d: {  	[tilespmem:s28], [sflag:$0xA] =	stream.indirect.gather.add.f32 [hbm:s23], $0x80, s17, s20, $0xb8;
	[tilespmem:$0x1A000] =	vst v63  }
0x9e: {  	s24 =	sld [smem:$0x7D5]  }
0x9f: {  	[tilespmem:s28], [sflag:$0xA] =	stream.indirect.gather.add.f32 [hbm:s5], $0x80, s22, s20, $0xb8;
	[tilespmem:$0x1A000] =	vst v63  }
0xa0: {  	s29 =	sld [smem:$0x7D6]  }
0xa1: {  	[tilespmem:s28], [sflag:$0xA] =	stream.indirect.gather.add.f32 [hbm:s6], $0x80, s24, s20, $0xb8;
	[tilespmem:$0x1A000] =	vst v63  }
0xa2: {  	s1 =	sld [smem:$0x7D7]  }
0xa3: {  	[tilespmem:s28], [sflag:$0xA] =	stream.indirect.gather.add.f32 [hbm:s7], $0x80, s29, s20, $0xb8;
	[tilespmem:$0x1A000] =	vst v63  }
0xa4: {  	s9 =	sld [smem:$0x7D8]  }
0xa5: {  	[tilespmem:s28], [sflag:$0xA] =	stream.indirect.gather.add.f32 [hbm:s8], $0x80, s1, s20, $0xb8;
	[tilespmem:$0x1A000] =	vst v63  }
0xa6: {  	s12 =	sld [smem:$0x7D9]  }
0xa7: {  	[tilespmem:s28], [sflag:$0xA] =	stream.indirect.gather.add.f32 [hbm:s10], $0x80, s9, s20, $0xb8;
	[tilespmem:$0x1A000] =	vst v63  }
0xa8: {  	_ = 	snop  }
0xa9: {  	[tilespmem:s28], [sflag:$0xA] =	stream.indirect.gather.add.f32 [hbm:s11], $0x80, s12, s20, $0xb8;
	[tilespmem:$0x1A000] =	vst v63  }
0xaa: {  	_ =	swait.ge [sflag:s30], $0x4000  }
0xab: {  	[sflag:s30] =	ssyncset.done $0x0  }
0xac: {  	[sflag:s30] =	ssyncadd.s32 $0xFFFFC000  }
0xad: {  	_ =	swait.ge [sflag:s30], $0x4000  }
0xae: {  	[sflag:s30] =	ssyncset.done $0x0  }
0xaf: {  	[sflag:s30] =	ssyncadd.s32 $0xFFFFC000  }
0xb0: {  	_ =	swait.ge [sflag:s30], $0x4000  }
0xb1: {  	[sflag:s30] =	ssyncset.done $0x0  }
0xb2: {  	[sflag:s30] =	ssyncadd.s32 $0xFFFFC000  }
0xb3: {  	_ =	swait.ge [sflag:s30], $0x4000  }
0xb4: {  	[sflag:s30] =	ssyncset.done $0x0  }
0xb5: {  	[sflag:s30] =	ssyncadd.s32 $0xFFFFC000  }
0xb6: {  	_ =	swait.ge [sflag:s30], $0x4000  }
0xb7: {  	[sflag:s30] =	ssyncset.done $0x0  }
0xb8: {  	[sflag:s30] =	ssyncadd.s32 $0xFFFFC000  }
0xb9: {  	_ =	swait.ge [sflag:s30], $0x4000  }
0xba: {  	[sflag:s30] =	ssyncset.done $0x0  }
0xbb: {  	[sflag:s30] =	ssyncadd.s32 $0xFFFFC000  }
0xbc: {  	_ =	swait.ge [sflag:s30], $0x4000  }
0xbd: {  	s17 =	sld [smem:$0x7D3]  }
0xbe: {  	[sflag:s30] =	ssyncset.done $0x0  }
0xbf: {  	[sflag:s30] =	ssyncadd.s32 $0xFFFFC000  }
0xc0: {  	[hbm4b:s17+s2] =	stream.linear.scatter [tilespmem:s18], [sflag:$0x11], $0x4000, $0x38;
	[tilespmem:$0x1A000] =	vst v63  }
0xc1: {  	s4 =	simm.s32 $0x1400;
	s22 =	simm.s32 $0x3;
	s29 =	simm.s32 $0x16000  }
0xc2: {  	[tilespmem:s29], [sflag:$0x6] =	stream.indirect.gather [hbm4b:s3+s20], $0x80, s4, s20, $0xb8;
	[tilespmem:$0x1A000] =	vst v63  }
0xc3: {  	s4 =	sld [smem:$0x7D1];
	_ =	swait.ge [sflag:s22], $0x4000  }
0xc4: {  	s24 =	simm.s32 $0x880;
	[sflag:s22] =	ssyncset.done $0x0  }
0xc5: {  	s9 =	simm.s32 $0xA000;
	s23 =	sld [smem:$0x7DA];
	[sflag:s22] =	ssyncadd.s32 $0xFFFFC000  }
0xc6: {  	[tilespmem:s9], [sflag:$0xB] =	stream.indirect.gather.add.f32 [hbm:s4], $0x80, s24, s20, $0xb8;
	[tilespmem:$0x1A000] =	vst v63  }
0xc7: {  	s17 =	sld [smem:$0x7DB]  }
0xc8: {  	[tilespmem:s9], [sflag:$0xB] =	stream.indirect.gather.add.f32 [hbm:s5], $0x80, s23, s20, $0xb8;
	[tilespmem:$0x1A000] =	vst v63  }
0xc9: {  	s22 =	sld [smem:$0x7DC]  }
0xca: {  	[tilespmem:s9], [sflag:$0xB] =	stream.indirect.gather.add.f32 [hbm:s6], $0x80, s17, s20, $0xb8;
	[tilespmem:$0x1A000] =	vst v63  }
0xcb: {  	s23 =	sld [smem:$0x7DD]  }
0xcc: {  	[tilespmem:s9], [sflag:$0xB] =	stream.indirect.gather.add.f32 [hbm:s7], $0x80, s22, s20, $0xb8;
	[tilespmem:$0x1A000] =	vst v63  }
0xcd: {  	s24 =	sld [smem:$0x7DE]  }
0xce: {  	[tilespmem:s9], [sflag:$0xB] =	stream.indirect.gather.add.f32 [hbm:s8], $0x80, s23, s20, $0xb8;
	[tilespmem:$0x1A000] =	vst v63  }
0xcf: {  	s12 =	sld [smem:$0x7DF]  }
0xd0: {  	[tilespmem:s9], [sflag:$0xB] =	stream.indirect.gather.add.f32 [hbm:s10], $0x80, s24, s20, $0xb8;
	[tilespmem:$0x1A000] =	vst v63  }
0xd1: {  	_ = 	snop  }
0xd2: {  	[tilespmem:s9], [sflag:$0xB] =	stream.indirect.gather.add.f32 [hbm:s11], $0x80, s12, s20, $0xb8;
	[tilespmem:$0x1A000] =	vst v63  }
0xd3: {  	_ =	swait.ge [sflag:s16], $0x4000  }
0xd4: {  	[sflag:s16] =	ssyncset.done $0x0  }
0xd5: {  	[sflag:s16] =	ssyncadd.s32 $0xFFFFC000  }
0xd6: {  	_ =	swait.ge [sflag:s16], $0x4000  }
0xd7: {  	[sflag:s16] =	ssyncset.done $0x0  }
0xd8: {  	[sflag:s16] =	ssyncadd.s32 $0xFFFFC000  }
0xd9: {  	_ =	swait.ge [sflag:s16], $0x4000  }
0xda: {  	[sflag:s16] =	ssyncset.done $0x0  }
0xdb: {  	[sflag:s16] =	ssyncadd.s32 $0xFFFFC000  }
0xdc: {  	_ =	swait.ge [sflag:s16], $0x4000  }
0xdd: {  	[sflag:s16] =	ssyncset.done $0x0  }
0xde: {  	[sflag:s16] =	ssyncadd.s32 $0xFFFFC000  }
0xdf: {  	_ =	swait.ge [sflag:s16], $0x4000  }
0xe0: {  	[sflag:s16] =	ssyncset.done $0x0  }
0xe1: {  	[sflag:s16] =	ssyncadd.s32 $0xFFFFC000  }
0xe2: {  	_ =	swait.ge [sflag:s16], $0x4000  }
0xe3: {  	[sflag:s16] =	ssyncset.done $0x0  }
0xe4: {  	[sflag:s16] =	ssyncadd.s32 $0xFFFFC000  }
0xe5: {  	_ =	swait.ge [sflag:s16], $0x4000  }
0xe6: {  	[sflag:s16] =	ssyncset.done $0x0  }
0xe7: {  	s23 =	simm.s32 $0x11;
	s22 =	rddreg [dreg:$0x4];
	[sflag:s16] =	ssyncadd.s32 $0xFFFFC000  }
0xe8: {  	[hbm4b:s22+s2] =	stream.linear.scatter [tilespmem:s28], [sflag:$0x12], $0x4000, $0x38;
	[tilespmem:$0x1A000] =	vst v63  }
0xe9: {  	_ =	swait.ge [sflag:s23], $0x4000  }
0xea: {  	[sflag:s23] =	ssyncset.done $0x0  }
0xeb: {  	s24 =	simm.s32 $0x1800;
	s12 =	simm.s32 $0x4;
	[sflag:s23] =	ssyncadd.s32 $0xFFFFC000  }
0xec: {  	[tilespmem:s18], [sflag:$0x7] =	stream.indirect.gather [hbm4b:s3+s20], $0x80, s24, s20, $0xb8;
	[tilespmem:$0x1A000] =	vst v63  }
0xed: {  	_ =	swait.ge [sflag:s12], $0x4000  }
0xee: {  	s1 =	simm.s32 $0xE000;
	[sflag:s12] =	ssyncset.done $0x0  }
0xef: {  	s22 =	simm.s32 $0xC80;
	s17 =	sld [smem:$0x7E0];
	[sflag:s12] =	ssyncadd.s32 $0xFFFFC000  }
0xf0: {  	[tilespmem:s1], [sflag:$0xC] =	stream.indirect.gather.add.f32 [hbm:s4], $0x80, s22, s20, $0xb8;
	[tilespmem:$0x1A000] =	vst v63  }
0xf1: {  	s23 =	sld [smem:$0x7E1]  }
0xf2: {  	[tilespmem:s1], [sflag:$0xC] =	stream.indirect.gather.add.f32 [hbm:s5], $0x80, s17, s20, $0xb8;
	[tilespmem:$0x1A000] =	vst v63  }
0xf3: {  	s24 =	sld [smem:$0x7E2]  }
0xf4: {  	[tilespmem:s1], [sflag:$0xC] =	stream.indirect.gather.add.f32 [hbm:s6], $0x80, s23, s20, $0xb8;
	[tilespmem:$0x1A000] =	vst v63  }
0xf5: {  	s17 =	sld [smem:$0x7E3]  }
0xf6: {  	[tilespmem:s1], [sflag:$0xC] =	stream.indirect.gather.add.f32 [hbm:s7], $0x80, s24, s20, $0xb8;
	[tilespmem:$0x1A000] =	vst v63  }
0xf7: {  	s22 =	sld [smem:$0x7E4]  }
0xf8: {  	[tilespmem:s1], [sflag:$0xC] =	stream.indirect.gather.add.f32 [hbm:s8], $0x80, s17, s20, $0xb8;
	[tilespmem:$0x1A000] =	vst v63  }
0xf9: {  	s23 =	sld [smem:$0x7E5]  }
0xfa: {  	[tilespmem:s1], [sflag:$0xC] =	stream.indirect.gather.add.f32 [hbm:s10], $0x80, s22, s20, $0xb8;
	[tilespmem:$0x1A000] =	vst v63  }
0xfb: {  	_ = 	snop  }
0xfc: {  	[tilespmem:s1], [sflag:$0xC] =	stream.indirect.gather.add.f32 [hbm:s11], $0x80, s23, s20, $0xb8;
	[tilespmem:$0x1A000] =	vst v63  }
0xfd: {  	_ =	swait.ge [sflag:s13], $0x4000  }
0xfe: {  	[sflag:s13] =	ssyncset.done $0x0  }
0xff: {  	[sflag:s13] =	ssyncadd.s32 $0xFFFFC000  }
0x100: {  	_ =	swait.ge [sflag:s13], $0x4000  }
0x101: {  	[sflag:s13] =	ssyncset.done $0x0  }
0x102: {  	[sflag:s13] =	ssyncadd.s32 $0xFFFFC000  }
0x103: {  	_ =	swait.ge [sflag:s13], $0x4000  }
0x104: {  	[sflag:s13] =	ssyncset.done $0x0  }
0x105: {  	[sflag:s13] =	ssyncadd.s32 $0xFFFFC000  }
0x106: {  	_ =	swait.ge [sflag:s13], $0x4000  }
0x107: {  	[sflag:s13] =	ssyncset.done $0x0  }
0x108: {  	[sflag:s13] =	ssyncadd.s32 $0xFFFFC000  }
0x109: {  	_ =	swait.ge [sflag:s13], $0x4000  }
0x10a: {  	[sflag:s13] =	ssyncset.done $0x0  }
0x10b: {  	[sflag:s13] =	ssyncadd.s32 $0xFFFFC000  }
0x10c: {  	_ =	swait.ge [sflag:s13], $0x4000  }
0x10d: {  	[sflag:s13] =	ssyncset.done $0x0  }
0x10e: {  	[sflag:s13] =	ssyncadd.s32 $0xFFFFC000  }
0x10f: {  	_ =	swait.ge [sflag:s13], $0x4000  }
0x110: {  	[sflag:s13] =	ssyncset.done $0x0  }
0x111: {  	s12 =	simm.s32 $0x12;
	s24 =	rddreg [dreg:$0x5];
	[sflag:s13] =	ssyncadd.s32 $0xFFFFC000  }
0x112: {  	[hbm4b:s24+s2] =	stream.linear.scatter [tilespmem:s9], [sflag:$0x13], $0x4000, $0x38;
	[tilespmem:$0x1A000] =	vst v63  }
0x113: {  	_ =	swait.ge [sflag:s12], $0x4000  }
0x114: {  	[sflag:s12] =	ssyncset.done $0x0  }
0x115: {  	s17 =	simm.s32 $0x1C00;
	s22 =	simm.s32 $0x5;
	[sflag:s12] =	ssyncadd.s32 $0xFFFFC000  }
0x116: {  	[tilespmem:s28], [sflag:$0x8] =	stream.indirect.gather [hbm4b:s3+s20], $0x80, s17, s20, $0xb8;
	[tilespmem:$0x1A000] =	vst v63  }
0x117: {  	_ =	swait.ge [sflag:s22], $0x4000  }
0x118: {  	s0 =	simm.s32 $0x12000;
	[sflag:s22] =	ssyncset.done $0x0  }
0x119: {  	s24 =	simm.s32 $0x1080;
	s23 =	sld [smem:$0x7E6];
	[sflag:s22] =	ssyncadd.s32 $0xFFFFC000  }
0x11a: {  	[tilespmem:s0], [sflag:$0xD] =	stream.indirect.gather.add.f32 [hbm:s4], $0x80, s24, s20, $0xb8;
	[tilespmem:$0x1A000] =	vst v63  }
0x11b: {  	s9 =	sld [smem:$0x7E7]  }
0x11c: {  	[tilespmem:s0], [sflag:$0xD] =	stream.indirect.gather.add.f32 [hbm:s5], $0x80, s23, s20, $0xb8;
	[tilespmem:$0x1A000] =	vst v63  }
0x11d: {  	s12 =	sld [smem:$0x7E8]  }
0x11e: {  	[tilespmem:s0], [sflag:$0xD] =	stream.indirect.gather.add.f32 [hbm:s6], $0x80, s9, s20, $0xb8;
	[tilespmem:$0x1A000] =	vst v63  }
0x11f: {  	s17 =	sld [smem:$0x7E9]  }
0x120: {  	[tilespmem:s0], [sflag:$0xD] =	stream.indirect.gather.add.f32 [hbm:s7], $0x80, s12, s20, $0xb8;
	[tilespmem:$0x1A000] =	vst v63  }
0x121: {  	s22 =	sld [smem:$0x7EA]  }
0x122: {  	[tilespmem:s0], [sflag:$0xD] =	stream.indirect.gather.add.f32 [hbm:s8], $0x80, s17, s20, $0xb8;
	[tilespmem:$0x1A000] =	vst v63  }
0x123: {  	s23 =	sld [smem:$0x7EB]  }
0x124: {  	[tilespmem:s0], [sflag:$0xD] =	stream.indirect.gather.add.f32 [hbm:s10], $0x80, s22, s20, $0xb8;
	[tilespmem:$0x1A000] =	vst v63  }
0x125: {  	_ = 	snop  }
0x126: {  	[tilespmem:s0], [sflag:$0xD] =	stream.indirect.gather.add.f32 [hbm:s11], $0x80, s23, s20, $0xb8;
	[tilespmem:$0x1A000] =	vst v63  }
0x127: {  	_ =	swait.ge [sflag:s26], $0x4000  }
0x128: {  	[sflag:s26] =	ssyncset.done $0x0  }
0x129: {  	[sflag:s26] =	ssyncadd.s32 $0xFFFFC000  }
0x12a: {  	_ =	swait.ge [sflag:s26], $0x4000  }
0x12b: {  	[sflag:s26] =	ssyncset.done $0x0  }
0x12c: {  	[sflag:s26] =	ssyncadd.s32 $0xFFFFC000  }
0x12d: {  	_ =	swait.ge [sflag:s26], $0x4000  }
0x12e: {  	[sflag:s26] =	ssyncset.done $0x0  }
0x12f: {  	[sflag:s26] =	ssyncadd.s32 $0xFFFFC000  }
0x130: {  	_ =	swait.ge [sflag:s26], $0x4000  }
0x131: {  	[sflag:s26] =	ssyncset.done $0x0  }
0x132: {  	[sflag:s26] =	ssyncadd.s32 $0xFFFFC000  }
0x133: {  	_ =	swait.ge [sflag:s26], $0x4000  }
0x134: {  	[sflag:s26] =	ssyncset.done $0x0  }
0x135: {  	[sflag:s26] =	ssyncadd.s32 $0xFFFFC000  }
0x136: {  	_ =	swait.ge [sflag:s26], $0x4000  }
0x137: {  	[sflag:s26] =	ssyncset.done $0x0  }
0x138: {  	[sflag:s26] =	ssyncadd.s32 $0xFFFFC000  }
0x139: {  	_ =	swait.ge [sflag:s26], $0x4000  }
0x13a: {  	[sflag:s26] =	ssyncset.done $0x0  }
0x13b: {  	s24 =	rddreg [dreg:$0x6];
	[sflag:s26] =	ssyncadd.s32 $0xFFFFC000  }
0x13c: {  	[hbm4b:s24+s2] =	stream.linear.scatter [tilespmem:s1], [sflag:$0x14], $0x4000, $0x38;
	[tilespmem:$0x1A000] =	vst v63  }
0x13d: {  	s1 =	simm.s32 $0x6  }
0x13e: {  	_ =	swait.ge [sflag:s1], $0x4000  }
0x13f: {  	[sflag:s1] =	ssyncset.done $0x0  }
0x140: {  	s12 =	simm.s32 $0x1480;
	s9 =	sld [smem:$0x7EC];
	[sflag:s1] =	ssyncadd.s32 $0xFFFFC000  }
0x141: {  	[tilespmem:s29], [sflag:$0xE] =	stream.indirect.gather.add.f32 [hbm:s4], $0x80, s12, s20, $0xb8;
	[tilespmem:$0x1A000] =	vst v63  }
0x142: {  	s17 =	sld [smem:$0x7ED]  }
0x143: {  	[tilespmem:s29], [sflag:$0xE] =	stream.indirect.gather.add.f32 [hbm:s5], $0x80, s9, s20, $0xb8;
	[tilespmem:$0x1A000] =	vst v63  }
0x144: {  	s22 =	sld [smem:$0x7EE]  }
0x145: {  	[tilespmem:s29], [sflag:$0xE] =	stream.indirect.gather.add.f32 [hbm:s6], $0x80, s17, s20, $0xb8;
	[tilespmem:$0x1A000] =	vst v63  }
0x146: {  	s23 =	sld [smem:$0x7EF]  }
0x147: {  	[tilespmem:s29], [sflag:$0xE] =	stream.indirect.gather.add.f32 [hbm:s7], $0x80, s22, s20, $0xb8;
	[tilespmem:$0x1A000] =	vst v63  }
0x148: {  	s24 =	sld [smem:$0x7F0]  }
0x149: {  	[tilespmem:s29], [sflag:$0xE] =	stream.indirect.gather.add.f32 [hbm:s8], $0x80, s23, s20, $0xb8;
	[tilespmem:$0x1A000] =	vst v63  }
0x14a: {  	s1 =	sld [smem:$0x7F1]  }
0x14b: {  	[tilespmem:s29], [sflag:$0xE] =	stream.indirect.gather.add.f32 [hbm:s10], $0x80, s24, s20, $0xb8;
	[tilespmem:$0x1A000] =	vst v63  }
0x14c: {  	_ = 	snop  }
0x14d: {  	[tilespmem:s29], [sflag:$0xE] =	stream.indirect.gather.add.f32 [hbm:s11], $0x80, s1, s20, $0xb8;
	[tilespmem:$0x1A000] =	vst v63  }
0x14e: {  	_ =	swait.ge [sflag:s31], $0x4000  }
0x14f: {  	[sflag:s31] =	ssyncset.done $0x0  }
0x150: {  	[sflag:s31] =	ssyncadd.s32 $0xFFFFC000  }
0x151: {  	_ =	swait.ge [sflag:s31], $0x4000  }
0x152: {  	[sflag:s31] =	ssyncset.done $0x0  }
0x153: {  	[sflag:s31] =	ssyncadd.s32 $0xFFFFC000  }
0x154: {  	_ =	swait.ge [sflag:s31], $0x4000  }
0x155: {  	[sflag:s31] =	ssyncset.done $0x0  }
0x156: {  	[sflag:s31] =	ssyncadd.s32 $0xFFFFC000  }
0x157: {  	_ =	swait.ge [sflag:s31], $0x4000  }
0x158: {  	[sflag:s31] =	ssyncset.done $0x0  }
0x159: {  	[sflag:s31] =	ssyncadd.s32 $0xFFFFC000  }
0x15a: {  	_ =	swait.ge [sflag:s31], $0x4000  }
0x15b: {  	[sflag:s31] =	ssyncset.done $0x0  }
0x15c: {  	[sflag:s31] =	ssyncadd.s32 $0xFFFFC000  }
0x15d: {  	_ =	swait.ge [sflag:s31], $0x4000  }
0x15e: {  	[sflag:s31] =	ssyncset.done $0x0  }
0x15f: {  	[sflag:s31] =	ssyncadd.s32 $0xFFFFC000  }
0x160: {  	_ =	swait.ge [sflag:s31], $0x4000  }
0x161: {  	[sflag:s31] =	ssyncset.done $0x0  }
0x162: {  	s12 =	simm.s32 $0x7;
	s9 =	rddreg [dreg:$0x7];
	[sflag:s31] =	ssyncadd.s32 $0xFFFFC000  }
0x163: {  	[hbm4b:s9+s2] =	stream.linear.scatter [tilespmem:s0], [sflag:$0x15], $0x4000, $0x38;
	[tilespmem:$0x1A000] =	vst v63  }
0x164: {  	_ =	swait.ge [sflag:s12], $0x4000  }
0x165: {  	[sflag:s12] =	ssyncset.done $0x0  }
0x166: {  	s22 =	simm.s32 $0x1880;
	s17 =	sld [smem:$0x7F2];
	[sflag:s12] =	ssyncadd.s32 $0xFFFFC000  }
0x167: {  	[tilespmem:s18], [sflag:$0xF] =	stream.indirect.gather.add.f32 [hbm:s4], $0x80, s22, s20, $0xb8;
	[tilespmem:$0x1A000] =	vst v63  }
0x168: {  	s23 =	sld [smem:$0x7F3]  }
0x169: {  	[tilespmem:s18], [sflag:$0xF] =	stream.indirect.gather.add.f32 [hbm:s5], $0x80, s17, s20, $0xb8;
	[tilespmem:$0x1A000] =	vst v63  }
0x16a: {  	s24 =	sld [smem:$0x7F4]  }
0x16b: {  	[tilespmem:s18], [sflag:$0xF] =	stream.indirect.gather.add.f32 [hbm:s6], $0x80, s23, s20, $0xb8;
	[tilespmem:$0x1A000] =	vst v63  }
0x16c: {  	s1 =	sld [smem:$0x7F5]  }
0x16d: {  	[tilespmem:s18], [sflag:$0xF] =	stream.indirect.gather.add.f32 [hbm:s7], $0x80, s24, s20, $0xb8;
	[tilespmem:$0x1A000] =	vst v63  }
0x16e: {  	s3 =	sld [smem:$0x7F6]  }
0x16f: {  	[tilespmem:s18], [sflag:$0xF] =	stream.indirect.gather.add.f32 [hbm:s8], $0x80, s1, s20, $0xb8;
	[tilespmem:$0x1A000] =	vst v63  }
0x170: {  	s9 =	sld [smem:$0x7F7]  }
0x171: {  	[tilespmem:s18], [sflag:$0xF] =	stream.indirect.gather.add.f32 [hbm:s10], $0x80, s3, s20, $0xb8;
	[tilespmem:$0x1A000] =	vst v63  }
0x172: {  	_ = 	snop  }
0x173: {  	[tilespmem:s18], [sflag:$0xF] =	stream.indirect.gather.add.f32 [hbm:s11], $0x80, s9, s20, $0xb8;
	[tilespmem:$0x1A000] =	vst v63  }
0x174: {  	_ =	swait.ge [sflag:s25], $0x4000  }
0x175: {  	[sflag:s25] =	ssyncset.done $0x0  }
0x176: {  	[sflag:s25] =	ssyncadd.s32 $0xFFFFC000  }
0x177: {  	_ =	swait.ge [sflag:s25], $0x4000  }
0x178: {  	[sflag:s25] =	ssyncset.done $0x0  }
0x179: {  	[sflag:s25] =	ssyncadd.s32 $0xFFFFC000  }
0x17a: {  	_ =	swait.ge [sflag:s25], $0x4000  }
0x17b: {  	[sflag:s25] =	ssyncset.done $0x0  }
0x17c: {  	[sflag:s25] =	ssyncadd.s32 $0xFFFFC000  }
0x17d: {  	_ =	swait.ge [sflag:s25], $0x4000  }
0x17e: {  	[sflag:s25] =	ssyncset.done $0x0  }
0x17f: {  	[sflag:s25] =	ssyncadd.s32 $0xFFFFC000  }
0x180: {  	_ =	swait.ge [sflag:s25], $0x4000  }
0x181: {  	[sflag:s25] =	ssyncset.done $0x0  }
0x182: {  	[sflag:s25] =	ssyncadd.s32 $0xFFFFC000  }
0x183: {  	_ =	swait.ge [sflag:s25], $0x4000  }
0x184: {  	[sflag:s25] =	ssyncset.done $0x0  }
0x185: {  	[sflag:s25] =	ssyncadd.s32 $0xFFFFC000  }
0x186: {  	_ =	swait.ge [sflag:s25], $0x4000  }
0x187: {  	[sflag:s25] =	ssyncset.done $0x0  }
0x188: {  	s15 =	simm.s32 $0x8;
	s12 =	rddreg [dreg:$0x8];
	[sflag:s25] =	ssyncadd.s32 $0xFFFFC000  }
0x189: {  	[hbm4b:s12+s2] =	stream.linear.scatter [tilespmem:s29], [sflag:$0x16], $0x4000, $0x38;
	[tilespmem:$0x1A000] =	vst v63  }
0x18a: {  	_ =	swait.ge [sflag:s15], $0x4000  }
0x18b: {  	[sflag:s15] =	ssyncset.done $0x0  }
0x18c: {  	s17 =	simm.s32 $0x1C80;
	[sflag:s15] =	ssyncadd.s32 $0xFFFFC000;
	s15 =	sld [smem:$0x7F8]  }
0x18d: {  	[tilespmem:s28], [sflag:$0x10] =	stream.indirect.gather.add.f32 [hbm:s4], $0x80, s17, s20, $0xb8;
	[tilespmem:$0x1A000] =	vst v63  }
0x18e: {  	s22 =	sld [smem:$0x7F9]  }
0x18f: {  	[tilespmem:s28], [sflag:$0x10] =	stream.indirect.gather.add.f32 [hbm:s5], $0x80, s15, s20, $0xb8;
	[tilespmem:$0x1A000] =	vst v63  }
0x190: {  	s23 =	sld [smem:$0x7FA]  }
0x191: {  	[tilespmem:s28], [sflag:$0x10] =	stream.indirect.gather.add.f32 [hbm:s6], $0x80, s22, s20, $0xb8;
	[tilespmem:$0x1A000] =	vst v63  }
0x192: {  	s24 =	sld [smem:$0x7FB]  }
0x193: {  	[tilespmem:s28], [sflag:$0x10] =	stream.indirect.gather.add.f32 [hbm:s7], $0x80, s23, s20, $0xb8;
	[tilespmem:$0x1A000] =	vst v63  }
0x194: {  	s29 =	sld [smem:$0x7FC]  }
0x195: {  	[tilespmem:s28], [sflag:$0x10] =	stream.indirect.gather.add.f32 [hbm:s8], $0x80, s24, s20, $0xb8;
	[tilespmem:$0x1A000] =	vst v63  }
0x196: {  	s3 =	sld [smem:$0x7FD]  }
0x197: {  	[tilespmem:s28], [sflag:$0x10] =	stream.indirect.gather.add.f32 [hbm:s10], $0x80, s29, s20, $0xb8;
	[tilespmem:$0x1A000] =	vst v63  }
0x198: {  	_ = 	snop  }
0x199: {  	[tilespmem:s28], [sflag:$0x10] =	stream.indirect.gather.add.f32 [hbm:s11], $0x80, s3, s20, $0xb8;
	[tilespmem:$0x1A000] =	vst v63  }
0x19a: {  	_ =	swait.ge [sflag:s21], $0x4000  }
0x19b: {  	[sflag:s21] =	ssyncset.done $0x0  }
0x19c: {  	[sflag:s21] =	ssyncadd.s32 $0xFFFFC000  }
0x19d: {  	_ =	swait.ge [sflag:s21], $0x4000  }
0x19e: {  	[sflag:s21] =	ssyncset.done $0x0  }
0x19f: {  	[sflag:s21] =	ssyncadd.s32 $0xFFFFC000  }
0x1a0: {  	_ =	swait.ge [sflag:s21], $0x4000  }
0x1a1: {  	[sflag:s21] =	ssyncset.done $0x0  }
0x1a2: {  	[sflag:s21] =	ssyncadd.s32 $0xFFFFC000  }
0x1a3: {  	_ =	swait.ge [sflag:s21], $0x4000  }
0x1a4: {  	[sflag:s21] =	ssyncset.done $0x0  }
0x1a5: {  	[sflag:s21] =	ssyncadd.s32 $0xFFFFC000  }
0x1a6: {  	_ =	swait.ge [sflag:s21], $0x4000  }
0x1a7: {  	[sflag:s21] =	ssyncset.done $0x0  }
0x1a8: {  	[sflag:s21] =	ssyncadd.s32 $0xFFFFC000  }
0x1a9: {  	_ =	swait.ge [sflag:s21], $0x4000  }
0x1aa: {  	[sflag:s21] =	ssyncset.done $0x0  }
0x1ab: {  	[sflag:s21] =	ssyncadd.s32 $0xFFFFC000  }
0x1ac: {  	_ =	swait.ge [sflag:s21], $0x4000  }
0x1ad: {  	[sflag:s21] =	ssyncset.done $0x0  }
0x1ae: {  	s9 =	rddreg [dreg:$0x9];
	[sflag:s21] =	ssyncadd.s32 $0xFFFFC000  }
0x1af: {  	[hbm4b:s9+s2] =	stream.linear.scatter [tilespmem:s18], [sflag:$0x17], $0x4000, $0x38;
	[tilespmem:$0x1A000] =	vst v63  }
0x1b0: {  	_ =	swait.ge [sflag:s19], $0x4000  }
0x1b1: {  	[sflag:s19] =	ssyncset.done $0x0  }
0x1b2: {  	[sflag:s19] =	ssyncadd.s32 $0xFFFFC000  }
0x1b3: {  	_ =	swait.ge [sflag:s19], $0x4000  }
0x1b4: {  	[sflag:s19] =	ssyncset.done $0x0  }
0x1b5: {  	[sflag:s19] =	ssyncadd.s32 $0xFFFFC000  }
0x1b6: {  	_ =	swait.ge [sflag:s19], $0x4000  }
0x1b7: {  	[sflag:s19] =	ssyncset.done $0x0  }
0x1b8: {  	[sflag:s19] =	ssyncadd.s32 $0xFFFFC000  }
0x1b9: {  	_ =	swait.ge [sflag:s19], $0x4000  }
0x1ba: {  	[sflag:s19] =	ssyncset.done $0x0  }
0x1bb: {  	[sflag:s19] =	ssyncadd.s32 $0xFFFFC000  }
0x1bc: {  	_ =	swait.ge [sflag:s19], $0x4000  }
0x1bd: {  	[sflag:s19] =	ssyncset.done $0x0  }
0x1be: {  	[sflag:s19] =	ssyncadd.s32 $0xFFFFC000  }
0x1bf: {  	_ =	swait.ge [sflag:s19], $0x4000  }
0x1c0: {  	[sflag:s19] =	ssyncset.done $0x0  }
0x1c1: {  	[sflag:s19] =	ssyncadd.s32 $0xFFFFC000  }
0x1c2: {  	_ =	swait.ge [sflag:s19], $0x4000  }
0x1c3: {  	[sflag:s19] =	ssyncset.done $0x0  }
0x1c4: {  	s15 =	simm.s32 $0x13;
	s12 =	rddreg [dreg:$0xa];
	[sflag:s19] =	ssyncadd.s32 $0xFFFFC000  }
0x1c5: {  	[hbm4b:s12+s2] =	stream.linear.scatter [tilespmem:s28], [sflag:$0x18], $0x4000, $0x38;
	[tilespmem:$0x1A000] =	vst v63  }
0x1c6: {  	_ =	swait.ge [sflag:s15], $0x4000  }
0x1c7: {  	[sflag:s15] =	ssyncset.done $0x0  }
0x1c8: {  	s17 =	simm.s32 $0x14;
	[sflag:s15] =	ssyncadd.s32 $0xFFFFC000  }
0x1c9: {  	_ =	swait.ge [sflag:s17], $0x4000  }
0x1ca: {  	[sflag:s17] =	ssyncset.done $0x0  }
0x1cb: {  	s22 =	simm.s32 $0x15;
	[sflag:s17] =	ssyncadd.s32 $0xFFFFC000  }
0x1cc: {  	_ =	swait.ge [sflag:s22], $0x4000  }
0x1cd: {  	[sflag:s22] =	ssyncset.done $0x0  }
0x1ce: {  	s23 =	simm.s32 $0x16;
	[sflag:s22] =	ssyncadd.s32 $0xFFFFC000  }
0x1cf: {  	_ =	swait.ge [sflag:s23], $0x4000  }
0x1d0: {  	[sflag:s23] =	ssyncset.done $0x0  }
0x1d1: {  	s24 =	simm.s32 $0x17;
	[sflag:s23] =	ssyncadd.s32 $0xFFFFC000  }
0x1d2: {  	_ =	swait.ge [sflag:s24], $0x4000  }
0x1d3: {  	s28 =	sld [smem:$0x7D2];
	_ =	sdelay $0x2  }
0x1d4: {  	p1 =	sne.s32 s28, $0x1  }
.Ltmp1:
0x1d5: {  	_ = 	snop;
	(pc) =	sbr.rel @!p1 .LBB2_6-.Ltmp1, $4  }
0x1d6: {  	[sflag:s24] =	ssyncset.done $0x0  }
0x1d7: {  	p0 =	por $0x1, $0x1;
	s29 =	simm.s32 $0x18;
	[sflag:s24] =	ssyncadd.s32 $0xFFFFC000  }
0x1d8: {  	s9 =	simm.s32 $0x6000;
	s17 =	simm.s32 $0x18;
	_ =	swait.ge [sflag:s29], $0x4000  }
0x1d9: {  	s23 =	simm.s32 $0x1080;
	s14 =	sadd.s32 $0xFFFFFFFF, s28;
	[sflag:s29] =	ssyncset.done $0x0  }
0x1da: {  	s12 =	simm.s32 $0x1000;
	s28 =	simm.s32 $0x480  }
.LBB2_3:
0x1db: {  	s0 =	sld [smem:$0x7D0];
	_ =	sdelay $0x1  }
0x1dc: {  	[sflag:s17] =	ssyncadd.s32 $0xFFFFC000  }
0x1dd: {  	[tilespmem:s2], [sflag:$0x19] =	stream.linear.gather [hbm4b:s0+s2], $0x80, $0x38;
	[tilespmem:$0x1A000] =	vst v63  }
0x1de: {  	s15 =	rddreg [dreg:$0xb];
	s1 =	simm.s32 $0x400  }
0x1df: {  	[tilespmem:s1], [sflag:$0x19] =	stream.linear.gather [hbm4b:s15+s2], $0x80, $0x38;
	[tilespmem:$0x1A000] =	vst v63  }
0x1e0: {  	s3 =	rddreg [dreg:$0xc];
	s29 =	simm.s32 $0x800  }
0x1e1: {  	[tilespmem:s29], [sflag:$0x19] =	stream.linear.gather [hbm4b:s3+s2], $0x80, $0x38;
	[tilespmem:$0x1A000] =	vst v63  }
0x1e2: {  	s4 =	rddreg [dreg:$0xd];
	s22 =	simm.s32 $0xC00  }
0x1e3: {  	[tilespmem:s22], [sflag:$0x19] =	stream.linear.gather [hbm4b:s4+s2], $0x80, $0x38;
	[tilespmem:$0x1A000] =	vst v63  }
0x1e4: {  	s19 =	rddreg [dreg:$0xe]  }
0x1e5: {  	[tilespmem:s12], [sflag:$0x19] =	stream.linear.gather [hbm4b:s19+s2], $0x80, $0x38;
	[tilespmem:$0x1A000] =	vst v63  }
0x1e6: {  	s24 =	rddreg [dreg:$0xf];
	s4 =	simm.s32 $0x1400  }
0x1e7: {  	[tilespmem:s4], [sflag:$0x19] =	stream.linear.gather [hbm4b:s24+s2], $0x80, $0x38;
	[tilespmem:$0x1A000] =	vst v63  }
0x1e8: {  	s0 =	rddreg [dreg:$0x10];
	s3 =	simm.s32 $0x1800  }
0x1e9: {  	[tilespmem:s3], [sflag:$0x19] =	stream.linear.gather [hbm4b:s0+s2], $0x80, $0x38;
	[tilespmem:$0x1A000] =	vst v63  }
0x1ea: {  	s15 =	rddreg [dreg:$0x11];
	s24 =	simm.s32 $0x1C00  }
0x1eb: {  	[tilespmem:s24], [sflag:$0x19] =	stream.linear.gather [hbm4b:s15+s2], $0x80, $0x38;
	[tilespmem:$0x1A000] =	vst v63  }
0x1ec: {  	s19 =	rddreg [dreg:$0x12]  }
0x1ed: {  	[tilespmem:s20], [sflag:$0x1A] =	stream.linear.gather [hbm4b:s19+s2], $0x380, $0x38;
	[tilespmem:$0x1A000] =	vst v63  }
0x1ee: {  	s0 =	rddreg [dreg:$0x13]  }
0x1ef: {  	[tilespmem:s28], [sflag:$0x1A] =	stream.linear.gather [hbm4b:s0+s2], $0x380, $0x38;
	[tilespmem:$0x1A000] =	vst v63  }
0x1f0: {  	s3 =	rddreg [dreg:$0x14];
	s24 =	simm.s32 $0x880  }
0x1f1: {  	[tilespmem:s24], [sflag:$0x1A] =	stream.linear.gather [hbm4b:s3+s2], $0x380, $0x38;
	[tilespmem:$0x1A000] =	vst v63  }
0x1f2: {  	s19 =	rddreg [dreg:$0x15];
	s3 =	simm.s32 $0xC80  }
0x1f3: {  	[tilespmem:s3], [sflag:$0x1A] =	stream.linear.gather [hbm4b:s19+s2], $0x380, $0x38;
	[tilespmem:$0x1A000] =	vst v63  }
0x1f4: {  	s0 =	rddreg [dreg:$0x16]  }
0x1f5: {  	[tilespmem:s23], [sflag:$0x1A] =	stream.linear.gather [hbm4b:s0+s2], $0x380, $0x38;
	[tilespmem:$0x1A000] =	vst v63  }
0x1f6: {  	s19 =	rddreg [dreg:$0x17];
	s23 =	simm.s32 $0x1480  }
0x1f7: {  	[tilespmem:s23], [sflag:$0x1A] =	stream.linear.gather [hbm4b:s19+s2], $0x380, $0x38;
	[tilespmem:$0x1A000] =	vst v63  }
0x1f8: {  	s17 =	rddreg [dreg:$0x18];
	s19 =	simm.s32 $0x1880  }
0x1f9: {  	[tilespmem:s19], [sflag:$0x1A] =	stream.linear.gather [hbm4b:s17+s2], $0x380, $0x38;
	[tilespmem:$0x1A000] =	vst v63  }
0x1fa: {  	s15 =	rddreg [dreg:$0x19];
	s0 =	simm.s32 $0x19;
	s23 =	simm.s32 $0x1C80  }
0x1fb: {  	[tilespmem:s23], [sflag:$0x1A] =	stream.linear.gather [hbm4b:s15+s2], $0x380, $0x38;
	[tilespmem:$0x1A000] =	vst v63  }
0x1fc: {  	_ =	swait.ge [sflag:s0], $0x400  }
0x1fd: {  	[sflag:s0] =	ssyncset.done $0x0  }
0x1fe: {  	[sflag:s0] =	ssyncadd.s32 $0xFFFFFC00  }
0x1ff: {  	s23 =	rddreg [dreg:$0x1]  }
0x200: {  	[tilespmem:s18], [sflag:$0x1] =	stream.indirect.gather [hbm4b:s23+s20], $0x80, s2, s20, $0xb8;
	[tilespmem:$0x1A000] =	vst v63  }
0x201: {  	_ = 	snop  }
0x202: {  	[tilespmem:s9], [sflag:$0x2] =	stream.indirect.gather [hbm4b:s23+s20], $0x80, s1, s20, $0xb8;
	[tilespmem:$0x1A000] =	vst v63  }
0x203: {  	s9 =	simm.s32 $0xA000  }
0x204: {  	[tilespmem:s9], [sflag:$0x3] =	stream.indirect.gather [hbm4b:s23+s20], $0x80, s29, s20, $0xb8;
	[tilespmem:$0x1A000] =	vst v63  }
0x205: {  	s17 =	simm.s32 $0x1A;
	s0 =	simm.s32 $0xE000  }
0x206: {  	[tilespmem:s0], [sflag:$0x4] =	stream.indirect.gather [hbm4b:s23+s20], $0x80, s22, s20, $0xb8;
	[tilespmem:$0x1A000] =	vst v63  }
0x207: {  	_ =	swait.ge [sflag:s17], $0x1C00  }
0x208: {  	[sflag:s17] =	ssyncset.done $0x0  }
0x209: {  	s22 =	simm.s32 $0x1;
	[sflag:s17] =	ssyncadd.s32 $0xFFFFE400  }
0x20a: {  	_ =	swait.ge [sflag:s22], $0x4000  }
0x20b: {  	s17 =	sld [smem:$0x7D1]  }
0x20c: {  	[sflag:s22] =	ssyncset.done $0x0  }
0x20d: {  	s19 =	simm.s32 $0x2000;
	[sflag:s22] =	ssyncadd.s32 $0xFFFFC000  }
0x20e: {  	[tilespmem:s19], [sflag:$0x9] =	stream.indirect.gather.add.f32 [hbm:s17], $0x80, s20, s20, $0xb8;
	[tilespmem:$0x1A000] =	vst v63  }
0x20f: {  	s29 =	rddreg [dreg:$0x1a]  }
0x210: {  	[tilespmem:s19], [sflag:$0x9] =	stream.indirect.gather.add.f32 [hbm:s5], $0x80, s29, s20, $0xb8;
	[tilespmem:$0x1A000] =	vst v63  }
0x211: {  	s22 =	rddreg [dreg:$0x1b]  }
0x212: {  	[tilespmem:s19], [sflag:$0x9] =	stream.indirect.gather.add.f32 [hbm:s6], $0x80, s22, s20, $0xb8;
	[tilespmem:$0x1A000] =	vst v63  }
0x213: {  	s29 =	rddreg [dreg:$0x1c]  }
0x214: {  	[tilespmem:s19], [sflag:$0x9] =	stream.indirect.gather.add.f32 [hbm:s7], $0x80, s29, s20, $0xb8;
	[tilespmem:$0x1A000] =	vst v63  }
0x215: {  	s1 =	rddreg [dreg:$0x1d]  }
0x216: {  	[tilespmem:s19], [sflag:$0x9] =	stream.indirect.gather.add.f32 [hbm:s8], $0x80, s1, s20, $0xb8;
	[tilespmem:$0x1A000] =	vst v63  }
0x217: {  	s22 =	rddreg [dreg:$0x1e]  }
0x218: {  	[tilespmem:s19], [sflag:$0x9] =	stream.indirect.gather.add.f32 [hbm:s10], $0x80, s22, s20, $0xb8;
	[tilespmem:$0x1A000] =	vst v63  }
0x219: {  	s29 =	rddreg [dreg:$0x1f]  }
0x21a: {  	[tilespmem:s19], [sflag:$0x9] =	stream.indirect.gather.add.f32 [hbm:s11], $0x80, s29, s20, $0xb8;
	[tilespmem:$0x1A000] =	vst v63  }
0x21b: {  	s1 =	simm.s32 $0x2;
	s22 =	simm.s32 $0x12000  }
0x21c: {  	[tilespmem:s22], [sflag:$0x5] =	stream.indirect.gather [hbm4b:s23+s20], $0x80, s12, s20, $0xb8;
	[tilespmem:$0x1A000] =	vst v63  }
0x21d: {  	_ =	swait.ge [sflag:s1], $0x4000  }
0x21e: {  	s29 =	sld [smem:$0x7D1]  }
0x21f: {  	[sflag:s1] =	ssyncset.done $0x0  }
0x220: {  	s18 =	simm.s32 $0x6000;
	s17 =	sld [smem:$0x7D4];
	[sflag:s1] =	ssyncadd.s32 $0xFFFFC000  }
0x221: {  	[tilespmem:s18], [sflag:$0xA] =	stream.indirect.gather.add.f32 [hbm:s29], $0x80, s28, s20, $0xb8;
	[tilespmem:$0x1A000] =	vst v63  }
0x222: {  	s1 =	sld [smem:$0x7D5]  }
0x223: {  	[tilespmem:s18], [sflag:$0xA] =	stream.indirect.gather.add.f32 [hbm:s5], $0x80, s17, s20, $0xb8;
	[tilespmem:$0x1A000] =	vst v63  }
0x224: {  	s29 =	sld [smem:$0x7D6]  }
0x225: {  	[tilespmem:s18], [sflag:$0xA] =	stream.indirect.gather.add.f32 [hbm:s6], $0x80, s1, s20, $0xb8;
	[tilespmem:$0x1A000] =	vst v63  }
0x226: {  	s1 =	sld [smem:$0x7D7]  }
0x227: {  	[tilespmem:s18], [sflag:$0xA] =	stream.indirect.gather.add.f32 [hbm:s7], $0x80, s29, s20, $0xb8;
	[tilespmem:$0x1A000] =	vst v63  }
0x228: {  	s29 =	sld [smem:$0x7D8]  }
0x229: {  	[tilespmem:s18], [sflag:$0xA] =	stream.indirect.gather.add.f32 [hbm:s8], $0x80, s1, s20, $0xb8;
	[tilespmem:$0x1A000] =	vst v63  }
0x22a: {  	s1 =	sld [smem:$0x7D9]  }
0x22b: {  	[tilespmem:s18], [sflag:$0xA] =	stream.indirect.gather.add.f32 [hbm:s10], $0x80, s29, s20, $0xb8;
	[tilespmem:$0x1A000] =	vst v63  }
0x22c: {  	_ = 	snop  }
0x22d: {  	[tilespmem:s18], [sflag:$0xA] =	stream.indirect.gather.add.f32 [hbm:s11], $0x80, s1, s20, $0xb8;
	[tilespmem:$0x1A000] =	vst v63  }
0x22e: {  	_ =	swait.ge [sflag:s30], $0x4000  }
0x22f: {  	[sflag:s30] =	ssyncset.done $0x0  }
0x230: {  	[sflag:s30] =	ssyncadd.s32 $0xFFFFC000  }
0x231: {  	_ =	swait.ge [sflag:s30], $0x4000  }
0x232: {  	[sflag:s30] =	ssyncset.done $0x0  }
0x233: {  	[sflag:s30] =	ssyncadd.s32 $0xFFFFC000  }
0x234: {  	_ =	swait.ge [sflag:s30], $0x4000  }
0x235: {  	[sflag:s30] =	ssyncset.done $0x0  }
0x236: {  	[sflag:s30] =	ssyncadd.s32 $0xFFFFC000  }
0x237: {  	_ =	swait.ge [sflag:s30], $0x4000  }
0x238: {  	[sflag:s30] =	ssyncset.done $0x0  }
0x239: {  	[sflag:s30] =	ssyncadd.s32 $0xFFFFC000  }
0x23a: {  	_ =	swait.ge [sflag:s30], $0x4000  }
0x23b: {  	[sflag:s30] =	ssyncset.done $0x0  }
0x23c: {  	[sflag:s30] =	ssyncadd.s32 $0xFFFFC000  }
0x23d: {  	_ =	swait.ge [sflag:s30], $0x4000  }
0x23e: {  	[sflag:s30] =	ssyncset.done $0x0  }
0x23f: {  	[sflag:s30] =	ssyncadd.s32 $0xFFFFC000  }
0x240: {  	_ =	swait.ge [sflag:s30], $0x4000  }
0x241: {  	s29 =	sld [smem:$0x7D3]  }
0x242: {  	[sflag:s30] =	ssyncset.done $0x0  }
0x243: {  	[sflag:s30] =	ssyncadd.s32 $0xFFFFC000  }
0x244: {  	[hbm4b:s29+s2] =	stream.linear.scatter [tilespmem:s19], [sflag:$0x11], $0x4000, $0x38;
	[tilespmem:$0x1A000] =	vst v63  }
0x245: {  	s1 =	simm.s32 $0x3;
	s29 =	simm.s32 $0x16000  }
0x246: {  	[tilespmem:s29], [sflag:$0x6] =	stream.indirect.gather [hbm4b:s23+s20], $0x80, s4, s20, $0xb8;
	[tilespmem:$0x1A000] =	vst v63  }
0x247: {  	s4 =	sld [smem:$0x7D1];
	_ =	swait.ge [sflag:s1], $0x4000  }
0x248: {  	[sflag:s1] =	ssyncset.done $0x0  }
0x249: {  	s17 =	sld [smem:$0x7DA];
	[sflag:s1] =	ssyncadd.s32 $0xFFFFC000  }
0x24a: {  	[tilespmem:s9], [sflag:$0xB] =	stream.indirect.gather.add.f32 [hbm:s4], $0x80, s24, s20, $0xb8;
	[tilespmem:$0x1A000] =	vst v63  }
0x24b: {  	s1 =	sld [smem:$0x7DB]  }
0x24c: {  	[tilespmem:s9], [sflag:$0xB] =	stream.indirect.gather.add.f32 [hbm:s5], $0x80, s17, s20, $0xb8;
	[tilespmem:$0x1A000] =	vst v63  }
0x24d: {  	s24 =	sld [smem:$0x7DC]  }
0x24e: {  	[tilespmem:s9], [sflag:$0xB] =	stream.indirect.gather.add.f32 [hbm:s6], $0x80, s1, s20, $0xb8;
	[tilespmem:$0x1A000] =	vst v63  }
0x24f: {  	s1 =	sld [smem:$0x7DD]  }
0x250: {  	[tilespmem:s9], [sflag:$0xB] =	stream.indirect.gather.add.f32 [hbm:s7], $0x80, s24, s20, $0xb8;
	[tilespmem:$0x1A000] =	vst v63  }
0x251: {  	s24 =	sld [smem:$0x7DE]  }
0x252: {  	[tilespmem:s9], [sflag:$0xB] =	stream.indirect.gather.add.f32 [hbm:s8], $0x80, s1, s20, $0xb8;
	[tilespmem:$0x1A000] =	vst v63  }
0x253: {  	s1 =	sld [smem:$0x7DF]  }
0x254: {  	[tilespmem:s9], [sflag:$0xB] =	stream.indirect.gather.add.f32 [hbm:s10], $0x80, s24, s20, $0xb8;
	[tilespmem:$0x1A000] =	vst v63  }
0x255: {  	_ = 	snop  }
0x256: {  	[tilespmem:s9], [sflag:$0xB] =	stream.indirect.gather.add.f32 [hbm:s11], $0x80, s1, s20, $0xb8;
	[tilespmem:$0x1A000] =	vst v63  }
0x257: {  	_ =	swait.ge [sflag:s16], $0x4000  }
0x258: {  	[sflag:s16] =	ssyncset.done $0x0  }
0x259: {  	[sflag:s16] =	ssyncadd.s32 $0xFFFFC000  }
0x25a: {  	_ =	swait.ge [sflag:s16], $0x4000  }
0x25b: {  	[sflag:s16] =	ssyncset.done $0x0  }
0x25c: {  	[sflag:s16] =	ssyncadd.s32 $0xFFFFC000  }
0x25d: {  	_ =	swait.ge [sflag:s16], $0x4000  }
0x25e: {  	[sflag:s16] =	ssyncset.done $0x0  }
0x25f: {  	[sflag:s16] =	ssyncadd.s32 $0xFFFFC000  }
0x260: {  	_ =	swait.ge [sflag:s16], $0x4000  }
0x261: {  	[sflag:s16] =	ssyncset.done $0x0  }
0x262: {  	[sflag:s16] =	ssyncadd.s32 $0xFFFFC000  }
0x263: {  	_ =	swait.ge [sflag:s16], $0x4000  }
0x264: {  	[sflag:s16] =	ssyncset.done $0x0  }
0x265: {  	[sflag:s16] =	ssyncadd.s32 $0xFFFFC000  }
0x266: {  	_ =	swait.ge [sflag:s16], $0x4000  }
0x267: {  	[sflag:s16] =	ssyncset.done $0x0  }
0x268: {  	[sflag:s16] =	ssyncadd.s32 $0xFFFFC000  }
0x269: {  	_ =	swait.ge [sflag:s16], $0x4000  }
0x26a: {  	[sflag:s16] =	ssyncset.done $0x0  }
0x26b: {  	s1 =	simm.s32 $0x11;
	s24 =	rddreg [dreg:$0x4];
	[sflag:s16] =	ssyncadd.s32 $0xFFFFC000  }
0x26c: {  	[hbm4b:s24+s2] =	stream.linear.scatter [tilespmem:s18], [sflag:$0x12], $0x4000, $0x38;
	[tilespmem:$0x1A000] =	vst v63  }
0x26d: {  	_ =	swait.ge [sflag:s1], $0x4000  }
0x26e: {  	s15 =	simm.s32 $0x1800;
	[sflag:s1] =	ssyncset.done $0x0  }
0x26f: {  	s17 =	simm.s32 $0x4;
	s18 =	simm.s32 $0x2000;
	[sflag:s1] =	ssyncadd.s32 $0xFFFFC000  }
0x270: {  	[tilespmem:s18], [sflag:$0x7] =	stream.indirect.gather [hbm4b:s23+s20], $0x80, s15, s20, $0xb8;
	[tilespmem:$0x1A000] =	vst v63  }
0x271: {  	_ =	swait.ge [sflag:s17], $0x4000  }
0x272: {  	[sflag:s17] =	ssyncset.done $0x0  }
0x273: {  	s24 =	sld [smem:$0x7E0];
	[sflag:s17] =	ssyncadd.s32 $0xFFFFC000  }
0x274: {  	[tilespmem:s0], [sflag:$0xC] =	stream.indirect.gather.add.f32 [hbm:s4], $0x80, s3, s20, $0xb8;
	[tilespmem:$0x1A000] =	vst v63  }
0x275: {  	s1 =	sld [smem:$0x7E1]  }
0x276: {  	[tilespmem:s0], [sflag:$0xC] =	stream.indirect.gather.add.f32 [hbm:s5], $0x80, s24, s20, $0xb8;
	[tilespmem:$0x1A000] =	vst v63  }
0x277: {  	s3 =	sld [smem:$0x7E2]  }
0x278: {  	[tilespmem:s0], [sflag:$0xC] =	stream.indirect.gather.add.f32 [hbm:s6], $0x80, s1, s20, $0xb8;
	[tilespmem:$0x1A000] =	vst v63  }
0x279: {  	s24 =	sld [smem:$0x7E3]  }
0x27a: {  	[tilespmem:s0], [sflag:$0xC] =	stream.indirect.gather.add.f32 [hbm:s7], $0x80, s3, s20, $0xb8;
	[tilespmem:$0x1A000] =	vst v63  }
0x27b: {  	s1 =	sld [smem:$0x7E4]  }
0x27c: {  	[tilespmem:s0], [sflag:$0xC] =	stream.indirect.gather.add.f32 [hbm:s8], $0x80, s24, s20, $0xb8;
	[tilespmem:$0x1A000] =	vst v63  }
0x27d: {  	s3 =	sld [smem:$0x7E5]  }
0x27e: {  	[tilespmem:s0], [sflag:$0xC] =	stream.indirect.gather.add.f32 [hbm:s10], $0x80, s1, s20, $0xb8;
	[tilespmem:$0x1A000] =	vst v63  }
0x27f: {  	_ = 	snop  }
0x280: {  	[tilespmem:s0], [sflag:$0xC] =	stream.indirect.gather.add.f32 [hbm:s11], $0x80, s3, s20, $0xb8;
	[tilespmem:$0x1A000] =	vst v63  }
0x281: {  	_ =	swait.ge [sflag:s13], $0x4000  }
0x282: {  	[sflag:s13] =	ssyncset.done $0x0  }
0x283: {  	[sflag:s13] =	ssyncadd.s32 $0xFFFFC000  }
0x284: {  	_ =	swait.ge [sflag:s13], $0x4000  }
0x285: {  	[sflag:s13] =	ssyncset.done $0x0  }
0x286: {  	[sflag:s13] =	ssyncadd.s32 $0xFFFFC000  }
0x287: {  	_ =	swait.ge [sflag:s13], $0x4000  }
0x288: {  	[sflag:s13] =	ssyncset.done $0x0  }
0x289: {  	[sflag:s13] =	ssyncadd.s32 $0xFFFFC000  }
0x28a: {  	_ =	swait.ge [sflag:s13], $0x4000  }
0x28b: {  	[sflag:s13] =	ssyncset.done $0x0  }
0x28c: {  	[sflag:s13] =	ssyncadd.s32 $0xFFFFC000  }
0x28d: {  	_ =	swait.ge [sflag:s13], $0x4000  }
0x28e: {  	[sflag:s13] =	ssyncset.done $0x0  }
0x28f: {  	[sflag:s13] =	ssyncadd.s32 $0xFFFFC000  }
0x290: {  	_ =	swait.ge [sflag:s13], $0x4000  }
0x291: {  	[sflag:s13] =	ssyncset.done $0x0  }
0x292: {  	[sflag:s13] =	ssyncadd.s32 $0xFFFFC000  }
0x293: {  	_ =	swait.ge [sflag:s13], $0x4000  }
0x294: {  	[sflag:s13] =	ssyncset.done $0x0  }
0x295: {  	s1 =	simm.s32 $0x12;
	s24 =	rddreg [dreg:$0x5];
	[sflag:s13] =	ssyncadd.s32 $0xFFFFC000  }
0x296: {  	[hbm4b:s24+s2] =	stream.linear.scatter [tilespmem:s9], [sflag:$0x13], $0x4000, $0x38;
	[tilespmem:$0x1A000] =	vst v63  }
0x297: {  	_ =	swait.ge [sflag:s1], $0x4000  }
0x298: {  	s15 =	simm.s32 $0x5;
	[sflag:s1] =	ssyncset.done $0x0  }
0x299: {  	s3 =	simm.s32 $0x1C00;
	s9 =	simm.s32 $0x6000;
	[sflag:s1] =	ssyncadd.s32 $0xFFFFC000  }
0x29a: {  	[tilespmem:s9], [sflag:$0x8] =	stream.indirect.gather [hbm4b:s23+s20], $0x80, s3, s20, $0xb8;
	[tilespmem:$0x1A000] =	vst v63  }
0x29b: {  	_ =	swait.ge [sflag:s15], $0x4000  }
0x29c: {  	[sflag:s15] =	ssyncset.done $0x0  }
0x29d: {  	s23 =	simm.s32 $0x1080;
	s17 =	sld [smem:$0x7E6];
	[sflag:s15] =	ssyncadd.s32 $0xFFFFC000  }
0x29e: {  	[tilespmem:s22], [sflag:$0xD] =	stream.indirect.gather.add.f32 [hbm:s4], $0x80, s23, s20, $0xb8;
	[tilespmem:$0x1A000] =	vst v63  }
0x29f: {  	s24 =	sld [smem:$0x7E7]  }
0x2a0: {  	[tilespmem:s22], [sflag:$0xD] =	stream.indirect.gather.add.f32 [hbm:s5], $0x80, s17, s20, $0xb8;
	[tilespmem:$0x1A000] =	vst v63  }
0x2a1: {  	s1 =	sld [smem:$0x7E8]  }
0x2a2: {  	[tilespmem:s22], [sflag:$0xD] =	stream.indirect.gather.add.f32 [hbm:s6], $0x80, s24, s20, $0xb8;
	[tilespmem:$0x1A000] =	vst v63  }
0x2a3: {  	s3 =	sld [smem:$0x7E9]  }
0x2a4: {  	[tilespmem:s22], [sflag:$0xD] =	stream.indirect.gather.add.f32 [hbm:s7], $0x80, s1, s20, $0xb8;
	[tilespmem:$0x1A000] =	vst v63  }
0x2a5: {  	s24 =	sld [smem:$0x7EA]  }
0x2a6: {  	[tilespmem:s22], [sflag:$0xD] =	stream.indirect.gather.add.f32 [hbm:s8], $0x80, s3, s20, $0xb8;
	[tilespmem:$0x1A000] =	vst v63  }
0x2a7: {  	s1 =	sld [smem:$0x7EB]  }
0x2a8: {  	[tilespmem:s22], [sflag:$0xD] =	stream.indirect.gather.add.f32 [hbm:s10], $0x80, s24, s20, $0xb8;
	[tilespmem:$0x1A000] =	vst v63  }
0x2a9: {  	_ = 	snop  }
0x2aa: {  	[tilespmem:s22], [sflag:$0xD] =	stream.indirect.gather.add.f32 [hbm:s11], $0x80, s1, s20, $0xb8;
	[tilespmem:$0x1A000] =	vst v63  }
0x2ab: {  	_ =	swait.ge [sflag:s26], $0x4000  }
0x2ac: {  	[sflag:s26] =	ssyncset.done $0x0  }
0x2ad: {  	[sflag:s26] =	ssyncadd.s32 $0xFFFFC000  }
0x2ae: {  	_ =	swait.ge [sflag:s26], $0x4000  }
0x2af: {  	[sflag:s26] =	ssyncset.done $0x0  }
0x2b0: {  	[sflag:s26] =	ssyncadd.s32 $0xFFFFC000  }
0x2b1: {  	_ =	swait.ge [sflag:s26], $0x4000  }
0x2b2: {  	[sflag:s26] =	ssyncset.done $0x0  }
0x2b3: {  	[sflag:s26] =	ssyncadd.s32 $0xFFFFC000  }
0x2b4: {  	_ =	swait.ge [sflag:s26], $0x4000  }
0x2b5: {  	[sflag:s26] =	ssyncset.done $0x0  }
0x2b6: {  	[sflag:s26] =	ssyncadd.s32 $0xFFFFC000  }
0x2b7: {  	_ =	swait.ge [sflag:s26], $0x4000  }
0x2b8: {  	[sflag:s26] =	ssyncset.done $0x0  }
0x2b9: {  	[sflag:s26] =	ssyncadd.s32 $0xFFFFC000  }
0x2ba: {  	_ =	swait.ge [sflag:s26], $0x4000  }
0x2bb: {  	[sflag:s26] =	ssyncset.done $0x0  }
0x2bc: {  	[sflag:s26] =	ssyncadd.s32 $0xFFFFC000  }
0x2bd: {  	_ =	swait.ge [sflag:s26], $0x4000  }
0x2be: {  	[sflag:s26] =	ssyncset.done $0x0  }
0x2bf: {  	s17 =	simm.s32 $0x6;
	s3 =	rddreg [dreg:$0x6];
	[sflag:s26] =	ssyncadd.s32 $0xFFFFC000  }
0x2c0: {  	[hbm4b:s3+s2] =	stream.linear.scatter [tilespmem:s0], [sflag:$0x14], $0x4000, $0x38;
	[tilespmem:$0x1A000] =	vst v63  }
0x2c1: {  	_ =	swait.ge [sflag:s17], $0x4000  }
0x2c2: {  	[sflag:s17] =	ssyncset.done $0x0  }
0x2c3: {  	s1 =	simm.s32 $0x1480;
	s24 =	sld [smem:$0x7EC];
	[sflag:s17] =	ssyncadd.s32 $0xFFFFC000  }
0x2c4: {  	[tilespmem:s29], [sflag:$0xE] =	stream.indirect.gather.add.f32 [hbm:s4], $0x80, s1, s20, $0xb8;
	[tilespmem:$0x1A000] =	vst v63  }
0x2c5: {  	s3 =	sld [smem:$0x7ED]  }
0x2c6: {  	[tilespmem:s29], [sflag:$0xE] =	stream.indirect.gather.add.f32 [hbm:s5], $0x80, s24, s20, $0xb8;
	[tilespmem:$0x1A000] =	vst v63  }
0x2c7: {  	s24 =	sld [smem:$0x7EE]  }
0x2c8: {  	[tilespmem:s29], [sflag:$0xE] =	stream.indirect.gather.add.f32 [hbm:s6], $0x80, s3, s20, $0xb8;
	[tilespmem:$0x1A000] =	vst v63  }
0x2c9: {  	s0 =	sld [smem:$0x7EF]  }
0x2ca: {  	[tilespmem:s29], [sflag:$0xE] =	stream.indirect.gather.add.f32 [hbm:s7], $0x80, s24, s20, $0xb8;
	[tilespmem:$0x1A000] =	vst v63  }
0x2cb: {  	s1 =	sld [smem:$0x7F0]  }
0x2cc: {  	[tilespmem:s29], [sflag:$0xE] =	stream.indirect.gather.add.f32 [hbm:s8], $0x80, s0, s20, $0xb8;
	[tilespmem:$0x1A000] =	vst v63  }
0x2cd: {  	s3 =	sld [smem:$0x7F1]  }
0x2ce: {  	[tilespmem:s29], [sflag:$0xE] =	stream.indirect.gather.add.f32 [hbm:s10], $0x80, s1, s20, $0xb8;
	[tilespmem:$0x1A000] =	vst v63  }
0x2cf: {  	_ = 	snop  }
0x2d0: {  	[tilespmem:s29], [sflag:$0xE] =	stream.indirect.gather.add.f32 [hbm:s11], $0x80, s3, s20, $0xb8;
	[tilespmem:$0x1A000] =	vst v63  }
0x2d1: {  	_ =	swait.ge [sflag:s31], $0x4000  }
0x2d2: {  	[sflag:s31] =	ssyncset.done $0x0  }
0x2d3: {  	[sflag:s31] =	ssyncadd.s32 $0xFFFFC000  }
0x2d4: {  	_ =	swait.ge [sflag:s31], $0x4000  }
0x2d5: {  	[sflag:s31] =	ssyncset.done $0x0  }
0x2d6: {  	[sflag:s31] =	ssyncadd.s32 $0xFFFFC000  }
0x2d7: {  	_ =	swait.ge [sflag:s31], $0x4000  }
0x2d8: {  	[sflag:s31] =	ssyncset.done $0x0  }
0x2d9: {  	[sflag:s31] =	ssyncadd.s32 $0xFFFFC000  }
0x2da: {  	_ =	swait.ge [sflag:s31], $0x4000  }
0x2db: {  	[sflag:s31] =	ssyncset.done $0x0  }
0x2dc: {  	[sflag:s31] =	ssyncadd.s32 $0xFFFFC000  }
0x2dd: {  	_ =	swait.ge [sflag:s31], $0x4000  }
0x2de: {  	[sflag:s31] =	ssyncset.done $0x0  }
0x2df: {  	[sflag:s31] =	ssyncadd.s32 $0xFFFFC000  }
0x2e0: {  	_ =	swait.ge [sflag:s31], $0x4000  }
0x2e1: {  	[sflag:s31] =	ssyncset.done $0x0  }
0x2e2: {  	[sflag:s31] =	ssyncadd.s32 $0xFFFFC000  }
0x2e3: {  	_ =	swait.ge [sflag:s31], $0x4000  }
0x2e4: {  	[sflag:s31] =	ssyncset.done $0x0  }
0x2e5: {  	s17 =	rddreg [dreg:$0x7];
	[sflag:s31] =	ssyncadd.s32 $0xFFFFC000  }
0x2e6: {  	[hbm4b:s17+s2] =	stream.linear.scatter [tilespmem:s22], [sflag:$0x15], $0x4000, $0x38;
	[tilespmem:$0x1A000] =	vst v63  }
0x2e7: {  	s22 =	simm.s32 $0x7  }
0x2e8: {  	_ =	swait.ge [sflag:s22], $0x4000  }
0x2e9: {  	[sflag:s22] =	ssyncset.done $0x0  }
0x2ea: {  	s1 =	simm.s32 $0x1880;
	s24 =	sld [smem:$0x7F2];
	[sflag:s22] =	ssyncadd.s32 $0xFFFFC000  }
0x2eb: {  	[tilespmem:s18], [sflag:$0xF] =	stream.indirect.gather.add.f32 [hbm:s4], $0x80, s1, s20, $0xb8;
	[tilespmem:$0x1A000] =	vst v63  }
0x2ec: {  	s3 =	sld [smem:$0x7F3]  }
0x2ed: {  	[tilespmem:s18], [sflag:$0xF] =	stream.indirect.gather.add.f32 [hbm:s5], $0x80, s24, s20, $0xb8;
	[tilespmem:$0x1A000] =	vst v63  }
0x2ee: {  	s22 =	sld [smem:$0x7F4]  }
0x2ef: {  	[tilespmem:s18], [sflag:$0xF] =	stream.indirect.gather.add.f32 [hbm:s6], $0x80, s3, s20, $0xb8;
	[tilespmem:$0x1A000] =	vst v63  }
0x2f0: {  	s24 =	sld [smem:$0x7F5]  }
0x2f1: {  	[tilespmem:s18], [sflag:$0xF] =	stream.indirect.gather.add.f32 [hbm:s7], $0x80, s22, s20, $0xb8;
	[tilespmem:$0x1A000] =	vst v63  }
0x2f2: {  	s0 =	sld [smem:$0x7F6]  }
0x2f3: {  	[tilespmem:s18], [sflag:$0xF] =	stream.indirect.gather.add.f32 [hbm:s8], $0x80, s24, s20, $0xb8;
	[tilespmem:$0x1A000] =	vst v63  }
0x2f4: {  	s1 =	sld [smem:$0x7F7]  }
0x2f5: {  	[tilespmem:s18], [sflag:$0xF] =	stream.indirect.gather.add.f32 [hbm:s10], $0x80, s0, s20, $0xb8;
	[tilespmem:$0x1A000] =	vst v63  }
0x2f6: {  	_ = 	snop  }
0x2f7: {  	[tilespmem:s18], [sflag:$0xF] =	stream.indirect.gather.add.f32 [hbm:s11], $0x80, s1, s20, $0xb8;
	[tilespmem:$0x1A000] =	vst v63  }
0x2f8: {  	_ =	swait.ge [sflag:s25], $0x4000  }
0x2f9: {  	[sflag:s25] =	ssyncset.done $0x0  }
0x2fa: {  	[sflag:s25] =	ssyncadd.s32 $0xFFFFC000  }
0x2fb: {  	_ =	swait.ge [sflag:s25], $0x4000  }
0x2fc: {  	[sflag:s25] =	ssyncset.done $0x0  }
0x2fd: {  	[sflag:s25] =	ssyncadd.s32 $0xFFFFC000  }
0x2fe: {  	_ =	swait.ge [sflag:s25], $0x4000  }
0x2ff: {  	[sflag:s25] =	ssyncset.done $0x0  }
0x300: {  	[sflag:s25] =	ssyncadd.s32 $0xFFFFC000  }
0x301: {  	_ =	swait.ge [sflag:s25], $0x4000  }
0x302: {  	[sflag:s25] =	ssyncset.done $0x0  }
0x303: {  	[sflag:s25] =	ssyncadd.s32 $0xFFFFC000  }
0x304: {  	_ =	swait.ge [sflag:s25], $0x4000  }
0x305: {  	[sflag:s25] =	ssyncset.done $0x0  }
0x306: {  	[sflag:s25] =	ssyncadd.s32 $0xFFFFC000  }
0x307: {  	_ =	swait.ge [sflag:s25], $0x4000  }
0x308: {  	[sflag:s25] =	ssyncset.done $0x0  }
0x309: {  	[sflag:s25] =	ssyncadd.s32 $0xFFFFC000  }
0x30a: {  	_ =	swait.ge [sflag:s25], $0x4000  }
0x30b: {  	[sflag:s25] =	ssyncset.done $0x0  }
0x30c: {  	s17 =	simm.s32 $0x8;
	s3 =	rddreg [dreg:$0x8];
	[sflag:s25] =	ssyncadd.s32 $0xFFFFC000  }
0x30d: {  	[hbm4b:s3+s2] =	stream.linear.scatter [tilespmem:s29], [sflag:$0x16], $0x4000, $0x38;
	[tilespmem:$0x1A000] =	vst v63  }
0x30e: {  	_ =	swait.ge [sflag:s17], $0x4000  }
0x30f: {  	[sflag:s17] =	ssyncset.done $0x0  }
0x310: {  	s24 =	simm.s32 $0x1C80;
	s22 =	sld [smem:$0x7F8];
	[sflag:s17] =	ssyncadd.s32 $0xFFFFC000  }
0x311: {  	[tilespmem:s9], [sflag:$0x10] =	stream.indirect.gather.add.f32 [hbm:s4], $0x80, s24, s20, $0xb8;
	[tilespmem:$0x1A000] =	vst v63  }
0x312: {  	s29 =	sld [smem:$0x7F9]  }
0x313: {  	[tilespmem:s9], [sflag:$0x10] =	stream.indirect.gather.add.f32 [hbm:s5], $0x80, s22, s20, $0xb8;
	[tilespmem:$0x1A000] =	vst v63  }
0x314: {  	s0 =	sld [smem:$0x7FA]  }
0x315: {  	[tilespmem:s9], [sflag:$0x10] =	stream.indirect.gather.add.f32 [hbm:s6], $0x80, s29, s20, $0xb8;
	[tilespmem:$0x1A000] =	vst v63  }
0x316: {  	s1 =	sld [smem:$0x7FB]  }
0x317: {  	[tilespmem:s9], [sflag:$0x10] =	stream.indirect.gather.add.f32 [hbm:s7], $0x80, s0, s20, $0xb8;
	[tilespmem:$0x1A000] =	vst v63  }
0x318: {  	s3 =	sld [smem:$0x7FC]  }
0x319: {  	[tilespmem:s9], [sflag:$0x10] =	stream.indirect.gather.add.f32 [hbm:s8], $0x80, s1, s20, $0xb8;
	[tilespmem:$0x1A000] =	vst v63  }
0x31a: {  	s22 =	sld [smem:$0x7FD]  }
0x31b: {  	[tilespmem:s9], [sflag:$0x10] =	stream.indirect.gather.add.f32 [hbm:s10], $0x80, s3, s20, $0xb8;
	[tilespmem:$0x1A000] =	vst v63  }
0x31c: {  	_ = 	snop  }
0x31d: {  	[tilespmem:s9], [sflag:$0x10] =	stream.indirect.gather.add.f32 [hbm:s11], $0x80, s22, s20, $0xb8;
	[tilespmem:$0x1A000] =	vst v63  }
0x31e: {  	_ =	swait.ge [sflag:s21], $0x4000  }
0x31f: {  	[sflag:s21] =	ssyncset.done $0x0  }
0x320: {  	[sflag:s21] =	ssyncadd.s32 $0xFFFFC000  }
0x321: {  	_ =	swait.ge [sflag:s21], $0x4000  }
0x322: {  	[sflag:s21] =	ssyncset.done $0x0  }
0x323: {  	[sflag:s21] =	ssyncadd.s32 $0xFFFFC000  }
0x324: {  	_ =	swait.ge [sflag:s21], $0x4000  }
0x325: {  	[sflag:s21] =	ssyncset.done $0x0  }
0x326: {  	[sflag:s21] =	ssyncadd.s32 $0xFFFFC000  }
0x327: {  	_ =	swait.ge [sflag:s21], $0x4000  }
0x328: {  	[sflag:s21] =	ssyncset.done $0x0  }
0x329: {  	[sflag:s21] =	ssyncadd.s32 $0xFFFFC000  }
0x32a: {  	_ =	swait.ge [sflag:s21], $0x4000  }
0x32b: {  	[sflag:s21] =	ssyncset.done $0x0  }
0x32c: {  	[sflag:s21] =	ssyncadd.s32 $0xFFFFC000  }
0x32d: {  	_ =	swait.ge [sflag:s21], $0x4000  }
0x32e: {  	[sflag:s21] =	ssyncset.done $0x0  }
0x32f: {  	[sflag:s21] =	ssyncadd.s32 $0xFFFFC000  }
0x330: {  	_ =	swait.ge [sflag:s21], $0x4000  }
0x331: {  	[sflag:s21] =	ssyncset.done $0x0  }
0x332: {  	s19 =	simm.s32 $0x10;
	s24 =	rddreg [dreg:$0x9];
	[sflag:s21] =	ssyncadd.s32 $0xFFFFC000  }
0x333: {  	[hbm4b:s24+s2] =	stream.linear.scatter [tilespmem:s18], [sflag:$0x17], $0x4000, $0x38;
	[tilespmem:$0x1A000] =	vst v63  }
0x334: {  	_ =	swait.ge [sflag:s19], $0x4000  }
0x335: {  	[sflag:s19] =	ssyncset.done $0x0  }
0x336: {  	[sflag:s19] =	ssyncadd.s32 $0xFFFFC000  }
0x337: {  	_ =	swait.ge [sflag:s19], $0x4000  }
0x338: {  	[sflag:s19] =	ssyncset.done $0x0  }
0x339: {  	[sflag:s19] =	ssyncadd.s32 $0xFFFFC000  }
0x33a: {  	_ =	swait.ge [sflag:s19], $0x4000  }
0x33b: {  	[sflag:s19] =	ssyncset.done $0x0  }
0x33c: {  	[sflag:s19] =	ssyncadd.s32 $0xFFFFC000  }
0x33d: {  	_ =	swait.ge [sflag:s19], $0x4000  }
0x33e: {  	[sflag:s19] =	ssyncset.done $0x0  }
0x33f: {  	[sflag:s19] =	ssyncadd.s32 $0xFFFFC000  }
0x340: {  	_ =	swait.ge [sflag:s19], $0x4000  }
0x341: {  	[sflag:s19] =	ssyncset.done $0x0  }
0x342: {  	[sflag:s19] =	ssyncadd.s32 $0xFFFFC000  }
0x343: {  	_ =	swait.ge [sflag:s19], $0x4000  }
0x344: {  	[sflag:s19] =	ssyncset.done $0x0  }
0x345: {  	[sflag:s19] =	ssyncadd.s32 $0xFFFFC000  }
0x346: {  	_ =	swait.ge [sflag:s19], $0x4000  }
0x347: {  	[sflag:s19] =	ssyncset.done $0x0  }
0x348: {  	s1 =	simm.s32 $0x13;
	s29 =	rddreg [dreg:$0xa];
	[sflag:s19] =	ssyncadd.s32 $0xFFFFC000  }
0x349: {  	[hbm4b:s29+s2] =	stream.linear.scatter [tilespmem:s9], [sflag:$0x18], $0x4000, $0x38;
	[tilespmem:$0x1A000] =	vst v63  }
0x34a: {  	_ =	swait.ge [sflag:s1], $0x4000  }
0x34b: {  	[sflag:s1] =	ssyncset.done $0x0  }
0x34c: {  	s3 =	simm.s32 $0x14;
	[sflag:s1] =	ssyncadd.s32 $0xFFFFC000  }
0x34d: {  	_ =	swait.ge [sflag:s3], $0x4000  }
0x34e: {  	[sflag:s3] =	ssyncset.done $0x0  }
0x34f: {  	s24 =	simm.s32 $0x15;
	[sflag:s3] =	ssyncadd.s32 $0xFFFFC000  }
0x350: {  	_ =	swait.ge [sflag:s24], $0x4000  }
0x351: {  	[sflag:s24] =	ssyncset.done $0x0  }
0x352: {  	s29 =	simm.s32 $0x16;
	[sflag:s24] =	ssyncadd.s32 $0xFFFFC000  }
0x353: {  	_ =	swait.ge [sflag:s29], $0x4000  }
0x354: {  	[sflag:s29] =	ssyncset.done $0x0  }
0x355: {  	p1 =	sne.s32 s14, $0x1;
	s0 =	simm.s32 $0x17;
	[sflag:s29] =	ssyncadd.s32 $0xFFFFC000  }
.Ltmp2:
0x356: {  	_ =	swait.ge [sflag:s0], $0x4000;
	(pc) =	sbr.rel @p1 .LBB2_3-.Ltmp2, $4  }
0x357: {  	[sflag:s0] =	ssyncset.done $0x0  }
0x358: {  	s17 =	simm.s32 $0x18;
	[sflag:s0] =	ssyncadd.s32 $0xFFFFC000  }
0x359: {  	_ =	swait.ge [sflag:s17], $0x4000  }
0x35a: {  	s14 =	sadd.s32 $0xFFFFFFFF, s14;
	[sflag:s17] =	ssyncset.done $0x0  }
0x35b: {  	s0 =	simm.s32 $0x18;
	s12 =	simm.s32 $0x1880  }
0x35c: {  	s15 =	sld [smem:$0x7D0];
	s3 =	simm.s32 $0x1800;
	s1 =	simm.s32 $0xE000  }
0x35d: {  	s29 =	simm.s32 $0xA000;
	s28 =	simm.s32 $0x6000;
	s9 =	simm.s32 $0x1400  }
0x35e: {  	s24 =	simm.s32 $0x1000;
	s17 =	simm.s32 $0x480;
	s23 =	simm.s32 $0x400  }
.LBB2_5:
0x35f: {  	[sflag:s0] =	ssyncadd.s32 @p0 $0xFFFFC000  }
0x360: {  	[tilespmem:s2], [sflag:$0x19] =	stream.linear.gather [hbm4b:s15+s2], $0x80, $0x38;
	[tilespmem:$0x1A000] =	vst v63  }
0x361: {  	s14 =	rddreg [dreg:$0xb]  }
0x362: {  	[tilespmem:s23], [sflag:$0x19] =	stream.linear.gather [hbm4b:s14+s2], $0x80, $0x38;
	[tilespmem:$0x1A000] =	vst v63  }
0x363: {  	s22 =	rddreg [dreg:$0xc];
	s0 =	simm.s32 $0x800  }
0x364: {  	[tilespmem:s0], [sflag:$0x19] =	stream.linear.gather [hbm4b:s22+s2], $0x80, $0x38;
	[tilespmem:$0x1A000] =	vst v63  }
0x365: {  	s14 =	rddreg [dreg:$0xd];
	s22 =	simm.s32 $0xC00  }
0x366: {  	[tilespmem:s22], [sflag:$0x19] =	stream.linear.gather [hbm4b:s14+s2], $0x80, $0x38;
	[tilespmem:$0x1A000] =	vst v63  }
0x367: {  	s23 =	rddreg [dreg:$0xe]  }
0x368: {  	[tilespmem:s24], [sflag:$0x19] =	stream.linear.gather [hbm4b:s23+s2], $0x80, $0x38;
	[tilespmem:$0x1A000] =	vst v63  }
0x369: {  	s14 =	rddreg [dreg:$0xf]  }
0x36a: {  	[tilespmem:s9], [sflag:$0x19] =	stream.linear.gather [hbm4b:s14+s2], $0x80, $0x38;
	[tilespmem:$0x1A000] =	vst v63  }
0x36b: {  	s23 =	rddreg [dreg:$0x10]  }
0x36c: {  	[tilespmem:s3], [sflag:$0x19] =	stream.linear.gather [hbm4b:s23+s2], $0x80, $0x38;
	[tilespmem:$0x1A000] =	vst v63  }
0x36d: {  	s24 =	rddreg [dreg:$0x11];
	s23 =	simm.s32 $0x1C00  }
0x36e: {  	[tilespmem:s23], [sflag:$0x19] =	stream.linear.gather [hbm4b:s24+s2], $0x80, $0x38;
	[tilespmem:$0x1A000] =	vst v63  }
0x36f: {  	s9 =	rddreg [dreg:$0x12]  }
0x370: {  	[tilespmem:s20], [sflag:$0x1A] =	stream.linear.gather [hbm4b:s9+s2], $0x380, $0x38;
	[tilespmem:$0x1A000] =	vst v63  }
0x371: {  	s24 =	rddreg [dreg:$0x13]  }
0x372: {  	[tilespmem:s17], [sflag:$0x1A] =	stream.linear.gather [hbm4b:s24+s2], $0x380, $0x38;
	[tilespmem:$0x1A000] =	vst v63  }
0x373: {  	s3 =	rddreg [dreg:$0x14];
	s9 =	simm.s32 $0x880  }
0x374: {  	[tilespmem:s9], [sflag:$0x1A] =	stream.linear.gather [hbm4b:s3+s2], $0x380, $0x38;
	[tilespmem:$0x1A000] =	vst v63  }
0x375: {  	s14 =	rddreg [dreg:$0x15];
	s3 =	simm.s32 $0xC80  }
0x376: {  	[tilespmem:s3], [sflag:$0x1A] =	stream.linear.gather [hbm4b:s14+s2], $0x380, $0x38;
	[tilespmem:$0x1A000] =	vst v63  }
0x377: {  	s15 =	rddreg [dreg:$0x16];
	s3 =	simm.s32 $0x1080  }
0x378: {  	[tilespmem:s3], [sflag:$0x1A] =	stream.linear.gather [hbm4b:s15+s2], $0x380, $0x38;
	[tilespmem:$0x1A000] =	vst v63  }
0x379: {  	s14 =	rddreg [dreg:$0x17];
	s3 =	simm.s32 $0x1480  }
0x37a: {  	[tilespmem:s3], [sflag:$0x1A] =	stream.linear.gather [hbm4b:s14+s2], $0x380, $0x38;
	[tilespmem:$0x1A000] =	vst v63  }
0x37b: {  	s15 =	rddreg [dreg:$0x18]  }
0x37c: {  	[tilespmem:s12], [sflag:$0x1A] =	stream.linear.gather [hbm4b:s15+s2], $0x380, $0x38;
	[tilespmem:$0x1A000] =	vst v63  }
0x37d: {  	s3 =	rddreg [dreg:$0x19];
	s12 =	simm.s32 $0x1C80;
	s15 =	simm.s32 $0x19  }
0x37e: {  	[tilespmem:s12], [sflag:$0x1A] =	stream.linear.gather [hbm4b:s3+s2], $0x380, $0x38;
	[tilespmem:$0x1A000] =	vst v63  }
0x37f: {  	_ =	swait.ge [sflag:s15], $0x400  }
0x380: {  	[sflag:s15] =	ssyncset.done $0x0  }
0x381: {  	[sflag:s15] =	ssyncadd.s32 $0xFFFFFC00  }
0x382: {  	s3 =	rddreg [dreg:$0x1]  }
0x383: {  	[tilespmem:s18], [sflag:$0x1] =	stream.indirect.gather [hbm4b:s3+s20], $0x80, s2, s20, $0xb8;
	[tilespmem:$0x1A000] =	vst v63  }
0x384: {  	s17 =	simm.s32 $0x400  }
0x385: {  	[tilespmem:s28], [sflag:$0x2] =	stream.indirect.gather [hbm4b:s3+s20], $0x80, s17, s20, $0xb8;
	[tilespmem:$0x1A000] =	vst v63  }
0x386: {  	_ = 	snop  }
0x387: {  	[tilespmem:s29], [sflag:$0x3] =	stream.indirect.gather [hbm4b:s3+s20], $0x80, s0, s20, $0xb8;
	[tilespmem:$0x1A000] =	vst v63  }
0x388: {  	_ = 	snop  }
0x389: {  	[tilespmem:s1], [sflag:$0x4] =	stream.indirect.gather [hbm4b:s3+s20], $0x80, s22, s20, $0xb8;
	[tilespmem:$0x1A000] =	vst v63  }
0x38a: {  	s22 =	simm.s32 $0x1A  }
0x38b: {  	_ =	swait.ge [sflag:s22], $0x1C00  }
0x38c: {  	[sflag:s22] =	ssyncset.done $0x0  }
0x38d: {  	s29 =	simm.s32 $0x1;
	[sflag:s22] =	ssyncadd.s32 $0xFFFFE400  }
0x38e: {  	_ =	swait.ge [sflag:s29], $0x4000  }
0x38f: {  	[sflag:s29] =	ssyncset.done $0x0  }
0x390: {  	[sflag:s29] =	ssyncadd.s32 $0xFFFFC000  }
0x391: {  	[tilespmem:s18], [sflag:$0x9] =	stream.indirect.gather.add.f32 [hbm:s4], $0x80, s20, s20, $0xb8;
	[tilespmem:$0x1A000] =	vst v63  }
0x392: {  	s0 =	rddreg [dreg:$0x1a]  }
0x393: {  	[tilespmem:s18], [sflag:$0x9] =	stream.indirect.gather.add.f32 [hbm:s5], $0x80, s0, s20, $0xb8;
	[tilespmem:$0x1A000] =	vst v63  }
0x394: {  	s1 =	rddreg [dreg:$0x1b]  }
0x395: {  	[tilespmem:s18], [sflag:$0x9] =	stream.indirect.gather.add.f32 [hbm:s6], $0x80, s1, s20, $0xb8;
	[tilespmem:$0x1A000] =	vst v63  }
0x396: {  	s22 =	rddreg [dreg:$0x1c]  }
0x397: {  	[tilespmem:s18], [sflag:$0x9] =	stream.indirect.gather.add.f32 [hbm:s7], $0x80, s22, s20, $0xb8;
	[tilespmem:$0x1A000] =	vst v63  }
0x398: {  	s29 =	rddreg [dreg:$0x1d]  }
0x399: {  	[tilespmem:s18], [sflag:$0x9] =	stream.indirect.gather.add.f32 [hbm:s8], $0x80, s29, s20, $0xb8;
	[tilespmem:$0x1A000] =	vst v63  }
0x39a: {  	s0 =	rddreg [dreg:$0x1e]  }
0x39b: {  	[tilespmem:s18], [sflag:$0x9] =	stream.indirect.gather.add.f32 [hbm:s10], $0x80, s0, s20, $0xb8;
	[tilespmem:$0x1A000] =	vst v63  }
0x39c: {  	s1 =	rddreg [dreg:$0x1f]  }
0x39d: {  	[tilespmem:s18], [sflag:$0x9] =	stream.indirect.gather.add.f32 [hbm:s11], $0x80, s1, s20, $0xb8;
	[tilespmem:$0x1A000] =	vst v63  }
0x39e: {  	s23 =	simm.s32 $0x1000;
	s14 =	simm.s32 $0x2;
	s12 =	simm.s32 $0x12000  }
0x39f: {  	[tilespmem:s12], [sflag:$0x5] =	stream.indirect.gather [hbm4b:s3+s20], $0x80, s23, s20, $0xb8;
	[tilespmem:$0x1A000] =	vst v63  }
0x3a0: {  	_ =	swait.ge [sflag:s14], $0x4000  }
0x3a1: {  	[sflag:s14] =	ssyncset.done $0x0  }
0x3a2: {  	s24 =	simm.s32 $0x480;
	s22 =	sld [smem:$0x7D4];
	[sflag:s14] =	ssyncadd.s32 $0xFFFFC000  }
0x3a3: {  	[tilespmem:s28], [sflag:$0xA] =	stream.indirect.gather.add.f32 [hbm:s4], $0x80, s24, s20, $0xb8;
	[tilespmem:$0x1A000] =	vst v63  }
0x3a4: {  	s23 =	sld [smem:$0x7D5]  }
0x3a5: {  	[tilespmem:s28], [sflag:$0xA] =	stream.indirect.gather.add.f32 [hbm:s5], $0x80, s22, s20, $0xb8;
	[tilespmem:$0x1A000] =	vst v63  }
0x3a6: {  	s24 =	sld [smem:$0x7D6]  }
0x3a7: {  	[tilespmem:s28], [sflag:$0xA] =	stream.indirect.gather.add.f32 [hbm:s6], $0x80, s23, s20, $0xb8;
	[tilespmem:$0x1A000] =	vst v63  }
0x3a8: {  	s29 =	sld [smem:$0x7D7]  }
0x3a9: {  	[tilespmem:s28], [sflag:$0xA] =	stream.indirect.gather.add.f32 [hbm:s7], $0x80, s24, s20, $0xb8;
	[tilespmem:$0x1A000] =	vst v63  }
0x3aa: {  	s0 =	sld [smem:$0x7D8]  }
0x3ab: {  	[tilespmem:s28], [sflag:$0xA] =	stream.indirect.gather.add.f32 [hbm:s8], $0x80, s29, s20, $0xb8;
	[tilespmem:$0x1A000] =	vst v63  }
0x3ac: {  	s1 =	sld [smem:$0x7D9]  }
0x3ad: {  	[tilespmem:s28], [sflag:$0xA] =	stream.indirect.gather.add.f32 [hbm:s10], $0x80, s0, s20, $0xb8;
	[tilespmem:$0x1A000] =	vst v63  }
0x3ae: {  	_ = 	snop  }
0x3af: {  	[tilespmem:s28], [sflag:$0xA] =	stream.indirect.gather.add.f32 [hbm:s11], $0x80, s1, s20, $0xb8;
	[tilespmem:$0x1A000] =	vst v63  }
0x3b0: {  	_ =	swait.ge [sflag:s30], $0x4000  }
0x3b1: {  	[sflag:s30] =	ssyncset.done $0x0  }
0x3b2: {  	[sflag:s30] =	ssyncadd.s32 $0xFFFFC000  }
0x3b3: {  	_ =	swait.ge [sflag:s30], $0x4000  }
0x3b4: {  	[sflag:s30] =	ssyncset.done $0x0  }
0x3b5: {  	[sflag:s30] =	ssyncadd.s32 $0xFFFFC000  }
0x3b6: {  	_ =	swait.ge [sflag:s30], $0x4000  }
0x3b7: {  	[sflag:s30] =	ssyncset.done $0x0  }
0x3b8: {  	[sflag:s30] =	ssyncadd.s32 $0xFFFFC000  }
0x3b9: {  	_ =	swait.ge [sflag:s30], $0x4000  }
0x3ba: {  	[sflag:s30] =	ssyncset.done $0x0  }
0x3bb: {  	[sflag:s30] =	ssyncadd.s32 $0xFFFFC000  }
0x3bc: {  	_ =	swait.ge [sflag:s30], $0x4000  }
0x3bd: {  	[sflag:s30] =	ssyncset.done $0x0  }
0x3be: {  	[sflag:s30] =	ssyncadd.s32 $0xFFFFC000  }
0x3bf: {  	_ =	swait.ge [sflag:s30], $0x4000  }
0x3c0: {  	[sflag:s30] =	ssyncset.done $0x0  }
0x3c1: {  	[sflag:s30] =	ssyncadd.s32 $0xFFFFC000  }
0x3c2: {  	_ =	swait.ge [sflag:s30], $0x4000  }
0x3c3: {  	s22 =	sld [smem:$0x7D3]  }
0x3c4: {  	[sflag:s30] =	ssyncset.done $0x0  }
0x3c5: {  	[sflag:s30] =	ssyncadd.s32 $0xFFFFC000  }
0x3c6: {  	[hbm4b:s22+s2] =	stream.linear.scatter [tilespmem:s18], [sflag:$0x11], $0x4000, $0x38;
	[tilespmem:$0x1A000] =	vst v63  }
0x3c7: {  	s23 =	simm.s32 $0x1400;
	s24 =	simm.s32 $0x3;
	s29 =	simm.s32 $0x16000  }
0x3c8: {  	[tilespmem:s29], [sflag:$0x6] =	stream.indirect.gather [hbm4b:s3+s20], $0x80, s23, s20, $0xb8;
	[tilespmem:$0x1A000] =	vst v63  }
0x3c9: {  	_ =	swait.ge [sflag:s24], $0x4000  }
0x3ca: {  	[sflag:s24] =	ssyncset.done $0x0  }
0x3cb: {  	s1 =	simm.s32 $0xA000;
	s14 =	sld [smem:$0x7DA];
	[sflag:s24] =	ssyncadd.s32 $0xFFFFC000  }
0x3cc: {  	[tilespmem:s1], [sflag:$0xB] =	stream.indirect.gather.add.f32 [hbm:s4], $0x80, s9, s20, $0xb8;
	[tilespmem:$0x1A000] =	vst v63  }
0x3cd: {  	s22 =	sld [smem:$0x7DB]  }
0x3ce: {  	[tilespmem:s1], [sflag:$0xB] =	stream.indirect.gather.add.f32 [hbm:s5], $0x80, s14, s20, $0xb8;
	[tilespmem:$0x1A000] =	vst v63  }
0x3cf: {  	s23 =	sld [smem:$0x7DC]  }
0x3d0: {  	[tilespmem:s1], [sflag:$0xB] =	stream.indirect.gather.add.f32 [hbm:s6], $0x80, s22, s20, $0xb8;
	[tilespmem:$0x1A000] =	vst v63  }
0x3d1: {  	s24 =	sld [smem:$0x7DD]  }
0x3d2: {  	[tilespmem:s1], [sflag:$0xB] =	stream.indirect.gather.add.f32 [hbm:s7], $0x80, s23, s20, $0xb8;
	[tilespmem:$0x1A000] =	vst v63  }
0x3d3: {  	s9 =	sld [smem:$0x7DE]  }
0x3d4: {  	[tilespmem:s1], [sflag:$0xB] =	stream.indirect.gather.add.f32 [hbm:s8], $0x80, s24, s20, $0xb8;
	[tilespmem:$0x1A000] =	vst v63  }
0x3d5: {  	s22 =	sld [smem:$0x7DF]  }
0x3d6: {  	[tilespmem:s1], [sflag:$0xB] =	stream.indirect.gather.add.f32 [hbm:s10], $0x80, s9, s20, $0xb8;
	[tilespmem:$0x1A000] =	vst v63  }
0x3d7: {  	_ = 	snop  }
0x3d8: {  	[tilespmem:s1], [sflag:$0xB] =	stream.indirect.gather.add.f32 [hbm:s11], $0x80, s22, s20, $0xb8;
	[tilespmem:$0x1A000] =	vst v63  }
0x3d9: {  	_ =	swait.ge [sflag:s16], $0x4000  }
0x3da: {  	[sflag:s16] =	ssyncset.done $0x0  }
0x3db: {  	[sflag:s16] =	ssyncadd.s32 $0xFFFFC000  }
0x3dc: {  	_ =	swait.ge [sflag:s16], $0x4000  }
0x3dd: {  	[sflag:s16] =	ssyncset.done $0x0  }
0x3de: {  	[sflag:s16] =	ssyncadd.s32 $0xFFFFC000  }
0x3df: {  	_ =	swait.ge [sflag:s16], $0x4000  }
0x3e0: {  	[sflag:s16] =	ssyncset.done $0x0  }
0x3e1: {  	[sflag:s16] =	ssyncadd.s32 $0xFFFFC000  }
0x3e2: {  	_ =	swait.ge [sflag:s16], $0x4000  }
0x3e3: {  	[sflag:s16] =	ssyncset.done $0x0  }
0x3e4: {  	[sflag:s16] =	ssyncadd.s32 $0xFFFFC000  }
0x3e5: {  	_ =	swait.ge [sflag:s16], $0x4000  }
0x3e6: {  	[sflag:s16] =	ssyncset.done $0x0  }
0x3e7: {  	[sflag:s16] =	ssyncadd.s32 $0xFFFFC000  }
0x3e8: {  	_ =	swait.ge [sflag:s16], $0x4000  }
0x3e9: {  	[sflag:s16] =	ssyncset.done $0x0  }
0x3ea: {  	[sflag:s16] =	ssyncadd.s32 $0xFFFFC000  }
0x3eb: {  	_ =	swait.ge [sflag:s16], $0x4000  }
0x3ec: {  	[sflag:s16] =	ssyncset.done $0x0  }
0x3ed: {  	s24 =	simm.s32 $0x11;
	s23 =	rddreg [dreg:$0x4];
	[sflag:s16] =	ssyncadd.s32 $0xFFFFC000  }
0x3ee: {  	[hbm4b:s23+s2] =	stream.linear.scatter [tilespmem:s28], [sflag:$0x12], $0x4000, $0x38;
	[tilespmem:$0x1A000] =	vst v63  }
0x3ef: {  	_ =	swait.ge [sflag:s24], $0x4000  }
0x3f0: {  	[sflag:s24] =	ssyncset.done $0x0  }
0x3f1: {  	s15 =	simm.s32 $0x1800;
	s9 =	simm.s32 $0x4;
	[sflag:s24] =	ssyncadd.s32 $0xFFFFC000  }
0x3f2: {  	[tilespmem:s18], [sflag:$0x7] =	stream.indirect.gather [hbm4b:s3+s20], $0x80, s15, s20, $0xb8;
	[tilespmem:$0x1A000] =	vst v63  }
0x3f3: {  	_ =	swait.ge [sflag:s9], $0x4000  }
0x3f4: {  	s0 =	simm.s32 $0xE000;
	[sflag:s9] =	ssyncset.done $0x0  }
0x3f5: {  	s15 =	simm.s32 $0xC80;
	s14 =	sld [smem:$0x7E0];
	[sflag:s9] =	ssyncadd.s32 $0xFFFFC000  }
0x3f6: {  	[tilespmem:s0], [sflag:$0xC] =	stream.indirect.gather.add.f32 [hbm:s4], $0x80, s15, s20, $0xb8;
	[tilespmem:$0x1A000] =	vst v63  }
0x3f7: {  	s16 =	sld [smem:$0x7E1]  }
0x3f8: {  	[tilespmem:s0], [sflag:$0xC] =	stream.indirect.gather.add.f32 [hbm:s5], $0x80, s14, s20, $0xb8;
	[tilespmem:$0x1A000] =	vst v63  }
0x3f9: {  	s22 =	sld [smem:$0x7E2]  }
0x3fa: {  	[tilespmem:s0], [sflag:$0xC] =	stream.indirect.gather.add.f32 [hbm:s6], $0x80, s16, s20, $0xb8;
	[tilespmem:$0x1A000] =	vst v63  }
0x3fb: {  	s23 =	sld [smem:$0x7E3]  }
0x3fc: {  	[tilespmem:s0], [sflag:$0xC] =	stream.indirect.gather.add.f32 [hbm:s7], $0x80, s22, s20, $0xb8;
	[tilespmem:$0x1A000] =	vst v63  }
0x3fd: {  	s24 =	sld [smem:$0x7E4]  }
0x3fe: {  	[tilespmem:s0], [sflag:$0xC] =	stream.indirect.gather.add.f32 [hbm:s8], $0x80, s23, s20, $0xb8;
	[tilespmem:$0x1A000] =	vst v63  }
0x3ff: {  	s9 =	sld [smem:$0x7E5]  }
0x400: {  	[tilespmem:s0], [sflag:$0xC] =	stream.indirect.gather.add.f32 [hbm:s10], $0x80, s24, s20, $0xb8;
	[tilespmem:$0x1A000] =	vst v63  }
0x401: {  	_ = 	snop  }
0x402: {  	[tilespmem:s0], [sflag:$0xC] =	stream.indirect.gather.add.f32 [hbm:s11], $0x80, s9, s20, $0xb8;
	[tilespmem:$0x1A000] =	vst v63  }
0x403: {  	_ =	swait.ge [sflag:s13], $0x4000  }
0x404: {  	[sflag:s13] =	ssyncset.done $0x0  }
0x405: {  	[sflag:s13] =	ssyncadd.s32 $0xFFFFC000  }
0x406: {  	_ =	swait.ge [sflag:s13], $0x4000  }
0x407: {  	[sflag:s13] =	ssyncset.done $0x0  }
0x408: {  	[sflag:s13] =	ssyncadd.s32 $0xFFFFC000  }
0x409: {  	_ =	swait.ge [sflag:s13], $0x4000  }
0x40a: {  	[sflag:s13] =	ssyncset.done $0x0  }
0x40b: {  	[sflag:s13] =	ssyncadd.s32 $0xFFFFC000  }
0x40c: {  	_ =	swait.ge [sflag:s13], $0x4000  }
0x40d: {  	[sflag:s13] =	ssyncset.done $0x0  }
0x40e: {  	[sflag:s13] =	ssyncadd.s32 $0xFFFFC000  }
0x40f: {  	_ =	swait.ge [sflag:s13], $0x4000  }
0x410: {  	[sflag:s13] =	ssyncset.done $0x0  }
0x411: {  	[sflag:s13] =	ssyncadd.s32 $0xFFFFC000  }
0x412: {  	_ =	swait.ge [sflag:s13], $0x4000  }
0x413: {  	[sflag:s13] =	ssyncset.done $0x0  }
0x414: {  	[sflag:s13] =	ssyncadd.s32 $0xFFFFC000  }
0x415: {  	_ =	swait.ge [sflag:s13], $0x4000  }
0x416: {  	[sflag:s13] =	ssyncset.done $0x0  }
0x417: {  	s16 =	simm.s32 $0x12;
	s15 =	rddreg [dreg:$0x5];
	[sflag:s13] =	ssyncadd.s32 $0xFFFFC000  }
0x418: {  	[hbm4b:s15+s2] =	stream.linear.scatter [tilespmem:s1], [sflag:$0x13], $0x4000, $0x38;
	[tilespmem:$0x1A000] =	vst v63  }
0x419: {  	_ =	swait.ge [sflag:s16], $0x4000  }
0x41a: {  	[sflag:s16] =	ssyncset.done $0x0  }
0x41b: {  	s22 =	simm.s32 $0x1C00;
	s23 =	simm.s32 $0x5;
	[sflag:s16] =	ssyncadd.s32 $0xFFFFC000  }
0x41c: {  	[tilespmem:s28], [sflag:$0x8] =	stream.indirect.gather [hbm4b:s3+s20], $0x80, s22, s20, $0xb8;
	[tilespmem:$0x1A000] =	vst v63  }
0x41d: {  	_ =	swait.ge [sflag:s23], $0x4000  }
0x41e: {  	s30 =	simm.s32 $0x12000;
	[sflag:s23] =	ssyncset.done $0x0  }
0x41f: {  	s9 =	simm.s32 $0x1080;
	s24 =	sld [smem:$0x7E6];
	[sflag:s23] =	ssyncadd.s32 $0xFFFFC000  }
0x420: {  	[tilespmem:s30], [sflag:$0xD] =	stream.indirect.gather.add.f32 [hbm:s4], $0x80, s9, s20, $0xb8;
	[tilespmem:$0x1A000] =	vst v63  }
0x421: {  	s12 =	sld [smem:$0x7E7]  }
0x422: {  	[tilespmem:s30], [sflag:$0xD] =	stream.indirect.gather.add.f32 [hbm:s5], $0x80, s24, s20, $0xb8;
	[tilespmem:$0x1A000] =	vst v63  }
0x423: {  	s13 =	sld [smem:$0x7E8]  }
0x424: {  	[tilespmem:s30], [sflag:$0xD] =	stream.indirect.gather.add.f32 [hbm:s6], $0x80, s12, s20, $0xb8;
	[tilespmem:$0x1A000] =	vst v63  }
0x425: {  	s14 =	sld [smem:$0x7E9]  }
0x426: {  	[tilespmem:s30], [sflag:$0xD] =	stream.indirect.gather.add.f32 [hbm:s7], $0x80, s13, s20, $0xb8;
	[tilespmem:$0x1A000] =	vst v63  }
0x427: {  	s15 =	sld [smem:$0x7EA]  }
0x428: {  	[tilespmem:s30], [sflag:$0xD] =	stream.indirect.gather.add.f32 [hbm:s8], $0x80, s14, s20, $0xb8;
	[tilespmem:$0x1A000] =	vst v63  }
0x429: {  	s16 =	sld [smem:$0x7EB]  }
0x42a: {  	[tilespmem:s30], [sflag:$0xD] =	stream.indirect.gather.add.f32 [hbm:s10], $0x80, s15, s20, $0xb8;
	[tilespmem:$0x1A000] =	vst v63  }
0x42b: {  	_ = 	snop  }
0x42c: {  	[tilespmem:s30], [sflag:$0xD] =	stream.indirect.gather.add.f32 [hbm:s11], $0x80, s16, s20, $0xb8;
	[tilespmem:$0x1A000] =	vst v63  }
0x42d: {  	_ =	swait.ge [sflag:s26], $0x4000  }
0x42e: {  	[sflag:s26] =	ssyncset.done $0x0  }
0x42f: {  	[sflag:s26] =	ssyncadd.s32 $0xFFFFC000  }
0x430: {  	_ =	swait.ge [sflag:s26], $0x4000  }
0x431: {  	[sflag:s26] =	ssyncset.done $0x0  }
0x432: {  	[sflag:s26] =	ssyncadd.s32 $0xFFFFC000  }
0x433: {  	_ =	swait.ge [sflag:s26], $0x4000  }
0x434: {  	[sflag:s26] =	ssyncset.done $0x0  }
0x435: {  	[sflag:s26] =	ssyncadd.s32 $0xFFFFC000  }
0x436: {  	_ =	swait.ge [sflag:s26], $0x4000  }
0x437: {  	[sflag:s26] =	ssyncset.done $0x0  }
0x438: {  	[sflag:s26] =	ssyncadd.s32 $0xFFFFC000  }
0x439: {  	_ =	swait.ge [sflag:s26], $0x4000  }
0x43a: {  	[sflag:s26] =	ssyncset.done $0x0  }
0x43b: {  	[sflag:s26] =	ssyncadd.s32 $0xFFFFC000  }
0x43c: {  	_ =	swait.ge [sflag:s26], $0x4000  }
0x43d: {  	[sflag:s26] =	ssyncset.done $0x0  }
0x43e: {  	[sflag:s26] =	ssyncadd.s32 $0xFFFFC000  }
0x43f: {  	_ =	swait.ge [sflag:s26], $0x4000  }
0x440: {  	[sflag:s26] =	ssyncset.done $0x0  }
0x441: {  	s23 =	simm.s32 $0x6;
	s22 =	rddreg [dreg:$0x6];
	[sflag:s26] =	ssyncadd.s32 $0xFFFFC000  }
0x442: {  	[hbm4b:s22+s2] =	stream.linear.scatter [tilespmem:s0], [sflag:$0x14], $0x4000, $0x38;
	[tilespmem:$0x1A000] =	vst v63  }
0x443: {  	_ =	swait.ge [sflag:s23], $0x4000  }
0x444: {  	[sflag:s23] =	ssyncset.done $0x0  }
0x445: {  	s26 =	simm.s32 $0x1480;
	s24 =	sld [smem:$0x7EC];
	[sflag:s23] =	ssyncadd.s32 $0xFFFFC000  }
0x446: {  	[tilespmem:s29], [sflag:$0xE] =	stream.indirect.gather.add.f32 [hbm:s4], $0x80, s26, s20, $0xb8;
	[tilespmem:$0x1A000] =	vst v63  }
0x447: {  	s3 =	sld [smem:$0x7ED]  }
0x448: {  	[tilespmem:s29], [sflag:$0xE] =	stream.indirect.gather.add.f32 [hbm:s5], $0x80, s24, s20, $0xb8;
	[tilespmem:$0x1A000] =	vst v63  }
0x449: {  	s9 =	sld [smem:$0x7EE]  }
0x44a: {  	[tilespmem:s29], [sflag:$0xE] =	stream.indirect.gather.add.f32 [hbm:s6], $0x80, s3, s20, $0xb8;
	[tilespmem:$0x1A000] =	vst v63  }
0x44b: {  	s12 =	sld [smem:$0x7EF]  }
0x44c: {  	[tilespmem:s29], [sflag:$0xE] =	stream.indirect.gather.add.f32 [hbm:s7], $0x80, s9, s20, $0xb8;
	[tilespmem:$0x1A000] =	vst v63  }
0x44d: {  	s13 =	sld [smem:$0x7F0]  }
0x44e: {  	[tilespmem:s29], [sflag:$0xE] =	stream.indirect.gather.add.f32 [hbm:s8], $0x80, s12, s20, $0xb8;
	[tilespmem:$0x1A000] =	vst v63  }
0x44f: {  	s14 =	sld [smem:$0x7F1]  }
0x450: {  	[tilespmem:s29], [sflag:$0xE] =	stream.indirect.gather.add.f32 [hbm:s10], $0x80, s13, s20, $0xb8;
	[tilespmem:$0x1A000] =	vst v63  }
0x451: {  	_ = 	snop  }
0x452: {  	[tilespmem:s29], [sflag:$0xE] =	stream.indirect.gather.add.f32 [hbm:s11], $0x80, s14, s20, $0xb8;
	[tilespmem:$0x1A000] =	vst v63  }
0x453: {  	_ =	swait.ge [sflag:s31], $0x4000  }
0x454: {  	[sflag:s31] =	ssyncset.done $0x0  }
0x455: {  	[sflag:s31] =	ssyncadd.s32 $0xFFFFC000  }
0x456: {  	_ =	swait.ge [sflag:s31], $0x4000  }
0x457: {  	[sflag:s31] =	ssyncset.done $0x0  }
0x458: {  	[sflag:s31] =	ssyncadd.s32 $0xFFFFC000  }
0x459: {  	_ =	swait.ge [sflag:s31], $0x4000  }
0x45a: {  	[sflag:s31] =	ssyncset.done $0x0  }
0x45b: {  	[sflag:s31] =	ssyncadd.s32 $0xFFFFC000  }
0x45c: {  	_ =	swait.ge [sflag:s31], $0x4000  }
0x45d: {  	[sflag:s31] =	ssyncset.done $0x0  }
0x45e: {  	[sflag:s31] =	ssyncadd.s32 $0xFFFFC000  }
0x45f: {  	_ =	swait.ge [sflag:s31], $0x4000  }
0x460: {  	[sflag:s31] =	ssyncset.done $0x0  }
0x461: {  	[sflag:s31] =	ssyncadd.s32 $0xFFFFC000  }
0x462: {  	_ =	swait.ge [sflag:s31], $0x4000  }
0x463: {  	[sflag:s31] =	ssyncset.done $0x0  }
0x464: {  	[sflag:s31] =	ssyncadd.s32 $0xFFFFC000  }
0x465: {  	_ =	swait.ge [sflag:s31], $0x4000  }
0x466: {  	[sflag:s31] =	ssyncset.done $0x0  }
0x467: {  	s16 =	simm.s32 $0x7;
	s15 =	rddreg [dreg:$0x7];
	[sflag:s31] =	ssyncadd.s32 $0xFFFFC000  }
0x468: {  	[hbm4b:s15+s2] =	stream.linear.scatter [tilespmem:s30], [sflag:$0x15], $0x4000, $0x38;
	[tilespmem:$0x1A000] =	vst v63  }
0x469: {  	_ =	swait.ge [sflag:s16], $0x4000  }
0x46a: {  	[sflag:s16] =	ssyncset.done $0x0  }
0x46b: {  	s17 =	simm.s32 $0x1880;
	s22 =	sld [smem:$0x7F2];
	[sflag:s16] =	ssyncadd.s32 $0xFFFFC000  }
0x46c: {  	[tilespmem:s18], [sflag:$0xF] =	stream.indirect.gather.add.f32 [hbm:s4], $0x80, s17, s20, $0xb8;
	[tilespmem:$0x1A000] =	vst v63  }
0x46d: {  	s23 =	sld [smem:$0x7F3]  }
0x46e: {  	[tilespmem:s18], [sflag:$0xF] =	stream.indirect.gather.add.f32 [hbm:s5], $0x80, s22, s20, $0xb8;
	[tilespmem:$0x1A000] =	vst v63  }
0x46f: {  	s24 =	sld [smem:$0x7F4]  }
0x470: {  	[tilespmem:s18], [sflag:$0xF] =	stream.indirect.gather.add.f32 [hbm:s6], $0x80, s23, s20, $0xb8;
	[tilespmem:$0x1A000] =	vst v63  }
0x471: {  	s26 =	sld [smem:$0x7F5]  }
0x472: {  	[tilespmem:s18], [sflag:$0xF] =	stream.indirect.gather.add.f32 [hbm:s7], $0x80, s24, s20, $0xb8;
	[tilespmem:$0x1A000] =	vst v63  }
0x473: {  	s30 =	sld [smem:$0x7F6]  }
0x474: {  	[tilespmem:s18], [sflag:$0xF] =	stream.indirect.gather.add.f32 [hbm:s8], $0x80, s26, s20, $0xb8;
	[tilespmem:$0x1A000] =	vst v63  }
0x475: {  	s31 =	sld [smem:$0x7F7]  }
0x476: {  	[tilespmem:s18], [sflag:$0xF] =	stream.indirect.gather.add.f32 [hbm:s10], $0x80, s30, s20, $0xb8;
	[tilespmem:$0x1A000] =	vst v63  }
0x477: {  	_ = 	snop  }
0x478: {  	[tilespmem:s18], [sflag:$0xF] =	stream.indirect.gather.add.f32 [hbm:s11], $0x80, s31, s20, $0xb8;
	[tilespmem:$0x1A000] =	vst v63  }
0x479: {  	_ =	swait.ge [sflag:s25], $0x4000  }
0x47a: {  	[sflag:s25] =	ssyncset.done $0x0  }
0x47b: {  	[sflag:s25] =	ssyncadd.s32 $0xFFFFC000  }
0x47c: {  	_ =	swait.ge [sflag:s25], $0x4000  }
0x47d: {  	[sflag:s25] =	ssyncset.done $0x0  }
0x47e: {  	[sflag:s25] =	ssyncadd.s32 $0xFFFFC000  }
0x47f: {  	_ =	swait.ge [sflag:s25], $0x4000  }
0x480: {  	[sflag:s25] =	ssyncset.done $0x0  }
0x481: {  	[sflag:s25] =	ssyncadd.s32 $0xFFFFC000  }
0x482: {  	_ =	swait.ge [sflag:s25], $0x4000  }
0x483: {  	[sflag:s25] =	ssyncset.done $0x0  }
0x484: {  	[sflag:s25] =	ssyncadd.s32 $0xFFFFC000  }
0x485: {  	_ =	swait.ge [sflag:s25], $0x4000  }
0x486: {  	[sflag:s25] =	ssyncset.done $0x0  }
0x487: {  	[sflag:s25] =	ssyncadd.s32 $0xFFFFC000  }
0x488: {  	_ =	swait.ge [sflag:s25], $0x4000  }
0x489: {  	[sflag:s25] =	ssyncset.done $0x0  }
0x48a: {  	[sflag:s25] =	ssyncadd.s32 $0xFFFFC000  }
0x48b: {  	_ =	swait.ge [sflag:s25], $0x4000  }
0x48c: {  	[sflag:s25] =	ssyncset.done $0x0  }
0x48d: {  	s3 =	simm.s32 $0x8;
	s1 =	rddreg [dreg:$0x8];
	[sflag:s25] =	ssyncadd.s32 $0xFFFFC000  }
0x48e: {  	[hbm4b:s1+s2] =	stream.linear.scatter [tilespmem:s29], [sflag:$0x16], $0x4000, $0x38;
	[tilespmem:$0x1A000] =	vst v63  }
0x48f: {  	_ =	swait.ge [sflag:s3], $0x4000  }
0x490: {  	[sflag:s3] =	ssyncset.done $0x0  }
0x491: {  	s12 =	simm.s32 $0x1C80;
	s9 =	sld [smem:$0x7F8];
	[sflag:s3] =	ssyncadd.s32 $0xFFFFC000  }
0x492: {  	[tilespmem:s28], [sflag:$0x10] =	stream.indirect.gather.add.f32 [hbm:s4], $0x80, s12, s20, $0xb8;
	[tilespmem:$0x1A000] =	vst v63  }
0x493: {  	s13 =	sld [smem:$0x7F9]  }
0x494: {  	[tilespmem:s28], [sflag:$0x10] =	stream.indirect.gather.add.f32 [hbm:s5], $0x80, s9, s20, $0xb8;
	[tilespmem:$0x1A000] =	vst v63  }
0x495: {  	s14 =	sld [smem:$0x7FA]  }
0x496: {  	[tilespmem:s28], [sflag:$0x10] =	stream.indirect.gather.add.f32 [hbm:s6], $0x80, s13, s20, $0xb8;
	[tilespmem:$0x1A000] =	vst v63  }
0x497: {  	s15 =	sld [smem:$0x7FB]  }
0x498: {  	[tilespmem:s28], [sflag:$0x10] =	stream.indirect.gather.add.f32 [hbm:s7], $0x80, s14, s20, $0xb8;
	[tilespmem:$0x1A000] =	vst v63  }
0x499: {  	s16 =	sld [smem:$0x7FC]  }
0x49a: {  	[tilespmem:s28], [sflag:$0x10] =	stream.indirect.gather.add.f32 [hbm:s8], $0x80, s15, s20, $0xb8;
	[tilespmem:$0x1A000] =	vst v63  }
0x49b: {  	s17 =	sld [smem:$0x7FD]  }
0x49c: {  	[tilespmem:s28], [sflag:$0x10] =	stream.indirect.gather.add.f32 [hbm:s10], $0x80, s16, s20, $0xb8;
	[tilespmem:$0x1A000] =	vst v63  }
0x49d: {  	_ = 	snop  }
0x49e: {  	[tilespmem:s28], [sflag:$0x10] =	stream.indirect.gather.add.f32 [hbm:s11], $0x80, s17, s20, $0xb8;
	[tilespmem:$0x1A000] =	vst v63  }
0x49f: {  	_ =	swait.ge [sflag:s21], $0x4000  }
0x4a0: {  	[sflag:s21] =	ssyncset.done $0x0  }
0x4a1: {  	[sflag:s21] =	ssyncadd.s32 $0xFFFFC000  }
0x4a2: {  	_ =	swait.ge [sflag:s21], $0x4000  }
0x4a3: {  	[sflag:s21] =	ssyncset.done $0x0  }
0x4a4: {  	[sflag:s21] =	ssyncadd.s32 $0xFFFFC000  }
0x4a5: {  	_ =	swait.ge [sflag:s21], $0x4000  }
0x4a6: {  	[sflag:s21] =	ssyncset.done $0x0  }
0x4a7: {  	[sflag:s21] =	ssyncadd.s32 $0xFFFFC000  }
0x4a8: {  	_ =	swait.ge [sflag:s21], $0x4000  }
0x4a9: {  	[sflag:s21] =	ssyncset.done $0x0  }
0x4aa: {  	[sflag:s21] =	ssyncadd.s32 $0xFFFFC000  }
0x4ab: {  	_ =	swait.ge [sflag:s21], $0x4000  }
0x4ac: {  	[sflag:s21] =	ssyncset.done $0x0  }
0x4ad: {  	[sflag:s21] =	ssyncadd.s32 $0xFFFFC000  }
0x4ae: {  	_ =	swait.ge [sflag:s21], $0x4000  }
0x4af: {  	[sflag:s21] =	ssyncset.done $0x0  }
0x4b0: {  	[sflag:s21] =	ssyncadd.s32 $0xFFFFC000  }
0x4b1: {  	_ =	swait.ge [sflag:s21], $0x4000  }
0x4b2: {  	[sflag:s21] =	ssyncset.done $0x0  }
0x4b3: {  	s22 =	rddreg [dreg:$0x9];
	[sflag:s21] =	ssyncadd.s32 $0xFFFFC000  }
0x4b4: {  	[hbm4b:s22+s2] =	stream.linear.scatter [tilespmem:s18], [sflag:$0x17], $0x4000, $0x38;
	[tilespmem:$0x1A000] =	vst v63  }
0x4b5: {  	_ =	swait.ge [sflag:s19], $0x4000  }
0x4b6: {  	[sflag:s19] =	ssyncset.done $0x0  }
0x4b7: {  	[sflag:s19] =	ssyncadd.s32 $0xFFFFC000  }
0x4b8: {  	_ =	swait.ge [sflag:s19], $0x4000  }
0x4b9: {  	[sflag:s19] =	ssyncset.done $0x0  }
0x4ba: {  	[sflag:s19] =	ssyncadd.s32 $0xFFFFC000  }
0x4bb: {  	_ =	swait.ge [sflag:s19], $0x4000  }
0x4bc: {  	[sflag:s19] =	ssyncset.done $0x0  }
0x4bd: {  	[sflag:s19] =	ssyncadd.s32 $0xFFFFC000  }
0x4be: {  	_ =	swait.ge [sflag:s19], $0x4000  }
0x4bf: {  	[sflag:s19] =	ssyncset.done $0x0  }
0x4c0: {  	[sflag:s19] =	ssyncadd.s32 $0xFFFFC000  }
0x4c1: {  	_ =	swait.ge [sflag:s19], $0x4000  }
0x4c2: {  	[sflag:s19] =	ssyncset.done $0x0  }
0x4c3: {  	[sflag:s19] =	ssyncadd.s32 $0xFFFFC000  }
0x4c4: {  	_ =	swait.ge [sflag:s19], $0x4000  }
0x4c5: {  	[sflag:s19] =	ssyncset.done $0x0  }
0x4c6: {  	[sflag:s19] =	ssyncadd.s32 $0xFFFFC000  }
0x4c7: {  	_ =	swait.ge [sflag:s19], $0x4000  }
0x4c8: {  	[sflag:s19] =	ssyncset.done $0x0  }
0x4c9: {  	s24 =	simm.s32 $0x13;
	s23 =	rddreg [dreg:$0xa];
	[sflag:s19] =	ssyncadd.s32 $0xFFFFC000  }
0x4ca: {  	[hbm4b:s23+s2] =	stream.linear.scatter [tilespmem:s28], [sflag:$0x18], $0x4000, $0x38;
	[tilespmem:$0x1A000] =	vst v63  }
0x4cb: {  	_ =	swait.ge [sflag:s24], $0x4000  }
0x4cc: {  	[sflag:s24] =	ssyncset.done $0x0  }
0x4cd: {  	s25 =	simm.s32 $0x14;
	[sflag:s24] =	ssyncadd.s32 $0xFFFFC000  }
0x4ce: {  	_ =	swait.ge [sflag:s25], $0x4000  }
0x4cf: {  	[sflag:s25] =	ssyncset.done $0x0  }
0x4d0: {  	s26 =	simm.s32 $0x15;
	[sflag:s25] =	ssyncadd.s32 $0xFFFFC000  }
0x4d1: {  	_ =	swait.ge [sflag:s26], $0x4000  }
0x4d2: {  	[sflag:s26] =	ssyncset.done $0x0  }
0x4d3: {  	s28 =	simm.s32 $0x16;
	[sflag:s26] =	ssyncadd.s32 $0xFFFFC000  }
0x4d4: {  	_ =	swait.ge [sflag:s28], $0x4000  }
0x4d5: {  	[sflag:s28] =	ssyncset.done $0x0  }
0x4d6: {  	s29 =	simm.s32 $0x17;
	[sflag:s28] =	ssyncadd.s32 $0xFFFFC000  }
0x4d7: {  	_ =	swait.ge [sflag:s29], $0x4000  }
0x4d8: {  	[sflag:s29] =	ssyncset.done $0x0  }
0x4d9: {  	s30 =	simm.s32 $0x18;
	[sflag:s29] =	ssyncadd.s32 $0xFFFFC000  }
0x4da: {  	_ =	swait.ge [sflag:s30], $0x4000  }
0x4db: {  	[sflag:s30] =	ssyncset.done $0x0  }
0x4dc: {  	[sflag:s30] =	ssyncadd.s32 $0xFFFFC000  }
0x4dd: {  	_ =	sfence.sel $0x180000  }
0x4de: {  	[bflag:$0x0] =	sbarrier.arrive $0xFFFF  }
0x4df: {  	_ =	strace $0x90000047  }
0x4e0: {  	s31 =	stileid.u32;
	[bflag:$0x2] =	sbarrier.arrive $0xFFFF  }
0x4e1: {  	p0 =	sne.s32 s31, $0x0;
	s0 =	rddreg [dreg:$0x3]  }
0x4e2: {  	s0 =	sadd.s32 @!p0 $0x100000, s0  }
0x4e3: {  	[sflag:s0] =	ssyncadd.tile.s32 @!p0 $0x1;
	_ =	shalt  }
.LBB2_6:
.Ltmp3:
0x4e4: {  	(pc) =	sbr.rel .LBB2_5-.Ltmp3, $4  }
0x4e5: {  	s0 =	simm.s32 $0x18;
	s12 =	simm.s32 $0x1880  }
0x4e6: {  	s15 =	sld [smem:$0x7D0];
	s3 =	simm.s32 $0x1800;
	s1 =	simm.s32 $0xE000  }
0x4e7: {  	s29 =	simm.s32 $0xA000;
	s28 =	simm.s32 $0x6000;
	s9 =	simm.s32 $0x1400  }
0x4e8: {  	s24 =	simm.s32 $0x1000;
	s17 =	simm.s32 $0x480;
	s23 =	simm.s32 $0x400  }
.Lfunc_end2:
_tile_overlayer_lowered:
.L_overlay_start_2:
0x4e9: {  	(tag) =	ssettag $0x2  }
0x4ea: {  	s0 =	rddreg [dreg:$0x0];
	s2 =	stileid.u32  }
0x4eb: {  	s1 =	rddreg [dreg:$0x1];
	p0 =	sne.s32 s2, $0x0  }
0x4ec: {  	s3 =	rddreg [dreg:$0x2];
	[bflag:$0x3] =	sbarrier.arrive $0xFFFF;
	s2 =	simm.s32 @!p0 $0x1C1B  }
0x4ed: {  	[timem:s3], [sflag:s2] =	dma.local @!p0 [hbm:s0], s1  }
0x4ee: {  	s0 =	simm.s32 @!p0 $0x1B  }
0x4ef: {  	_ =	swait.ge @!p0 [sflag:s0], s1  }
0x4f0: {  	s1 =	ssub.s32 @!p0 $0x0, s1;
	[sflag:s0] =	ssyncset.done @!p0 $0x0  }
0x4f1: {  	[sflag:s0] =	ssyncadd.s32 @!p0 s1  }
0x4f2: {  	[bflag:$0x3] =	sbarrier.arrive $0xFFFF  }
0x4f3: {  	_ =	shalt  }

</sc_bundles>
